<compile_context>
chip_gen: v7x
topology: tpu7x:2x2x1
jax: 0.10.2.dev20260603
libtpu: 0.0.44.dev20260713+nightly
codegen_flags: <defaults>
</compile_context>

<pallas_src>
import functools

import jax
import jax.numpy as jnp
from jax import lax
from jax.experimental import pallas as pl
from jax.experimental.pallas import tpu as pltpu
from jax.experimental.pallas import tpu_sc as plsc

_NC = 2
_NS = 16
_NW = _NC * _NS
_GS = 16
_L = 16
_KH = 32


def _prep_body(at_ref, tm_ref, idx_ref, table_ref):
    na = at_ref.shape[0]
    best = at_ref[0]
    bidx = jnp.zeros(best.shape, jnp.int32)
    for j in range(1, na):
        v = at_ref[j]
        m = v > best
        best = jnp.where(m, v, best)
        bidx = jnp.where(m, j, bidx)
    idx_ref[...] = bidx
    t = tm_ref[...]
    t = t - jnp.max(t, axis=-1, keepdims=True)
    e = jnp.exp(t)
    sm = e / jnp.sum(e, axis=-1, keepdims=True)
    table_ref[...] = jnp.transpose(sm, (2, 3, 0, 1))


def _make_expand_strips(s, c, k, b, na, n_tab):
    n_strip = s * c * k
    pw = n_strip // _NW
    ck = c * k
    mesh = plsc.VectorSubcoreMesh(core_axis_name="c", subcore_axis_name="s")

    @functools.partial(
        pl.kernel,
        out_type=jax.ShapeDtypeStruct((n_strip, k, b), jnp.float32),
        mesh=mesh,
        scratch_types=[
            pltpu.VMEM((b,), jnp.int32),
            pltpu.VMEM((n_tab * k * k,), jnp.float32),
            [pltpu.VMEM((_KH, b), jnp.float32) for _ in range(2)],
            pltpu.SemaphoreType.DMA((2,)),
        ],
        compiler_params=pltpu.CompilerParams(needs_layout_passes=False),
    )
    def expand(table_hbm, idx_hbm, out_hbm, idx_s, table_v, bufs, ssem):
        wid = lax.axis_index("s") * _NC + lax.axis_index("c")
        p0 = wid * pw
        pltpu.sync_copy(table_hbm, table_v)

        def half(p, h, buf, sem, wait_first):
            if wait_first:
                pltpu.make_async_copy(
                    buf, out_hbm.at[p, pl.ds(h * _KH, _KH)], sem).wait()
            k1o = (p % ck) % k * k + h * _KH
            coff = (p % ck) // k * na if c > 1 else 0

            @plsc.parallel_loop(0, b // _L, unroll=2)
            def bchunk(c16):
                b0 = c16 * _L
                row = idx_s[pl.ds(b0, _L)]
                if c > 1:
                    row = row + coff
                pos = k1o * n_tab + row
                for k2 in range(_KH):
                    val = plsc.load_gather(table_v, [pos + k2 * n_tab])
                    buf[k2, pl.ds(b0, _L)] = val
            pltpu.async_copy(buf, out_hbm.at[p, pl.ds(h * _KH, _KH)], sem)

        def body(t, prev_s):
            p = p0 + t
            s_i = p // ck

            @pl.when(s_i != prev_s)
            def _():
                pltpu.sync_copy(idx_hbm.at[pl.ds(s_i * b, b)], idx_s)

            for h in range(2):
                half(p, h, bufs[h], ssem.at[h], True)
            return s_i

        s_first = p0 // ck
        pltpu.sync_copy(idx_hbm.at[pl.ds(s_first * b, b)], idx_s)
        for h in range(2):
            half(p0, h, bufs[h], ssem.at[h], False)
        lax.fori_loop(1, pw, body, s_first)
        p_last = p0 + pw - 1
        for h in range(2):
            pltpu.make_async_copy(
                bufs[h], out_hbm.at[p_last, pl.ds(h * _KH, _KH)],
                ssem.at[h]).wait()

    return expand


def _make_expand_rows(n_rows, n_tab, k, rpw):
    ngroup = rpw // _GS
    mesh = plsc.VectorSubcoreMesh(core_axis_name="c", subcore_axis_name="s")

    @functools.partial(
        pl.kernel,
        out_type=jax.ShapeDtypeStruct((n_rows, k, k), jnp.float32),
        mesh=mesh,
        scratch_types=[
            pltpu.VMEM((rpw,), jnp.int32),
            pltpu.VMEM((n_tab, k, k), jnp.float32),
            pltpu.SemaphoreType.DMA,
        ],
    )
    def expand(table_hbm, idx_hbm, out_hbm, idx_v, table_v, sem):
        wid = lax.axis_index("s") * _NC + lax.axis_index("c")
        base = wid * rpw
        pltpu.sync_copy(idx_hbm.at[pl.ds(base, rpw)], idx_v)
        pltpu.sync_copy(table_hbm, table_v)

        def body(t, _):
            r0 = t * _GS
            avec = idx_v[pl.ds(r0, _GS)]
            for i in range(_GS):
                a = avec[i]
                pltpu.async_copy(table_v.at[a], out_hbm.at[base + r0 + i],
                                 sem)
            for i in range(_GS):
                pltpu.make_async_copy(
                    table_v.at[0], out_hbm.at[base + r0 + i], sem).wait()
            return 0

        lax.fori_loop(0, ngroup, body, 0)

    return expand


def kernel(action, transition_matrix):
    dim = action.ndim
    if dim == 2:
        action = action[None]
    s, b, na = action.shape
    c, _, k, _ = transition_matrix.shape
    n = s * b

    prep = pl.pallas_call(
        _prep_body,
        out_shape=(
            jax.ShapeDtypeStruct((n,), jnp.int32),
            jax.ShapeDtypeStruct((k, k, c, na), jnp.float32),
        ),
    )
    idx, table_t = prep(action.reshape(n, na).T, transition_matrix)

    if (s * c * k) % _NW == 0 and k % _KH == 0 and b % _L == 0 and b >= 64:
        out = _make_expand_strips(s, c, k, b, na, c * na)(
            table_t.reshape(-1), idx)
        prob = out.reshape(s, c, k, k, b).transpose(0, 4, 1, 2, 3)
        if dim == 2:
            prob = prob[0]
        return prob

    table = jnp.transpose(table_t, (2, 3, 0, 1))
    rows = idx
    if c > 1:
        rows = (rows[:, None]
                + jnp.arange(c, dtype=jnp.int32)[None, :] * na).reshape(-1)
    nr = n * c
    npad = -(-nr // (_NW * _GS)) * (_NW * _GS)
    if npad != nr:
        rows = jnp.pad(rows, (0, npad - nr))
    rpw = npad // _NW
    table_flat = table.reshape(c * na, k, k)
    out_flat = _make_expand_rows(npad, c * na, k, rpw)(table_flat, rows)
    if npad != nr:
        out_flat = out_flat[:nr]
    prob = out_flat.reshape(s, b, c, k, k)
    if dim == 2:
        prob = prob[0]
    return prob

# --- scband reference (transcript-rebuilt; emitter-appended) ---
"""Pipeline reference for scband-transition-matrix2-65541200937339 (READ-ONLY COPY).

The authoritative reference and input builder live on the scoring server;
editing this copy changes nothing except your own understanding.
"""

import jax, jax.numpy as jnp
import numpy as np


def setup_inputs(seed: int = 0) -> dict:
    key = jax.random.key(seed)
    k1, k2 = jax.random.split(key)
    action = jax.random.normal(k1, (20, 1024, 8), dtype=jnp.float32)
    # learned parameter: (state_cls_size, action_size, cat_size, cat_size)
    transition_matrix = jax.random.normal(k2, (1, 8, 64, 64), dtype=jnp.float32) * 0.02
    return {"action": action, "transition_matrix": transition_matrix}


def reference(action, transition_matrix):
    dim = action.ndim
    if dim == 2:
        action = action[None]
    # argmax over action_size -> integer index per (seq, batch)
    a_idx = jnp.argmax(action, axis=-1)  # (S, B) int
    # softmax over last dim of the transition matrix
    tr = jax.nn.softmax(transition_matrix, axis=-1)  # (C, A, K, K)
    # gather along the action axis: prob[s,b,c,:,:] = tr[c, a_idx[s,b], :, :]
    gathered = tr[:, a_idx]  # (C, S, B, K, K)
    prob = jnp.transpose(gathered, (1, 2, 0, 3, 4))  # (S, B, C, K, K)
    if dim == 2:
        prob = prob[0]
    # torch returns (prob, Categorical(probs=prob)); the distribution is fully
    # determined by prob, so return prob as the array output.
    return prob

if __name__ == "__main__":
    import jax
    _d = setup_inputs()
    print(jax.jit(kernel)(*tuple(_d.values())))

</pallas_src>

<mosaic_0001>
#map = affine_map<(d0, d1) -> (0)>
#map1 = affine_map<(d0, d1) -> (0, 0, 0)>
module attributes {stable_mosaic.version = 14 : i64} {
  func.func @expand(%arg0: i32, %arg1: i32, %arg2: memref<32768xf32, #tpu.memory_space<hbm>>, %arg3: memref<20480xi32, #tpu.memory_space<hbm>>, %arg4: memref<1280x64x1024xf32, #tpu.memory_space<hbm>>, %arg5: memref<1024xi32, #tpu.memory_space<vmem>>, %arg6: memref<32768xf32, #tpu.memory_space<vmem>>, %arg7: memref<32x1024xf32, #tpu.memory_space<vmem>>, %arg8: memref<32x1024xf32, #tpu.memory_space<vmem>>, %arg9: memref<2x!tpu.dma_semaphore, #tpu.memory_space<semaphore_mem>>) attributes {dimension_semantics = [#tpu.dimension_semantics<core_parallel>, #tpu.dimension_semantics<subcore_parallel>], iteration_bounds = array<i64: 2, 16>, scalar_prefetch = 0 : i64, scratch_operands = 5 : i64, tpu.core_type = #tpu.core_type<sc_vector_subcore>, window_params = [{transform_indices = #map}, {transform_indices = #map}, {transform_indices = #map1}]} {
    %mul3A = arith.constant 2 : i32
    %mul3A_0 = arith.muli %arg1, %mul3A : i32
    %add3A = arith.addi %mul3A_0, %arg0 : i32
    %mul3A_1 = arith.constant 40 : i32
    %mul3A_2 = arith.muli %add3A, %mul3A_1 : i32
    "tpu.region"() ({
      %run_scoped3A = tpu.sem_alloc : memref<!tpu.dma_semaphore, #tpu.memory_space<semaphore_mem>>
      tpu.enqueue_dma source(%arg2 : memref<32768xf32, #tpu.memory_space<hbm>>) target(%arg6 : memref<32768xf32, #tpu.memory_space<vmem>>) target_semaphore(%run_scoped3A : memref<!tpu.dma_semaphore, #tpu.memory_space<semaphore_mem>>)
      tpu.wait_dma2 semaphore(%run_scoped3A : memref<!tpu.dma_semaphore, #tpu.memory_space<semaphore_mem>>) src(%arg2 : memref<32768xf32, #tpu.memory_space<hbm>>) dst(%arg6 : memref<32768xf32, #tpu.memory_space<vmem>>)
      tpu.yield
    }) : () -> ()
    %jit3A = arith.constant 64 : i32
    %div3A = arith.divsi %mul3A_2, %jit3A : i32
    %sign3A = arith.constant 0 : i32
    %sign3A_3 = arith.cmpi sgt, %mul3A_2, %sign3A : i32
    %sign3A_4 = arith.extui %sign3A_3 : i1 to i32
    %sign3A_5 = arith.constant 0 : i32
    %sign3A_6 = arith.cmpi slt, %mul3A_2, %sign3A_5 : i32
    %sign3A_7 = arith.extui %sign3A_6 : i1 to i32
    %sign3A_8 = arith.subi %sign3A_4, %sign3A_7 : i32
    %sign3A_9 = arith.constant 0 : i32
    %sign3A_10 = arith.cmpi sgt, %jit3A, %sign3A_9 : i32
    %sign3A_11 = arith.extui %sign3A_10 : i1 to i32
    %sign3A_12 = arith.constant 0 : i32
    %sign3A_13 = arith.cmpi slt, %jit3A, %sign3A_12 : i32
    %sign3A_14 = arith.extui %sign3A_13 : i1 to i32
    %sign3A_15 = arith.subi %sign3A_11, %sign3A_14 : i32
    %ne3A = arith.cmpi ne, %sign3A_8, %sign3A_15 : i32
    %rem3A = arith.remsi %mul3A_2, %jit3A : i32
    %ne3A_16 = arith.constant 0 : i32
    %ne3A_17 = arith.cmpi ne, %rem3A, %ne3A_16 : i32
    %and3A = arith.andi %ne3A, %ne3A_17 : i1
    %sub3A = arith.constant 1 : i32
    %sub3A_18 = arith.subi %div3A, %sub3A : i32
    %select_n3A = arith.select %and3A, %sub3A_18, %div3A : i32
    %mul3A_19 = arith.constant 1024 : i32
    %mul3A_20 = arith.muli %select_n3A, %mul3A_19 : i32
    "tpu.region"() ({
      %run_scoped3A = tpu.sem_alloc : memref<!tpu.dma_semaphore, #tpu.memory_space<semaphore_mem>>
      %dma_start3A_147 = tpu.memref_slice %arg3[%mul3A_20] : memref<20480xi32, #tpu.memory_space<hbm>> -> memref<1024xi32, #tpu.memory_space<hbm>>
      %dma_start3A_148 = tpu.memref_slice %arg3[%mul3A_20] : memref<20480xi32, #tpu.memory_space<hbm>> -> memref<1024xi32, #tpu.memory_space<hbm>>
      tpu.enqueue_dma source(%dma_start3A_148 : memref<1024xi32, #tpu.memory_space<hbm>>) target(%arg5 : memref<1024xi32, #tpu.memory_space<vmem>>) target_semaphore(%run_scoped3A : memref<!tpu.dma_semaphore, #tpu.memory_space<semaphore_mem>>)
      %dma_wait3A_149 = tpu.memref_slice %arg3[%mul3A_20] : memref<20480xi32, #tpu.memory_space<hbm>> -> memref<1024xi32, #tpu.memory_space<hbm>>
      %dma_wait3A_150 = tpu.memref_slice %arg3[%mul3A_20] : memref<20480xi32, #tpu.memory_space<hbm>> -> memref<1024xi32, #tpu.memory_space<hbm>>
      tpu.wait_dma2 semaphore(%run_scoped3A : memref<!tpu.dma_semaphore, #tpu.memory_space<semaphore_mem>>) src(%dma_wait3A_150 : memref<1024xi32, #tpu.memory_space<hbm>>) dst(%arg5 : memref<1024xi32, #tpu.memory_space<vmem>>)
      tpu.yield
    }) : () -> ()
    %jit3A_21 = arith.constant 64 : i32
    %eq3A = arith.constant 0 : i32
    %eq3A_22 = arith.cmpi eq, %jit3A_21, %eq3A : i32
    %jit3A_23 = arith.constant 1 : i32
    %select_n3A_24 = arith.select %eq3A_22, %jit3A_23, %jit3A_21 : i32
    %rem3A_25 = arith.remsi %mul3A_2, %select_n3A_24 : i32
    %ne3A_26 = arith.constant 0 : i32
    %ne3A_27 = arith.cmpi ne, %rem3A_25, %ne3A_26 : i32
    %lt3A = arith.constant 0 : i32
    %lt3A_28 = arith.cmpi slt, %rem3A_25, %lt3A : i32
    %lt3A_29 = arith.constant 0 : i32
    %lt3A_30 = arith.cmpi slt, %select_n3A_24, %lt3A_29 : i32
    %ne3A_31 = arith.xori %lt3A_28, %lt3A_30 : i1
    %and3A_32 = arith.andi %ne3A_31, %ne3A_27 : i1
    %add3A_33 = arith.addi %rem3A_25, %select_n3A_24 : i32
    %select_n3A_34 = arith.select %and3A_32, %add3A_33, %rem3A_25 : i32
    %jit3A_35 = arith.constant 64 : i32
    %eq3A_36 = arith.constant 0 : i32
    %eq3A_37 = arith.cmpi eq, %jit3A_35, %eq3A_36 : i32
    %jit3A_38 = arith.constant 1 : i32
    %select_n3A_39 = arith.select %eq3A_37, %jit3A_38, %jit3A_35 : i32
    %rem3A_40 = arith.remsi %select_n3A_34, %select_n3A_39 : i32
    %ne3A_41 = arith.constant 0 : i32
    %ne3A_42 = arith.cmpi ne, %rem3A_40, %ne3A_41 : i32
    %lt3A_43 = arith.constant 0 : i32
    %lt3A_44 = arith.cmpi slt, %rem3A_40, %lt3A_43 : i32
    %lt3A_45 = arith.constant 0 : i32
    %lt3A_46 = arith.cmpi slt, %select_n3A_39, %lt3A_45 : i32
    %ne3A_47 = arith.xori %lt3A_44, %lt3A_46 : i1
    %and3A_48 = arith.andi %ne3A_47, %ne3A_42 : i1
    %add3A_49 = arith.addi %rem3A_40, %select_n3A_39 : i32
    %select_n3A_50 = arith.select %and3A_48, %add3A_49, %rem3A_40 : i32
    %mul3A_51 = arith.constant 64 : i32
    %mul3A_52 = arith.muli %select_n3A_50, %mul3A_51 : i32
    %add3A_53 = arith.constant 0 : i32
    %add3A_54 = arith.addi %mul3A_52, %add3A_53 : i32
    %parallel_loop3A = arith.constant 0 : i32
    %parallel_loop3A_55 = arith.constant 64 : i32
    %parallel_loop3A_56 = arith.constant 1 : i32
    scf.for %parallel_loop3A_147 = %parallel_loop3A to %parallel_loop3A_55 step %parallel_loop3A_56  : i32 {
      %parallel_loop3A_148 = arith.constant 16 : i32
      %parallel_loop3A_149 = arith.muli %parallel_loop3A_147, %parallel_loop3A_148 : i32
      %parallel_loop3A_150 = arith.index_cast %parallel_loop3A_149 : i32 to index
      %parallel_loop3A_151 = tpu.vector_load %arg5[%parallel_loop3A_150] {strides = array<i32>} : memref<1024xi32, #tpu.memory_space<vmem>>, vector<16xi32>,
      %parallel_loop3A_152 = arith.constant 8 : i32
      %parallel_loop3A_153 = arith.muli %add3A_54, %parallel_loop3A_152 : i32
      %parallel_loop3A_154 = vector.broadcast %parallel_loop3A_153 : i32 to vector<16xi32>
      %parallel_loop3A_155 = arith.addi %parallel_loop3A_154, %parallel_loop3A_151 : vector<16xi32>
      %parallel_loop3A_156 = arith.constant 0 : i32
      %parallel_loop3A_157 = vector.broadcast %parallel_loop3A_156 : i32 to vector<16xi32>
      %parallel_loop3A_158 = arith.addi %parallel_loop3A_155, %parallel_loop3A_157 : vector<16xi32>
      %parallel_loop3A_159 = tpu.vector_load_idx %arg6[%parallel_loop3A_158] : memref<32768xf32, #tpu.memory_space<vmem>>[vector<16xi32>], vector<16xf32>,
      %parallel_loop3A_160 = arith.constant 0 : i32
      %parallel_loop3A_161 = arith.index_cast %parallel_loop3A_160 : i32 to index
      %parallel_loop3A_162 = arith.index_cast %parallel_loop3A_149 : i32 to index
      %parallel_loop3A_163 = tpu.vector_load %arg7[%parallel_loop3A_161, %parallel_loop3A_162] {strides = array<i32>} : memref<32x1024xf32, #tpu.memory_space<vmem>>, vector<16xf32>,
      tpu.vector_store %arg7[%parallel_loop3A_161, %parallel_loop3A_162], %parallel_loop3A_159 {strides = array<i32>} : memref<32x1024xf32, #tpu.memory_space<vmem>>, vector<16xf32>,
      %parallel_loop3A_164 = arith.constant 8 : i32
      %parallel_loop3A_165 = vector.broadcast %parallel_loop3A_164 : i32 to vector<16xi32>
      %parallel_loop3A_166 = arith.addi %parallel_loop3A_155, %parallel_loop3A_165 : vector<16xi32>
      %parallel_loop3A_167 = tpu.vector_load_idx %arg6[%parallel_loop3A_166] : memref<32768xf32, #tpu.memory_space<vmem>>[vector<16xi32>], vector<16xf32>,
      %parallel_loop3A_168 = arith.constant 1 : i32
      %parallel_loop3A_169 = arith.index_cast %parallel_loop3A_168 : i32 to index
      %parallel_loop3A_170 = arith.index_cast %parallel_loop3A_149 : i32 to index
      %parallel_loop3A_171 = tpu.vector_load %arg7[%parallel_loop3A_169, %parallel_loop3A_170] {strides = array<i32>} : memref<32x1024xf32, #tpu.memory_space<vmem>>, vector<16xf32>,
      tpu.vector_store %arg7[%parallel_loop3A_169, %parallel_loop3A_170], %parallel_loop3A_167 {strides = array<i32>} : memref<32x1024xf32, #tpu.memory_space<vmem>>, vector<16xf32>,
      %parallel_loop3A_172 = arith.constant 16 : i32
      %parallel_loop3A_173 = vector.broadcast %parallel_loop3A_172 : i32 to vector<16xi32>
      %parallel_loop3A_174 = arith.addi %parallel_loop3A_155, %parallel_loop3A_173 : vector<16xi32>
      %parallel_loop3A_175 = tpu.vector_load_idx %arg6[%parallel_loop3A_174] : memref<32768xf32, #tpu.memory_space<vmem>>[vector<16xi32>], vector<16xf32>,
      %parallel_loop3A_176 = arith.constant 2 : i32
      %parallel_loop3A_177 = arith.index_cast %parallel_loop3A_176 : i32 to index
      %parallel_loop3A_178 = arith.index_cast %parallel_loop3A_149 : i32 to index
      %parallel_loop3A_179 = tpu.vector_load %arg7[%parallel_loop3A_177, %parallel_loop3A_178] {strides = array<i32>} : memref<32x1024xf32, #tpu.memory_space<vmem>>, vector<16xf32>,
      tpu.vector_store %arg7[%parallel_loop3A_177, %parallel_loop3A_178], %parallel_loop3A_175 {strides = array<i32>} : memref<32x1024xf32, #tpu.memory_space<vmem>>, vector<16xf32>,
      %parallel_loop3A_180 = arith.constant 24 : i32
      %parallel_loop3A_181 = vector.broadcast %parallel_loop3A_180 : i32 to vector<16xi32>
      %parallel_loop3A_182 = arith.addi %parallel_loop3A_155, %parallel_loop3A_181 : vector<16xi32>
      %parallel_loop3A_183 = tpu.vector_load_idx %arg6[%parallel_loop3A_182] : memref<32768xf32, #tpu.memory_space<vmem>>[vector<16xi32>], vector<16xf32>,
      %parallel_loop3A_184 = arith.constant 3 : i32
      %parallel_loop3A_185 = arith.index_cast %parallel_loop3A_184 : i32 to index
      %parallel_loop3A_186 = arith.index_cast %parallel_loop3A_149 : i32 to index
      %parallel_loop3A_187 = tpu.vector_load %arg7[%parallel_loop3A_185, %parallel_loop3A_186] {strides = array<i32>} : memref<32x1024xf32, #tpu.memory_space<vmem>>, vector<16xf32>,
      tpu.vector_store %arg7[%parallel_loop3A_185, %parallel_loop3A_186], %parallel_loop3A_183 {strides = array<i32>} : memref<32x1024xf32, #tpu.memory_space<vmem>>, vector<16xf32>,
      %parallel_loop3A_188 = arith.constant 32 : i32
      %parallel_loop3A_189 = vector.broadcast %parallel_loop3A_188 : i32 to vector<16xi32>
      %parallel_loop3A_190 = arith.addi %parallel_loop3A_155, %parallel_loop3A_189 : vector<16xi32>
      %parallel_loop3A_191 = tpu.vector_load_idx %arg6[%parallel_loop3A_190] : memref<32768xf32, #tpu.memory_space<vmem>>[vector<16xi32>], vector<16xf32>,
      %parallel_loop3A_192 = arith.constant 4 : i32
      %parallel_loop3A_193 = arith.index_cast %parallel_loop3A_192 : i32 to index
      %parallel_loop3A_194 = arith.index_cast %parallel_loop3A_149 : i32 to index
      %parallel_loop3A_195 = tpu.vector_load %arg7[%parallel_loop3A_193, %parallel_loop3A_194] {strides = array<i32>} : memref<32x1024xf32, #tpu.memory_space<vmem>>, vector<16xf32>,
      tpu.vector_store %arg7[%parallel_loop3A_193, %parallel_loop3A_194], %parallel_loop3A_191 {strides = array<i32>} : memref<32x1024xf32, #tpu.memory_space<vmem>>, vector<16xf32>,
      %parallel_loop3A_196 = arith.constant 40 : i32
      %parallel_loop3A_197 = vector.broadcast %parallel_loop3A_196 : i32 to vector<16xi32>
      %parallel_loop3A_198 = arith.addi %parallel_loop3A_155, %parallel_loop3A_197 : vector<16xi32>
      %parallel_loop3A_199 = tpu.vector_load_idx %arg6[%parallel_loop3A_198] : memref<32768xf32, #tpu.memory_space<vmem>>[vector<16xi32>], vector<16xf32>,
      %parallel_loop3A_200 = arith.constant 5 : i32
      %parallel_loop3A_201 = arith.index_cast %parallel_loop3A_200 : i32 to index
      %parallel_loop3A_202 = arith.index_cast %parallel_loop3A_149 : i32 to index
      %parallel_loop3A_203 = tpu.vector_load %arg7[%parallel_loop3A_201, %parallel_loop3A_202] {strides = array<i32>} : memref<32x1024xf32, #tpu.memory_space<vmem>>, vector<16xf32>,
      tpu.vector_store %arg7[%parallel_loop3A_201, %parallel_loop3A_202], %parallel_loop3A_199 {strides = array<i32>} : memref<32x1024xf32, #tpu.memory_space<vmem>>, vector<16xf32>,
      %parallel_loop3A_204 = arith.constant 48 : i32
      %parallel_loop3A_205 = vector.broadcast %parallel_loop3A_204 : i32 to vector<16xi32>
      %parallel_loop3A_206 = arith.addi %parallel_loop3A_155, %parallel_loop3A_205 : vector<16xi32>
      %parallel_loop3A_207 = tpu.vector_load_idx %arg6[%parallel_loop3A_206] : memref<32768xf32, #tpu.memory_space<vmem>>[vector<16xi32>], vector<16xf32>,
      %parallel_loop3A_208 = arith.constant 6 : i32
      %parallel_loop3A_209 = arith.index_cast %parallel_loop3A_208 : i32 to index
      %parallel_loop3A_210 = arith.index_cast %parallel_loop3A_149 : i32 to index
      %parallel_loop3A_211 = tpu.vector_load %arg7[%parallel_loop3A_209, %parallel_loop3A_210] {strides = array<i32>} : memref<32x1024xf32, #tpu.memory_space<vmem>>, vector<16xf32>,
      tpu.vector_store %arg7[%parallel_loop3A_209, %parallel_loop3A_210], %parallel_loop3A_207 {strides = array<i32>} : memref<32x1024xf32, #tpu.memory_space<vmem>>, vector<16xf32>,
      %parallel_loop3A_212 = arith.constant 56 : i32
      %parallel_loop3A_213 = vector.broadcast %parallel_loop3A_212 : i32 to vector<16xi32>
      %parallel_loop3A_214 = arith.addi %parallel_loop3A_155, %parallel_loop3A_213 : vector<16xi32>
      %parallel_loop3A_215 = tpu.vector_load_idx %arg6[%parallel_loop3A_214] : memref<32768xf32, #tpu.memory_space<vmem>>[vector<16xi32>], vector<16xf32>,
      %parallel_loop3A_216 = arith.constant 7 : i32
      %parallel_loop3A_217 = arith.index_cast %parallel_loop3A_216 : i32 to index
      %parallel_loop3A_218 = arith.index_cast %parallel_loop3A_149 : i32 to index
      %parallel_loop3A_219 = tpu.vector_load %arg7[%parallel_loop3A_217, %parallel_loop3A_218] {strides = array<i32>} : memref<32x1024xf32, #tpu.memory_space<vmem>>, vector<16xf32>,
      tpu.vector_store %arg7[%parallel_loop3A_217, %parallel_loop3A_218], %parallel_loop3A_215 {strides = array<i32>} : memref<32x1024xf32, #tpu.memory_space<vmem>>, vector<16xf32>,
      %parallel_loop3A_220 = arith.constant 64 : i32
      %parallel_loop3A_221 = vector.broadcast %parallel_loop3A_220 : i32 to vector<16xi32>
      %parallel_loop3A_222 = arith.addi %parallel_loop3A_155, %parallel_loop3A_221 : vector<16xi32>
      %parallel_loop3A_223 = tpu.vector_load_idx %arg6[%parallel_loop3A_222] : memref<32768xf32, #tpu.memory_space<vmem>>[vector<16xi32>], vector<16xf32>,
      %parallel_loop3A_224 = arith.constant 8 : i32
      %parallel_loop3A_225 = arith.index_cast %parallel_loop3A_224 : i32 to index
      %parallel_loop3A_226 = arith.index_cast %parallel_loop3A_149 : i32 to index
      %parallel_loop3A_227 = tpu.vector_load %arg7[%parallel_loop3A_225, %parallel_loop3A_226] {strides = array<i32>} : memref<32x1024xf32, #tpu.memory_space<vmem>>, vector<16xf32>,
      tpu.vector_store %arg7[%parallel_loop3A_225, %parallel_loop3A_226], %parallel_loop3A_223 {strides = array<i32>} : memref<32x1024xf32, #tpu.memory_space<vmem>>, vector<16xf32>,
      %parallel_loop3A_228 = arith.constant 72 : i32
      %parallel_loop3A_229 = vector.broadcast %parallel_loop3A_228 : i32 to vector<16xi32>
      %parallel_loop3A_230 = arith.addi %parallel_loop3A_155, %parallel_loop3A_229 : vector<16xi32>
      %parallel_loop3A_231 = tpu.vector_load_idx %arg6[%parallel_loop3A_230] : memref<32768xf32, #tpu.memory_space<vmem>>[vector<16xi32>], vector<16xf32>,
      %parallel_loop3A_232 = arith.constant 9 : i32
      %parallel_loop3A_233 = arith.index_cast %parallel_loop3A_232 : i32 to index
      %parallel_loop3A_234 = arith.index_cast %parallel_loop3A_149 : i32 to index
      %parallel_loop3A_235 = tpu.vector_load %arg7[%parallel_loop3A_233, %parallel_loop3A_234] {strides = array<i32>} : memref<32x1024xf32, #tpu.memory_space<vmem>>, vector<16xf32>,
      tpu.vector_store %arg7[%parallel_loop3A_233, %parallel_loop3A_234], %parallel_loop3A_231 {strides = array<i32>} : memref<32x1024xf32, #tpu.memory_space<vmem>>, vector<16xf32>,
      %parallel_loop3A_236 = arith.constant 80 : i32
      %parallel_loop3A_237 = vector.broadcast %parallel_loop3A_236 : i32 to vector<16xi32>
      %parallel_loop3A_238 = arith.addi %parallel_loop3A_155, %parallel_loop3A_237 : vector<16xi32>
      %parallel_loop3A_239 = tpu.vector_load_idx %arg6[%parallel_loop3A_238] : memref<32768xf32, #tpu.memory_space<vmem>>[vector<16xi32>], vector<16xf32>,
      %parallel_loop3A_240 = arith.constant 10 : i32
      %parallel_loop3A_241 = arith.index_cast %parallel_loop3A_240 : i32 to index
      %parallel_loop3A_242 = arith.index_cast %parallel_loop3A_149 : i32 to index
      %parallel_loop3A_243 = tpu.vector_load %arg7[%parallel_loop3A_241, %parallel_loop3A_242] {strides = array<i32>} : memref<32x1024xf32, #tpu.memory_space<vmem>>, vector<16xf32>,
      tpu.vector_store %arg7[%parallel_loop3A_241, %parallel_loop3A_242], %parallel_loop3A_239 {strides = array<i32>} : memref<32x1024xf32, #tpu.memory_space<vmem>>, vector<16xf32>,
      %parallel_loop3A_244 = arith.constant 88 : i32
      %parallel_loop3A_245 = vector.broadcast %parallel_loop3A_244 : i32 to vector<16xi32>
      %parallel_loop3A_246 = arith.addi %parallel_loop3A_155, %parallel_loop3A_245 : vector<16xi32>
      %parallel_loop3A_247 = tpu.vector_load_idx %arg6[%parallel_loop3A_246] : memref<32768xf32, #tpu.memory_space<vmem>>[vector<16xi32>], vector<16xf32>,
      %parallel_loop3A_248 = arith.constant 11 : i32
      %parallel_loop3A_249 = arith.index_cast %parallel_loop3A_248 : i32 to index
      %parallel_loop3A_250 = arith.index_cast %parallel_loop3A_149 : i32 to index
      %parallel_loop3A_251 = tpu.vector_load %arg7[%parallel_loop3A_249, %parallel_loop3A_250] {strides = array<i32>} : memref<32x1024xf32, #tpu.memory_space<vmem>>, vector<16xf32>,
      tpu.vector_store %arg7[%parallel_loop3A_249, %parallel_loop3A_250], %parallel_loop3A_247 {strides = array<i32>} : memref<32x1024xf32, #tpu.memory_space<vmem>>, vector<16xf32>,
      %parallel_loop3A_252 = arith.constant 96 : i32
      %parallel_loop3A_253 = vector.broadcast %parallel_loop3A_252 : i32 to vector<16xi32>
      %parallel_loop3A_254 = arith.addi %parallel_loop3A_155, %parallel_loop3A_253 : vector<16xi32>
      %parallel_loop3A_255 = tpu.vector_load_idx %arg6[%parallel_loop3A_254] : memref<32768xf32, #tpu.memory_space<vmem>>[vector<16xi32>], vector<16xf32>,
      %parallel_loop3A_256 = arith.constant 12 : i32
      %parallel_loop3A_257 = arith.index_cast %parallel_loop3A_256 : i32 to index
      %parallel_loop3A_258 = arith.index_cast %parallel_loop3A_149 : i32 to index
      %parallel_loop3A_259 = tpu.vector_load %arg7[%parallel_loop3A_257, %parallel_loop3A_258] {strides = array<i32>} : memref<32x1024xf32, #tpu.memory_space<vmem>>, vector<16xf32>,
      tpu.vector_store %arg7[%parallel_loop3A_257, %parallel_loop3A_258], %parallel_loop3A_255 {strides = array<i32>} : memref<32x1024xf32, #tpu.memory_space<vmem>>, vector<16xf32>,
      %parallel_loop3A_260 = arith.constant 104 : i32
      %parallel_loop3A_261 = vector.broadcast %parallel_loop3A_260 : i32 to vector<16xi32>
      %parallel_loop3A_262 = arith.addi %parallel_loop3A_155, %parallel_loop3A_261 : vector<16xi32>
      %parallel_loop3A_263 = tpu.vector_load_idx %arg6[%parallel_loop3A_262] : memref<32768xf32, #tpu.memory_space<vmem>>[vector<16xi32>], vector<16xf32>,
      %parallel_loop3A_264 = arith.constant 13 : i32
      %parallel_loop3A_265 = arith.index_cast %parallel_loop3A_264 : i32 to index
      %parallel_loop3A_266 = arith.index_cast %parallel_loop3A_149 : i32 to index
      %parallel_loop3A_267 = tpu.vector_load %arg7[%parallel_loop3A_265, %parallel_loop3A_266] {strides = array<i32>} : memref<32x1024xf32, #tpu.memory_space<vmem>>, vector<16xf32>,
      tpu.vector_store %arg7[%parallel_loop3A_265, %parallel_loop3A_266], %parallel_loop3A_263 {strides = array<i32>} : memref<32x1024xf32, #tpu.memory_space<vmem>>, vector<16xf32>,
      %parallel_loop3A_268 = arith.constant 112 : i32
      %parallel_loop3A_269 = vector.broadcast %parallel_loop3A_268 : i32 to vector<16xi32>
      %parallel_loop3A_270 = arith.addi %parallel_loop3A_155, %parallel_loop3A_269 : vector<16xi32>
      %parallel_loop3A_271 = tpu.vector_load_idx %arg6[%parallel_loop3A_270] : memref<32768xf32, #tpu.memory_space<vmem>>[vector<16xi32>], vector<16xf32>,
      %parallel_loop3A_272 = arith.constant 14 : i32
      %parallel_loop3A_273 = arith.index_cast %parallel_loop3A_272 : i32 to index
      %parallel_loop3A_274 = arith.index_cast %parallel_loop3A_149 : i32 to index
      %parallel_loop3A_275 = tpu.vector_load %arg7[%parallel_loop3A_273, %parallel_loop3A_274] {strides = array<i32>} : memref<32x1024xf32, #tpu.memory_space<vmem>>, vector<16xf32>,
      tpu.vector_store %arg7[%parallel_loop3A_273, %parallel_loop3A_274], %parallel_loop3A_271 {strides = array<i32>} : memref<32x1024xf32, #tpu.memory_space<vmem>>, vector<16xf32>,
      %parallel_loop3A_276 = arith.constant 120 : i32
      %parallel_loop3A_277 = vector.broadcast %parallel_loop3A_276 : i32 to vector<16xi32>
      %parallel_loop3A_278 = arith.addi %parallel_loop3A_155, %parallel_loop3A_277 : vector<16xi32>
      %parallel_loop3A_279 = tpu.vector_load_idx %arg6[%parallel_loop3A_278] : memref<32768xf32, #tpu.memory_space<vmem>>[vector<16xi32>], vector<16xf32>,
      %parallel_loop3A_280 = arith.constant 15 : i32
      %parallel_loop3A_281 = arith.index_cast %parallel_loop3A_280 : i32 to index
      %parallel_loop3A_282 = arith.index_cast %parallel_loop3A_149 : i32 to index
      %parallel_loop3A_283 = tpu.vector_load %arg7[%parallel_loop3A_281, %parallel_loop3A_282] {strides = array<i32>} : memref<32x1024xf32, #tpu.memory_space<vmem>>, vector<16xf32>,
      tpu.vector_store %arg7[%parallel_loop3A_281, %parallel_loop3A_282], %parallel_loop3A_279 {strides = array<i32>} : memref<32x1024xf32, #tpu.memory_space<vmem>>, vector<16xf32>,
      %parallel_loop3A_284 = arith.constant 128 : i32
      %parallel_loop3A_285 = vector.broadcast %parallel_loop3A_284 : i32 to vector<16xi32>
      %parallel_loop3A_286 = arith.addi %parallel_loop3A_155, %parallel_loop3A_285 : vector<16xi32>
      %parallel_loop3A_287 = tpu.vector_load_idx %arg6[%parallel_loop3A_286] : memref<32768xf32, #tpu.memory_space<vmem>>[vector<16xi32>], vector<16xf32>,
      %parallel_loop3A_288 = arith.constant 16 : i32
      %parallel_loop3A_289 = arith.index_cast %parallel_loop3A_288 : i32 to index
      %parallel_loop3A_290 = arith.index_cast %parallel_loop3A_149 : i32 to index
      %parallel_loop3A_291 = tpu.vector_load %arg7[%parallel_loop3A_289, %parallel_loop3A_290] {strides = array<i32>} : memref<32x1024xf32, #tpu.memory_space<vmem>>, vector<16xf32>,
      tpu.vector_store %arg7[%parallel_loop3A_289, %parallel_loop3A_290], %parallel_loop3A_287 {strides = array<i32>} : memref<32x1024xf32, #tpu.memory_space<vmem>>, vector<16xf32>,
      %parallel_loop3A_292 = arith.constant 136 : i32
      %parallel_loop3A_293 = vector.broadcast %parallel_loop3A_292 : i32 to vector<16xi32>
      %parallel_loop3A_294 = arith.addi %parallel_loop3A_155, %parallel_loop3A_293 : vector<16xi32>
      %parallel_loop3A_295 = tpu.vector_load_idx %arg6[%parallel_loop3A_294] : memref<32768xf32, #tpu.memory_space<vmem>>[vector<16xi32>], vector<16xf32>,
      %parallel_loop3A_296 = arith.constant 17 : i32
      %parallel_loop3A_297 = arith.index_cast %parallel_loop3A_296 : i32 to index
      %parallel_loop3A_298 = arith.index_cast %parallel_loop3A_149 : i32 to index
      %parallel_loop3A_299 = tpu.vector_load %arg7[%parallel_loop3A_297, %parallel_loop3A_298] {strides = array<i32>} : memref<32x1024xf32, #tpu.memory_space<vmem>>, vector<16xf32>,
      tpu.vector_store %arg7[%parallel_loop3A_297, %parallel_loop3A_298], %parallel_loop3A_295 {strides = array<i32>} : memref<32x1024xf32, #tpu.memory_space<vmem>>, vector<16xf32>,
      %parallel_loop3A_300 = arith.constant 144 : i32
      %parallel_loop3A_301 = vector.broadcast %parallel_loop3A_300 : i32 to vector<16xi32>
      %parallel_loop3A_302 = arith.addi %parallel_loop3A_155, %parallel_loop3A_301 : vector<16xi32>
      %parallel_loop3A_303 = tpu.vector_load_idx %arg6[%parallel_loop3A_302] : memref<32768xf32, #tpu.memory_space<vmem>>[vector<16xi32>], vector<16xf32>,
      %parallel_loop3A_304 = arith.constant 18 : i32
      %parallel_loop3A_305 = arith.index_cast %parallel_loop3A_304 : i32 to index
      %parallel_loop3A_306 = arith.index_cast %parallel_loop3A_149 : i32 to index
      %parallel_loop3A_307 = tpu.vector_load %arg7[%parallel_loop3A_305, %parallel_loop3A_306] {strides = array<i32>} : memref<32x1024xf32, #tpu.memory_space<vmem>>, vector<16xf32>,
      tpu.vector_store %arg7[%parallel_loop3A_305, %parallel_loop3A_306], %parallel_loop3A_303 {strides = array<i32>} : memref<32x1024xf32, #tpu.memory_space<vmem>>, vector<16xf32>,
      %parallel_loop3A_308 = arith.constant 152 : i32
      %parallel_loop3A_309 = vector.broadcast %parallel_loop3A_308 : i32 to vector<16xi32>
      %parallel_loop3A_310 = arith.addi %parallel_loop3A_155, %parallel_loop3A_309 : vector<16xi32>
      %parallel_loop3A_311 = tpu.vector_load_idx %arg6[%parallel_loop3A_310] : memref<32768xf32, #tpu.memory_space<vmem>>[vector<16xi32>], vector<16xf32>,
      %parallel_loop3A_312 = arith.constant 19 : i32
      %parallel_loop3A_313 = arith.index_cast %parallel_loop3A_312 : i32 to index
      %parallel_loop3A_314 = arith.index_cast %parallel_loop3A_149 : i32 to index
      %parallel_loop3A_315 = tpu.vector_load %arg7[%parallel_loop3A_313, %parallel_loop3A_314] {strides = array<i32>} : memref<32x1024xf32, #tpu.memory_space<vmem>>, vector<16xf32>,
      tpu.vector_store %arg7[%parallel_loop3A_313, %parallel_loop3A_314], %parallel_loop3A_311 {strides = array<i32>} : memref<32x1024xf32, #tpu.memory_space<vmem>>, vector<16xf32>,
      %parallel_loop3A_316 = arith.constant 160 : i32
      %parallel_loop3A_317 = vector.broadcast %parallel_loop3A_316 : i32 to vector<16xi32>
      %parallel_loop3A_318 = arith.addi %parallel_loop3A_155, %parallel_loop3A_317 : vector<16xi32>
      %parallel_loop3A_319 = tpu.vector_load_idx %arg6[%parallel_loop3A_318] : memref<32768xf32, #tpu.memory_space<vmem>>[vector<16xi32>], vector<16xf32>,
      %parallel_loop3A_320 = arith.constant 20 : i32
      %parallel_loop3A_321 = arith.index_cast %parallel_loop3A_320 : i32 to index
      %parallel_loop3A_322 = arith.index_cast %parallel_loop3A_149 : i32 to index
      %parallel_loop3A_323 = tpu.vector_load %arg7[%parallel_loop3A_321, %parallel_loop3A_322] {strides = array<i32>} : memref<32x1024xf32, #tpu.memory_space<vmem>>, vector<16xf32>,
      tpu.vector_store %arg7[%parallel_loop3A_321, %parallel_loop3A_322], %parallel_loop3A_319 {strides = array<i32>} : memref<32x1024xf32, #tpu.memory_space<vmem>>, vector<16xf32>,
      %parallel_loop3A_324 = arith.constant 168 : i32
      %parallel_loop3A_325 = vector.broadcast %parallel_loop3A_324 : i32 to vector<16xi32>
      %parallel_loop3A_326 = arith.addi %parallel_loop3A_155, %parallel_loop3A_325 : vector<16xi32>
      %parallel_loop3A_327 = tpu.vector_load_idx %arg6[%parallel_loop3A_326] : memref<32768xf32, #tpu.memory_space<vmem>>[vector<16xi32>], vector<16xf32>,
      %parallel_loop3A_328 = arith.constant 21 : i32
      %parallel_loop3A_329 = arith.index_cast %parallel_loop3A_328 : i32 to index
      %parallel_loop3A_330 = arith.index_cast %parallel_loop3A_149 : i32 to index
      %parallel_loop3A_331 = tpu.vector_load %arg7[%parallel_loop3A_329, %parallel_loop3A_330] {strides = array<i32>} : memref<32x1024xf32, #tpu.memory_space<vmem>>, vector<16xf32>,
      tpu.vector_store %arg7[%parallel_loop3A_329, %parallel_loop3A_330], %parallel_loop3A_327 {strides = array<i32>} : memref<32x1024xf32, #tpu.memory_space<vmem>>, vector<16xf32>,
      %parallel_loop3A_332 = arith.constant 176 : i32
      %parallel_loop3A_333 = vector.broadcast %parallel_loop3A_332 : i32 to vector<16xi32>
      %parallel_loop3A_334 = arith.addi %parallel_loop3A_155, %parallel_loop3A_333 : vector<16xi32>
      %parallel_loop3A_335 = tpu.vector_load_idx %arg6[%parallel_loop3A_334] : memref<32768xf32, #tpu.memory_space<vmem>>[vector<16xi32>], vector<16xf32>,
      %parallel_loop3A_336 = arith.constant 22 : i32
      %parallel_loop3A_337 = arith.index_cast %parallel_loop3A_336 : i32 to index
      %parallel_loop3A_338 = arith.index_cast %parallel_loop3A_149 : i32 to index
      %parallel_loop3A_339 = tpu.vector_load %arg7[%parallel_loop3A_337, %parallel_loop3A_338] {strides = array<i32>} : memref<32x1024xf32, #tpu.memory_space<vmem>>, vector<16xf32>,
      tpu.vector_store %arg7[%parallel_loop3A_337, %parallel_loop3A_338], %parallel_loop3A_335 {strides = array<i32>} : memref<32x1024xf32, #tpu.memory_space<vmem>>, vector<16xf32>,
      %parallel_loop3A_340 = arith.constant 184 : i32
      %parallel_loop3A_341 = vector.broadcast %parallel_loop3A_340 : i32 to vector<16xi32>
      %parallel_loop3A_342 = arith.addi %parallel_loop3A_155, %parallel_loop3A_341 : vector<16xi32>
      %parallel_loop3A_343 = tpu.vector_load_idx %arg6[%parallel_loop3A_342] : memref<32768xf32, #tpu.memory_space<vmem>>[vector<16xi32>], vector<16xf32>,
      %parallel_loop3A_344 = arith.constant 23 : i32
      %parallel_loop3A_345 = arith.index_cast %parallel_loop3A_344 : i32 to index
      %parallel_loop3A_346 = arith.index_cast %parallel_loop3A_149 : i32 to index
      %parallel_loop3A_347 = tpu.vector_load %arg7[%parallel_loop3A_345, %parallel_loop3A_346] {strides = array<i32>} : memref<32x1024xf32, #tpu.memory_space<vmem>>, vector<16xf32>,
      tpu.vector_store %arg7[%parallel_loop3A_345, %parallel_loop3A_346], %parallel_loop3A_343 {strides = array<i32>} : memref<32x1024xf32, #tpu.memory_space<vmem>>, vector<16xf32>,
      %parallel_loop3A_348 = arith.constant 192 : i32
      %parallel_loop3A_349 = vector.broadcast %parallel_loop3A_348 : i32 to vector<16xi32>
      %parallel_loop3A_350 = arith.addi %parallel_loop3A_155, %parallel_loop3A_349 : vector<16xi32>
      %parallel_loop3A_351 = tpu.vector_load_idx %arg6[%parallel_loop3A_350] : memref<32768xf32, #tpu.memory_space<vmem>>[vector<16xi32>], vector<16xf32>,
      %parallel_loop3A_352 = arith.constant 24 : i32
      %parallel_loop3A_353 = arith.index_cast %parallel_loop3A_352 : i32 to index
      %parallel_loop3A_354 = arith.index_cast %parallel_loop3A_149 : i32 to index
      %parallel_loop3A_355 = tpu.vector_load %arg7[%parallel_loop3A_353, %parallel_loop3A_354] {strides = array<i32>} : memref<32x1024xf32, #tpu.memory_space<vmem>>, vector<16xf32>,
      tpu.vector_store %arg7[%parallel_loop3A_353, %parallel_loop3A_354], %parallel_loop3A_351 {strides = array<i32>} : memref<32x1024xf32, #tpu.memory_space<vmem>>, vector<16xf32>,
      %parallel_loop3A_356 = arith.constant 200 : i32
      %parallel_loop3A_357 = vector.broadcast %parallel_loop3A_356 : i32 to vector<16xi32>
      %parallel_loop3A_358 = arith.addi %parallel_loop3A_155, %parallel_loop3A_357 : vector<16xi32>
      %parallel_loop3A_359 = tpu.vector_load_idx %arg6[%parallel_loop3A_358] : memref<32768xf32, #tpu.memory_space<vmem>>[vector<16xi32>], vector<16xf32>,
      %parallel_loop3A_360 = arith.constant 25 : i32
      %parallel_loop3A_361 = arith.index_cast %parallel_loop3A_360 : i32 to index
      %parallel_loop3A_362 = arith.index_cast %parallel_loop3A_149 : i32 to index
      %parallel_loop3A_363 = tpu.vector_load %arg7[%parallel_loop3A_361, %parallel_loop3A_362] {strides = array<i32>} : memref<32x1024xf32, #tpu.memory_space<vmem>>, vector<16xf32>,
      tpu.vector_store %arg7[%parallel_loop3A_361, %parallel_loop3A_362], %parallel_loop3A_359 {strides = array<i32>} : memref<32x1024xf32, #tpu.memory_space<vmem>>, vector<16xf32>,
      %parallel_loop3A_364 = arith.constant 208 : i32
      %parallel_loop3A_365 = vector.broadcast %parallel_loop3A_364 : i32 to vector<16xi32>
      %parallel_loop3A_366 = arith.addi %parallel_loop3A_155, %parallel_loop3A_365 : vector<16xi32>
      %parallel_loop3A_367 = tpu.vector_load_idx %arg6[%parallel_loop3A_366] : memref<32768xf32, #tpu.memory_space<vmem>>[vector<16xi32>], vector<16xf32>,
      %parallel_loop3A_368 = arith.constant 26 : i32
      %parallel_loop3A_369 = arith.index_cast %parallel_loop3A_368 : i32 to index
      %parallel_loop3A_370 = arith.index_cast %parallel_loop3A_149 : i32 to index
      %parallel_loop3A_371 = tpu.vector_load %arg7[%parallel_loop3A_369, %parallel_loop3A_370] {strides = array<i32>} : memref<32x1024xf32, #tpu.memory_space<vmem>>, vector<16xf32>,
      tpu.vector_store %arg7[%parallel_loop3A_369, %parallel_loop3A_370], %parallel_loop3A_367 {strides = array<i32>} : memref<32x1024xf32, #tpu.memory_space<vmem>>, vector<16xf32>,
      %parallel_loop3A_372 = arith.constant 216 : i32
      %parallel_loop3A_373 = vector.broadcast %parallel_loop3A_372 : i32 to vector<16xi32>
      %parallel_loop3A_374 = arith.addi %parallel_loop3A_155, %parallel_loop3A_373 : vector<16xi32>
      %parallel_loop3A_375 = tpu.vector_load_idx %arg6[%parallel_loop3A_374] : memref<32768xf32, #tpu.memory_space<vmem>>[vector<16xi32>], vector<16xf32>,
      %parallel_loop3A_376 = arith.constant 27 : i32
      %parallel_loop3A_377 = arith.index_cast %parallel_loop3A_376 : i32 to index
      %parallel_loop3A_378 = arith.index_cast %parallel_loop3A_149 : i32 to index
      %parallel_loop3A_379 = tpu.vector_load %arg7[%parallel_loop3A_377, %parallel_loop3A_378] {strides = array<i32>} : memref<32x1024xf32, #tpu.memory_space<vmem>>, vector<16xf32>,
      tpu.vector_store %arg7[%parallel_loop3A_377, %parallel_loop3A_378], %parallel_loop3A_375 {strides = array<i32>} : memref<32x1024xf32, #tpu.memory_space<vmem>>, vector<16xf32>,
      %parallel_loop3A_380 = arith.constant 224 : i32
      %parallel_loop3A_381 = vector.broadcast %parallel_loop3A_380 : i32 to vector<16xi32>
      %parallel_loop3A_382 = arith.addi %parallel_loop3A_155, %parallel_loop3A_381 : vector<16xi32>
      %parallel_loop3A_383 = tpu.vector_load_idx %arg6[%parallel_loop3A_382] : memref<32768xf32, #tpu.memory_space<vmem>>[vector<16xi32>], vector<16xf32>,
      %parallel_loop3A_384 = arith.constant 28 : i32
      %parallel_loop3A_385 = arith.index_cast %parallel_loop3A_384 : i32 to index
      %parallel_loop3A_386 = arith.index_cast %parallel_loop3A_149 : i32 to index
      %parallel_loop3A_387 = tpu.vector_load %arg7[%parallel_loop3A_385, %parallel_loop3A_386] {strides = array<i32>} : memref<32x1024xf32, #tpu.memory_space<vmem>>, vector<16xf32>,
      tpu.vector_store %arg7[%parallel_loop3A_385, %parallel_loop3A_386], %parallel_loop3A_383 {strides = array<i32>} : memref<32x1024xf32, #tpu.memory_space<vmem>>, vector<16xf32>,
      %parallel_loop3A_388 = arith.constant 232 : i32
      %parallel_loop3A_389 = vector.broadcast %parallel_loop3A_388 : i32 to vector<16xi32>
      %parallel_loop3A_390 = arith.addi %parallel_loop3A_155, %parallel_loop3A_389 : vector<16xi32>
      %parallel_loop3A_391 = tpu.vector_load_idx %arg6[%parallel_loop3A_390] : memref<32768xf32, #tpu.memory_space<vmem>>[vector<16xi32>], vector<16xf32>,
      %parallel_loop3A_392 = arith.constant 29 : i32
      %parallel_loop3A_393 = arith.index_cast %parallel_loop3A_392 : i32 to index
      %parallel_loop3A_394 = arith.index_cast %parallel_loop3A_149 : i32 to index
      %parallel_loop3A_395 = tpu.vector_load %arg7[%parallel_loop3A_393, %parallel_loop3A_394] {strides = array<i32>} : memref<32x1024xf32, #tpu.memory_space<vmem>>, vector<16xf32>,
      tpu.vector_store %arg7[%parallel_loop3A_393, %parallel_loop3A_394], %parallel_loop3A_391 {strides = array<i32>} : memref<32x1024xf32, #tpu.memory_space<vmem>>, vector<16xf32>,
      %parallel_loop3A_396 = arith.constant 240 : i32
      %parallel_loop3A_397 = vector.broadcast %parallel_loop3A_396 : i32 to vector<16xi32>
      %parallel_loop3A_398 = arith.addi %parallel_loop3A_155, %parallel_loop3A_397 : vector<16xi32>
      %parallel_loop3A_399 = tpu.vector_load_idx %arg6[%parallel_loop3A_398] : memref<32768xf32, #tpu.memory_space<vmem>>[vector<16xi32>], vector<16xf32>,
      %parallel_loop3A_400 = arith.constant 30 : i32
      %parallel_loop3A_401 = arith.index_cast %parallel_loop3A_400 : i32 to index
      %parallel_loop3A_402 = arith.index_cast %parallel_loop3A_149 : i32 to index
      %parallel_loop3A_403 = tpu.vector_load %arg7[%parallel_loop3A_401, %parallel_loop3A_402] {strides = array<i32>} : memref<32x1024xf32, #tpu.memory_space<vmem>>, vector<16xf32>,
      tpu.vector_store %arg7[%parallel_loop3A_401, %parallel_loop3A_402], %parallel_loop3A_399 {strides = array<i32>} : memref<32x1024xf32, #tpu.memory_space<vmem>>, vector<16xf32>,
      %parallel_loop3A_404 = arith.constant 248 : i32
      %parallel_loop3A_405 = vector.broadcast %parallel_loop3A_404 : i32 to vector<16xi32>
      %parallel_loop3A_406 = arith.addi %parallel_loop3A_155, %parallel_loop3A_405 : vector<16xi32>
      %parallel_loop3A_407 = tpu.vector_load_idx %arg6[%parallel_loop3A_406] : memref<32768xf32, #tpu.memory_space<vmem>>[vector<16xi32>], vector<16xf32>,
      %parallel_loop3A_408 = arith.constant 31 : i32
      %parallel_loop3A_409 = arith.index_cast %parallel_loop3A_408 : i32 to index
      %parallel_loop3A_410 = arith.index_cast %parallel_loop3A_149 : i32 to index
      %parallel_loop3A_411 = tpu.vector_load %arg7[%parallel_loop3A_409, %parallel_loop3A_410] {strides = array<i32>} : memref<32x1024xf32, #tpu.memory_space<vmem>>, vector<16xf32>,
      tpu.vector_store %arg7[%parallel_loop3A_409, %parallel_loop3A_410], %parallel_loop3A_407 {strides = array<i32>} : memref<32x1024xf32, #tpu.memory_space<vmem>>, vector<16xf32>,
    } {sc.loop_unroll_factor = 2 : i64, sc.parallel_access}
    %dma_start3A = arith.constant 0 : i32
    %dma_start3A_57 = arith.constant 0 : i32
    %dma_start3A_58 = arith.constant 0 : i32
    %dma_start3A_59 = tpu.memref_slice %arg4[%mul3A_2, %dma_start3A_57, %dma_start3A_58] : memref<1280x64x1024xf32, #tpu.memory_space<hbm>> -> memref<1x32x1024xf32, #tpu.memory_space<hbm>>
    %dma_start3A_60 = tpu.memref_squeeze %dma_start3A_59 : memref<1x32x1024xf32, #tpu.memory_space<hbm>> -> memref<32x1024xf32, #tpu.memory_space<hbm>>
    %dma_start3A_61 = tpu.memref_slice %arg9[%dma_start3A] : memref<2x!tpu.dma_semaphore, #tpu.memory_space<semaphore_mem>> -> memref<1x!tpu.dma_semaphore, #tpu.memory_space<semaphore_mem>>
    %dma_start3A_62 = tpu.memref_squeeze %dma_start3A_61 : memref<1x!tpu.dma_semaphore, #tpu.memory_space<semaphore_mem>> -> memref<!tpu.dma_semaphore, #tpu.memory_space<semaphore_mem>>
    %dma_start3A_63 = arith.constant 0 : i32
    %dma_start3A_64 = arith.constant 0 : i32
    %dma_start3A_65 = tpu.memref_slice %arg4[%mul3A_2, %dma_start3A_63, %dma_start3A_64] : memref<1280x64x1024xf32, #tpu.memory_space<hbm>> -> memref<1x32x1024xf32, #tpu.memory_space<hbm>>
    %dma_start3A_66 = tpu.memref_squeeze %dma_start3A_65 : memref<1x32x1024xf32, #tpu.memory_space<hbm>> -> memref<32x1024xf32, #tpu.memory_space<hbm>>
    tpu.enqueue_dma source(%arg7 : memref<32x1024xf32, #tpu.memory_space<vmem>>) target(%dma_start3A_66 : memref<32x1024xf32, #tpu.memory_space<hbm>>) target_semaphore(%dma_start3A_62 : memref<!tpu.dma_semaphore, #tpu.memory_space<semaphore_mem>>)
    %jit3A_67 = arith.constant 64 : i32
    %eq3A_68 = arith.constant 0 : i32
    %eq3A_69 = arith.cmpi eq, %jit3A_67, %eq3A_68 : i32
    %jit3A_70 = arith.constant 1 : i32
    %select_n3A_71 = arith.select %eq3A_69, %jit3A_70, %jit3A_67 : i32
    %rem3A_72 = arith.remsi %mul3A_2, %select_n3A_71 : i32
    %ne3A_73 = arith.constant 0 : i32
    %ne3A_74 = arith.cmpi ne, %rem3A_72, %ne3A_73 : i32
    %lt3A_75 = arith.constant 0 : i32
    %lt3A_76 = arith.cmpi slt, %rem3A_72, %lt3A_75 : i32
    %lt3A_77 = arith.constant 0 : i32
    %lt3A_78 = arith.cmpi slt, %select_n3A_71, %lt3A_77 : i32
    %ne3A_79 = arith.xori %lt3A_76, %lt3A_78 : i1
    %and3A_80 = arith.andi %ne3A_79, %ne3A_74 : i1
    %add3A_81 = arith.addi %rem3A_72, %select_n3A_71 : i32
    %select_n3A_82 = arith.select %and3A_80, %add3A_81, %rem3A_72 : i32
    %jit3A_83 = arith.constant 64 : i32
    %eq3A_84 = arith.constant 0 : i32
    %eq3A_85 = arith.cmpi eq, %jit3A_83, %eq3A_84 : i32
    %jit3A_86 = arith.constant 1 : i32
    %select_n3A_87 = arith.select %eq3A_85, %jit3A_86, %jit3A_83 : i32
    %rem3A_88 = arith.remsi %select_n3A_82, %select_n3A_87 : i32
    %ne3A_89 = arith.constant 0 : i32
    %ne3A_90 = arith.cmpi ne, %rem3A_88, %ne3A_89 : i32
    %lt3A_91 = arith.constant 0 : i32
    %lt3A_92 = arith.cmpi slt, %rem3A_88, %lt3A_91 : i32
    %lt3A_93 = arith.constant 0 : i32
    %lt3A_94 = arith.cmpi slt, %select_n3A_87, %lt3A_93 : i32
    %ne3A_95 = arith.xori %lt3A_92, %lt3A_94 : i1
    %and3A_96 = arith.andi %ne3A_95, %ne3A_90 : i1
    %add3A_97 = arith.addi %rem3A_88, %select_n3A_87 : i32
    %select_n3A_98 = arith.select %and3A_96, %add3A_97, %rem3A_88 : i32
    %mul3A_99 = arith.constant 64 : i32
    %mul3A_100 = arith.muli %select_n3A_98, %mul3A_99 : i32
    %add3A_101 = arith.constant 32 : i32
    %add3A_102 = arith.addi %mul3A_100, %add3A_101 : i32
    %parallel_loop3A_103 = arith.constant 0 : i32
    %parallel_loop3A_104 = arith.constant 64 : i32
    %parallel_loop3A_105 = arith.constant 1 : i32
    scf.for %parallel_loop3A_147 = %parallel_loop3A_103 to %parallel_loop3A_104 step %parallel_loop3A_105  : i32 {
      %parallel_loop3A_148 = arith.constant 16 : i32
      %parallel_loop3A_149 = arith.muli %parallel_loop3A_147, %parallel_loop3A_148 : i32
      %parallel_loop3A_150 = arith.index_cast %parallel_loop3A_149 : i32 to index
      %parallel_loop3A_151 = tpu.vector_load %arg5[%parallel_loop3A_150] {strides = array<i32>} : memref<1024xi32, #tpu.memory_space<vmem>>, vector<16xi32>,
      %parallel_loop3A_152 = arith.constant 8 : i32
      %parallel_loop3A_153 = arith.muli %add3A_102, %parallel_loop3A_152 : i32
      %parallel_loop3A_154 = vector.broadcast %parallel_loop3A_153 : i32 to vector<16xi32>
      %parallel_loop3A_155 = arith.addi %parallel_loop3A_154, %parallel_loop3A_151 : vector<16xi32>
      %parallel_loop3A_156 = arith.constant 0 : i32
      %parallel_loop3A_157 = vector.broadcast %parallel_loop3A_156 : i32 to vector<16xi32>
      %parallel_loop3A_158 = arith.addi %parallel_loop3A_155, %parallel_loop3A_157 : vector<16xi32>
      %parallel_loop3A_159 = tpu.vector_load_idx %arg6[%parallel_loop3A_158] : memref<32768xf32, #tpu.memory_space<vmem>>[vector<16xi32>], vector<16xf32>,
      %parallel_loop3A_160 = arith.constant 0 : i32
      %parallel_loop3A_161 = arith.index_cast %parallel_loop3A_160 : i32 to index
      %parallel_loop3A_162 = arith.index_cast %parallel_loop3A_149 : i32 to index
      %parallel_loop3A_163 = tpu.vector_load %arg8[%parallel_loop3A_161, %parallel_loop3A_162] {strides = array<i32>} : memref<32x1024xf32, #tpu.memory_space<vmem>>, vector<16xf32>,
      tpu.vector_store %arg8[%parallel_loop3A_161, %parallel_loop3A_162], %parallel_loop3A_159 {strides = array<i32>} : memref<32x1024xf32, #tpu.memory_space<vmem>>, vector<16xf32>,
      %parallel_loop3A_164 = arith.constant 8 : i32
      %parallel_loop3A_165 = vector.broadcast %parallel_loop3A_164 : i32 to vector<16xi32>
      %parallel_loop3A_166 = arith.addi %parallel_loop3A_155, %parallel_loop3A_165 : vector<16xi32>
      %parallel_loop3A_167 = tpu.vector_load_idx %arg6[%parallel_loop3A_166] : memref<32768xf32, #tpu.memory_space<vmem>>[vector<16xi32>], vector<16xf32>,
      %parallel_loop3A_168 = arith.constant 1 : i32
      %parallel_loop3A_169 = arith.index_cast %parallel_loop3A_168 : i32 to index
      %parallel_loop3A_170 = arith.index_cast %parallel_loop3A_149 : i32 to index
      %parallel_loop3A_171 = tpu.vector_load %arg8[%parallel_loop3A_169, %parallel_loop3A_170] {strides = array<i32>} : memref<32x1024xf32, #tpu.memory_space<vmem>>, vector<16xf32>,
      tpu.vector_store %arg8[%parallel_loop3A_169, %parallel_loop3A_170], %parallel_loop3A_167 {strides = array<i32>} : memref<32x1024xf32, #tpu.memory_space<vmem>>, vector<16xf32>,
      %parallel_loop3A_172 = arith.constant 16 : i32
      %parallel_loop3A_173 = vector.broadcast %parallel_loop3A_172 : i32 to vector<16xi32>
      %parallel_loop3A_174 = arith.addi %parallel_loop3A_155, %parallel_loop3A_173 : vector<16xi32>
      %parallel_loop3A_175 = tpu.vector_load_idx %arg6[%parallel_loop3A_174] : memref<32768xf32, #tpu.memory_space<vmem>>[vector<16xi32>], vector<16xf32>,
      %parallel_loop3A_176 = arith.constant 2 : i32
      %parallel_loop3A_177 = arith.index_cast %parallel_loop3A_176 : i32 to index
      %parallel_loop3A_178 = arith.index_cast %parallel_loop3A_149 : i32 to index
      %parallel_loop3A_179 = tpu.vector_load %arg8[%parallel_loop3A_177, %parallel_loop3A_178] {strides = array<i32>} : memref<32x1024xf32, #tpu.memory_space<vmem>>, vector<16xf32>,
      tpu.vector_store %arg8[%parallel_loop3A_177, %parallel_loop3A_178], %parallel_loop3A_175 {strides = array<i32>} : memref<32x1024xf32, #tpu.memory_space<vmem>>, vector<16xf32>,
      %parallel_loop3A_180 = arith.constant 24 : i32
      %parallel_loop3A_181 = vector.broadcast %parallel_loop3A_180 : i32 to vector<16xi32>
      %parallel_loop3A_182 = arith.addi %parallel_loop3A_155, %parallel_loop3A_181 : vector<16xi32>
      %parallel_loop3A_183 = tpu.vector_load_idx %arg6[%parallel_loop3A_182] : memref<32768xf32, #tpu.memory_space<vmem>>[vector<16xi32>], vector<16xf32>,
      %parallel_loop3A_184 = arith.constant 3 : i32
      %parallel_loop3A_185 = arith.index_cast %parallel_loop3A_184 : i32 to index
      %parallel_loop3A_186 = arith.index_cast %parallel_loop3A_149 : i32 to index
      %parallel_loop3A_187 = tpu.vector_load %arg8[%parallel_loop3A_185, %parallel_loop3A_186] {strides = array<i32>} : memref<32x1024xf32, #tpu.memory_space<vmem>>, vector<16xf32>,
      tpu.vector_store %arg8[%parallel_loop3A_185, %parallel_loop3A_186], %parallel_loop3A_183 {strides = array<i32>} : memref<32x1024xf32, #tpu.memory_space<vmem>>, vector<16xf32>,
      %parallel_loop3A_188 = arith.constant 32 : i32
      %parallel_loop3A_189 = vector.broadcast %parallel_loop3A_188 : i32 to vector<16xi32>
      %parallel_loop3A_190 = arith.addi %parallel_loop3A_155, %parallel_loop3A_189 : vector<16xi32>
      %parallel_loop3A_191 = tpu.vector_load_idx %arg6[%parallel_loop3A_190] : memref<32768xf32, #tpu.memory_space<vmem>>[vector<16xi32>], vector<16xf32>,
      %parallel_loop3A_192 = arith.constant 4 : i32
      %parallel_loop3A_193 = arith.index_cast %parallel_loop3A_192 : i32 to index
      %parallel_loop3A_194 = arith.index_cast %parallel_loop3A_149 : i32 to index
      %parallel_loop3A_195 = tpu.vector_load %arg8[%parallel_loop3A_193, %parallel_loop3A_194] {strides = array<i32>} : memref<32x1024xf32, #tpu.memory_space<vmem>>, vector<16xf32>,
      tpu.vector_store %arg8[%parallel_loop3A_193, %parallel_loop3A_194], %parallel_loop3A_191 {strides = array<i32>} : memref<32x1024xf32, #tpu.memory_space<vmem>>, vector<16xf32>,
      %parallel_loop3A_196 = arith.constant 40 : i32
      %parallel_loop3A_197 = vector.broadcast %parallel_loop3A_196 : i32 to vector<16xi32>
      %parallel_loop3A_198 = arith.addi %parallel_loop3A_155, %parallel_loop3A_197 : vector<16xi32>
      %parallel_loop3A_199 = tpu.vector_load_idx %arg6[%parallel_loop3A_198] : memref<32768xf32, #tpu.memory_space<vmem>>[vector<16xi32>], vector<16xf32>,
      %parallel_loop3A_200 = arith.constant 5 : i32
      %parallel_loop3A_201 = arith.index_cast %parallel_loop3A_200 : i32 to index
      %parallel_loop3A_202 = arith.index_cast %parallel_loop3A_149 : i32 to index
      %parallel_loop3A_203 = tpu.vector_load %arg8[%parallel_loop3A_201, %parallel_loop3A_202] {strides = array<i32>} : memref<32x1024xf32, #tpu.memory_space<vmem>>, vector<16xf32>,
      tpu.vector_store %arg8[%parallel_loop3A_201, %parallel_loop3A_202], %parallel_loop3A_199 {strides = array<i32>} : memref<32x1024xf32, #tpu.memory_space<vmem>>, vector<16xf32>,
      %parallel_loop3A_204 = arith.constant 48 : i32
      %parallel_loop3A_205 = vector.broadcast %parallel_loop3A_204 : i32 to vector<16xi32>
      %parallel_loop3A_206 = arith.addi %parallel_loop3A_155, %parallel_loop3A_205 : vector<16xi32>
      %parallel_loop3A_207 = tpu.vector_load_idx %arg6[%parallel_loop3A_206] : memref<32768xf32, #tpu.memory_space<vmem>>[vector<16xi32>], vector<16xf32>,
      %parallel_loop3A_208 = arith.constant 6 : i32
      %parallel_loop3A_209 = arith.index_cast %parallel_loop3A_208 : i32 to index
      %parallel_loop3A_210 = arith.index_cast %parallel_loop3A_149 : i32 to index
      %parallel_loop3A_211 = tpu.vector_load %arg8[%parallel_loop3A_209, %parallel_loop3A_210] {strides = array<i32>} : memref<32x1024xf32, #tpu.memory_space<vmem>>, vector<16xf32>,
      tpu.vector_store %arg8[%parallel_loop3A_209, %parallel_loop3A_210], %parallel_loop3A_207 {strides = array<i32>} : memref<32x1024xf32, #tpu.memory_space<vmem>>, vector<16xf32>,
      %parallel_loop3A_212 = arith.constant 56 : i32
      %parallel_loop3A_213 = vector.broadcast %parallel_loop3A_212 : i32 to vector<16xi32>
      %parallel_loop3A_214 = arith.addi %parallel_loop3A_155, %parallel_loop3A_213 : vector<16xi32>
      %parallel_loop3A_215 = tpu.vector_load_idx %arg6[%parallel_loop3A_214] : memref<32768xf32, #tpu.memory_space<vmem>>[vector<16xi32>], vector<16xf32>,
      %parallel_loop3A_216 = arith.constant 7 : i32
      %parallel_loop3A_217 = arith.index_cast %parallel_loop3A_216 : i32 to index
      %parallel_loop3A_218 = arith.index_cast %parallel_loop3A_149 : i32 to index
      %parallel_loop3A_219 = tpu.vector_load %arg8[%parallel_loop3A_217, %parallel_loop3A_218] {strides = array<i32>} : memref<32x1024xf32, #tpu.memory_space<vmem>>, vector<16xf32>,
      tpu.vector_store %arg8[%parallel_loop3A_217, %parallel_loop3A_218], %parallel_loop3A_215 {strides = array<i32>} : memref<32x1024xf32, #tpu.memory_space<vmem>>, vector<16xf32>,
      %parallel_loop3A_220 = arith.constant 64 : i32
      %parallel_loop3A_221 = vector.broadcast %parallel_loop3A_220 : i32 to vector<16xi32>
      %parallel_loop3A_222 = arith.addi %parallel_loop3A_155, %parallel_loop3A_221 : vector<16xi32>
      %parallel_loop3A_223 = tpu.vector_load_idx %arg6[%parallel_loop3A_222] : memref<32768xf32, #tpu.memory_space<vmem>>[vector<16xi32>], vector<16xf32>,
      %parallel_loop3A_224 = arith.constant 8 : i32
      %parallel_loop3A_225 = arith.index_cast %parallel_loop3A_224 : i32 to index
      %parallel_loop3A_226 = arith.index_cast %parallel_loop3A_149 : i32 to index
      %parallel_loop3A_227 = tpu.vector_load %arg8[%parallel_loop3A_225, %parallel_loop3A_226] {strides = array<i32>} : memref<32x1024xf32, #tpu.memory_space<vmem>>, vector<16xf32>,
      tpu.vector_store %arg8[%parallel_loop3A_225, %parallel_loop3A_226], %parallel_loop3A_223 {strides = array<i32>} : memref<32x1024xf32, #tpu.memory_space<vmem>>, vector<16xf32>,
      %parallel_loop3A_228 = arith.constant 72 : i32
      %parallel_loop3A_229 = vector.broadcast %parallel_loop3A_228 : i32 to vector<16xi32>
      %parallel_loop3A_230 = arith.addi %parallel_loop3A_155, %parallel_loop3A_229 : vector<16xi32>
      %parallel_loop3A_231 = tpu.vector_load_idx %arg6[%parallel_loop3A_230] : memref<32768xf32, #tpu.memory_space<vmem>>[vector<16xi32>], vector<16xf32>,
      %parallel_loop3A_232 = arith.constant 9 : i32
      %parallel_loop3A_233 = arith.index_cast %parallel_loop3A_232 : i32 to index
      %parallel_loop3A_234 = arith.index_cast %parallel_loop3A_149 : i32 to index
      %parallel_loop3A_235 = tpu.vector_load %arg8[%parallel_loop3A_233, %parallel_loop3A_234] {strides = array<i32>} : memref<32x1024xf32, #tpu.memory_space<vmem>>, vector<16xf32>,
      tpu.vector_store %arg8[%parallel_loop3A_233, %parallel_loop3A_234], %parallel_loop3A_231 {strides = array<i32>} : memref<32x1024xf32, #tpu.memory_space<vmem>>, vector<16xf32>,
      %parallel_loop3A_236 = arith.constant 80 : i32
      %parallel_loop3A_237 = vector.broadcast %parallel_loop3A_236 : i32 to vector<16xi32>
      %parallel_loop3A_238 = arith.addi %parallel_loop3A_155, %parallel_loop3A_237 : vector<16xi32>
      %parallel_loop3A_239 = tpu.vector_load_idx %arg6[%parallel_loop3A_238] : memref<32768xf32, #tpu.memory_space<vmem>>[vector<16xi32>], vector<16xf32>,
      %parallel_loop3A_240 = arith.constant 10 : i32
      %parallel_loop3A_241 = arith.index_cast %parallel_loop3A_240 : i32 to index
      %parallel_loop3A_242 = arith.index_cast %parallel_loop3A_149 : i32 to index
      %parallel_loop3A_243 = tpu.vector_load %arg8[%parallel_loop3A_241, %parallel_loop3A_242] {strides = array<i32>} : memref<32x1024xf32, #tpu.memory_space<vmem>>, vector<16xf32>,
      tpu.vector_store %arg8[%parallel_loop3A_241, %parallel_loop3A_242], %parallel_loop3A_239 {strides = array<i32>} : memref<32x1024xf32, #tpu.memory_space<vmem>>, vector<16xf32>,
      %parallel_loop3A_244 = arith.constant 88 : i32
      %parallel_loop3A_245 = vector.broadcast %parallel_loop3A_244 : i32 to vector<16xi32>
      %parallel_loop3A_246 = arith.addi %parallel_loop3A_155, %parallel_loop3A_245 : vector<16xi32>
      %parallel_loop3A_247 = tpu.vector_load_idx %arg6[%parallel_loop3A_246] : memref<32768xf32, #tpu.memory_space<vmem>>[vector<16xi32>], vector<16xf32>,
      %parallel_loop3A_248 = arith.constant 11 : i32
      %parallel_loop3A_249 = arith.index_cast %parallel_loop3A_248 : i32 to index
      %parallel_loop3A_250 = arith.index_cast %parallel_loop3A_149 : i32 to index
      %parallel_loop3A_251 = tpu.vector_load %arg8[%parallel_loop3A_249, %parallel_loop3A_250] {strides = array<i32>} : memref<32x1024xf32, #tpu.memory_space<vmem>>, vector<16xf32>,
      tpu.vector_store %arg8[%parallel_loop3A_249, %parallel_loop3A_250], %parallel_loop3A_247 {strides = array<i32>} : memref<32x1024xf32, #tpu.memory_space<vmem>>, vector<16xf32>,
      %parallel_loop3A_252 = arith.constant 96 : i32
      %parallel_loop3A_253 = vector.broadcast %parallel_loop3A_252 : i32 to vector<16xi32>
      %parallel_loop3A_254 = arith.addi %parallel_loop3A_155, %parallel_loop3A_253 : vector<16xi32>
      %parallel_loop3A_255 = tpu.vector_load_idx %arg6[%parallel_loop3A_254] : memref<32768xf32, #tpu.memory_space<vmem>>[vector<16xi32>], vector<16xf32>,
      %parallel_loop3A_256 = arith.constant 12 : i32
      %parallel_loop3A_257 = arith.index_cast %parallel_loop3A_256 : i32 to index
      %parallel_loop3A_258 = arith.index_cast %parallel_loop3A_149 : i32 to index
      %parallel_loop3A_259 = tpu.vector_load %arg8[%parallel_loop3A_257, %parallel_loop3A_258] {strides = array<i32>} : memref<32x1024xf32, #tpu.memory_space<vmem>>, vector<16xf32>,
      tpu.vector_store %arg8[%parallel_loop3A_257, %parallel_loop3A_258], %parallel_loop3A_255 {strides = array<i32>} : memref<32x1024xf32, #tpu.memory_space<vmem>>, vector<16xf32>,
      %parallel_loop3A_260 = arith.constant 104 : i32
      %parallel_loop3A_261 = vector.broadcast %parallel_loop3A_260 : i32 to vector<16xi32>
      %parallel_loop3A_262 = arith.addi %parallel_loop3A_155, %parallel_loop3A_261 : vector<16xi32>
      %parallel_loop3A_263 = tpu.vector_load_idx %arg6[%parallel_loop3A_262] : memref<32768xf32, #tpu.memory_space<vmem>>[vector<16xi32>], vector<16xf32>,
      %parallel_loop3A_264 = arith.constant 13 : i32
      %parallel_loop3A_265 = arith.index_cast %parallel_loop3A_264 : i32 to index
      %parallel_loop3A_266 = arith.index_cast %parallel_loop3A_149 : i32 to index
      %parallel_loop3A_267 = tpu.vector_load %arg8[%parallel_loop3A_265, %parallel_loop3A_266] {strides = array<i32>} : memref<32x1024xf32, #tpu.memory_space<vmem>>, vector<16xf32>,
      tpu.vector_store %arg8[%parallel_loop3A_265, %parallel_loop3A_266], %parallel_loop3A_263 {strides = array<i32>} : memref<32x1024xf32, #tpu.memory_space<vmem>>, vector<16xf32>,
      %parallel_loop3A_268 = arith.constant 112 : i32
      %parallel_loop3A_269 = vector.broadcast %parallel_loop3A_268 : i32 to vector<16xi32>
      %parallel_loop3A_270 = arith.addi %parallel_loop3A_155, %parallel_loop3A_269 : vector<16xi32>
      %parallel_loop3A_271 = tpu.vector_load_idx %arg6[%parallel_loop3A_270] : memref<32768xf32, #tpu.memory_space<vmem>>[vector<16xi32>], vector<16xf32>,
      %parallel_loop3A_272 = arith.constant 14 : i32
      %parallel_loop3A_273 = arith.index_cast %parallel_loop3A_272 : i32 to index
      %parallel_loop3A_274 = arith.index_cast %parallel_loop3A_149 : i32 to index
      %parallel_loop3A_275 = tpu.vector_load %arg8[%parallel_loop3A_273, %parallel_loop3A_274] {strides = array<i32>} : memref<32x1024xf32, #tpu.memory_space<vmem>>, vector<16xf32>,
      tpu.vector_store %arg8[%parallel_loop3A_273, %parallel_loop3A_274], %parallel_loop3A_271 {strides = array<i32>} : memref<32x1024xf32, #tpu.memory_space<vmem>>, vector<16xf32>,
      %parallel_loop3A_276 = arith.constant 120 : i32
      %parallel_loop3A_277 = vector.broadcast %parallel_loop3A_276 : i32 to vector<16xi32>
      %parallel_loop3A_278 = arith.addi %parallel_loop3A_155, %parallel_loop3A_277 : vector<16xi32>
      %parallel_loop3A_279 = tpu.vector_load_idx %arg6[%parallel_loop3A_278] : memref<32768xf32, #tpu.memory_space<vmem>>[vector<16xi32>], vector<16xf32>,
      %parallel_loop3A_280 = arith.constant 15 : i32
      %parallel_loop3A_281 = arith.index_cast %parallel_loop3A_280 : i32 to index
      %parallel_loop3A_282 = arith.index_cast %parallel_loop3A_149 : i32 to index
      %parallel_loop3A_283 = tpu.vector_load %arg8[%parallel_loop3A_281, %parallel_loop3A_282] {strides = array<i32>} : memref<32x1024xf32, #tpu.memory_space<vmem>>, vector<16xf32>,
      tpu.vector_store %arg8[%parallel_loop3A_281, %parallel_loop3A_282], %parallel_loop3A_279 {strides = array<i32>} : memref<32x1024xf32, #tpu.memory_space<vmem>>, vector<16xf32>,
      %parallel_loop3A_284 = arith.constant 128 : i32
      %parallel_loop3A_285 = vector.broadcast %parallel_loop3A_284 : i32 to vector<16xi32>
      %parallel_loop3A_286 = arith.addi %parallel_loop3A_155, %parallel_loop3A_285 : vector<16xi32>
      %parallel_loop3A_287 = tpu.vector_load_idx %arg6[%parallel_loop3A_286] : memref<32768xf32, #tpu.memory_space<vmem>>[vector<16xi32>], vector<16xf32>,
      %parallel_loop3A_288 = arith.constant 16 : i32
      %parallel_loop3A_289 = arith.index_cast %parallel_loop3A_288 : i32 to index
      %parallel_loop3A_290 = arith.index_cast %parallel_loop3A_149 : i32 to index
      %parallel_loop3A_291 = tpu.vector_load %arg8[%parallel_loop3A_289, %parallel_loop3A_290] {strides = array<i32>} : memref<32x1024xf32, #tpu.memory_space<vmem>>, vector<16xf32>,
      tpu.vector_store %arg8[%parallel_loop3A_289, %parallel_loop3A_290], %parallel_loop3A_287 {strides = array<i32>} : memref<32x1024xf32, #tpu.memory_space<vmem>>, vector<16xf32>,
      %parallel_loop3A_292 = arith.constant 136 : i32
      %parallel_loop3A_293 = vector.broadcast %parallel_loop3A_292 : i32 to vector<16xi32>
      %parallel_loop3A_294 = arith.addi %parallel_loop3A_155, %parallel_loop3A_293 : vector<16xi32>
      %parallel_loop3A_295 = tpu.vector_load_idx %arg6[%parallel_loop3A_294] : memref<32768xf32, #tpu.memory_space<vmem>>[vector<16xi32>], vector<16xf32>,
      %parallel_loop3A_296 = arith.constant 17 : i32
      %parallel_loop3A_297 = arith.index_cast %parallel_loop3A_296 : i32 to index
      %parallel_loop3A_298 = arith.index_cast %parallel_loop3A_149 : i32 to index
      %parallel_loop3A_299 = tpu.vector_load %arg8[%parallel_loop3A_297, %parallel_loop3A_298] {strides = array<i32>} : memref<32x1024xf32, #tpu.memory_space<vmem>>, vector<16xf32>,
      tpu.vector_store %arg8[%parallel_loop3A_297, %parallel_loop3A_298], %parallel_loop3A_295 {strides = array<i32>} : memref<32x1024xf32, #tpu.memory_space<vmem>>, vector<16xf32>,
      %parallel_loop3A_300 = arith.constant 144 : i32
      %parallel_loop3A_301 = vector.broadcast %parallel_loop3A_300 : i32 to vector<16xi32>
      %parallel_loop3A_302 = arith.addi %parallel_loop3A_155, %parallel_loop3A_301 : vector<16xi32>
      %parallel_loop3A_303 = tpu.vector_load_idx %arg6[%parallel_loop3A_302] : memref<32768xf32, #tpu.memory_space<vmem>>[vector<16xi32>], vector<16xf32>,
      %parallel_loop3A_304 = arith.constant 18 : i32
      %parallel_loop3A_305 = arith.index_cast %parallel_loop3A_304 : i32 to index
      %parallel_loop3A_306 = arith.index_cast %parallel_loop3A_149 : i32 to index
      %parallel_loop3A_307 = tpu.vector_load %arg8[%parallel_loop3A_305, %parallel_loop3A_306] {strides = array<i32>} : memref<32x1024xf32, #tpu.memory_space<vmem>>, vector<16xf32>,
      tpu.vector_store %arg8[%parallel_loop3A_305, %parallel_loop3A_306], %parallel_loop3A_303 {strides = array<i32>} : memref<32x1024xf32, #tpu.memory_space<vmem>>, vector<16xf32>,
      %parallel_loop3A_308 = arith.constant 152 : i32
      %parallel_loop3A_309 = vector.broadcast %parallel_loop3A_308 : i32 to vector<16xi32>
      %parallel_loop3A_310 = arith.addi %parallel_loop3A_155, %parallel_loop3A_309 : vector<16xi32>
      %parallel_loop3A_311 = tpu.vector_load_idx %arg6[%parallel_loop3A_310] : memref<32768xf32, #tpu.memory_space<vmem>>[vector<16xi32>], vector<16xf32>,
      %parallel_loop3A_312 = arith.constant 19 : i32
      %parallel_loop3A_313 = arith.index_cast %parallel_loop3A_312 : i32 to index
      %parallel_loop3A_314 = arith.index_cast %parallel_loop3A_149 : i32 to index
      %parallel_loop3A_315 = tpu.vector_load %arg8[%parallel_loop3A_313, %parallel_loop3A_314] {strides = array<i32>} : memref<32x1024xf32, #tpu.memory_space<vmem>>, vector<16xf32>,
      tpu.vector_store %arg8[%parallel_loop3A_313, %parallel_loop3A_314], %parallel_loop3A_311 {strides = array<i32>} : memref<32x1024xf32, #tpu.memory_space<vmem>>, vector<16xf32>,
      %parallel_loop3A_316 = arith.constant 160 : i32
      %parallel_loop3A_317 = vector.broadcast %parallel_loop3A_316 : i32 to vector<16xi32>
      %parallel_loop3A_318 = arith.addi %parallel_loop3A_155, %parallel_loop3A_317 : vector<16xi32>
      %parallel_loop3A_319 = tpu.vector_load_idx %arg6[%parallel_loop3A_318] : memref<32768xf32, #tpu.memory_space<vmem>>[vector<16xi32>], vector<16xf32>,
      %parallel_loop3A_320 = arith.constant 20 : i32
      %parallel_loop3A_321 = arith.index_cast %parallel_loop3A_320 : i32 to index
      %parallel_loop3A_322 = arith.index_cast %parallel_loop3A_149 : i32 to index
      %parallel_loop3A_323 = tpu.vector_load %arg8[%parallel_loop3A_321, %parallel_loop3A_322] {strides = array<i32>} : memref<32x1024xf32, #tpu.memory_space<vmem>>, vector<16xf32>,
      tpu.vector_store %arg8[%parallel_loop3A_321, %parallel_loop3A_322], %parallel_loop3A_319 {strides = array<i32>} : memref<32x1024xf32, #tpu.memory_space<vmem>>, vector<16xf32>,
      %parallel_loop3A_324 = arith.constant 168 : i32
      %parallel_loop3A_325 = vector.broadcast %parallel_loop3A_324 : i32 to vector<16xi32>
      %parallel_loop3A_326 = arith.addi %parallel_loop3A_155, %parallel_loop3A_325 : vector<16xi32>
      %parallel_loop3A_327 = tpu.vector_load_idx %arg6[%parallel_loop3A_326] : memref<32768xf32, #tpu.memory_space<vmem>>[vector<16xi32>], vector<16xf32>,
      %parallel_loop3A_328 = arith.constant 21 : i32
      %parallel_loop3A_329 = arith.index_cast %parallel_loop3A_328 : i32 to index
      %parallel_loop3A_330 = arith.index_cast %parallel_loop3A_149 : i32 to index
      %parallel_loop3A_331 = tpu.vector_load %arg8[%parallel_loop3A_329, %parallel_loop3A_330] {strides = array<i32>} : memref<32x1024xf32, #tpu.memory_space<vmem>>, vector<16xf32>,
      tpu.vector_store %arg8[%parallel_loop3A_329, %parallel_loop3A_330], %parallel_loop3A_327 {strides = array<i32>} : memref<32x1024xf32, #tpu.memory_space<vmem>>, vector<16xf32>,
      %parallel_loop3A_332 = arith.constant 176 : i32
      %parallel_loop3A_333 = vector.broadcast %parallel_loop3A_332 : i32 to vector<16xi32>
      %parallel_loop3A_334 = arith.addi %parallel_loop3A_155, %parallel_loop3A_333 : vector<16xi32>
      %parallel_loop3A_335 = tpu.vector_load_idx %arg6[%parallel_loop3A_334] : memref<32768xf32, #tpu.memory_space<vmem>>[vector<16xi32>], vector<16xf32>,
      %parallel_loop3A_336 = arith.constant 22 : i32
      %parallel_loop3A_337 = arith.index_cast %parallel_loop3A_336 : i32 to index
      %parallel_loop3A_338 = arith.index_cast %parallel_loop3A_149 : i32 to index
      %parallel_loop3A_339 = tpu.vector_load %arg8[%parallel_loop3A_337, %parallel_loop3A_338] {strides = array<i32>} : memref<32x1024xf32, #tpu.memory_space<vmem>>, vector<16xf32>,
      tpu.vector_store %arg8[%parallel_loop3A_337, %parallel_loop3A_338], %parallel_loop3A_335 {strides = array<i32>} : memref<32x1024xf32, #tpu.memory_space<vmem>>, vector<16xf32>,
      %parallel_loop3A_340 = arith.constant 184 : i32
      %parallel_loop3A_341 = vector.broadcast %parallel_loop3A_340 : i32 to vector<16xi32>
      %parallel_loop3A_342 = arith.addi %parallel_loop3A_155, %parallel_loop3A_341 : vector<16xi32>
      %parallel_loop3A_343 = tpu.vector_load_idx %arg6[%parallel_loop3A_342] : memref<32768xf32, #tpu.memory_space<vmem>>[vector<16xi32>], vector<16xf32>,
      %parallel_loop3A_344 = arith.constant 23 : i32
      %parallel_loop3A_345 = arith.index_cast %parallel_loop3A_344 : i32 to index
      %parallel_loop3A_346 = arith.index_cast %parallel_loop3A_149 : i32 to index
      %parallel_loop3A_347 = tpu.vector_load %arg8[%parallel_loop3A_345, %parallel_loop3A_346] {strides = array<i32>} : memref<32x1024xf32, #tpu.memory_space<vmem>>, vector<16xf32>,
      tpu.vector_store %arg8[%parallel_loop3A_345, %parallel_loop3A_346], %parallel_loop3A_343 {strides = array<i32>} : memref<32x1024xf32, #tpu.memory_space<vmem>>, vector<16xf32>,
      %parallel_loop3A_348 = arith.constant 192 : i32
      %parallel_loop3A_349 = vector.broadcast %parallel_loop3A_348 : i32 to vector<16xi32>
      %parallel_loop3A_350 = arith.addi %parallel_loop3A_155, %parallel_loop3A_349 : vector<16xi32>
      %parallel_loop3A_351 = tpu.vector_load_idx %arg6[%parallel_loop3A_350] : memref<32768xf32, #tpu.memory_space<vmem>>[vector<16xi32>], vector<16xf32>,
      %parallel_loop3A_352 = arith.constant 24 : i32
      %parallel_loop3A_353 = arith.index_cast %parallel_loop3A_352 : i32 to index
      %parallel_loop3A_354 = arith.index_cast %parallel_loop3A_149 : i32 to index
      %parallel_loop3A_355 = tpu.vector_load %arg8[%parallel_loop3A_353, %parallel_loop3A_354] {strides = array<i32>} : memref<32x1024xf32, #tpu.memory_space<vmem>>, vector<16xf32>,
      tpu.vector_store %arg8[%parallel_loop3A_353, %parallel_loop3A_354], %parallel_loop3A_351 {strides = array<i32>} : memref<32x1024xf32, #tpu.memory_space<vmem>>, vector<16xf32>,
      %parallel_loop3A_356 = arith.constant 200 : i32
      %parallel_loop3A_357 = vector.broadcast %parallel_loop3A_356 : i32 to vector<16xi32>
      %parallel_loop3A_358 = arith.addi %parallel_loop3A_155, %parallel_loop3A_357 : vector<16xi32>
      %parallel_loop3A_359 = tpu.vector_load_idx %arg6[%parallel_loop3A_358] : memref<32768xf32, #tpu.memory_space<vmem>>[vector<16xi32>], vector<16xf32>,
      %parallel_loop3A_360 = arith.constant 25 : i32
      %parallel_loop3A_361 = arith.index_cast %parallel_loop3A_360 : i32 to index
      %parallel_loop3A_362 = arith.index_cast %parallel_loop3A_149 : i32 to index
      %parallel_loop3A_363 = tpu.vector_load %arg8[%parallel_loop3A_361, %parallel_loop3A_362] {strides = array<i32>} : memref<32x1024xf32, #tpu.memory_space<vmem>>, vector<16xf32>,
      tpu.vector_store %arg8[%parallel_loop3A_361, %parallel_loop3A_362], %parallel_loop3A_359 {strides = array<i32>} : memref<32x1024xf32, #tpu.memory_space<vmem>>, vector<16xf32>,
      %parallel_loop3A_364 = arith.constant 208 : i32
      %parallel_loop3A_365 = vector.broadcast %parallel_loop3A_364 : i32 to vector<16xi32>
      %parallel_loop3A_366 = arith.addi %parallel_loop3A_155, %parallel_loop3A_365 : vector<16xi32>
      %parallel_loop3A_367 = tpu.vector_load_idx %arg6[%parallel_loop3A_366] : memref<32768xf32, #tpu.memory_space<vmem>>[vector<16xi32>], vector<16xf32>,
      %parallel_loop3A_368 = arith.constant 26 : i32
      %parallel_loop3A_369 = arith.index_cast %parallel_loop3A_368 : i32 to index
      %parallel_loop3A_370 = arith.index_cast %parallel_loop3A_149 : i32 to index
      %parallel_loop3A_371 = tpu.vector_load %arg8[%parallel_loop3A_369, %parallel_loop3A_370] {strides = array<i32>} : memref<32x1024xf32, #tpu.memory_space<vmem>>, vector<16xf32>,
      tpu.vector_store %arg8[%parallel_loop3A_369, %parallel_loop3A_370], %parallel_loop3A_367 {strides = array<i32>} : memref<32x1024xf32, #tpu.memory_space<vmem>>, vector<16xf32>,
      %parallel_loop3A_372 = arith.constant 216 : i32
      %parallel_loop3A_373 = vector.broadcast %parallel_loop3A_372 : i32 to vector<16xi32>
      %parallel_loop3A_374 = arith.addi %parallel_loop3A_155, %parallel_loop3A_373 : vector<16xi32>
      %parallel_loop3A_375 = tpu.vector_load_idx %arg6[%parallel_loop3A_374] : memref<32768xf32, #tpu.memory_space<vmem>>[vector<16xi32>], vector<16xf32>,
      %parallel_loop3A_376 = arith.constant 27 : i32
      %parallel_loop3A_377 = arith.index_cast %parallel_loop3A_376 : i32 to index
      %parallel_loop3A_378 = arith.index_cast %parallel_loop3A_149 : i32 to index
      %parallel_loop3A_379 = tpu.vector_load %arg8[%parallel_loop3A_377, %parallel_loop3A_378] {strides = array<i32>} : memref<32x1024xf32, #tpu.memory_space<vmem>>, vector<16xf32>,
      tpu.vector_store %arg8[%parallel_loop3A_377, %parallel_loop3A_378], %parallel_loop3A_375 {strides = array<i32>} : memref<32x1024xf32, #tpu.memory_space<vmem>>, vector<16xf32>,
      %parallel_loop3A_380 = arith.constant 224 : i32
      %parallel_loop3A_381 = vector.broadcast %parallel_loop3A_380 : i32 to vector<16xi32>
      %parallel_loop3A_382 = arith.addi %parallel_loop3A_155, %parallel_loop3A_381 : vector<16xi32>
      %parallel_loop3A_383 = tpu.vector_load_idx %arg6[%parallel_loop3A_382] : memref<32768xf32, #tpu.memory_space<vmem>>[vector<16xi32>], vector<16xf32>,
      %parallel_loop3A_384 = arith.constant 28 : i32
      %parallel_loop3A_385 = arith.index_cast %parallel_loop3A_384 : i32 to index
      %parallel_loop3A_386 = arith.index_cast %parallel_loop3A_149 : i32 to index
      %parallel_loop3A_387 = tpu.vector_load %arg8[%parallel_loop3A_385, %parallel_loop3A_386] {strides = array<i32>} : memref<32x1024xf32, #tpu.memory_space<vmem>>, vector<16xf32>,
      tpu.vector_store %arg8[%parallel_loop3A_385, %parallel_loop3A_386], %parallel_loop3A_383 {strides = array<i32>} : memref<32x1024xf32, #tpu.memory_space<vmem>>, vector<16xf32>,
      %parallel_loop3A_388 = arith.constant 232 : i32
      %parallel_loop3A_389 = vector.broadcast %parallel_loop3A_388 : i32 to vector<16xi32>
      %parallel_loop3A_390 = arith.addi %parallel_loop3A_155, %parallel_loop3A_389 : vector<16xi32>
      %parallel_loop3A_391 = tpu.vector_load_idx %arg6[%parallel_loop3A_390] : memref<32768xf32, #tpu.memory_space<vmem>>[vector<16xi32>], vector<16xf32>,
      %parallel_loop3A_392 = arith.constant 29 : i32
      %parallel_loop3A_393 = arith.index_cast %parallel_loop3A_392 : i32 to index
      %parallel_loop3A_394 = arith.index_cast %parallel_loop3A_149 : i32 to index
      %parallel_loop3A_395 = tpu.vector_load %arg8[%parallel_loop3A_393, %parallel_loop3A_394] {strides = array<i32>} : memref<32x1024xf32, #tpu.memory_space<vmem>>, vector<16xf32>,
      tpu.vector_store %arg8[%parallel_loop3A_393, %parallel_loop3A_394], %parallel_loop3A_391 {strides = array<i32>} : memref<32x1024xf32, #tpu.memory_space<vmem>>, vector<16xf32>,
      %parallel_loop3A_396 = arith.constant 240 : i32
      %parallel_loop3A_397 = vector.broadcast %parallel_loop3A_396 : i32 to vector<16xi32>
      %parallel_loop3A_398 = arith.addi %parallel_loop3A_155, %parallel_loop3A_397 : vector<16xi32>
      %parallel_loop3A_399 = tpu.vector_load_idx %arg6[%parallel_loop3A_398] : memref<32768xf32, #tpu.memory_space<vmem>>[vector<16xi32>], vector<16xf32>,
      %parallel_loop3A_400 = arith.constant 30 : i32
      %parallel_loop3A_401 = arith.index_cast %parallel_loop3A_400 : i32 to index
      %parallel_loop3A_402 = arith.index_cast %parallel_loop3A_149 : i32 to index
      %parallel_loop3A_403 = tpu.vector_load %arg8[%parallel_loop3A_401, %parallel_loop3A_402] {strides = array<i32>} : memref<32x1024xf32, #tpu.memory_space<vmem>>, vector<16xf32>,
      tpu.vector_store %arg8[%parallel_loop3A_401, %parallel_loop3A_402], %parallel_loop3A_399 {strides = array<i32>} : memref<32x1024xf32, #tpu.memory_space<vmem>>, vector<16xf32>,
      %parallel_loop3A_404 = arith.constant 248 : i32
      %parallel_loop3A_405 = vector.broadcast %parallel_loop3A_404 : i32 to vector<16xi32>
      %parallel_loop3A_406 = arith.addi %parallel_loop3A_155, %parallel_loop3A_405 : vector<16xi32>
      %parallel_loop3A_407 = tpu.vector_load_idx %arg6[%parallel_loop3A_406] : memref<32768xf32, #tpu.memory_space<vmem>>[vector<16xi32>], vector<16xf32>,
      %parallel_loop3A_408 = arith.constant 31 : i32
      %parallel_loop3A_409 = arith.index_cast %parallel_loop3A_408 : i32 to index
      %parallel_loop3A_410 = arith.index_cast %parallel_loop3A_149 : i32 to index
      %parallel_loop3A_411 = tpu.vector_load %arg8[%parallel_loop3A_409, %parallel_loop3A_410] {strides = array<i32>} : memref<32x1024xf32, #tpu.memory_space<vmem>>, vector<16xf32>,
      tpu.vector_store %arg8[%parallel_loop3A_409, %parallel_loop3A_410], %parallel_loop3A_407 {strides = array<i32>} : memref<32x1024xf32, #tpu.memory_space<vmem>>, vector<16xf32>,
    } {sc.loop_unroll_factor = 2 : i64, sc.parallel_access}
    %dma_start3A_106 = arith.constant 1 : i32
    %dma_start3A_107 = arith.constant 32 : i32
    %dma_start3A_108 = arith.constant 0 : i32
    %dma_start3A_109 = tpu.memref_slice %arg4[%mul3A_2, %dma_start3A_107, %dma_start3A_108] : memref<1280x64x1024xf32, #tpu.memory_space<hbm>> -> memref<1x32x1024xf32, #tpu.memory_space<hbm>>
    %dma_start3A_110 = tpu.memref_squeeze %dma_start3A_109 : memref<1x32x1024xf32, #tpu.memory_space<hbm>> -> memref<32x1024xf32, #tpu.memory_space<hbm>>
    %dma_start3A_111 = tpu.memref_slice %arg9[%dma_start3A_106] : memref<2x!tpu.dma_semaphore, #tpu.memory_space<semaphore_mem>> -> memref<1x!tpu.dma_semaphore, #tpu.memory_space<semaphore_mem>>
    %dma_start3A_112 = tpu.memref_squeeze %dma_start3A_111 : memref<1x!tpu.dma_semaphore, #tpu.memory_space<semaphore_mem>> -> memref<!tpu.dma_semaphore, #tpu.memory_space<semaphore_mem>>
    %dma_start3A_113 = arith.constant 32 : i32
    %dma_start3A_114 = arith.constant 0 : i32
    %dma_start3A_115 = tpu.memref_slice %arg4[%mul3A_2, %dma_start3A_113, %dma_start3A_114] : memref<1280x64x1024xf32, #tpu.memory_space<hbm>> -> memref<1x32x1024xf32, #tpu.memory_space<hbm>>
    %dma_start3A_116 = tpu.memref_squeeze %dma_start3A_115 : memref<1x32x1024xf32, #tpu.memory_space<hbm>> -> memref<32x1024xf32, #tpu.memory_space<hbm>>
    tpu.enqueue_dma source(%arg8 : memref<32x1024xf32, #tpu.memory_space<vmem>>) target(%dma_start3A_116 : memref<32x1024xf32, #tpu.memory_space<hbm>>) target_semaphore(%dma_start3A_112 : memref<!tpu.dma_semaphore, #tpu.memory_space<semaphore_mem>>)
    %scan3A = arith.constant 1 : i32
    %scan3A_117 = arith.constant 39 : i32
    %scan3A_118 = arith.addi %scan3A, %scan3A_117 : i32
    %scan3A_119 = arith.constant 1 : i32
    %scan3A_120 = scf.for %scan3A_147 = %scan3A to %scan3A_118 step %scan3A_119 iter_args(%scan3A_148 = %select_n3A) -> (i32)  : i32 {
      %add3A_149 = arith.addi %mul3A_2, %scan3A_147 : i32
      %jit3A_150 = arith.constant 64 : i32
      %div3A_151 = arith.divsi %add3A_149, %jit3A_150 : i32
      %sign3A_152 = arith.constant 0 : i32
      %sign3A_153 = arith.cmpi sgt, %add3A_149, %sign3A_152 : i32
      %sign3A_154 = arith.extui %sign3A_153 : i1 to i32
      %sign3A_155 = arith.constant 0 : i32
      %sign3A_156 = arith.cmpi slt, %add3A_149, %sign3A_155 : i32
      %sign3A_157 = arith.extui %sign3A_156 : i1 to i32
      %sign3A_158 = arith.subi %sign3A_154, %sign3A_157 : i32
      %sign3A_159 = arith.constant 0 : i32
      %sign3A_160 = arith.cmpi sgt, %jit3A_150, %sign3A_159 : i32
      %sign3A_161 = arith.extui %sign3A_160 : i1 to i32
      %sign3A_162 = arith.constant 0 : i32
      %sign3A_163 = arith.cmpi slt, %jit3A_150, %sign3A_162 : i32
      %sign3A_164 = arith.extui %sign3A_163 : i1 to i32
      %sign3A_165 = arith.subi %sign3A_161, %sign3A_164 : i32
      %ne3A_166 = arith.cmpi ne, %sign3A_158, %sign3A_165 : i32
      %rem3A_167 = arith.remsi %add3A_149, %jit3A_150 : i32
      %ne3A_168 = arith.constant 0 : i32
      %ne3A_169 = arith.cmpi ne, %rem3A_167, %ne3A_168 : i32
      %and3A_170 = arith.andi %ne3A_166, %ne3A_169 : i1
      %sub3A_171 = arith.constant 1 : i32
      %sub3A_172 = arith.subi %div3A_151, %sub3A_171 : i32
      %select_n3A_173 = arith.select %and3A_170, %sub3A_172, %div3A_151 : i32
      %ne3A_174 = arith.cmpi ne, %select_n3A_173, %scan3A_148 : i32
      %convert_element_type3A = arith.extui %ne3A_174 : i1 to i32
      %cond3A = arith.constant 0 : i32
      %cond3A_175 = arith.cmpi ne, %convert_element_type3A, %cond3A : i32
      scf.if %cond3A_175 {
        %mul3A_298 = arith.constant 1024 : i32
        %mul3A_299 = arith.muli %select_n3A_173, %mul3A_298 : i32
        "tpu.region"() ({
          %run_scoped3A = tpu.sem_alloc : memref<!tpu.dma_semaphore, #tpu.memory_space<semaphore_mem>>
          %dma_start3A_300 = tpu.memref_slice %arg3[%mul3A_299] : memref<20480xi32, #tpu.memory_space<hbm>> -> memref<1024xi32, #tpu.memory_space<hbm>>
          %dma_start3A_301 = tpu.memref_slice %arg3[%mul3A_299] : memref<20480xi32, #tpu.memory_space<hbm>> -> memref<1024xi32, #tpu.memory_space<hbm>>
          tpu.enqueue_dma source(%dma_start3A_301 : memref<1024xi32, #tpu.memory_space<hbm>>) target(%arg5 : memref<1024xi32, #tpu.memory_space<vmem>>) target_semaphore(%run_scoped3A : memref<!tpu.dma_semaphore, #tpu.memory_space<semaphore_mem>>)
          %dma_wait3A_302 = tpu.memref_slice %arg3[%mul3A_299] : memref<20480xi32, #tpu.memory_space<hbm>> -> memref<1024xi32, #tpu.memory_space<hbm>>
          %dma_wait3A_303 = tpu.memref_slice %arg3[%mul3A_299] : memref<20480xi32, #tpu.memory_space<hbm>> -> memref<1024xi32, #tpu.memory_space<hbm>>
          tpu.wait_dma2 semaphore(%run_scoped3A : memref<!tpu.dma_semaphore, #tpu.memory_space<semaphore_mem>>) src(%dma_wait3A_303 : memref<1024xi32, #tpu.memory_space<hbm>>) dst(%arg5 : memref<1024xi32, #tpu.memory_space<vmem>>)
          tpu.yield
        }) : () -> ()
      } else {
      }
      %dma_wait3A_176 = arith.constant 0 : i32
      %dma_wait3A_177 = arith.constant 0 : i32
      %dma_wait3A_178 = arith.constant 0 : i32
      %dma_wait3A_179 = tpu.memref_slice %arg4[%add3A_149, %dma_wait3A_177, %dma_wait3A_178] : memref<1280x64x1024xf32, #tpu.memory_space<hbm>> -> memref<1x32x1024xf32, #tpu.memory_space<hbm>>
      %dma_wait3A_180 = tpu.memref_squeeze %dma_wait3A_179 : memref<1x32x1024xf32, #tpu.memory_space<hbm>> -> memref<32x1024xf32, #tpu.memory_space<hbm>>
      %dma_wait3A_181 = tpu.memref_slice %arg9[%dma_wait3A_176] : memref<2x!tpu.dma_semaphore, #tpu.memory_space<semaphore_mem>> -> memref<1x!tpu.dma_semaphore, #tpu.memory_space<semaphore_mem>>
      %dma_wait3A_182 = tpu.memref_squeeze %dma_wait3A_181 : memref<1x!tpu.dma_semaphore, #tpu.memory_space<semaphore_mem>> -> memref<!tpu.dma_semaphore, #tpu.memory_space<semaphore_mem>>
      %dma_wait3A_183 = arith.constant 0 : i32
      %dma_wait3A_184 = arith.constant 0 : i32
      %dma_wait3A_185 = tpu.memref_slice %arg4[%add3A_149, %dma_wait3A_183, %dma_wait3A_184] : memref<1280x64x1024xf32, #tpu.memory_space<hbm>> -> memref<1x32x1024xf32, #tpu.memory_space<hbm>>
      %dma_wait3A_186 = tpu.memref_squeeze %dma_wait3A_185 : memref<1x32x1024xf32, #tpu.memory_space<hbm>> -> memref<32x1024xf32, #tpu.memory_space<hbm>>
      tpu.wait_dma2 semaphore(%dma_wait3A_182 : memref<!tpu.dma_semaphore, #tpu.memory_space<semaphore_mem>>) src(%arg7 : memref<32x1024xf32, #tpu.memory_space<vmem>>) dst(%dma_wait3A_186 : memref<32x1024xf32, #tpu.memory_space<hbm>>)
      %jit3A_187 = arith.constant 64 : i32
      %eq3A_188 = arith.constant 0 : i32
      %eq3A_189 = arith.cmpi eq, %jit3A_187, %eq3A_188 : i32
      %jit3A_190 = arith.constant 1 : i32
      %select_n3A_191 = arith.select %eq3A_189, %jit3A_190, %jit3A_187 : i32
      %rem3A_192 = arith.remsi %add3A_149, %select_n3A_191 : i32
      %ne3A_193 = arith.constant 0 : i32
      %ne3A_194 = arith.cmpi ne, %rem3A_192, %ne3A_193 : i32
      %lt3A_195 = arith.constant 0 : i32
      %lt3A_196 = arith.cmpi slt, %rem3A_192, %lt3A_195 : i32
      %lt3A_197 = arith.constant 0 : i32
      %lt3A_198 = arith.cmpi slt, %select_n3A_191, %lt3A_197 : i32
      %ne3A_199 = arith.xori %lt3A_196, %lt3A_198 : i1
      %and3A_200 = arith.andi %ne3A_199, %ne3A_194 : i1
      %add3A_201 = arith.addi %rem3A_192, %select_n3A_191 : i32
      %select_n3A_202 = arith.select %and3A_200, %add3A_201, %rem3A_192 : i32
      %jit3A_203 = arith.constant 64 : i32
      %eq3A_204 = arith.constant 0 : i32
      %eq3A_205 = arith.cmpi eq, %jit3A_203, %eq3A_204 : i32
      %jit3A_206 = arith.constant 1 : i32
      %select_n3A_207 = arith.select %eq3A_205, %jit3A_206, %jit3A_203 : i32
      %rem3A_208 = arith.remsi %select_n3A_202, %select_n3A_207 : i32
      %ne3A_209 = arith.constant 0 : i32
      %ne3A_210 = arith.cmpi ne, %rem3A_208, %ne3A_209 : i32
      %lt3A_211 = arith.constant 0 : i32
      %lt3A_212 = arith.cmpi slt, %rem3A_208, %lt3A_211 : i32
      %lt3A_213 = arith.constant 0 : i32
      %lt3A_214 = arith.cmpi slt, %select_n3A_207, %lt3A_213 : i32
      %ne3A_215 = arith.xori %lt3A_212, %lt3A_214 : i1
      %and3A_216 = arith.andi %ne3A_215, %ne3A_210 : i1
      %add3A_217 = arith.addi %rem3A_208, %select_n3A_207 : i32
      %select_n3A_218 = arith.select %and3A_216, %add3A_217, %rem3A_208 : i32
      %mul3A_219 = arith.constant 64 : i32
      %mul3A_220 = arith.muli %select_n3A_218, %mul3A_219 : i32
      %add3A_221 = arith.constant 0 : i32
      %add3A_222 = arith.addi %mul3A_220, %add3A_221 : i32
      %parallel_loop3A_223 = arith.constant 0 : i32
      %parallel_loop3A_224 = arith.constant 64 : i32
      %parallel_loop3A_225 = arith.constant 1 : i32
      scf.for %parallel_loop3A_298 = %parallel_loop3A_223 to %parallel_loop3A_224 step %parallel_loop3A_225  : i32 {
        %parallel_loop3A_299 = arith.constant 16 : i32
        %parallel_loop3A_300 = arith.muli %parallel_loop3A_298, %parallel_loop3A_299 : i32
        %parallel_loop3A_301 = arith.index_cast %parallel_loop3A_300 : i32 to index
        %parallel_loop3A_302 = tpu.vector_load %arg5[%parallel_loop3A_301] {strides = array<i32>} : memref<1024xi32, #tpu.memory_space<vmem>>, vector<16xi32>,
        %parallel_loop3A_303 = arith.constant 8 : i32
        %parallel_loop3A_304 = arith.muli %add3A_222, %parallel_loop3A_303 : i32
        %parallel_loop3A_305 = vector.broadcast %parallel_loop3A_304 : i32 to vector<16xi32>
        %parallel_loop3A_306 = arith.addi %parallel_loop3A_305, %parallel_loop3A_302 : vector<16xi32>
        %parallel_loop3A_307 = arith.constant 0 : i32
        %parallel_loop3A_308 = vector.broadcast %parallel_loop3A_307 : i32 to vector<16xi32>
        %parallel_loop3A_309 = arith.addi %parallel_loop3A_306, %parallel_loop3A_308 : vector<16xi32>
        %parallel_loop3A_310 = tpu.vector_load_idx %arg6[%parallel_loop3A_309] : memref<32768xf32, #tpu.memory_space<vmem>>[vector<16xi32>], vector<16xf32>,
        %parallel_loop3A_311 = arith.constant 0 : i32
        %parallel_loop3A_312 = arith.index_cast %parallel_loop3A_311 : i32 to index
        %parallel_loop3A_313 = arith.index_cast %parallel_loop3A_300 : i32 to index
        %parallel_loop3A_314 = tpu.vector_load %arg7[%parallel_loop3A_312, %parallel_loop3A_313] {strides = array<i32>} : memref<32x1024xf32, #tpu.memory_space<vmem>>, vector<16xf32>,
        tpu.vector_store %arg7[%parallel_loop3A_312, %parallel_loop3A_313], %parallel_loop3A_310 {strides = array<i32>} : memref<32x1024xf32, #tpu.memory_space<vmem>>, vector<16xf32>,
        %parallel_loop3A_315 = arith.constant 8 : i32
        %parallel_loop3A_316 = vector.broadcast %parallel_loop3A_315 : i32 to vector<16xi32>
        %parallel_loop3A_317 = arith.addi %parallel_loop3A_306, %parallel_loop3A_316 : vector<16xi32>
        %parallel_loop3A_318 = tpu.vector_load_idx %arg6[%parallel_loop3A_317] : memref<32768xf32, #tpu.memory_space<vmem>>[vector<16xi32>], vector<16xf32>,
        %parallel_loop3A_319 = arith.constant 1 : i32
        %parallel_loop3A_320 = arith.index_cast %parallel_loop3A_319 : i32 to index
        %parallel_loop3A_321 = arith.index_cast %parallel_loop3A_300 : i32 to index
        %parallel_loop3A_322 = tpu.vector_load %arg7[%parallel_loop3A_320, %parallel_loop3A_321] {strides = array<i32>} : memref<32x1024xf32, #tpu.memory_space<vmem>>, vector<16xf32>,
        tpu.vector_store %arg7[%parallel_loop3A_320, %parallel_loop3A_321], %parallel_loop3A_318 {strides = array<i32>} : memref<32x1024xf32, #tpu.memory_space<vmem>>, vector<16xf32>,
        %parallel_loop3A_323 = arith.constant 16 : i32
        %parallel_loop3A_324 = vector.broadcast %parallel_loop3A_323 : i32 to vector<16xi32>
        %parallel_loop3A_325 = arith.addi %parallel_loop3A_306, %parallel_loop3A_324 : vector<16xi32>
        %parallel_loop3A_326 = tpu.vector_load_idx %arg6[%parallel_loop3A_325] : memref<32768xf32, #tpu.memory_space<vmem>>[vector<16xi32>], vector<16xf32>,
        %parallel_loop3A_327 = arith.constant 2 : i32
        %parallel_loop3A_328 = arith.index_cast %parallel_loop3A_327 : i32 to index
        %parallel_loop3A_329 = arith.index_cast %parallel_loop3A_300 : i32 to index
        %parallel_loop3A_330 = tpu.vector_load %arg7[%parallel_loop3A_328, %parallel_loop3A_329] {strides = array<i32>} : memref<32x1024xf32, #tpu.memory_space<vmem>>, vector<16xf32>,
        tpu.vector_store %arg7[%parallel_loop3A_328, %parallel_loop3A_329], %parallel_loop3A_326 {strides = array<i32>} : memref<32x1024xf32, #tpu.memory_space<vmem>>, vector<16xf32>,
        %parallel_loop3A_331 = arith.constant 24 : i32
        %parallel_loop3A_332 = vector.broadcast %parallel_loop3A_331 : i32 to vector<16xi32>
        %parallel_loop3A_333 = arith.addi %parallel_loop3A_306, %parallel_loop3A_332 : vector<16xi32>
        %parallel_loop3A_334 = tpu.vector_load_idx %arg6[%parallel_loop3A_333] : memref<32768xf32, #tpu.memory_space<vmem>>[vector<16xi32>], vector<16xf32>,
        %parallel_loop3A_335 = arith.constant 3 : i32
        %parallel_loop3A_336 = arith.index_cast %parallel_loop3A_335 : i32 to index
        %parallel_loop3A_337 = arith.index_cast %parallel_loop3A_300 : i32 to index
        %parallel_loop3A_338 = tpu.vector_load %arg7[%parallel_loop3A_336, %parallel_loop3A_337] {strides = array<i32>} : memref<32x1024xf32, #tpu.memory_space<vmem>>, vector<16xf32>,
        tpu.vector_store %arg7[%parallel_loop3A_336, %parallel_loop3A_337], %parallel_loop3A_334 {strides = array<i32>} : memref<32x1024xf32, #tpu.memory_space<vmem>>, vector<16xf32>,
        %parallel_loop3A_339 = arith.constant 32 : i32
        %parallel_loop3A_340 = vector.broadcast %parallel_loop3A_339 : i32 to vector<16xi32>
        %parallel_loop3A_341 = arith.addi %parallel_loop3A_306, %parallel_loop3A_340 : vector<16xi32>
        %parallel_loop3A_342 = tpu.vector_load_idx %arg6[%parallel_loop3A_341] : memref<32768xf32, #tpu.memory_space<vmem>>[vector<16xi32>], vector<16xf32>,
        %parallel_loop3A_343 = arith.constant 4 : i32
        %parallel_loop3A_344 = arith.index_cast %parallel_loop3A_343 : i32 to index
        %parallel_loop3A_345 = arith.index_cast %parallel_loop3A_300 : i32 to index
        %parallel_loop3A_346 = tpu.vector_load %arg7[%parallel_loop3A_344, %parallel_loop3A_345] {strides = array<i32>} : memref<32x1024xf32, #tpu.memory_space<vmem>>, vector<16xf32>,
        tpu.vector_store %arg7[%parallel_loop3A_344, %parallel_loop3A_345], %parallel_loop3A_342 {strides = array<i32>} : memref<32x1024xf32, #tpu.memory_space<vmem>>, vector<16xf32>,
        %parallel_loop3A_347 = arith.constant 40 : i32
        %parallel_loop3A_348 = vector.broadcast %parallel_loop3A_347 : i32 to vector<16xi32>
        %parallel_loop3A_349 = arith.addi %parallel_loop3A_306, %parallel_loop3A_348 : vector<16xi32>
        %parallel_loop3A_350 = tpu.vector_load_idx %arg6[%parallel_loop3A_349] : memref<32768xf32, #tpu.memory_space<vmem>>[vector<16xi32>], vector<16xf32>,
        %parallel_loop3A_351 = arith.constant 5 : i32
        %parallel_loop3A_352 = arith.index_cast %parallel_loop3A_351 : i32 to index
        %parallel_loop3A_353 = arith.index_cast %parallel_loop3A_300 : i32 to index
        %parallel_loop3A_354 = tpu.vector_load %arg7[%parallel_loop3A_352, %parallel_loop3A_353] {strides = array<i32>} : memref<32x1024xf32, #tpu.memory_space<vmem>>, vector<16xf32>,
        tpu.vector_store %arg7[%parallel_loop3A_352, %parallel_loop3A_353], %parallel_loop3A_350 {strides = array<i32>} : memref<32x1024xf32, #tpu.memory_space<vmem>>, vector<16xf32>,
        %parallel_loop3A_355 = arith.constant 48 : i32
        %parallel_loop3A_356 = vector.broadcast %parallel_loop3A_355 : i32 to vector<16xi32>
        %parallel_loop3A_357 = arith.addi %parallel_loop3A_306, %parallel_loop3A_356 : vector<16xi32>
        %parallel_loop3A_358 = tpu.vector_load_idx %arg6[%parallel_loop3A_357] : memref<32768xf32, #tpu.memory_space<vmem>>[vector<16xi32>], vector<16xf32>,
        %parallel_loop3A_359 = arith.constant 6 : i32
        %parallel_loop3A_360 = arith.index_cast %parallel_loop3A_359 : i32 to index
        %parallel_loop3A_361 = arith.index_cast %parallel_loop3A_300 : i32 to index
        %parallel_loop3A_362 = tpu.vector_load %arg7[%parallel_loop3A_360, %parallel_loop3A_361] {strides = array<i32>} : memref<32x1024xf32, #tpu.memory_space<vmem>>, vector<16xf32>,
        tpu.vector_store %arg7[%parallel_loop3A_360, %parallel_loop3A_361], %parallel_loop3A_358 {strides = array<i32>} : memref<32x1024xf32, #tpu.memory_space<vmem>>, vector<16xf32>,
        %parallel_loop3A_363 = arith.constant 56 : i32
        %parallel_loop3A_364 = vector.broadcast %parallel_loop3A_363 : i32 to vector<16xi32>
        %parallel_loop3A_365 = arith.addi %parallel_loop3A_306, %parallel_loop3A_364 : vector<16xi32>
        %parallel_loop3A_366 = tpu.vector_load_idx %arg6[%parallel_loop3A_365] : memref<32768xf32, #tpu.memory_space<vmem>>[vector<16xi32>], vector<16xf32>,
        %parallel_loop3A_367 = arith.constant 7 : i32
        %parallel_loop3A_368 = arith.index_cast %parallel_loop3A_367 : i32 to index
        %parallel_loop3A_369 = arith.index_cast %parallel_loop3A_300 : i32 to index
        %parallel_loop3A_370 = tpu.vector_load %arg7[%parallel_loop3A_368, %parallel_loop3A_369] {strides = array<i32>} : memref<32x1024xf32, #tpu.memory_space<vmem>>, vector<16xf32>,
        tpu.vector_store %arg7[%parallel_loop3A_368, %parallel_loop3A_369], %parallel_loop3A_366 {strides = array<i32>} : memref<32x1024xf32, #tpu.memory_space<vmem>>, vector<16xf32>,
        %parallel_loop3A_371 = arith.constant 64 : i32
        %parallel_loop3A_372 = vector.broadcast %parallel_loop3A_371 : i32 to vector<16xi32>
        %parallel_loop3A_373 = arith.addi %parallel_loop3A_306, %parallel_loop3A_372 : vector<16xi32>
        %parallel_loop3A_374 = tpu.vector_load_idx %arg6[%parallel_loop3A_373] : memref<32768xf32, #tpu.memory_space<vmem>>[vector<16xi32>], vector<16xf32>,
        %parallel_loop3A_375 = arith.constant 8 : i32
        %parallel_loop3A_376 = arith.index_cast %parallel_loop3A_375 : i32 to index
        %parallel_loop3A_377 = arith.index_cast %parallel_loop3A_300 : i32 to index
        %parallel_loop3A_378 = tpu.vector_load %arg7[%parallel_loop3A_376, %parallel_loop3A_377] {strides = array<i32>} : memref<32x1024xf32, #tpu.memory_space<vmem>>, vector<16xf32>,
        tpu.vector_store %arg7[%parallel_loop3A_376, %parallel_loop3A_377], %parallel_loop3A_374 {strides = array<i32>} : memref<32x1024xf32, #tpu.memory_space<vmem>>, vector<16xf32>,
        %parallel_loop3A_379 = arith.constant 72 : i32
        %parallel_loop3A_380 = vector.broadcast %parallel_loop3A_379 : i32 to vector<16xi32>
        %parallel_loop3A_381 = arith.addi %parallel_loop3A_306, %parallel_loop3A_380 : vector<16xi32>
        %parallel_loop3A_382 = tpu.vector_load_idx %arg6[%parallel_loop3A_381] : memref<32768xf32, #tpu.memory_space<vmem>>[vector<16xi32>], vector<16xf32>,
        %parallel_loop3A_383 = arith.constant 9 : i32
        %parallel_loop3A_384 = arith.index_cast %parallel_loop3A_383 : i32 to index
        %parallel_loop3A_385 = arith.index_cast %parallel_loop3A_300 : i32 to index
        %parallel_loop3A_386 = tpu.vector_load %arg7[%parallel_loop3A_384, %parallel_loop3A_385] {strides = array<i32>} : memref<32x1024xf32, #tpu.memory_space<vmem>>, vector<16xf32>,
        tpu.vector_store %arg7[%parallel_loop3A_384, %parallel_loop3A_385], %parallel_loop3A_382 {strides = array<i32>} : memref<32x1024xf32, #tpu.memory_space<vmem>>, vector<16xf32>,
        %parallel_loop3A_387 = arith.constant 80 : i32
        %parallel_loop3A_388 = vector.broadcast %parallel_loop3A_387 : i32 to vector<16xi32>
        %parallel_loop3A_389 = arith.addi %parallel_loop3A_306, %parallel_loop3A_388 : vector<16xi32>
        %parallel_loop3A_390 = tpu.vector_load_idx %arg6[%parallel_loop3A_389] : memref<32768xf32, #tpu.memory_space<vmem>>[vector<16xi32>], vector<16xf32>,
        %parallel_loop3A_391 = arith.constant 10 : i32
        %parallel_loop3A_392 = arith.index_cast %parallel_loop3A_391 : i32 to index
        %parallel_loop3A_393 = arith.index_cast %parallel_loop3A_300 : i32 to index
        %parallel_loop3A_394 = tpu.vector_load %arg7[%parallel_loop3A_392, %parallel_loop3A_393] {strides = array<i32>} : memref<32x1024xf32, #tpu.memory_space<vmem>>, vector<16xf32>,
        tpu.vector_store %arg7[%parallel_loop3A_392, %parallel_loop3A_393], %parallel_loop3A_390 {strides = array<i32>} : memref<32x1024xf32, #tpu.memory_space<vmem>>, vector<16xf32>,
        %parallel_loop3A_395 = arith.constant 88 : i32
        %parallel_loop3A_396 = vector.broadcast %parallel_loop3A_395 : i32 to vector<16xi32>
        %parallel_loop3A_397 = arith.addi %parallel_loop3A_306, %parallel_loop3A_396 : vector<16xi32>
        %parallel_loop3A_398 = tpu.vector_load_idx %arg6[%parallel_loop3A_397] : memref<32768xf32, #tpu.memory_space<vmem>>[vector<16xi32>], vector<16xf32>,
        %parallel_loop3A_399 = arith.constant 11 : i32
        %parallel_loop3A_400 = arith.index_cast %parallel_loop3A_399 : i32 to index
        %parallel_loop3A_401 = arith.index_cast %parallel_loop3A_300 : i32 to index
        %parallel_loop3A_402 = tpu.vector_load %arg7[%parallel_loop3A_400, %parallel_loop3A_401] {strides = array<i32>} : memref<32x1024xf32, #tpu.memory_space<vmem>>, vector<16xf32>,
        tpu.vector_store %arg7[%parallel_loop3A_400, %parallel_loop3A_401], %parallel_loop3A_398 {strides = array<i32>} : memref<32x1024xf32, #tpu.memory_space<vmem>>, vector<16xf32>,
        %parallel_loop3A_403 = arith.constant 96 : i32
        %parallel_loop3A_404 = vector.broadcast %parallel_loop3A_403 : i32 to vector<16xi32>
        %parallel_loop3A_405 = arith.addi %parallel_loop3A_306, %parallel_loop3A_404 : vector<16xi32>
        %parallel_loop3A_406 = tpu.vector_load_idx %arg6[%parallel_loop3A_405] : memref<32768xf32, #tpu.memory_space<vmem>>[vector<16xi32>], vector<16xf32>,
        %parallel_loop3A_407 = arith.constant 12 : i32
        %parallel_loop3A_408 = arith.index_cast %parallel_loop3A_407 : i32 to index
        %parallel_loop3A_409 = arith.index_cast %parallel_loop3A_300 : i32 to index
        %parallel_loop3A_410 = tpu.vector_load %arg7[%parallel_loop3A_408, %parallel_loop3A_409] {strides = array<i32>} : memref<32x1024xf32, #tpu.memory_space<vmem>>, vector<16xf32>,
        tpu.vector_store %arg7[%parallel_loop3A_408, %parallel_loop3A_409], %parallel_loop3A_406 {strides = array<i32>} : memref<32x1024xf32, #tpu.memory_space<vmem>>, vector<16xf32>,
        %parallel_loop3A_411 = arith.constant 104 : i32
        %parallel_loop3A_412 = vector.broadcast %parallel_loop3A_411 : i32 to vector<16xi32>
        %parallel_loop3A_413 = arith.addi %parallel_loop3A_306, %parallel_loop3A_412 : vector<16xi32>
        %parallel_loop3A_414 = tpu.vector_load_idx %arg6[%parallel_loop3A_413] : memref<32768xf32, #tpu.memory_space<vmem>>[vector<16xi32>], vector<16xf32>,
        %parallel_loop3A_415 = arith.constant 13 : i32
        %parallel_loop3A_416 = arith.index_cast %parallel_loop3A_415 : i32 to index
        %parallel_loop3A_417 = arith.index_cast %parallel_loop3A_300 : i32 to index
        %parallel_loop3A_418 = tpu.vector_load %arg7[%parallel_loop3A_416, %parallel_loop3A_417] {strides = array<i32>} : memref<32x1024xf32, #tpu.memory_space<vmem>>, vector<16xf32>,
        tpu.vector_store %arg7[%parallel_loop3A_416, %parallel_loop3A_417], %parallel_loop3A_414 {strides = array<i32>} : memref<32x1024xf32, #tpu.memory_space<vmem>>, vector<16xf32>,
        %parallel_loop3A_419 = arith.constant 112 : i32
        %parallel_loop3A_420 = vector.broadcast %parallel_loop3A_419 : i32 to vector<16xi32>
        %parallel_loop3A_421 = arith.addi %parallel_loop3A_306, %parallel_loop3A_420 : vector<16xi32>
        %parallel_loop3A_422 = tpu.vector_load_idx %arg6[%parallel_loop3A_421] : memref<32768xf32, #tpu.memory_space<vmem>>[vector<16xi32>], vector<16xf32>,
        %parallel_loop3A_423 = arith.constant 14 : i32
        %parallel_loop3A_424 = arith.index_cast %parallel_loop3A_423 : i32 to index
        %parallel_loop3A_425 = arith.index_cast %parallel_loop3A_300 : i32 to index
        %parallel_loop3A_426 = tpu.vector_load %arg7[%parallel_loop3A_424, %parallel_loop3A_425] {strides = array<i32>} : memref<32x1024xf32, #tpu.memory_space<vmem>>, vector<16xf32>,
        tpu.vector_store %arg7[%parallel_loop3A_424, %parallel_loop3A_425], %parallel_loop3A_422 {strides = array<i32>} : memref<32x1024xf32, #tpu.memory_space<vmem>>, vector<16xf32>,
        %parallel_loop3A_427 = arith.constant 120 : i32
        %parallel_loop3A_428 = vector.broadcast %parallel_loop3A_427 : i32 to vector<16xi32>
        %parallel_loop3A_429 = arith.addi %parallel_loop3A_306, %parallel_loop3A_428 : vector<16xi32>
        %parallel_loop3A_430 = tpu.vector_load_idx %arg6[%parallel_loop3A_429] : memref<32768xf32, #tpu.memory_space<vmem>>[vector<16xi32>], vector<16xf32>,
        %parallel_loop3A_431 = arith.constant 15 : i32
        %parallel_loop3A_432 = arith.index_cast %parallel_loop3A_431 : i32 to index
        %parallel_loop3A_433 = arith.index_cast %parallel_loop3A_300 : i32 to index
        %parallel_loop3A_434 = tpu.vector_load %arg7[%parallel_loop3A_432, %parallel_loop3A_433] {strides = array<i32>} : memref<32x1024xf32, #tpu.memory_space<vmem>>, vector<16xf32>,
        tpu.vector_store %arg7[%parallel_loop3A_432, %parallel_loop3A_433], %parallel_loop3A_430 {strides = array<i32>} : memref<32x1024xf32, #tpu.memory_space<vmem>>, vector<16xf32>,
        %parallel_loop3A_435 = arith.constant 128 : i32
        %parallel_loop3A_436 = vector.broadcast %parallel_loop3A_435 : i32 to vector<16xi32>
        %parallel_loop3A_437 = arith.addi %parallel_loop3A_306, %parallel_loop3A_436 : vector<16xi32>
        %parallel_loop3A_438 = tpu.vector_load_idx %arg6[%parallel_loop3A_437] : memref<32768xf32, #tpu.memory_space<vmem>>[vector<16xi32>], vector<16xf32>,
        %parallel_loop3A_439 = arith.constant 16 : i32
        %parallel_loop3A_440 = arith.index_cast %parallel_loop3A_439 : i32 to index
        %parallel_loop3A_441 = arith.index_cast %parallel_loop3A_300 : i32 to index
        %parallel_loop3A_442 = tpu.vector_load %arg7[%parallel_loop3A_440, %parallel_loop3A_441] {strides = array<i32>} : memref<32x1024xf32, #tpu.memory_space<vmem>>, vector<16xf32>,
        tpu.vector_store %arg7[%parallel_loop3A_440, %parallel_loop3A_441], %parallel_loop3A_438 {strides = array<i32>} : memref<32x1024xf32, #tpu.memory_space<vmem>>, vector<16xf32>,
        %parallel_loop3A_443 = arith.constant 136 : i32
        %parallel_loop3A_444 = vector.broadcast %parallel_loop3A_443 : i32 to vector<16xi32>
        %parallel_loop3A_445 = arith.addi %parallel_loop3A_306, %parallel_loop3A_444 : vector<16xi32>
        %parallel_loop3A_446 = tpu.vector_load_idx %arg6[%parallel_loop3A_445] : memref<32768xf32, #tpu.memory_space<vmem>>[vector<16xi32>], vector<16xf32>,
        %parallel_loop3A_447 = arith.constant 17 : i32
        %parallel_loop3A_448 = arith.index_cast %parallel_loop3A_447 : i32 to index
        %parallel_loop3A_449 = arith.index_cast %parallel_loop3A_300 : i32 to index
        %parallel_loop3A_450 = tpu.vector_load %arg7[%parallel_loop3A_448, %parallel_loop3A_449] {strides = array<i32>} : memref<32x1024xf32, #tpu.memory_space<vmem>>, vector<16xf32>,
        tpu.vector_store %arg7[%parallel_loop3A_448, %parallel_loop3A_449], %parallel_loop3A_446 {strides = array<i32>} : memref<32x1024xf32, #tpu.memory_space<vmem>>, vector<16xf32>,
        %parallel_loop3A_451 = arith.constant 144 : i32
        %parallel_loop3A_452 = vector.broadcast %parallel_loop3A_451 : i32 to vector<16xi32>
        %parallel_loop3A_453 = arith.addi %parallel_loop3A_306, %parallel_loop3A_452 : vector<16xi32>
        %parallel_loop3A_454 = tpu.vector_load_idx %arg6[%parallel_loop3A_453] : memref<32768xf32, #tpu.memory_space<vmem>>[vector<16xi32>], vector<16xf32>,
        %parallel_loop3A_455 = arith.constant 18 : i32
        %parallel_loop3A_456 = arith.index_cast %parallel_loop3A_455 : i32 to index
        %parallel_loop3A_457 = arith.index_cast %parallel_loop3A_300 : i32 to index
        %parallel_loop3A_458 = tpu.vector_load %arg7[%parallel_loop3A_456, %parallel_loop3A_457] {strides = array<i32>} : memref<32x1024xf32, #tpu.memory_space<vmem>>, vector<16xf32>,
        tpu.vector_store %arg7[%parallel_loop3A_456, %parallel_loop3A_457], %parallel_loop3A_454 {strides = array<i32>} : memref<32x1024xf32, #tpu.memory_space<vmem>>, vector<16xf32>,
        %parallel_loop3A_459 = arith.constant 152 : i32
        %parallel_loop3A_460 = vector.broadcast %parallel_loop3A_459 : i32 to vector<16xi32>
        %parallel_loop3A_461 = arith.addi %parallel_loop3A_306, %parallel_loop3A_460 : vector<16xi32>
        %parallel_loop3A_462 = tpu.vector_load_idx %arg6[%parallel_loop3A_461] : memref<32768xf32, #tpu.memory_space<vmem>>[vector<16xi32>], vector<16xf32>,
        %parallel_loop3A_463 = arith.constant 19 : i32
        %parallel_loop3A_464 = arith.index_cast %parallel_loop3A_463 : i32 to index
        %parallel_loop3A_465 = arith.index_cast %parallel_loop3A_300 : i32 to index
        %parallel_loop3A_466 = tpu.vector_load %arg7[%parallel_loop3A_464, %parallel_loop3A_465] {strides = array<i32>} : memref<32x1024xf32, #tpu.memory_space<vmem>>, vector<16xf32>,
        tpu.vector_store %arg7[%parallel_loop3A_464, %parallel_loop3A_465], %parallel_loop3A_462 {strides = array<i32>} : memref<32x1024xf32, #tpu.memory_space<vmem>>, vector<16xf32>,
        %parallel_loop3A_467 = arith.constant 160 : i32
        %parallel_loop3A_468 = vector.broadcast %parallel_loop3A_467 : i32 to vector<16xi32>
        %parallel_loop3A_469 = arith.addi %parallel_loop3A_306, %parallel_loop3A_468 : vector<16xi32>
        %parallel_loop3A_470 = tpu.vector_load_idx %arg6[%parallel_loop3A_469] : memref<32768xf32, #tpu.memory_space<vmem>>[vector<16xi32>], vector<16xf32>,
        %parallel_loop3A_471 = arith.constant 20 : i32
        %parallel_loop3A_472 = arith.index_cast %parallel_loop3A_471 : i32 to index
        %parallel_loop3A_473 = arith.index_cast %parallel_loop3A_300 : i32 to index
        %parallel_loop3A_474 = tpu.vector_load %arg7[%parallel_loop3A_472, %parallel_loop3A_473] {strides = array<i32>} : memref<32x1024xf32, #tpu.memory_space<vmem>>, vector<16xf32>,
        tpu.vector_store %arg7[%parallel_loop3A_472, %parallel_loop3A_473], %parallel_loop3A_470 {strides = array<i32>} : memref<32x1024xf32, #tpu.memory_space<vmem>>, vector<16xf32>,
        %parallel_loop3A_475 = arith.constant 168 : i32
        %parallel_loop3A_476 = vector.broadcast %parallel_loop3A_475 : i32 to vector<16xi32>
        %parallel_loop3A_477 = arith.addi %parallel_loop3A_306, %parallel_loop3A_476 : vector<16xi32>
        %parallel_loop3A_478 = tpu.vector_load_idx %arg6[%parallel_loop3A_477] : memref<32768xf32, #tpu.memory_space<vmem>>[vector<16xi32>], vector<16xf32>,
        %parallel_loop3A_479 = arith.constant 21 : i32
        %parallel_loop3A_480 = arith.index_cast %parallel_loop3A_479 : i32 to index
        %parallel_loop3A_481 = arith.index_cast %parallel_loop3A_300 : i32 to index
        %parallel_loop3A_482 = tpu.vector_load %arg7[%parallel_loop3A_480, %parallel_loop3A_481] {strides = array<i32>} : memref<32x1024xf32, #tpu.memory_space<vmem>>, vector<16xf32>,
        tpu.vector_store %arg7[%parallel_loop3A_480, %parallel_loop3A_481], %parallel_loop3A_478 {strides = array<i32>} : memref<32x1024xf32, #tpu.memory_space<vmem>>, vector<16xf32>,
        %parallel_loop3A_483 = arith.constant 176 : i32
        %parallel_loop3A_484 = vector.broadcast %parallel_loop3A_483 : i32 to vector<16xi32>
        %parallel_loop3A_485 = arith.addi %parallel_loop3A_306, %parallel_loop3A_484 : vector<16xi32>
        %parallel_loop3A_486 = tpu.vector_load_idx %arg6[%parallel_loop3A_485] : memref<32768xf32, #tpu.memory_space<vmem>>[vector<16xi32>], vector<16xf32>,
        %parallel_loop3A_487 = arith.constant 22 : i32
        %parallel_loop3A_488 = arith.index_cast %parallel_loop3A_487 : i32 to index
        %parallel_loop3A_489 = arith.index_cast %parallel_loop3A_300 : i32 to index
        %parallel_loop3A_490 = tpu.vector_load %arg7[%parallel_loop3A_488, %parallel_loop3A_489] {strides = array<i32>} : memref<32x1024xf32, #tpu.memory_space<vmem>>, vector<16xf32>,
        tpu.vector_store %arg7[%parallel_loop3A_488, %parallel_loop3A_489], %parallel_loop3A_486 {strides = array<i32>} : memref<32x1024xf32, #tpu.memory_space<vmem>>, vector<16xf32>,
        %parallel_loop3A_491 = arith.constant 184 : i32
        %parallel_loop3A_492 = vector.broadcast %parallel_loop3A_491 : i32 to vector<16xi32>
        %parallel_loop3A_493 = arith.addi %parallel_loop3A_306, %parallel_loop3A_492 : vector<16xi32>
        %parallel_loop3A_494 = tpu.vector_load_idx %arg6[%parallel_loop3A_493] : memref<32768xf32, #tpu.memory_space<vmem>>[vector<16xi32>], vector<16xf32>,
        %parallel_loop3A_495 = arith.constant 23 : i32
        %parallel_loop3A_496 = arith.index_cast %parallel_loop3A_495 : i32 to index
        %parallel_loop3A_497 = arith.index_cast %parallel_loop3A_300 : i32 to index
        %parallel_loop3A_498 = tpu.vector_load %arg7[%parallel_loop3A_496, %parallel_loop3A_497] {strides = array<i32>} : memref<32x1024xf32, #tpu.memory_space<vmem>>, vector<16xf32>,
        tpu.vector_store %arg7[%parallel_loop3A_496, %parallel_loop3A_497], %parallel_loop3A_494 {strides = array<i32>} : memref<32x1024xf32, #tpu.memory_space<vmem>>, vector<16xf32>,
        %parallel_loop3A_499 = arith.constant 192 : i32
        %parallel_loop3A_500 = vector.broadcast %parallel_loop3A_499 : i32 to vector<16xi32>
        %parallel_loop3A_501 = arith.addi %parallel_loop3A_306, %parallel_loop3A_500 : vector<16xi32>
        %parallel_loop3A_502 = tpu.vector_load_idx %arg6[%parallel_loop3A_501] : memref<32768xf32, #tpu.memory_space<vmem>>[vector<16xi32>], vector<16xf32>,
        %parallel_loop3A_503 = arith.constant 24 : i32
        %parallel_loop3A_504 = arith.index_cast %parallel_loop3A_503 : i32 to index
        %parallel_loop3A_505 = arith.index_cast %parallel_loop3A_300 : i32 to index
        %parallel_loop3A_506 = tpu.vector_load %arg7[%parallel_loop3A_504, %parallel_loop3A_505] {strides = array<i32>} : memref<32x1024xf32, #tpu.memory_space<vmem>>, vector<16xf32>,
        tpu.vector_store %arg7[%parallel_loop3A_504, %parallel_loop3A_505], %parallel_loop3A_502 {strides = array<i32>} : memref<32x1024xf32, #tpu.memory_space<vmem>>, vector<16xf32>,
        %parallel_loop3A_507 = arith.constant 200 : i32
        %parallel_loop3A_508 = vector.broadcast %parallel_loop3A_507 : i32 to vector<16xi32>
        %parallel_loop3A_509 = arith.addi %parallel_loop3A_306, %parallel_loop3A_508 : vector<16xi32>
        %parallel_loop3A_510 = tpu.vector_load_idx %arg6[%parallel_loop3A_509] : memref<32768xf32, #tpu.memory_space<vmem>>[vector<16xi32>], vector<16xf32>,
        %parallel_loop3A_511 = arith.constant 25 : i32
        %parallel_loop3A_512 = arith.index_cast %parallel_loop3A_511 : i32 to index
        %parallel_loop3A_513 = arith.index_cast %parallel_loop3A_300 : i32 to index
        %parallel_loop3A_514 = tpu.vector_load %arg7[%parallel_loop3A_512, %parallel_loop3A_513] {strides = array<i32>} : memref<32x1024xf32, #tpu.memory_space<vmem>>, vector<16xf32>,
        tpu.vector_store %arg7[%parallel_loop3A_512, %parallel_loop3A_513], %parallel_loop3A_510 {strides = array<i32>} : memref<32x1024xf32, #tpu.memory_space<vmem>>, vector<16xf32>,
        %parallel_loop3A_515 = arith.constant 208 : i32
        %parallel_loop3A_516 = vector.broadcast %parallel_loop3A_515 : i32 to vector<16xi32>
        %parallel_loop3A_517 = arith.addi %parallel_loop3A_306, %parallel_loop3A_516 : vector<16xi32>
        %parallel_loop3A_518 = tpu.vector_load_idx %arg6[%parallel_loop3A_517] : memref<32768xf32, #tpu.memory_space<vmem>>[vector<16xi32>], vector<16xf32>,
        %parallel_loop3A_519 = arith.constant 26 : i32
        %parallel_loop3A_520 = arith.index_cast %parallel_loop3A_519 : i32 to index
        %parallel_loop3A_521 = arith.index_cast %parallel_loop3A_300 : i32 to index
        %parallel_loop3A_522 = tpu.vector_load %arg7[%parallel_loop3A_520, %parallel_loop3A_521] {strides = array<i32>} : memref<32x1024xf32, #tpu.memory_space<vmem>>, vector<16xf32>,
        tpu.vector_store %arg7[%parallel_loop3A_520, %parallel_loop3A_521], %parallel_loop3A_518 {strides = array<i32>} : memref<32x1024xf32, #tpu.memory_space<vmem>>, vector<16xf32>,
        %parallel_loop3A_523 = arith.constant 216 : i32
        %parallel_loop3A_524 = vector.broadcast %parallel_loop3A_523 : i32 to vector<16xi32>
        %parallel_loop3A_525 = arith.addi %parallel_loop3A_306, %parallel_loop3A_524 : vector<16xi32>
        %parallel_loop3A_526 = tpu.vector_load_idx %arg6[%parallel_loop3A_525] : memref<32768xf32, #tpu.memory_space<vmem>>[vector<16xi32>], vector<16xf32>,
        %parallel_loop3A_527 = arith.constant 27 : i32
        %parallel_loop3A_528 = arith.index_cast %parallel_loop3A_527 : i32 to index
        %parallel_loop3A_529 = arith.index_cast %parallel_loop3A_300 : i32 to index
        %parallel_loop3A_530 = tpu.vector_load %arg7[%parallel_loop3A_528, %parallel_loop3A_529] {strides = array<i32>} : memref<32x1024xf32, #tpu.memory_space<vmem>>, vector<16xf32>,
        tpu.vector_store %arg7[%parallel_loop3A_528, %parallel_loop3A_529], %parallel_loop3A_526 {strides = array<i32>} : memref<32x1024xf32, #tpu.memory_space<vmem>>, vector<16xf32>,
        %parallel_loop3A_531 = arith.constant 224 : i32
        %parallel_loop3A_532 = vector.broadcast %parallel_loop3A_531 : i32 to vector<16xi32>
        %parallel_loop3A_533 = arith.addi %parallel_loop3A_306, %parallel_loop3A_532 : vector<16xi32>
        %parallel_loop3A_534 = tpu.vector_load_idx %arg6[%parallel_loop3A_533] : memref<32768xf32, #tpu.memory_space<vmem>>[vector<16xi32>], vector<16xf32>,
        %parallel_loop3A_535 = arith.constant 28 : i32
        %parallel_loop3A_536 = arith.index_cast %parallel_loop3A_535 : i32 to index
        %parallel_loop3A_537 = arith.index_cast %parallel_loop3A_300 : i32 to index
        %parallel_loop3A_538 = tpu.vector_load %arg7[%parallel_loop3A_536, %parallel_loop3A_537] {strides = array<i32>} : memref<32x1024xf32, #tpu.memory_space<vmem>>, vector<16xf32>,
        tpu.vector_store %arg7[%parallel_loop3A_536, %parallel_loop3A_537], %parallel_loop3A_534 {strides = array<i32>} : memref<32x1024xf32, #tpu.memory_space<vmem>>, vector<16xf32>,
        %parallel_loop3A_539 = arith.constant 232 : i32
        %parallel_loop3A_540 = vector.broadcast %parallel_loop3A_539 : i32 to vector<16xi32>
        %parallel_loop3A_541 = arith.addi %parallel_loop3A_306, %parallel_loop3A_540 : vector<16xi32>
        %parallel_loop3A_542 = tpu.vector_load_idx %arg6[%parallel_loop3A_541] : memref<32768xf32, #tpu.memory_space<vmem>>[vector<16xi32>], vector<16xf32>,
        %parallel_loop3A_543 = arith.constant 29 : i32
        %parallel_loop3A_544 = arith.index_cast %parallel_loop3A_543 : i32 to index
        %parallel_loop3A_545 = arith.index_cast %parallel_loop3A_300 : i32 to index
        %parallel_loop3A_546 = tpu.vector_load %arg7[%parallel_loop3A_544, %parallel_loop3A_545] {strides = array<i32>} : memref<32x1024xf32, #tpu.memory_space<vmem>>, vector<16xf32>,
        tpu.vector_store %arg7[%parallel_loop3A_544, %parallel_loop3A_545], %parallel_loop3A_542 {strides = array<i32>} : memref<32x1024xf32, #tpu.memory_space<vmem>>, vector<16xf32>,
        %parallel_loop3A_547 = arith.constant 240 : i32
        %parallel_loop3A_548 = vector.broadcast %parallel_loop3A_547 : i32 to vector<16xi32>
        %parallel_loop3A_549 = arith.addi %parallel_loop3A_306, %parallel_loop3A_548 : vector<16xi32>
        %parallel_loop3A_550 = tpu.vector_load_idx %arg6[%parallel_loop3A_549] : memref<32768xf32, #tpu.memory_space<vmem>>[vector<16xi32>], vector<16xf32>,
        %parallel_loop3A_551 = arith.constant 30 : i32
        %parallel_loop3A_552 = arith.index_cast %parallel_loop3A_551 : i32 to index
        %parallel_loop3A_553 = arith.index_cast %parallel_loop3A_300 : i32 to index
        %parallel_loop3A_554 = tpu.vector_load %arg7[%parallel_loop3A_552, %parallel_loop3A_553] {strides = array<i32>} : memref<32x1024xf32, #tpu.memory_space<vmem>>, vector<16xf32>,
        tpu.vector_store %arg7[%parallel_loop3A_552, %parallel_loop3A_553], %parallel_loop3A_550 {strides = array<i32>} : memref<32x1024xf32, #tpu.memory_space<vmem>>, vector<16xf32>,
        %parallel_loop3A_555 = arith.constant 248 : i32
        %parallel_loop3A_556 = vector.broadcast %parallel_loop3A_555 : i32 to vector<16xi32>
        %parallel_loop3A_557 = arith.addi %parallel_loop3A_306, %parallel_loop3A_556 : vector<16xi32>
        %parallel_loop3A_558 = tpu.vector_load_idx %arg6[%parallel_loop3A_557] : memref<32768xf32, #tpu.memory_space<vmem>>[vector<16xi32>], vector<16xf32>,
        %parallel_loop3A_559 = arith.constant 31 : i32
        %parallel_loop3A_560 = arith.index_cast %parallel_loop3A_559 : i32 to index
        %parallel_loop3A_561 = arith.index_cast %parallel_loop3A_300 : i32 to index
        %parallel_loop3A_562 = tpu.vector_load %arg7[%parallel_loop3A_560, %parallel_loop3A_561] {strides = array<i32>} : memref<32x1024xf32, #tpu.memory_space<vmem>>, vector<16xf32>,
        tpu.vector_store %arg7[%parallel_loop3A_560, %parallel_loop3A_561], %parallel_loop3A_558 {strides = array<i32>} : memref<32x1024xf32, #tpu.memory_space<vmem>>, vector<16xf32>,
      } {sc.loop_unroll_factor = 2 : i64, sc.parallel_access}
      %dma_start3A_226 = arith.constant 0 : i32
      %dma_start3A_227 = arith.constant 0 : i32
      %dma_start3A_228 = arith.constant 0 : i32
      %dma_start3A_229 = tpu.memref_slice %arg4[%add3A_149, %dma_start3A_227, %dma_start3A_228] : memref<1280x64x1024xf32, #tpu.memory_space<hbm>> -> memref<1x32x1024xf32, #tpu.memory_space<hbm>>
      %dma_start3A_230 = tpu.memref_squeeze %dma_start3A_229 : memref<1x32x1024xf32, #tpu.memory_space<hbm>> -> memref<32x1024xf32, #tpu.memory_space<hbm>>
      %dma_start3A_231 = tpu.memref_slice %arg9[%dma_start3A_226] : memref<2x!tpu.dma_semaphore, #tpu.memory_space<semaphore_mem>> -> memref<1x!tpu.dma_semaphore, #tpu.memory_space<semaphore_mem>>
      %dma_start3A_232 = tpu.memref_squeeze %dma_start3A_231 : memref<1x!tpu.dma_semaphore, #tpu.memory_space<semaphore_mem>> -> memref<!tpu.dma_semaphore, #tpu.memory_space<semaphore_mem>>
      %dma_start3A_233 = arith.constant 0 : i32
      %dma_start3A_234 = arith.constant 0 : i32
      %dma_start3A_235 = tpu.memref_slice %arg4[%add3A_149, %dma_start3A_233, %dma_start3A_234] : memref<1280x64x1024xf32, #tpu.memory_space<hbm>> -> memref<1x32x1024xf32, #tpu.memory_space<hbm>>
      %dma_start3A_236 = tpu.memref_squeeze %dma_start3A_235 : memref<1x32x1024xf32, #tpu.memory_space<hbm>> -> memref<32x1024xf32, #tpu.memory_space<hbm>>
      tpu.enqueue_dma source(%arg7 : memref<32x1024xf32, #tpu.memory_space<vmem>>) target(%dma_start3A_236 : memref<32x1024xf32, #tpu.memory_space<hbm>>) target_semaphore(%dma_start3A_232 : memref<!tpu.dma_semaphore, #tpu.memory_space<semaphore_mem>>)
      %dma_wait3A_237 = arith.constant 1 : i32
      %dma_wait3A_238 = arith.constant 32 : i32
      %dma_wait3A_239 = arith.constant 0 : i32
      %dma_wait3A_240 = tpu.memref_slice %arg4[%add3A_149, %dma_wait3A_238, %dma_wait3A_239] : memref<1280x64x1024xf32, #tpu.memory_space<hbm>> -> memref<1x32x1024xf32, #tpu.memory_space<hbm>>
      %dma_wait3A_241 = tpu.memref_squeeze %dma_wait3A_240 : memref<1x32x1024xf32, #tpu.memory_space<hbm>> -> memref<32x1024xf32, #tpu.memory_space<hbm>>
      %dma_wait3A_242 = tpu.memref_slice %arg9[%dma_wait3A_237] : memref<2x!tpu.dma_semaphore, #tpu.memory_space<semaphore_mem>> -> memref<1x!tpu.dma_semaphore, #tpu.memory_space<semaphore_mem>>
      %dma_wait3A_243 = tpu.memref_squeeze %dma_wait3A_242 : memref<1x!tpu.dma_semaphore, #tpu.memory_space<semaphore_mem>> -> memref<!tpu.dma_semaphore, #tpu.memory_space<semaphore_mem>>
      %dma_wait3A_244 = arith.constant 32 : i32
      %dma_wait3A_245 = arith.constant 0 : i32
      %dma_wait3A_246 = tpu.memref_slice %arg4[%add3A_149, %dma_wait3A_244, %dma_wait3A_245] : memref<1280x64x1024xf32, #tpu.memory_space<hbm>> -> memref<1x32x1024xf32, #tpu.memory_space<hbm>>
      %dma_wait3A_247 = tpu.memref_squeeze %dma_wait3A_246 : memref<1x32x1024xf32, #tpu.memory_space<hbm>> -> memref<32x1024xf32, #tpu.memory_space<hbm>>
      tpu.wait_dma2 semaphore(%dma_wait3A_243 : memref<!tpu.dma_semaphore, #tpu.memory_space<semaphore_mem>>) src(%arg8 : memref<32x1024xf32, #tpu.memory_space<vmem>>) dst(%dma_wait3A_247 : memref<32x1024xf32, #tpu.memory_space<hbm>>)
      %jit3A_248 = arith.constant 64 : i32
      %eq3A_249 = arith.constant 0 : i32
      %eq3A_250 = arith.cmpi eq, %jit3A_248, %eq3A_249 : i32
      %jit3A_251 = arith.constant 1 : i32
      %select_n3A_252 = arith.select %eq3A_250, %jit3A_251, %jit3A_248 : i32
      %rem3A_253 = arith.remsi %add3A_149, %select_n3A_252 : i32
      %ne3A_254 = arith.constant 0 : i32
      %ne3A_255 = arith.cmpi ne, %rem3A_253, %ne3A_254 : i32
      %lt3A_256 = arith.constant 0 : i32
      %lt3A_257 = arith.cmpi slt, %rem3A_253, %lt3A_256 : i32
      %lt3A_258 = arith.constant 0 : i32
      %lt3A_259 = arith.cmpi slt, %select_n3A_252, %lt3A_258 : i32
      %ne3A_260 = arith.xori %lt3A_257, %lt3A_259 : i1
      %and3A_261 = arith.andi %ne3A_260, %ne3A_255 : i1
      %add3A_262 = arith.addi %rem3A_253, %select_n3A_252 : i32
      %select_n3A_263 = arith.select %and3A_261, %add3A_262, %rem3A_253 : i32
      %jit3A_264 = arith.constant 64 : i32
      %eq3A_265 = arith.constant 0 : i32
      %eq3A_266 = arith.cmpi eq, %jit3A_264, %eq3A_265 : i32
      %jit3A_267 = arith.constant 1 : i32
      %select_n3A_268 = arith.select %eq3A_266, %jit3A_267, %jit3A_264 : i32
      %rem3A_269 = arith.remsi %select_n3A_263, %select_n3A_268 : i32
      %ne3A_270 = arith.constant 0 : i32
      %ne3A_271 = arith.cmpi ne, %rem3A_269, %ne3A_270 : i32
      %lt3A_272 = arith.constant 0 : i32
      %lt3A_273 = arith.cmpi slt, %rem3A_269, %lt3A_272 : i32
      %lt3A_274 = arith.constant 0 : i32
      %lt3A_275 = arith.cmpi slt, %select_n3A_268, %lt3A_274 : i32
      %ne3A_276 = arith.xori %lt3A_273, %lt3A_275 : i1
      %and3A_277 = arith.andi %ne3A_276, %ne3A_271 : i1
      %add3A_278 = arith.addi %rem3A_269, %select_n3A_268 : i32
      %select_n3A_279 = arith.select %and3A_277, %add3A_278, %rem3A_269 : i32
      %mul3A_280 = arith.constant 64 : i32
      %mul3A_281 = arith.muli %select_n3A_279, %mul3A_280 : i32
      %add3A_282 = arith.constant 32 : i32
      %add3A_283 = arith.addi %mul3A_281, %add3A_282 : i32
      %parallel_loop3A_284 = arith.constant 0 : i32
      %parallel_loop3A_285 = arith.constant 64 : i32
      %parallel_loop3A_286 = arith.constant 1 : i32
      scf.for %parallel_loop3A_298 = %parallel_loop3A_284 to %parallel_loop3A_285 step %parallel_loop3A_286  : i32 {
        %parallel_loop3A_299 = arith.constant 16 : i32
        %parallel_loop3A_300 = arith.muli %parallel_loop3A_298, %parallel_loop3A_299 : i32
        %parallel_loop3A_301 = arith.index_cast %parallel_loop3A_300 : i32 to index
        %parallel_loop3A_302 = tpu.vector_load %arg5[%parallel_loop3A_301] {strides = array<i32>} : memref<1024xi32, #tpu.memory_space<vmem>>, vector<16xi32>,
        %parallel_loop3A_303 = arith.constant 8 : i32
        %parallel_loop3A_304 = arith.muli %add3A_283, %parallel_loop3A_303 : i32
        %parallel_loop3A_305 = vector.broadcast %parallel_loop3A_304 : i32 to vector<16xi32>
        %parallel_loop3A_306 = arith.addi %parallel_loop3A_305, %parallel_loop3A_302 : vector<16xi32>
        %parallel_loop3A_307 = arith.constant 0 : i32
        %parallel_loop3A_308 = vector.broadcast %parallel_loop3A_307 : i32 to vector<16xi32>
        %parallel_loop3A_309 = arith.addi %parallel_loop3A_306, %parallel_loop3A_308 : vector<16xi32>
        %parallel_loop3A_310 = tpu.vector_load_idx %arg6[%parallel_loop3A_309] : memref<32768xf32, #tpu.memory_space<vmem>>[vector<16xi32>], vector<16xf32>,
        %parallel_loop3A_311 = arith.constant 0 : i32
        %parallel_loop3A_312 = arith.index_cast %parallel_loop3A_311 : i32 to index
        %parallel_loop3A_313 = arith.index_cast %parallel_loop3A_300 : i32 to index
        %parallel_loop3A_314 = tpu.vector_load %arg8[%parallel_loop3A_312, %parallel_loop3A_313] {strides = array<i32>} : memref<32x1024xf32, #tpu.memory_space<vmem>>, vector<16xf32>,
        tpu.vector_store %arg8[%parallel_loop3A_312, %parallel_loop3A_313], %parallel_loop3A_310 {strides = array<i32>} : memref<32x1024xf32, #tpu.memory_space<vmem>>, vector<16xf32>,
        %parallel_loop3A_315 = arith.constant 8 : i32
        %parallel_loop3A_316 = vector.broadcast %parallel_loop3A_315 : i32 to vector<16xi32>
        %parallel_loop3A_317 = arith.addi %parallel_loop3A_306, %parallel_loop3A_316 : vector<16xi32>
        %parallel_loop3A_318 = tpu.vector_load_idx %arg6[%parallel_loop3A_317] : memref<32768xf32, #tpu.memory_space<vmem>>[vector<16xi32>], vector<16xf32>,
        %parallel_loop3A_319 = arith.constant 1 : i32
        %parallel_loop3A_320 = arith.index_cast %parallel_loop3A_319 : i32 to index
        %parallel_loop3A_321 = arith.index_cast %parallel_loop3A_300 : i32 to index
        %parallel_loop3A_322 = tpu.vector_load %arg8[%parallel_loop3A_320, %parallel_loop3A_321] {strides = array<i32>} : memref<32x1024xf32, #tpu.memory_space<vmem>>, vector<16xf32>,
        tpu.vector_store %arg8[%parallel_loop3A_320, %parallel_loop3A_321], %parallel_loop3A_318 {strides = array<i32>} : memref<32x1024xf32, #tpu.memory_space<vmem>>, vector<16xf32>,
        %parallel_loop3A_323 = arith.constant 16 : i32
        %parallel_loop3A_324 = vector.broadcast %parallel_loop3A_323 : i32 to vector<16xi32>
        %parallel_loop3A_325 = arith.addi %parallel_loop3A_306, %parallel_loop3A_324 : vector<16xi32>
        %parallel_loop3A_326 = tpu.vector_load_idx %arg6[%parallel_loop3A_325] : memref<32768xf32, #tpu.memory_space<vmem>>[vector<16xi32>], vector<16xf32>,
        %parallel_loop3A_327 = arith.constant 2 : i32
        %parallel_loop3A_328 = arith.index_cast %parallel_loop3A_327 : i32 to index
        %parallel_loop3A_329 = arith.index_cast %parallel_loop3A_300 : i32 to index
        %parallel_loop3A_330 = tpu.vector_load %arg8[%parallel_loop3A_328, %parallel_loop3A_329] {strides = array<i32>} : memref<32x1024xf32, #tpu.memory_space<vmem>>, vector<16xf32>,
        tpu.vector_store %arg8[%parallel_loop3A_328, %parallel_loop3A_329], %parallel_loop3A_326 {strides = array<i32>} : memref<32x1024xf32, #tpu.memory_space<vmem>>, vector<16xf32>,
        %parallel_loop3A_331 = arith.constant 24 : i32
        %parallel_loop3A_332 = vector.broadcast %parallel_loop3A_331 : i32 to vector<16xi32>
        %parallel_loop3A_333 = arith.addi %parallel_loop3A_306, %parallel_loop3A_332 : vector<16xi32>
        %parallel_loop3A_334 = tpu.vector_load_idx %arg6[%parallel_loop3A_333] : memref<32768xf32, #tpu.memory_space<vmem>>[vector<16xi32>], vector<16xf32>,
        %parallel_loop3A_335 = arith.constant 3 : i32
        %parallel_loop3A_336 = arith.index_cast %parallel_loop3A_335 : i32 to index
        %parallel_loop3A_337 = arith.index_cast %parallel_loop3A_300 : i32 to index
        %parallel_loop3A_338 = tpu.vector_load %arg8[%parallel_loop3A_336, %parallel_loop3A_337] {strides = array<i32>} : memref<32x1024xf32, #tpu.memory_space<vmem>>, vector<16xf32>,
        tpu.vector_store %arg8[%parallel_loop3A_336, %parallel_loop3A_337], %parallel_loop3A_334 {strides = array<i32>} : memref<32x1024xf32, #tpu.memory_space<vmem>>, vector<16xf32>,
        %parallel_loop3A_339 = arith.constant 32 : i32
        %parallel_loop3A_340 = vector.broadcast %parallel_loop3A_339 : i32 to vector<16xi32>
        %parallel_loop3A_341 = arith.addi %parallel_loop3A_306, %parallel_loop3A_340 : vector<16xi32>
        %parallel_loop3A_342 = tpu.vector_load_idx %arg6[%parallel_loop3A_341] : memref<32768xf32, #tpu.memory_space<vmem>>[vector<16xi32>], vector<16xf32>,
        %parallel_loop3A_343 = arith.constant 4 : i32
        %parallel_loop3A_344 = arith.index_cast %parallel_loop3A_343 : i32 to index
        %parallel_loop3A_345 = arith.index_cast %parallel_loop3A_300 : i32 to index
        %parallel_loop3A_346 = tpu.vector_load %arg8[%parallel_loop3A_344, %parallel_loop3A_345] {strides = array<i32>} : memref<32x1024xf32, #tpu.memory_space<vmem>>, vector<16xf32>,
        tpu.vector_store %arg8[%parallel_loop3A_344, %parallel_loop3A_345], %parallel_loop3A_342 {strides = array<i32>} : memref<32x1024xf32, #tpu.memory_space<vmem>>, vector<16xf32>,
        %parallel_loop3A_347 = arith.constant 40 : i32
        %parallel_loop3A_348 = vector.broadcast %parallel_loop3A_347 : i32 to vector<16xi32>
        %parallel_loop3A_349 = arith.addi %parallel_loop3A_306, %parallel_loop3A_348 : vector<16xi32>
        %parallel_loop3A_350 = tpu.vector_load_idx %arg6[%parallel_loop3A_349] : memref<32768xf32, #tpu.memory_space<vmem>>[vector<16xi32>], vector<16xf32>,
        %parallel_loop3A_351 = arith.constant 5 : i32
        %parallel_loop3A_352 = arith.index_cast %parallel_loop3A_351 : i32 to index
        %parallel_loop3A_353 = arith.index_cast %parallel_loop3A_300 : i32 to index
        %parallel_loop3A_354 = tpu.vector_load %arg8[%parallel_loop3A_352, %parallel_loop3A_353] {strides = array<i32>} : memref<32x1024xf32, #tpu.memory_space<vmem>>, vector<16xf32>,
        tpu.vector_store %arg8[%parallel_loop3A_352, %parallel_loop3A_353], %parallel_loop3A_350 {strides = array<i32>} : memref<32x1024xf32, #tpu.memory_space<vmem>>, vector<16xf32>,
        %parallel_loop3A_355 = arith.constant 48 : i32
        %parallel_loop3A_356 = vector.broadcast %parallel_loop3A_355 : i32 to vector<16xi32>
        %parallel_loop3A_357 = arith.addi %parallel_loop3A_306, %parallel_loop3A_356 : vector<16xi32>
        %parallel_loop3A_358 = tpu.vector_load_idx %arg6[%parallel_loop3A_357] : memref<32768xf32, #tpu.memory_space<vmem>>[vector<16xi32>], vector<16xf32>,
        %parallel_loop3A_359 = arith.constant 6 : i32
        %parallel_loop3A_360 = arith.index_cast %parallel_loop3A_359 : i32 to index
        %parallel_loop3A_361 = arith.index_cast %parallel_loop3A_300 : i32 to index
        %parallel_loop3A_362 = tpu.vector_load %arg8[%parallel_loop3A_360, %parallel_loop3A_361] {strides = array<i32>} : memref<32x1024xf32, #tpu.memory_space<vmem>>, vector<16xf32>,
        tpu.vector_store %arg8[%parallel_loop3A_360, %parallel_loop3A_361], %parallel_loop3A_358 {strides = array<i32>} : memref<32x1024xf32, #tpu.memory_space<vmem>>, vector<16xf32>,
        %parallel_loop3A_363 = arith.constant 56 : i32
        %parallel_loop3A_364 = vector.broadcast %parallel_loop3A_363 : i32 to vector<16xi32>
        %parallel_loop3A_365 = arith.addi %parallel_loop3A_306, %parallel_loop3A_364 : vector<16xi32>
        %parallel_loop3A_366 = tpu.vector_load_idx %arg6[%parallel_loop3A_365] : memref<32768xf32, #tpu.memory_space<vmem>>[vector<16xi32>], vector<16xf32>,
        %parallel_loop3A_367 = arith.constant 7 : i32
        %parallel_loop3A_368 = arith.index_cast %parallel_loop3A_367 : i32 to index
        %parallel_loop3A_369 = arith.index_cast %parallel_loop3A_300 : i32 to index
        %parallel_loop3A_370 = tpu.vector_load %arg8[%parallel_loop3A_368, %parallel_loop3A_369] {strides = array<i32>} : memref<32x1024xf32, #tpu.memory_space<vmem>>, vector<16xf32>,
        tpu.vector_store %arg8[%parallel_loop3A_368, %parallel_loop3A_369], %parallel_loop3A_366 {strides = array<i32>} : memref<32x1024xf32, #tpu.memory_space<vmem>>, vector<16xf32>,
        %parallel_loop3A_371 = arith.constant 64 : i32
        %parallel_loop3A_372 = vector.broadcast %parallel_loop3A_371 : i32 to vector<16xi32>
        %parallel_loop3A_373 = arith.addi %parallel_loop3A_306, %parallel_loop3A_372 : vector<16xi32>
        %parallel_loop3A_374 = tpu.vector_load_idx %arg6[%parallel_loop3A_373] : memref<32768xf32, #tpu.memory_space<vmem>>[vector<16xi32>], vector<16xf32>,
        %parallel_loop3A_375 = arith.constant 8 : i32
        %parallel_loop3A_376 = arith.index_cast %parallel_loop3A_375 : i32 to index
        %parallel_loop3A_377 = arith.index_cast %parallel_loop3A_300 : i32 to index
        %parallel_loop3A_378 = tpu.vector_load %arg8[%parallel_loop3A_376, %parallel_loop3A_377] {strides = array<i32>} : memref<32x1024xf32, #tpu.memory_space<vmem>>, vector<16xf32>,
        tpu.vector_store %arg8[%parallel_loop3A_376, %parallel_loop3A_377], %parallel_loop3A_374 {strides = array<i32>} : memref<32x1024xf32, #tpu.memory_space<vmem>>, vector<16xf32>,
        %parallel_loop3A_379 = arith.constant 72 : i32
        %parallel_loop3A_380 = vector.broadcast %parallel_loop3A_379 : i32 to vector<16xi32>
        %parallel_loop3A_381 = arith.addi %parallel_loop3A_306, %parallel_loop3A_380 : vector<16xi32>
        %parallel_loop3A_382 = tpu.vector_load_idx %arg6[%parallel_loop3A_381] : memref<32768xf32, #tpu.memory_space<vmem>>[vector<16xi32>], vector<16xf32>,
        %parallel_loop3A_383 = arith.constant 9 : i32
        %parallel_loop3A_384 = arith.index_cast %parallel_loop3A_383 : i32 to index
        %parallel_loop3A_385 = arith.index_cast %parallel_loop3A_300 : i32 to index
        %parallel_loop3A_386 = tpu.vector_load %arg8[%parallel_loop3A_384, %parallel_loop3A_385] {strides = array<i32>} : memref<32x1024xf32, #tpu.memory_space<vmem>>, vector<16xf32>,
        tpu.vector_store %arg8[%parallel_loop3A_384, %parallel_loop3A_385], %parallel_loop3A_382 {strides = array<i32>} : memref<32x1024xf32, #tpu.memory_space<vmem>>, vector<16xf32>,
        %parallel_loop3A_387 = arith.constant 80 : i32
        %parallel_loop3A_388 = vector.broadcast %parallel_loop3A_387 : i32 to vector<16xi32>
        %parallel_loop3A_389 = arith.addi %parallel_loop3A_306, %parallel_loop3A_388 : vector<16xi32>
        %parallel_loop3A_390 = tpu.vector_load_idx %arg6[%parallel_loop3A_389] : memref<32768xf32, #tpu.memory_space<vmem>>[vector<16xi32>], vector<16xf32>,
        %parallel_loop3A_391 = arith.constant 10 : i32
        %parallel_loop3A_392 = arith.index_cast %parallel_loop3A_391 : i32 to index
        %parallel_loop3A_393 = arith.index_cast %parallel_loop3A_300 : i32 to index
        %parallel_loop3A_394 = tpu.vector_load %arg8[%parallel_loop3A_392, %parallel_loop3A_393] {strides = array<i32>} : memref<32x1024xf32, #tpu.memory_space<vmem>>, vector<16xf32>,
        tpu.vector_store %arg8[%parallel_loop3A_392, %parallel_loop3A_393], %parallel_loop3A_390 {strides = array<i32>} : memref<32x1024xf32, #tpu.memory_space<vmem>>, vector<16xf32>,
        %parallel_loop3A_395 = arith.constant 88 : i32
        %parallel_loop3A_396 = vector.broadcast %parallel_loop3A_395 : i32 to vector<16xi32>
        %parallel_loop3A_397 = arith.addi %parallel_loop3A_306, %parallel_loop3A_396 : vector<16xi32>
        %parallel_loop3A_398 = tpu.vector_load_idx %arg6[%parallel_loop3A_397] : memref<32768xf32, #tpu.memory_space<vmem>>[vector<16xi32>], vector<16xf32>,
        %parallel_loop3A_399 = arith.constant 11 : i32
        %parallel_loop3A_400 = arith.index_cast %parallel_loop3A_399 : i32 to index
        %parallel_loop3A_401 = arith.index_cast %parallel_loop3A_300 : i32 to index
        %parallel_loop3A_402 = tpu.vector_load %arg8[%parallel_loop3A_400, %parallel_loop3A_401] {strides = array<i32>} : memref<32x1024xf32, #tpu.memory_space<vmem>>, vector<16xf32>,
        tpu.vector_store %arg8[%parallel_loop3A_400, %parallel_loop3A_401], %parallel_loop3A_398 {strides = array<i32>} : memref<32x1024xf32, #tpu.memory_space<vmem>>, vector<16xf32>,
        %parallel_loop3A_403 = arith.constant 96 : i32
        %parallel_loop3A_404 = vector.broadcast %parallel_loop3A_403 : i32 to vector<16xi32>
        %parallel_loop3A_405 = arith.addi %parallel_loop3A_306, %parallel_loop3A_404 : vector<16xi32>
        %parallel_loop3A_406 = tpu.vector_load_idx %arg6[%parallel_loop3A_405] : memref<32768xf32, #tpu.memory_space<vmem>>[vector<16xi32>], vector<16xf32>,
        %parallel_loop3A_407 = arith.constant 12 : i32
        %parallel_loop3A_408 = arith.index_cast %parallel_loop3A_407 : i32 to index
        %parallel_loop3A_409 = arith.index_cast %parallel_loop3A_300 : i32 to index
        %parallel_loop3A_410 = tpu.vector_load %arg8[%parallel_loop3A_408, %parallel_loop3A_409] {strides = array<i32>} : memref<32x1024xf32, #tpu.memory_space<vmem>>, vector<16xf32>,
        tpu.vector_store %arg8[%parallel_loop3A_408, %parallel_loop3A_409], %parallel_loop3A_406 {strides = array<i32>} : memref<32x1024xf32, #tpu.memory_space<vmem>>, vector<16xf32>,
        %parallel_loop3A_411 = arith.constant 104 : i32
        %parallel_loop3A_412 = vector.broadcast %parallel_loop3A_411 : i32 to vector<16xi32>
        %parallel_loop3A_413 = arith.addi %parallel_loop3A_306, %parallel_loop3A_412 : vector<16xi32>
        %parallel_loop3A_414 = tpu.vector_load_idx %arg6[%parallel_loop3A_413] : memref<32768xf32, #tpu.memory_space<vmem>>[vector<16xi32>], vector<16xf32>,
        %parallel_loop3A_415 = arith.constant 13 : i32
        %parallel_loop3A_416 = arith.index_cast %parallel_loop3A_415 : i32 to index
        %parallel_loop3A_417 = arith.index_cast %parallel_loop3A_300 : i32 to index
        %parallel_loop3A_418 = tpu.vector_load %arg8[%parallel_loop3A_416, %parallel_loop3A_417] {strides = array<i32>} : memref<32x1024xf32, #tpu.memory_space<vmem>>, vector<16xf32>,
        tpu.vector_store %arg8[%parallel_loop3A_416, %parallel_loop3A_417], %parallel_loop3A_414 {strides = array<i32>} : memref<32x1024xf32, #tpu.memory_space<vmem>>, vector<16xf32>,
        %parallel_loop3A_419 = arith.constant 112 : i32
        %parallel_loop3A_420 = vector.broadcast %parallel_loop3A_419 : i32 to vector<16xi32>
        %parallel_loop3A_421 = arith.addi %parallel_loop3A_306, %parallel_loop3A_420 : vector<16xi32>
        %parallel_loop3A_422 = tpu.vector_load_idx %arg6[%parallel_loop3A_421] : memref<32768xf32, #tpu.memory_space<vmem>>[vector<16xi32>], vector<16xf32>,
        %parallel_loop3A_423 = arith.constant 14 : i32
        %parallel_loop3A_424 = arith.index_cast %parallel_loop3A_423 : i32 to index
        %parallel_loop3A_425 = arith.index_cast %parallel_loop3A_300 : i32 to index
        %parallel_loop3A_426 = tpu.vector_load %arg8[%parallel_loop3A_424, %parallel_loop3A_425] {strides = array<i32>} : memref<32x1024xf32, #tpu.memory_space<vmem>>, vector<16xf32>,
        tpu.vector_store %arg8[%parallel_loop3A_424, %parallel_loop3A_425], %parallel_loop3A_422 {strides = array<i32>} : memref<32x1024xf32, #tpu.memory_space<vmem>>, vector<16xf32>,
        %parallel_loop3A_427 = arith.constant 120 : i32
        %parallel_loop3A_428 = vector.broadcast %parallel_loop3A_427 : i32 to vector<16xi32>
        %parallel_loop3A_429 = arith.addi %parallel_loop3A_306, %parallel_loop3A_428 : vector<16xi32>
        %parallel_loop3A_430 = tpu.vector_load_idx %arg6[%parallel_loop3A_429] : memref<32768xf32, #tpu.memory_space<vmem>>[vector<16xi32>], vector<16xf32>,
        %parallel_loop3A_431 = arith.constant 15 : i32
        %parallel_loop3A_432 = arith.index_cast %parallel_loop3A_431 : i32 to index
        %parallel_loop3A_433 = arith.index_cast %parallel_loop3A_300 : i32 to index
        %parallel_loop3A_434 = tpu.vector_load %arg8[%parallel_loop3A_432, %parallel_loop3A_433] {strides = array<i32>} : memref<32x1024xf32, #tpu.memory_space<vmem>>, vector<16xf32>,
        tpu.vector_store %arg8[%parallel_loop3A_432, %parallel_loop3A_433], %parallel_loop3A_430 {strides = array<i32>} : memref<32x1024xf32, #tpu.memory_space<vmem>>, vector<16xf32>,
        %parallel_loop3A_435 = arith.constant 128 : i32
        %parallel_loop3A_436 = vector.broadcast %parallel_loop3A_435 : i32 to vector<16xi32>
        %parallel_loop3A_437 = arith.addi %parallel_loop3A_306, %parallel_loop3A_436 : vector<16xi32>
        %parallel_loop3A_438 = tpu.vector_load_idx %arg6[%parallel_loop3A_437] : memref<32768xf32, #tpu.memory_space<vmem>>[vector<16xi32>], vector<16xf32>,
        %parallel_loop3A_439 = arith.constant 16 : i32
        %parallel_loop3A_440 = arith.index_cast %parallel_loop3A_439 : i32 to index
        %parallel_loop3A_441 = arith.index_cast %parallel_loop3A_300 : i32 to index
        %parallel_loop3A_442 = tpu.vector_load %arg8[%parallel_loop3A_440, %parallel_loop3A_441] {strides = array<i32>} : memref<32x1024xf32, #tpu.memory_space<vmem>>, vector<16xf32>,
        tpu.vector_store %arg8[%parallel_loop3A_440, %parallel_loop3A_441], %parallel_loop3A_438 {strides = array<i32>} : memref<32x1024xf32, #tpu.memory_space<vmem>>, vector<16xf32>,
        %parallel_loop3A_443 = arith.constant 136 : i32
        %parallel_loop3A_444 = vector.broadcast %parallel_loop3A_443 : i32 to vector<16xi32>
        %parallel_loop3A_445 = arith.addi %parallel_loop3A_306, %parallel_loop3A_444 : vector<16xi32>
        %parallel_loop3A_446 = tpu.vector_load_idx %arg6[%parallel_loop3A_445] : memref<32768xf32, #tpu.memory_space<vmem>>[vector<16xi32>], vector<16xf32>,
        %parallel_loop3A_447 = arith.constant 17 : i32
        %parallel_loop3A_448 = arith.index_cast %parallel_loop3A_447 : i32 to index
        %parallel_loop3A_449 = arith.index_cast %parallel_loop3A_300 : i32 to index
        %parallel_loop3A_450 = tpu.vector_load %arg8[%parallel_loop3A_448, %parallel_loop3A_449] {strides = array<i32>} : memref<32x1024xf32, #tpu.memory_space<vmem>>, vector<16xf32>,
        tpu.vector_store %arg8[%parallel_loop3A_448, %parallel_loop3A_449], %parallel_loop3A_446 {strides = array<i32>} : memref<32x1024xf32, #tpu.memory_space<vmem>>, vector<16xf32>,
        %parallel_loop3A_451 = arith.constant 144 : i32
        %parallel_loop3A_452 = vector.broadcast %parallel_loop3A_451 : i32 to vector<16xi32>
        %parallel_loop3A_453 = arith.addi %parallel_loop3A_306, %parallel_loop3A_452 : vector<16xi32>
        %parallel_loop3A_454 = tpu.vector_load_idx %arg6[%parallel_loop3A_453] : memref<32768xf32, #tpu.memory_space<vmem>>[vector<16xi32>], vector<16xf32>,
        %parallel_loop3A_455 = arith.constant 18 : i32
        %parallel_loop3A_456 = arith.index_cast %parallel_loop3A_455 : i32 to index
        %parallel_loop3A_457 = arith.index_cast %parallel_loop3A_300 : i32 to index
        %parallel_loop3A_458 = tpu.vector_load %arg8[%parallel_loop3A_456, %parallel_loop3A_457] {strides = array<i32>} : memref<32x1024xf32, #tpu.memory_space<vmem>>, vector<16xf32>,
        tpu.vector_store %arg8[%parallel_loop3A_456, %parallel_loop3A_457], %parallel_loop3A_454 {strides = array<i32>} : memref<32x1024xf32, #tpu.memory_space<vmem>>, vector<16xf32>,
        %parallel_loop3A_459 = arith.constant 152 : i32
        %parallel_loop3A_460 = vector.broadcast %parallel_loop3A_459 : i32 to vector<16xi32>
        %parallel_loop3A_461 = arith.addi %parallel_loop3A_306, %parallel_loop3A_460 : vector<16xi32>
        %parallel_loop3A_462 = tpu.vector_load_idx %arg6[%parallel_loop3A_461] : memref<32768xf32, #tpu.memory_space<vmem>>[vector<16xi32>], vector<16xf32>,
        %parallel_loop3A_463 = arith.constant 19 : i32
        %parallel_loop3A_464 = arith.index_cast %parallel_loop3A_463 : i32 to index
        %parallel_loop3A_465 = arith.index_cast %parallel_loop3A_300 : i32 to index
        %parallel_loop3A_466 = tpu.vector_load %arg8[%parallel_loop3A_464, %parallel_loop3A_465] {strides = array<i32>} : memref<32x1024xf32, #tpu.memory_space<vmem>>, vector<16xf32>,
        tpu.vector_store %arg8[%parallel_loop3A_464, %parallel_loop3A_465], %parallel_loop3A_462 {strides = array<i32>} : memref<32x1024xf32, #tpu.memory_space<vmem>>, vector<16xf32>,
        %parallel_loop3A_467 = arith.constant 160 : i32
        %parallel_loop3A_468 = vector.broadcast %parallel_loop3A_467 : i32 to vector<16xi32>
        %parallel_loop3A_469 = arith.addi %parallel_loop3A_306, %parallel_loop3A_468 : vector<16xi32>
        %parallel_loop3A_470 = tpu.vector_load_idx %arg6[%parallel_loop3A_469] : memref<32768xf32, #tpu.memory_space<vmem>>[vector<16xi32>], vector<16xf32>,
        %parallel_loop3A_471 = arith.constant 20 : i32
        %parallel_loop3A_472 = arith.index_cast %parallel_loop3A_471 : i32 to index
        %parallel_loop3A_473 = arith.index_cast %parallel_loop3A_300 : i32 to index
        %parallel_loop3A_474 = tpu.vector_load %arg8[%parallel_loop3A_472, %parallel_loop3A_473] {strides = array<i32>} : memref<32x1024xf32, #tpu.memory_space<vmem>>, vector<16xf32>,
        tpu.vector_store %arg8[%parallel_loop3A_472, %parallel_loop3A_473], %parallel_loop3A_470 {strides = array<i32>} : memref<32x1024xf32, #tpu.memory_space<vmem>>, vector<16xf32>,
        %parallel_loop3A_475 = arith.constant 168 : i32
        %parallel_loop3A_476 = vector.broadcast %parallel_loop3A_475 : i32 to vector<16xi32>
        %parallel_loop3A_477 = arith.addi %parallel_loop3A_306, %parallel_loop3A_476 : vector<16xi32>
        %parallel_loop3A_478 = tpu.vector_load_idx %arg6[%parallel_loop3A_477] : memref<32768xf32, #tpu.memory_space<vmem>>[vector<16xi32>], vector<16xf32>,
        %parallel_loop3A_479 = arith.constant 21 : i32
        %parallel_loop3A_480 = arith.index_cast %parallel_loop3A_479 : i32 to index
        %parallel_loop3A_481 = arith.index_cast %parallel_loop3A_300 : i32 to index
        %parallel_loop3A_482 = tpu.vector_load %arg8[%parallel_loop3A_480, %parallel_loop3A_481] {strides = array<i32>} : memref<32x1024xf32, #tpu.memory_space<vmem>>, vector<16xf32>,
        tpu.vector_store %arg8[%parallel_loop3A_480, %parallel_loop3A_481], %parallel_loop3A_478 {strides = array<i32>} : memref<32x1024xf32, #tpu.memory_space<vmem>>, vector<16xf32>,
        %parallel_loop3A_483 = arith.constant 176 : i32
        %parallel_loop3A_484 = vector.broadcast %parallel_loop3A_483 : i32 to vector<16xi32>
        %parallel_loop3A_485 = arith.addi %parallel_loop3A_306, %parallel_loop3A_484 : vector<16xi32>
        %parallel_loop3A_486 = tpu.vector_load_idx %arg6[%parallel_loop3A_485] : memref<32768xf32, #tpu.memory_space<vmem>>[vector<16xi32>], vector<16xf32>,
        %parallel_loop3A_487 = arith.constant 22 : i32
        %parallel_loop3A_488 = arith.index_cast %parallel_loop3A_487 : i32 to index
        %parallel_loop3A_489 = arith.index_cast %parallel_loop3A_300 : i32 to index
        %parallel_loop3A_490 = tpu.vector_load %arg8[%parallel_loop3A_488, %parallel_loop3A_489] {strides = array<i32>} : memref<32x1024xf32, #tpu.memory_space<vmem>>, vector<16xf32>,
        tpu.vector_store %arg8[%parallel_loop3A_488, %parallel_loop3A_489], %parallel_loop3A_486 {strides = array<i32>} : memref<32x1024xf32, #tpu.memory_space<vmem>>, vector<16xf32>,
        %parallel_loop3A_491 = arith.constant 184 : i32
        %parallel_loop3A_492 = vector.broadcast %parallel_loop3A_491 : i32 to vector<16xi32>
        %parallel_loop3A_493 = arith.addi %parallel_loop3A_306, %parallel_loop3A_492 : vector<16xi32>
        %parallel_loop3A_494 = tpu.vector_load_idx %arg6[%parallel_loop3A_493] : memref<32768xf32, #tpu.memory_space<vmem>>[vector<16xi32>], vector<16xf32>,
        %parallel_loop3A_495 = arith.constant 23 : i32
        %parallel_loop3A_496 = arith.index_cast %parallel_loop3A_495 : i32 to index
        %parallel_loop3A_497 = arith.index_cast %parallel_loop3A_300 : i32 to index
        %parallel_loop3A_498 = tpu.vector_load %arg8[%parallel_loop3A_496, %parallel_loop3A_497] {strides = array<i32>} : memref<32x1024xf32, #tpu.memory_space<vmem>>, vector<16xf32>,
        tpu.vector_store %arg8[%parallel_loop3A_496, %parallel_loop3A_497], %parallel_loop3A_494 {strides = array<i32>} : memref<32x1024xf32, #tpu.memory_space<vmem>>, vector<16xf32>,
        %parallel_loop3A_499 = arith.constant 192 : i32
        %parallel_loop3A_500 = vector.broadcast %parallel_loop3A_499 : i32 to vector<16xi32>
        %parallel_loop3A_501 = arith.addi %parallel_loop3A_306, %parallel_loop3A_500 : vector<16xi32>
        %parallel_loop3A_502 = tpu.vector_load_idx %arg6[%parallel_loop3A_501] : memref<32768xf32, #tpu.memory_space<vmem>>[vector<16xi32>], vector<16xf32>,
        %parallel_loop3A_503 = arith.constant 24 : i32
        %parallel_loop3A_504 = arith.index_cast %parallel_loop3A_503 : i32 to index
        %parallel_loop3A_505 = arith.index_cast %parallel_loop3A_300 : i32 to index
        %parallel_loop3A_506 = tpu.vector_load %arg8[%parallel_loop3A_504, %parallel_loop3A_505] {strides = array<i32>} : memref<32x1024xf32, #tpu.memory_space<vmem>>, vector<16xf32>,
        tpu.vector_store %arg8[%parallel_loop3A_504, %parallel_loop3A_505], %parallel_loop3A_502 {strides = array<i32>} : memref<32x1024xf32, #tpu.memory_space<vmem>>, vector<16xf32>,
        %parallel_loop3A_507 = arith.constant 200 : i32
        %parallel_loop3A_508 = vector.broadcast %parallel_loop3A_507 : i32 to vector<16xi32>
        %parallel_loop3A_509 = arith.addi %parallel_loop3A_306, %parallel_loop3A_508 : vector<16xi32>
        %parallel_loop3A_510 = tpu.vector_load_idx %arg6[%parallel_loop3A_509] : memref<32768xf32, #tpu.memory_space<vmem>>[vector<16xi32>], vector<16xf32>,
        %parallel_loop3A_511 = arith.constant 25 : i32
        %parallel_loop3A_512 = arith.index_cast %parallel_loop3A_511 : i32 to index
        %parallel_loop3A_513 = arith.index_cast %parallel_loop3A_300 : i32 to index
        %parallel_loop3A_514 = tpu.vector_load %arg8[%parallel_loop3A_512, %parallel_loop3A_513] {strides = array<i32>} : memref<32x1024xf32, #tpu.memory_space<vmem>>, vector<16xf32>,
        tpu.vector_store %arg8[%parallel_loop3A_512, %parallel_loop3A_513], %parallel_loop3A_510 {strides = array<i32>} : memref<32x1024xf32, #tpu.memory_space<vmem>>, vector<16xf32>,
        %parallel_loop3A_515 = arith.constant 208 : i32
        %parallel_loop3A_516 = vector.broadcast %parallel_loop3A_515 : i32 to vector<16xi32>
        %parallel_loop3A_517 = arith.addi %parallel_loop3A_306, %parallel_loop3A_516 : vector<16xi32>
        %parallel_loop3A_518 = tpu.vector_load_idx %arg6[%parallel_loop3A_517] : memref<32768xf32, #tpu.memory_space<vmem>>[vector<16xi32>], vector<16xf32>,
        %parallel_loop3A_519 = arith.constant 26 : i32
        %parallel_loop3A_520 = arith.index_cast %parallel_loop3A_519 : i32 to index
        %parallel_loop3A_521 = arith.index_cast %parallel_loop3A_300 : i32 to index
        %parallel_loop3A_522 = tpu.vector_load %arg8[%parallel_loop3A_520, %parallel_loop3A_521] {strides = array<i32>} : memref<32x1024xf32, #tpu.memory_space<vmem>>, vector<16xf32>,
        tpu.vector_store %arg8[%parallel_loop3A_520, %parallel_loop3A_521], %parallel_loop3A_518 {strides = array<i32>} : memref<32x1024xf32, #tpu.memory_space<vmem>>, vector<16xf32>,
        %parallel_loop3A_523 = arith.constant 216 : i32
        %parallel_loop3A_524 = vector.broadcast %parallel_loop3A_523 : i32 to vector<16xi32>
        %parallel_loop3A_525 = arith.addi %parallel_loop3A_306, %parallel_loop3A_524 : vector<16xi32>
        %parallel_loop3A_526 = tpu.vector_load_idx %arg6[%parallel_loop3A_525] : memref<32768xf32, #tpu.memory_space<vmem>>[vector<16xi32>], vector<16xf32>,
        %parallel_loop3A_527 = arith.constant 27 : i32
        %parallel_loop3A_528 = arith.index_cast %parallel_loop3A_527 : i32 to index
        %parallel_loop3A_529 = arith.index_cast %parallel_loop3A_300 : i32 to index
        %parallel_loop3A_530 = tpu.vector_load %arg8[%parallel_loop3A_528, %parallel_loop3A_529] {strides = array<i32>} : memref<32x1024xf32, #tpu.memory_space<vmem>>, vector<16xf32>,
        tpu.vector_store %arg8[%parallel_loop3A_528, %parallel_loop3A_529], %parallel_loop3A_526 {strides = array<i32>} : memref<32x1024xf32, #tpu.memory_space<vmem>>, vector<16xf32>,
        %parallel_loop3A_531 = arith.constant 224 : i32
        %parallel_loop3A_532 = vector.broadcast %parallel_loop3A_531 : i32 to vector<16xi32>
        %parallel_loop3A_533 = arith.addi %parallel_loop3A_306, %parallel_loop3A_532 : vector<16xi32>
        %parallel_loop3A_534 = tpu.vector_load_idx %arg6[%parallel_loop3A_533] : memref<32768xf32, #tpu.memory_space<vmem>>[vector<16xi32>], vector<16xf32>,
        %parallel_loop3A_535 = arith.constant 28 : i32
        %parallel_loop3A_536 = arith.index_cast %parallel_loop3A_535 : i32 to index
        %parallel_loop3A_537 = arith.index_cast %parallel_loop3A_300 : i32 to index
        %parallel_loop3A_538 = tpu.vector_load %arg8[%parallel_loop3A_536, %parallel_loop3A_537] {strides = array<i32>} : memref<32x1024xf32, #tpu.memory_space<vmem>>, vector<16xf32>,
        tpu.vector_store %arg8[%parallel_loop3A_536, %parallel_loop3A_537], %parallel_loop3A_534 {strides = array<i32>} : memref<32x1024xf32, #tpu.memory_space<vmem>>, vector<16xf32>,
        %parallel_loop3A_539 = arith.constant 232 : i32
        %parallel_loop3A_540 = vector.broadcast %parallel_loop3A_539 : i32 to vector<16xi32>
        %parallel_loop3A_541 = arith.addi %parallel_loop3A_306, %parallel_loop3A_540 : vector<16xi32>
        %parallel_loop3A_542 = tpu.vector_load_idx %arg6[%parallel_loop3A_541] : memref<32768xf32, #tpu.memory_space<vmem>>[vector<16xi32>], vector<16xf32>,
        %parallel_loop3A_543 = arith.constant 29 : i32
        %parallel_loop3A_544 = arith.index_cast %parallel_loop3A_543 : i32 to index
        %parallel_loop3A_545 = arith.index_cast %parallel_loop3A_300 : i32 to index
        %parallel_loop3A_546 = tpu.vector_load %arg8[%parallel_loop3A_544, %parallel_loop3A_545] {strides = array<i32>} : memref<32x1024xf32, #tpu.memory_space<vmem>>, vector<16xf32>,
        tpu.vector_store %arg8[%parallel_loop3A_544, %parallel_loop3A_545], %parallel_loop3A_542 {strides = array<i32>} : memref<32x1024xf32, #tpu.memory_space<vmem>>, vector<16xf32>,
        %parallel_loop3A_547 = arith.constant 240 : i32
        %parallel_loop3A_548 = vector.broadcast %parallel_loop3A_547 : i32 to vector<16xi32>
        %parallel_loop3A_549 = arith.addi %parallel_loop3A_306, %parallel_loop3A_548 : vector<16xi32>
        %parallel_loop3A_550 = tpu.vector_load_idx %arg6[%parallel_loop3A_549] : memref<32768xf32, #tpu.memory_space<vmem>>[vector<16xi32>], vector<16xf32>,
        %parallel_loop3A_551 = arith.constant 30 : i32
        %parallel_loop3A_552 = arith.index_cast %parallel_loop3A_551 : i32 to index
        %parallel_loop3A_553 = arith.index_cast %parallel_loop3A_300 : i32 to index
        %parallel_loop3A_554 = tpu.vector_load %arg8[%parallel_loop3A_552, %parallel_loop3A_553] {strides = array<i32>} : memref<32x1024xf32, #tpu.memory_space<vmem>>, vector<16xf32>,
        tpu.vector_store %arg8[%parallel_loop3A_552, %parallel_loop3A_553], %parallel_loop3A_550 {strides = array<i32>} : memref<32x1024xf32, #tpu.memory_space<vmem>>, vector<16xf32>,
        %parallel_loop3A_555 = arith.constant 248 : i32
        %parallel_loop3A_556 = vector.broadcast %parallel_loop3A_555 : i32 to vector<16xi32>
        %parallel_loop3A_557 = arith.addi %parallel_loop3A_306, %parallel_loop3A_556 : vector<16xi32>
        %parallel_loop3A_558 = tpu.vector_load_idx %arg6[%parallel_loop3A_557] : memref<32768xf32, #tpu.memory_space<vmem>>[vector<16xi32>], vector<16xf32>,
        %parallel_loop3A_559 = arith.constant 31 : i32
        %parallel_loop3A_560 = arith.index_cast %parallel_loop3A_559 : i32 to index
        %parallel_loop3A_561 = arith.index_cast %parallel_loop3A_300 : i32 to index
        %parallel_loop3A_562 = tpu.vector_load %arg8[%parallel_loop3A_560, %parallel_loop3A_561] {strides = array<i32>} : memref<32x1024xf32, #tpu.memory_space<vmem>>, vector<16xf32>,
        tpu.vector_store %arg8[%parallel_loop3A_560, %parallel_loop3A_561], %parallel_loop3A_558 {strides = array<i32>} : memref<32x1024xf32, #tpu.memory_space<vmem>>, vector<16xf32>,
      } {sc.loop_unroll_factor = 2 : i64, sc.parallel_access}
      %dma_start3A_287 = arith.constant 1 : i32
      %dma_start3A_288 = arith.constant 32 : i32
      %dma_start3A_289 = arith.constant 0 : i32
      %dma_start3A_290 = tpu.memref_slice %arg4[%add3A_149, %dma_start3A_288, %dma_start3A_289] : memref<1280x64x1024xf32, #tpu.memory_space<hbm>> -> memref<1x32x1024xf32, #tpu.memory_space<hbm>>
      %dma_start3A_291 = tpu.memref_squeeze %dma_start3A_290 : memref<1x32x1024xf32, #tpu.memory_space<hbm>> -> memref<32x1024xf32, #tpu.memory_space<hbm>>
      %dma_start3A_292 = tpu.memref_slice %arg9[%dma_start3A_287] : memref<2x!tpu.dma_semaphore, #tpu.memory_space<semaphore_mem>> -> memref<1x!tpu.dma_semaphore, #tpu.memory_space<semaphore_mem>>
      %dma_start3A_293 = tpu.memref_squeeze %dma_start3A_292 : memref<1x!tpu.dma_semaphore, #tpu.memory_space<semaphore_mem>> -> memref<!tpu.dma_semaphore, #tpu.memory_space<semaphore_mem>>
      %dma_start3A_294 = arith.constant 32 : i32
      %dma_start3A_295 = arith.constant 0 : i32
      %dma_start3A_296 = tpu.memref_slice %arg4[%add3A_149, %dma_start3A_294, %dma_start3A_295] : memref<1280x64x1024xf32, #tpu.memory_space<hbm>> -> memref<1x32x1024xf32, #tpu.memory_space<hbm>>
      %dma_start3A_297 = tpu.memref_squeeze %dma_start3A_296 : memref<1x32x1024xf32, #tpu.memory_space<hbm>> -> memref<32x1024xf32, #tpu.memory_space<hbm>>
      tpu.enqueue_dma source(%arg8 : memref<32x1024xf32, #tpu.memory_space<vmem>>) target(%dma_start3A_297 : memref<32x1024xf32, #tpu.memory_space<hbm>>) target_semaphore(%dma_start3A_293 : memref<!tpu.dma_semaphore, #tpu.memory_space<semaphore_mem>>)
      scf.yield %select_n3A_173 : i32
    }
    %scan3A_121 = arith.constant 39 : i32
    %add3A_122 = arith.constant 40 : i32
    %add3A_123 = arith.addi %mul3A_2, %add3A_122 : i32
    %sub3A_124 = arith.constant 1 : i32
    %sub3A_125 = arith.subi %add3A_123, %sub3A_124 : i32
    %dma_wait3A = arith.constant 0 : i32
    %dma_wait3A_126 = arith.constant 0 : i32
    %dma_wait3A_127 = arith.constant 0 : i32
    %dma_wait3A_128 = tpu.memref_slice %arg4[%sub3A_125, %dma_wait3A_126, %dma_wait3A_127] : memref<1280x64x1024xf32, #tpu.memory_space<hbm>> -> memref<1x32x1024xf32, #tpu.memory_space<hbm>>
    %dma_wait3A_129 = tpu.memref_squeeze %dma_wait3A_128 : memref<1x32x1024xf32, #tpu.memory_space<hbm>> -> memref<32x1024xf32, #tpu.memory_space<hbm>>
    %dma_wait3A_130 = tpu.memref_slice %arg9[%dma_wait3A] : memref<2x!tpu.dma_semaphore, #tpu.memory_space<semaphore_mem>> -> memref<1x!tpu.dma_semaphore, #tpu.memory_space<semaphore_mem>>
    %dma_wait3A_131 = tpu.memref_squeeze %dma_wait3A_130 : memref<1x!tpu.dma_semaphore, #tpu.memory_space<semaphore_mem>> -> memref<!tpu.dma_semaphore, #tpu.memory_space<semaphore_mem>>
    %dma_wait3A_132 = arith.constant 0 : i32
    %dma_wait3A_133 = arith.constant 0 : i32
    %dma_wait3A_134 = tpu.memref_slice %arg4[%sub3A_125, %dma_wait3A_132, %dma_wait3A_133] : memref<1280x64x1024xf32, #tpu.memory_space<hbm>> -> memref<1x32x1024xf32, #tpu.memory_space<hbm>>
    %dma_wait3A_135 = tpu.memref_squeeze %dma_wait3A_134 : memref<1x32x1024xf32, #tpu.memory_space<hbm>> -> memref<32x1024xf32, #tpu.memory_space<hbm>>
    tpu.wait_dma2 semaphore(%dma_wait3A_131 : memref<!tpu.dma_semaphore, #tpu.memory_space<semaphore_mem>>) src(%arg7 : memref<32x1024xf32, #tpu.memory_space<vmem>>) dst(%dma_wait3A_135 : memref<32x1024xf32, #tpu.memory_space<hbm>>)
    %dma_wait3A_136 = arith.constant 1 : i32
    %dma_wait3A_137 = arith.constant 32 : i32
    %dma_wait3A_138 = arith.constant 0 : i32
    %dma_wait3A_139 = tpu.memref_slice %arg4[%sub3A_125, %dma_wait3A_137, %dma_wait3A_138] : memref<1280x64x1024xf32, #tpu.memory_space<hbm>> -> memref<1x32x1024xf32, #tpu.memory_space<hbm>>
    %dma_wait3A_140 = tpu.memref_squeeze %dma_wait3A_139 : memref<1x32x1024xf32, #tpu.memory_space<hbm>> -> memref<32x1024xf32, #tpu.memory_space<hbm>>
    %dma_wait3A_141 = tpu.memref_slice %arg9[%dma_wait3A_136] : memref<2x!tpu.dma_semaphore, #tpu.memory_space<semaphore_mem>> -> memref<1x!tpu.dma_semaphore, #tpu.memory_space<semaphore_mem>>
    %dma_wait3A_142 = tpu.memref_squeeze %dma_wait3A_141 : memref<1x!tpu.dma_semaphore, #tpu.memory_space<semaphore_mem>> -> memref<!tpu.dma_semaphore, #tpu.memory_space<semaphore_mem>>
    %dma_wait3A_143 = arith.constant 32 : i32
    %dma_wait3A_144 = arith.constant 0 : i32
    %dma_wait3A_145 = tpu.memref_slice %arg4[%sub3A_125, %dma_wait3A_143, %dma_wait3A_144] : memref<1280x64x1024xf32, #tpu.memory_space<hbm>> -> memref<1x32x1024xf32, #tpu.memory_space<hbm>>
    %dma_wait3A_146 = tpu.memref_squeeze %dma_wait3A_145 : memref<1x32x1024xf32, #tpu.memory_space<hbm>> -> memref<32x1024xf32, #tpu.memory_space<hbm>>
    tpu.wait_dma2 semaphore(%dma_wait3A_142 : memref<!tpu.dma_semaphore, #tpu.memory_space<semaphore_mem>>) src(%arg8 : memref<32x1024xf32, #tpu.memory_space<vmem>>) dst(%dma_wait3A_146 : memref<32x1024xf32, #tpu.memory_space<hbm>>)
    return
  }
}

module attributes {stable_mosaic.version = 14 : i64} {
  func.func @_prep_body(%arg0: memref<8x20480xf32, #tpu.memory_space<vmem>>, %arg1: memref<1x8x64x64xf32, #tpu.memory_space<vmem>>, %arg2: memref<20480xi32, #tpu.memory_space<vmem>>, %arg3: memref<64x64x1x8xf32, #tpu.memory_space<vmem>>) attributes {dimension_semantics = [], scalar_prefetch = 0 : i64, scratch_operands = 0 : i64, tpu.core_type = #tpu.core_type<tc>} {
    %get3A = arith.constant 0 : index
    %get3A_0 = arith.constant 0 : index
    %get3A_1 = vector.load %arg0[%get3A, %get3A_0] : memref<8x20480xf32, #tpu.memory_space<vmem>>, vector<1x20480xf32>
    %get3A_2 = vector.shape_cast %get3A_1 : vector<1x20480xf32> to vector<20480xf32>
    %broadcast_in_dim3A = arith.constant 0 : i32
    %broadcast_in_dim3A_3 = vector.broadcast %broadcast_in_dim3A : i32 to vector<20480xi32>
    %get3A_4 = arith.constant 1 : index
    %get3A_5 = arith.constant 0 : index
    %get3A_6 = vector.load %arg0[%get3A_4, %get3A_5] : memref<8x20480xf32, #tpu.memory_space<vmem>>, vector<1x20480xf32>
    %get3A_7 = vector.shape_cast %get3A_6 : vector<1x20480xf32> to vector<20480xf32>
    %gt3A = arith.cmpf ogt, %get3A_7, %get3A_2 : vector<20480xf32>
    %select_n3A = arith.select %gt3A, %get3A_7, %get3A_2 : vector<20480xi1>, vector<20480xf32>
    %jit3A = arith.constant 1 : i32
    %broadcast_in_dim3A_8 = vector.broadcast %jit3A : i32 to vector<20480xi32>
    %select_n3A_9 = arith.select %gt3A, %broadcast_in_dim3A_8, %broadcast_in_dim3A_3 : vector<20480xi1>, vector<20480xi32>
    %get3A_10 = arith.constant 2 : index
    %get3A_11 = arith.constant 0 : index
    %get3A_12 = vector.load %arg0[%get3A_10, %get3A_11] : memref<8x20480xf32, #tpu.memory_space<vmem>>, vector<1x20480xf32>
    %get3A_13 = vector.shape_cast %get3A_12 : vector<1x20480xf32> to vector<20480xf32>
    %gt3A_14 = arith.cmpf ogt, %get3A_13, %select_n3A : vector<20480xf32>
    %select_n3A_15 = arith.select %gt3A_14, %get3A_13, %select_n3A : vector<20480xi1>, vector<20480xf32>
    %jit3A_16 = arith.constant 2 : i32
    %broadcast_in_dim3A_17 = vector.broadcast %jit3A_16 : i32 to vector<20480xi32>
    %select_n3A_18 = arith.select %gt3A_14, %broadcast_in_dim3A_17, %select_n3A_9 : vector<20480xi1>, vector<20480xi32>
    %get3A_19 = arith.constant 3 : index
    %get3A_20 = arith.constant 0 : index
    %get3A_21 = vector.load %arg0[%get3A_19, %get3A_20] : memref<8x20480xf32, #tpu.memory_space<vmem>>, vector<1x20480xf32>
    %get3A_22 = vector.shape_cast %get3A_21 : vector<1x20480xf32> to vector<20480xf32>
    %gt3A_23 = arith.cmpf ogt, %get3A_22, %select_n3A_15 : vector<20480xf32>
    %select_n3A_24 = arith.select %gt3A_23, %get3A_22, %select_n3A_15 : vector<20480xi1>, vector<20480xf32>
    %jit3A_25 = arith.constant 3 : i32
    %broadcast_in_dim3A_26 = vector.broadcast %jit3A_25 : i32 to vector<20480xi32>
    %select_n3A_27 = arith.select %gt3A_23, %broadcast_in_dim3A_26, %select_n3A_18 : vector<20480xi1>, vector<20480xi32>
    %get3A_28 = arith.constant 4 : index
    %get3A_29 = arith.constant 0 : index
    %get3A_30 = vector.load %arg0[%get3A_28, %get3A_29] : memref<8x20480xf32, #tpu.memory_space<vmem>>, vector<1x20480xf32>
    %get3A_31 = vector.shape_cast %get3A_30 : vector<1x20480xf32> to vector<20480xf32>
    %gt3A_32 = arith.cmpf ogt, %get3A_31, %select_n3A_24 : vector<20480xf32>
    %select_n3A_33 = arith.select %gt3A_32, %get3A_31, %select_n3A_24 : vector<20480xi1>, vector<20480xf32>
    %jit3A_34 = arith.constant 4 : i32
    %broadcast_in_dim3A_35 = vector.broadcast %jit3A_34 : i32 to vector<20480xi32>
    %select_n3A_36 = arith.select %gt3A_32, %broadcast_in_dim3A_35, %select_n3A_27 : vector<20480xi1>, vector<20480xi32>
    %get3A_37 = arith.constant 5 : index
    %get3A_38 = arith.constant 0 : index
    %get3A_39 = vector.load %arg0[%get3A_37, %get3A_38] : memref<8x20480xf32, #tpu.memory_space<vmem>>, vector<1x20480xf32>
    %get3A_40 = vector.shape_cast %get3A_39 : vector<1x20480xf32> to vector<20480xf32>
    %gt3A_41 = arith.cmpf ogt, %get3A_40, %select_n3A_33 : vector<20480xf32>
    %select_n3A_42 = arith.select %gt3A_41, %get3A_40, %select_n3A_33 : vector<20480xi1>, vector<20480xf32>
    %jit3A_43 = arith.constant 5 : i32
    %broadcast_in_dim3A_44 = vector.broadcast %jit3A_43 : i32 to vector<20480xi32>
    %select_n3A_45 = arith.select %gt3A_41, %broadcast_in_dim3A_44, %select_n3A_36 : vector<20480xi1>, vector<20480xi32>
    %get3A_46 = arith.constant 6 : index
    %get3A_47 = arith.constant 0 : index
    %get3A_48 = vector.load %arg0[%get3A_46, %get3A_47] : memref<8x20480xf32, #tpu.memory_space<vmem>>, vector<1x20480xf32>
    %get3A_49 = vector.shape_cast %get3A_48 : vector<1x20480xf32> to vector<20480xf32>
    %gt3A_50 = arith.cmpf ogt, %get3A_49, %select_n3A_42 : vector<20480xf32>
    %select_n3A_51 = arith.select %gt3A_50, %get3A_49, %select_n3A_42 : vector<20480xi1>, vector<20480xf32>
    %jit3A_52 = arith.constant 6 : i32
    %broadcast_in_dim3A_53 = vector.broadcast %jit3A_52 : i32 to vector<20480xi32>
    %select_n3A_54 = arith.select %gt3A_50, %broadcast_in_dim3A_53, %select_n3A_45 : vector<20480xi1>, vector<20480xi32>
    %get3A_55 = arith.constant 7 : index
    %get3A_56 = arith.constant 0 : index
    %get3A_57 = vector.load %arg0[%get3A_55, %get3A_56] : memref<8x20480xf32, #tpu.memory_space<vmem>>, vector<1x20480xf32>
    %get3A_58 = vector.shape_cast %get3A_57 : vector<1x20480xf32> to vector<20480xf32>
    %gt3A_59 = arith.cmpf ogt, %get3A_58, %select_n3A_51 : vector<20480xf32>
    %jit3A_60 = arith.constant 7 : i32
    %broadcast_in_dim3A_61 = vector.broadcast %jit3A_60 : i32 to vector<20480xi32>
    %select_n3A_62 = arith.select %gt3A_59, %broadcast_in_dim3A_61, %select_n3A_54 : vector<20480xi1>, vector<20480xi32>
    %swap3A = arith.constant 0 : index
    %swap3A_63 = vector.load %arg2[%swap3A] : memref<20480xi32, #tpu.memory_space<vmem>>, vector<20480xi32>
    tpu.vector_store %arg2[%swap3A], %select_n3A_62 {strides = array<i32>} : memref<20480xi32, #tpu.memory_space<vmem>>, vector<20480xi32>,
    %get3A_64 = arith.constant 0 : index
    %get3A_65 = arith.constant 0 : index
    %get3A_66 = arith.constant 0 : index
    %get3A_67 = arith.constant 0 : index
    %get3A_68 = vector.load %arg1[%get3A_64, %get3A_65, %get3A_66, %get3A_67] : memref<1x8x64x64xf32, #tpu.memory_space<vmem>>, vector<1x8x64x64xf32>
    %reduce_max3A = arith.constant dense<0xFF800000> : vector<1x8x64xf32>
    %reduce_max3A_69 = vector.multi_reduction <maximumf>, %get3A_68, %reduce_max3A [3] : vector<1x8x64x64xf32> to vector<1x8x64xf32>
    %broadcast_in_dim3A_70 = vector.shape_cast %reduce_max3A_69 : vector<1x8x64xf32> to vector<1x8x64x1xf32>
    %sub3A = vector.broadcast %broadcast_in_dim3A_70 : vector<1x8x64x1xf32> to vector<1x8x64x64xf32>
    %sub3A_71 = arith.subf %get3A_68, %sub3A : vector<1x8x64x64xf32>
    %exp3A = math.exp %sub3A_71 : vector<1x8x64x64xf32>
    %reduce_sum3A = arith.constant dense<0.000000e+00> : vector<1x8x64xf32>
    %reduce_sum3A_72 = vector.multi_reduction <add>, %exp3A, %reduce_sum3A [3] : vector<1x8x64x64xf32> to vector<1x8x64xf32>
    %broadcast_in_dim3A_73 = vector.shape_cast %reduce_sum3A_72 : vector<1x8x64xf32> to vector<1x8x64x1xf32>
    %div3A = vector.broadcast %broadcast_in_dim3A_73 : vector<1x8x64x1xf32> to vector<1x8x64x64xf32>
    %div3A_74 = arith.divf %exp3A, %div3A : vector<1x8x64x64xf32>
    %transpose3A = tpu.transpose %div3A_74, [2, 3, 0, 1] : vector<1x8x64x64xf32> -> vector<64x64x1x8xf32>
    %swap3A_75 = arith.constant 0 : index
    %swap3A_76 = arith.constant 0 : index
    %swap3A_77 = arith.constant 0 : index
    %swap3A_78 = arith.constant 0 : index
    %swap3A_79 = vector.load %arg3[%swap3A_75, %swap3A_76, %swap3A_77, %swap3A_78] : memref<64x64x1x8xf32, #tpu.memory_space<vmem>>, vector<64x64x1x8xf32>
    tpu.vector_store %arg3[%swap3A_75, %swap3A_76, %swap3A_77, %swap3A_78], %transpose3A {strides = array<i32>} : memref<64x64x1x8xf32, #tpu.memory_space<vmem>>, vector<64x64x1x8xf32>,
    return
  }
}

</mosaic_0001>

<sc_bundles>
// kernel: kernel.4.cloned.1.call-start
scs
__scs_entry_jumppad:
0x0: {  	(pc) =	sbr.rel $0x88, $3  }
0x1: {  	(tag) =	ssettag $0x0;
	lr =	simm.s32 $0x1  }
0x2: {  	[smem:$0x3F9F] =	sst lr;
	_ =	strace $0xD0000000  }
0x3: {  	_ = 	snop  }
0x4: {  	_ = 	snop  }
0x5: {  	_ = 	snop  }
0x6: {  	_ = 	snop  }
0x7: {  	_ = 	snop  }
__scs_overlays_trampoline_lowered:
0x8: {  	[smem:$0x3FAE] =	sst s0  }
0x9: {  	[smem:$0x3FAF] =	sst s1  }
0xa: {  	[smem:$0x3FB0] =	sst s2  }
0xb: {  	[smem:$0x3FB1] =	sst s3  }
0xc: {  	[smem:$0x3FB2] =	sst s4  }
0xd: {  	[smem:$0x3FB3] =	sst s5  }
0xe: {  	[smem:$0x3FB4] =	sst s6  }
0xf: {  	[smem:$0x3FB5] =	sst s7  }
0x10: {  	[smem:$0x3FB6] =	sst s8  }
0x11: {  	[smem:$0x3FB7] =	sst s9;
	s0 =	simm.s32 @!p0 $0x0  }
0x12: {  	s1 =	sld [smem:$0x3F9D];
	s0 =	simm.s32 @p0 $0x1  }
0x13: {  	[smem:$0x3FB8] =	sst s0;
	s0 =	simm.s32 @!p1 $0x0  }
0x14: {  	s2 =	sld [smem:$0x3F9C];
	s0 =	simm.s32 @p1 $0x1  }
0x15: {  	[smem:$0x3FB9] =	sst s0;
	s0 =	simm.s32 @!p2 $0x0  }
0x16: {  	s3 =	sld [smem:$0x3FDB];
	s0 =	simm.s32 @p2 $0x1  }
0x17: {  	s4 =	simm.s32 $0x1BF5;
	[smem:$0x3FBB] =	sst s0  }
0x18: {  	s0 =	sld [smem:$0x3F9E];
	_ =	swait.ge [sflag:s4], $0x0  }
0x19: {  	s7 =	sld [smem:$0x3F9F]  }
0x1a: {  	s8 =	sadd.s32 $0xFFFFE003, lr  }
0x1b: {  	s9 =	sadd.s32 $0xFFFFFEF7, lr;
	s5 =	simm.s32 $0xFFFFFFFF;
	p2 =	slt.u32 s8, $0xFFFFF086  }
0x1c: {  	p1 =	slt.u32 s9, $0xF7A;
	s5 =	simm.s32 @!p2 $0x0  }
0x1d: {  	s5 =	simm.s32 @p1 $0x1;
	p0 =	seq.s32 s7, s2  }
0x1e: {  	s7 =	smul.u32 @!p0 $0xF7A, s2;
	p2 =	seq.s32 @!p0 s5, $0x0  }
0x1f: {  	s9 =	smul.u32 $0xF7A, s1;
	s8 =	simm.s32 @!p0 $0x1BF5;
	p2 =	por !p2, p0  }
0x20: {  	[sflag:s8] =	ssyncset.s32 @!p0 $0xFFFFF086;
	s6 =	sadd.s32 @!p0 s3, s7;
	s7 =	simm.s32 @!p0 $0x108  }
0x21: {  	s3 =	sadd.s32 s3, s9;
	s6 =	sadd.s32 @!p0 $0x88, s6;
	s7 =	simm.s32 @p2 $0x1082  }
0x22: {  	[simem:s7], [sflag:s8] =	dma.local @!p0 [hbm:s6], $0xF7A  }
0x23: {  	s9 =	sor.u32 $0xD0000000, s2;
	s6 =	simm.s32 $0x108;
	_ =	swait.ge @!p0 [sflag:s8], $0x0  }
0x24: {  	s3 =	sadd.s32 $0x88, s3;
	s6 =	simm.s32 @!p1 $0x1082;
	[sflag:s4] =	ssyncset.s32 $0xFFFFF086  }
0x25: {  	[simem:s6], [sflag:s4] =	dma.local [hbm:s3], $0xF7A  }
0x26: {  	[smem:$0x3F9F] =	sst s1;
	(tag) =	ssettag s2;
	_ =	strace s9  }
0x27: {  	s1 =	sld [smem:$0x3FAF]  }
0x28: {  	s2 =	sld [smem:$0x3FB0]  }
0x29: {  	s4 =	sld [smem:$0x3FB2]  }
0x2a: {  	p0 =	seq.s32 s5, $0x0;
	s5 =	sld [smem:$0x3FB3]  }
0x2b: {  	s6 =	sld [smem:$0x3FB4]  }
0x2c: {  	s7 =	sld [smem:$0x3FB5]  }
0x2d: {  	s3 =	simm.s32 $0x108;
	s8 =	sld [smem:$0x3FB6]  }
0x2e: {  	s3 =	simm.s32 @!p0 $0x1082;
	s9 =	sld [smem:$0x3FB7]  }
0x2f: {  	lr =	sadd.s32 s0, s3;
	s0 =	sld [smem:$0x3FAE]  }
0x30: {  	s3 =	sld [smem:$0x3FB1]  }
0x31: {  	[smem:$0x3FBA] =	sst s10  }
0x32: {  	s10 =	sld [smem:$0x3FB8];
	_ =	sdelay $0x3  }
0x33: {  	p0 =	seq.s32 s10, $0x1;
	s10 =	sld [smem:$0x3FBA];
	_ =	sdelay $0x3  }
0x34: {  	[smem:$0x3FBA] =	sst s10  }
0x35: {  	s10 =	sld [smem:$0x3FB9];
	_ =	sdelay $0x3  }
0x36: {  	p1 =	seq.s32 s10, $0x1;
	s10 =	sld [smem:$0x3FBA];
	_ =	sdelay $0x3  }
0x37: {  	[smem:$0x3FBA] =	sst s10  }
0x38: {  	s10 =	sld [smem:$0x3FBB]  }
0x39: {  	_ = 	snop;
	(pc) =	sbr.ind lr, $3  }
0x3a: {  	_ = 	snop  }
0x3b: {  	_ = 	snop  }
0x3c: {  	p2 =	seq.s32 s10, $0x1;
	s10 =	sld [smem:$0x3FBA]  }
0x3d: {  	_ =	shalt  }
0x3e: {  	_ =	shalt  }
0x3f: {  	_ =	shalt  }
0x40: {  	_ =	shalt  }
0x41: {  	_ =	shalt  }
0x42: {  	_ =	shalt  }
0x43: {  	_ =	shalt  }
0x44: {  	_ =	shalt  }
0x45: {  	_ =	shalt  }
0x46: {  	_ =	shalt  }
0x47: {  	_ =	shalt  }
0x48: {  	_ =	shalt  }
0x49: {  	_ =	shalt  }
0x4a: {  	_ =	shalt  }
0x4b: {  	_ =	shalt  }
0x4c: {  	_ =	shalt  }
0x4d: {  	_ =	shalt  }
0x4e: {  	_ =	shalt  }
0x4f: {  	_ =	shalt  }
0x50: {  	_ =	shalt  }
0x51: {  	_ =	shalt  }
0x52: {  	_ =	shalt  }
0x53: {  	_ =	shalt  }
0x54: {  	_ =	shalt  }
0x55: {  	_ =	shalt  }
0x56: {  	_ =	shalt  }
0x57: {  	_ =	shalt  }
0x58: {  	_ =	shalt  }
0x59: {  	_ =	shalt  }
0x5a: {  	_ =	shalt  }
0x5b: {  	_ =	shalt  }
0x5c: {  	_ =	shalt  }
0x5d: {  	_ =	shalt  }
0x5e: {  	_ =	shalt  }
0x5f: {  	_ =	shalt  }
0x60: {  	_ =	shalt  }
0x61: {  	_ =	shalt  }
0x62: {  	_ =	shalt  }
0x63: {  	_ =	shalt  }
0x64: {  	_ =	shalt  }
0x65: {  	_ =	shalt  }
0x66: {  	_ =	shalt  }
0x67: {  	_ =	shalt  }
0x68: {  	_ =	shalt  }
0x69: {  	_ =	shalt  }
0x6a: {  	_ =	shalt  }
0x6b: {  	_ =	shalt  }
0x6c: {  	_ =	shalt  }
0x6d: {  	_ =	shalt  }
0x6e: {  	_ =	shalt  }
0x6f: {  	_ =	shalt  }
0x70: {  	_ =	shalt  }
0x71: {  	_ =	shalt  }
0x72: {  	_ =	shalt  }
0x73: {  	_ =	shalt  }
0x74: {  	_ =	shalt  }
0x75: {  	_ =	shalt  }
0x76: {  	_ =	shalt  }
0x77: {  	_ =	shalt  }
0x78: {  	_ =	shalt  }
0x79: {  	_ =	shalt  }
0x7a: {  	_ =	shalt  }
0x7b: {  	_ =	shalt  }
0x7c: {  	_ =	shalt  }
0x7d: {  	_ =	shalt  }
0x7e: {  	_ =	shalt  }
0x7f: {  	_ =	shalt  }
0x80: {  	_ =	shalt  }
0x81: {  	_ =	shalt  }
0x82: {  	_ =	shalt  }
0x83: {  	_ =	shalt  }
0x84: {  	_ =	shalt  }
0x85: {  	_ =	shalt  }
0x86: {  	_ =	shalt  }
0x87: {  	_ =	shalt  }
.Lfunc_end0:
.L_simem_size_0:
called_computation_lowered:
.L_overlay_start_0:
0x88: {  	s2 =	sld [smem:$0x3FD9]  }
0x89: {  	s3 =	sld [smem:$0x3FFE];
	_ =	sdelay $0x1  }
0x8a: {  	s1 =	srdreg.scid  }
0x8b: {  	s0 =	sand.u32 $0x1, s1  }
0x8c: {  	s17 =	sshll.u32 s0, $0xA;
	s2 =	sadd.s32 s3, s2  }
0x8d: {  	s2 =	sadd.s32 s2, s17  }
0x8e: {  	[smem:$0x3FC6] =	sst s2  }
0x8f: {  	_ = 	snop  }
0x90: {  	s2 =	sld [smem:$0x3FD0];
	(tm) =	ssettm $0x1  }
0x91: {  	s18 =	sld [smem:$0x3FFB];
	_ =	sdelay $0x3  }
0x92: {  	_ =	strace s18  }
0x93: {  	s3 =	sld [smem:$0x3FFC];
	_ =	sdelay $0x3  }
0x94: {  	_ =	strace s3  }
0x95: {  	s3 =	sld [smem:$0x3FFD];
	_ =	sdelay $0x3  }
0x96: {  	_ =	strace s3  }
0x97: {  	_ =	strace $0x8FFFFFFF  }
0x98: {  	s19 =	sld [smem:$0x3FDB];
	_ =	sdelay $0x1  }
0x99: {  	s4 =	simm.s32 $_scs_section_size  }
0x9a: {  	s5 =	simm.s32 $_size__tile_overlayer_lowered;
	s6 =	simm.s32 $_tile_overlayer_lowered  }
0x9b: {  	s22 =	simm.s32 $0x1BFF;
	s21 =	sshll.u32 s6, $0x1;
	s3 =	sadd.s32 s4, s19  }
0x9c: {  	s7 =	simm.s32 $0x0;
	s20 =	sshll.u32 s5, $0x1;
	s5 =	sadd.s32 s21, s3  }
0x9d: {  	[timem:s7], [sflag:s22] =	dma.local [hbm:s5], s20  }
0x9e: {  	_ =	swait.ge [sflag:s22], s20  }
0x9f: {  	s4 =	ssub.s32 $0x0, s20;
	[sflag:s22] =	ssyncset.done $0x0  }
0xa0: {  	[sflag:s22] =	ssyncadd.s32 s4;
	_ =	sdelay $0x1  }
0xa1: {  	s23 =	simm.s32 $0x1B8B  }
0xa2: {  	_ =	swait.ge [sflag:s23], $0x1  }
0xa3: {  	[sflag:s23] =	ssyncset.done $0x0  }
0xa4: {  	s25 =	simm.s32 $0x1B8E;
	s24 =	sld [smem:$0x3FFE];
	[sflag:s23] =	ssyncadd.s32 $0xFFFFFFFF  }
0xa5: {  	s26 =	simm.s32 $execute0_lowered;
	[smem:$0x3FD2] =	sst s25  }
0xa6: {  	s5 =	sshll.u32 s26, $0x1;
	_ =	strace $0x80000046;
	[dreg:$0x1] =	wrdreg $0xFFFFFFFF  }
0xa7: {  	s28 =	simm.s32 $_size_execute0_lowered;
	s3 =	sadd.s32 s3, s5;
	[dreg:$0x0] =	wrdreg $0x0  }
0xa8: {  	s5 =	sshll.u32 s28, $0x1;
	[dreg:$0x2] =	wrdreg s3  }
0xa9: {  	[dreg:$0x3] =	wrdreg s5  }
0xaa: {  	[dreg:$0x4] =	wrdreg $0xC0  }
0xab: {  	_ =	task [dreg:s7], $0x5FFFF  }
0xac: {  	[dreg:$0x1] =	wrdreg $0xFFFFFFFF  }
0xad: {  	[dreg:$0x0] =	wrdreg $0x60  }
0xae: {  	[dreg:$0x2] =	wrdreg s24  }
0xaf: {  	[dreg:$0x3] =	wrdreg s2  }
0xb0: {  	[dreg:$0x4] =	wrdreg $0x9  }
0xb1: {  	_ =	task.clear_ibuf [dreg:s7], $0x5FFFF;
	_ =	strace $0x90000046  }
0xb2: {  	s29 =	simm.s32 $0x9;
	_ =	strace $0x80000048  }
0xb3: {  	_ =	swait.ge [sflag:s29], $0x1  }
0xb4: {  	[sflag:s29] =	ssyncadd.s32 $0xFFFFFFFF  }
0xb5: {  	_ =	strace $0x90000048  }
0xb6: {  	_ =	sfence  }
0xb7: {  	s30 =	sld [smem:$0x0];
	_ =	sdelay $0x2  }
0xb8: {  	s31 =	sshll.u32 s1, $0xD;
	s1 =	sshrl.u32 s1, $0x2  }
0xb9: {  	s3 =	sand.u32 $0x4000, s31;
	s1 =	sadd.s32 s1, s30  }
0xba: {  	s0 =	sor.u32 s3, s0;
	s1 =	sshll.u32 s1, $0x11  }
0xbb: {  	s0 =	sor.u32 s1, s0  }
0xbc: {  	s0 =	sadd.s32 $0x8F2B, s0  }
0xbd: {  	[sflag:s0] =	ssyncadd.remote.s32 $0x1  }
0xbe: {  	_ =	sfence.sel $0xFFFF  }
0xbf: {  	[dreg:$0x0] =	wrdreg $0xFFFFFFFF;
	(pc) =	sbr.abs _section_cstart, $3  }
0xc0: {  	[dreg:$0x1] =	wrdreg $0xFFFFFFFF  }
0xc1: {  	_ =	task.clear_ibuf [dreg:s7], $0x2FFFF;
	_ =	strace $0x9FFFFFFF  }
0xc2: {  	(tm) =	ssettm $0x7FFFFFFF  }
0xc3: {  	_ =	shalt  }
tec
execute0_lowered:
.L_overlay_start_1:
0x0: {  	(tag) =	ssettag $0x1  }
0x1: {  	s0 =	rddreg [dreg:$0x0]  }
0x2: {  	s5 =	rddreg [dreg:$0x1];
	s1 =	srdreg.scid  }
0x3: {  	s2 =	stileid.u32;
	s3 =	simm.s32 $0x0;
	s1 =	sand.u32 $0x1, s1  }
0x4: {  	s2 =	sshll.u32 s2, $0x1;
	[smem:$0x7FF] =	sst s3;
	s22 =	sadd.s32 $0x1200, s0  }
0x5: {  	s7 =	sadd.s32 $0x800, s0;
	s31 =	sadd.s32 $0x1000, s5;
	s2 =	sor.u32 s1, s2  }
0x6: {  	_ =	strace $0x80000047;
	[dreg:$0x4] =	wrdreg s22;
	s6 =	smul.u32 $0x28, s2  }
0x7: {  	s23 =	ssub.s32 $0x2, s1;
	[dreg:$0x5] =	wrdreg s7;
	s4 =	smul.u32 $0x5000, s2  }
0x8: {  	[dreg:$0x9] =	wrdreg s31;
	s1 =	sshrl.u32 s23, $0x1;
	s2 =	smul.u32 $0x50000, s2  }
0x9: {  	s0 =	ssub.s32 s23, s1;
	[dreg:$0x3] =	wrdreg s6;
	s26 =	sshrl.u32 s6, $0x6  }
0xa: {  	s24 =	sshll.u32 s6, $0x1;
	s29 =	sadd.s32 s5, s2;
	[dreg:$0x6] =	wrdreg s26  }
0xb: {  	s28 =	sand.u32 $0x7000, s4;
	s2 =	sadd.s32 s2, s31;
	[dreg:$0x8] =	wrdreg s29  }
0xc: {  	s0 =	smax.u32 s0, $0x1;
	s25 =	sand.u32 $0xF80, s24;
	[dreg:$0xa] =	wrdreg s2  }
0xd: {  	s30 =	sor.u32 $0x100, s28;
	[dreg:$0xb] =	wrdreg s0;
	s1 =	sadd.s32 s7, s25  }
0xe: {  	s13 =	simm.s32 $0x400;
	v0 =	vmov s28;
	s2 =	simm.s32 $0x0;
	v1 =	vmov s30;
	[dreg:$0x7] =	wrdreg s1  }
.LBB2_1:
0xf: {  	[dreg:$0xc] =	wrdreg s2  }
0x10: {  	s4 =	simm.s32 $0x0;
	s0 =	rddreg [dreg:$0x4];
	s1 =	simm.s32 $0x3  }
0x11: {  	[tilespmem:s13], [sflag:$0x3] =	stream.linear.gather [hbm4b:s0+s4], $0x8000, $0x38;
	[tilespmem:$0x18400] =	vst v63  }
0x12: {  	_ =	swait.ge [sflag:s1], $0x8000  }
0x13: {  	[sflag:s1] =	ssyncset.done $0x0  }
0x14: {  	s31 =	rddreg [dreg:$0x7];
	[sflag:s1] =	ssyncadd.s32 $0xFFFF8000  }
0x15: {  	[tilespmem:s4], [sflag:$0x3] =	stream.linear.gather [hbm4b:s31+s4], $0x400, $0x38;
	[tilespmem:$0x18400] =	vst v63  }
0x16: {  	s9 =	sand.u32 $0x60, s4;
	_ =	swait.ge [sflag:s1], $0x400  }
0x17: {  	s2 =	sand.u32 $0x380, s4;
	s28 =	sor.u32 $0x10, s9;
	[sflag:s1] =	ssyncset.done $0x0  }
0x18: {  	s0 =	sor.u32 s28, s2;
	[sflag:s1] =	ssyncadd.s32 $0xFFFFFC00  }
0x19: {  	v6 =	vld [tilespmem:s0+$0x0];
	_ =	sdelay $0x4  }
0x1a: {  	v13 =	vadd.s32 v0, v6;
	_ =	sdelay $0x2  }
0x1b: {  	v5 =	vld [tilespmem:s4+$0x0];
	_ =	sdelay $0x1  }
0x1c: {  	v2 =	vld.idx.msk [tilespmem:v13+s13+$0x0], $0xffff  }
0x1d: {  	v3 =	vadd.s32 $0x8, v13  }
0x1e: {  	s11 =	sand.u32 $0x1C00, s4  }
0x1f: {  	s3 =	sadd.s32 $0x8400, s11;
	v4 =	vadd.s32 v0, v5  }
0x20: {  	s5 =	sor.u32 s28, s3  }
0x21: {  	[tilespmem:s5+$0x0] =	vst v2  }
0x22: {  	v2 =	vld.idx.msk [tilespmem:v3+s13+$0x0], $0xffff  }
0x23: {  	v3 =	vadd.s32 $0x10, v13  }
0x24: {  	v7 =	vld.idx.msk [tilespmem:v4+s13+$0x0], $0xffff  }
0x25: {  	v8 =	vadd.s32 $0x8, v4;
	_ =	sdelay $0x1  }
0x26: {  	[tilespmem:s5+$0x80] =	vst v2  }
0x27: {  	s6 =	sor.u32 s9, s3;
	v2 =	vld.idx.msk [tilespmem:v3+s13+$0x0], $0xffff  }
0x28: {  	[tilespmem:s6+$0x0] =	vst v7;
	v3 =	vadd.s32 $0x18, v13  }
0x29: {  	v7 =	vld.idx.msk [tilespmem:v8+s13+$0x0], $0xffff  }
0x2a: {  	v8 =	vadd.s32 $0x10, v4;
	_ =	sdelay $0x1  }
0x2b: {  	[tilespmem:s5+$0x100] =	vst v2  }
0x2c: {  	v2 =	vld.idx.msk [tilespmem:v3+s13+$0x0], $0xffff  }
0x2d: {  	[tilespmem:s6+$0x80] =	vst v7;
	v3 =	vadd.s32 $0x20, v13  }
0x2e: {  	v7 =	vld.idx.msk [tilespmem:v8+s13+$0x0], $0xffff  }
0x2f: {  	v8 =	vadd.s32 $0x18, v4;
	_ =	sdelay $0x1  }
0x30: {  	[tilespmem:s5+$0x180] =	vst v2  }
0x31: {  	v2 =	vld.idx.msk [tilespmem:v3+s13+$0x0], $0xffff  }
0x32: {  	[tilespmem:s6+$0x100] =	vst v7;
	v3 =	vadd.s32 $0x28, v13  }
0x33: {  	v7 =	vld.idx.msk [tilespmem:v8+s13+$0x0], $0xffff  }
0x34: {  	v8 =	vadd.s32 $0x20, v4;
	_ =	sdelay $0x1  }
0x35: {  	[tilespmem:s5+$0x200] =	vst v2  }
0x36: {  	v2 =	vld.idx.msk [tilespmem:v3+s13+$0x0], $0xffff  }
0x37: {  	[tilespmem:s6+$0x180] =	vst v7;
	v3 =	vadd.s32 $0x30, v13  }
0x38: {  	v7 =	vld.idx.msk [tilespmem:v8+s13+$0x0], $0xffff  }
0x39: {  	v8 =	vadd.s32 $0x28, v4;
	_ =	sdelay $0x1  }
0x3a: {  	[tilespmem:s5+$0x280] =	vst v2  }
0x3b: {  	s7 =	sand.u32 $0x3, s4;
	v2 =	vld.idx.msk [tilespmem:v3+s13+$0x0], $0xffff  }
0x3c: {  	s0 =	sshll.u32 s7, $0x5;
	[tilespmem:s6+$0x200] =	vst v7;
	v3 =	vadd.s32 $0x38, v13  }
0x3d: {  	s8 =	sadd.s32 $0x0, s0;
	v7 =	vld.idx.msk [tilespmem:v8+s13+$0x0], $0xffff  }
0x3e: {  	s3 =	sadd.s32 $0x10, s8;
	v8 =	vadd.s32 $0x30, v4  }
0x3f: {  	s10 =	sor.u32 $0x300, s3  }
0x40: {  	[tilespmem:s10+$0x8400] =	vst v2  }
0x41: {  	v2 =	vld.idx.msk [tilespmem:v3+s13+$0x0], $0xffff  }
0x42: {  	s0 =	simm.s32 $0x20;
	[tilespmem:s6+$0x280] =	vst v7;
	v3 =	vadd.s32 $0x40, v13  }
0x43: {  	s20 =	sand.u32 $0x60, s0;
	v9 =	vld.idx.msk [tilespmem:v8+s13+$0x0], $0xffff  }
0x44: {  	s12 =	sand.u32 $0x380, s0;
	s21 =	sor.u32 $0x10, s20;
	v10 =	vadd.s32 $0x38, v4  }
0x45: {  	s3 =	sor.u32 $0x380, s3;
	s2 =	sor.u32 s21, s12;
	v7 =	vld [tilespmem:s0+$0x0]  }
0x46: {  	v8 =	vld [tilespmem:s2+$0x0];
	[tilespmem:s3+$0x8400] =	vst v2  }
0x47: {  	s1 =	sor.u32 $0x300, s8;
	v11 =	vld.idx.msk [tilespmem:v3+s13+$0x0], $0xffff  }
0x48: {  	[tilespmem:s1+$0x8400] =	vst v9;
	v9 =	vadd.s32 $0x48, v13  }
0x49: {  	v10 =	vld.idx.msk [tilespmem:v10+s13+$0x0], $0xffff  }
0x4a: {  	s14 =	sadd.s32 $0xA400, s11;
	v12 =	vadd.s32 $0x40, v4  }
0x4b: {  	s15 =	sor.u32 s28, s14;
	v3 =	vadd.s32 v0, v8  }
0x4c: {  	s16 =	sor.u32 s4, s4;
	v2 =	vadd.s32 v0, v7;
	[tilespmem:s15+$0x0] =	vst v11  }
0x4d: {  	s17 =	sor.u32 $0x380, s16;
	v9 =	vld.idx.msk [tilespmem:v9+s13+$0x0], $0xffff  }
0x4e: {  	[tilespmem:s17+$0x8400] =	vst v10;
	v10 =	vadd.s32 $0x50, v13  }
0x4f: {  	v11 =	vld.idx.msk [tilespmem:v12+s13+$0x0], $0xffff  }
0x50: {  	s18 =	sadd.s32 $0xA480, s11;
	v12 =	vadd.s32 $0x48, v4;
	v14 =	vld.idx.msk [tilespmem:v3+s13+$0x0], $0xffff  }
0x51: {  	s19 =	sor.u32 s28, s18;
	s2 =	simm.s32 $0x100;
	v16 =	vadd.s32 $0x8, v3;
	v15 =	vld.idx.msk [tilespmem:v2+s13+$0x0], $0xffff  }
0x52: {  	s22 =	sand.u32 $0x1C00, s2;
	[tilespmem:s19+$0x0] =	vst v9;
	v9 =	vadd.s32 $0x8, v2  }
0x53: {  	s5 =	sadd.s32 $0x8400, s22;
	s1 =	sor.u32 s9, s14;
	v10 =	vld.idx.msk [tilespmem:v10+s13+$0x0], $0xffff  }
0x54: {  	s23 =	sor.u32 s21, s5;
	[tilespmem:s1+$0x0] =	vst v11;
	v11 =	vadd.s32 $0x58, v13  }
0x55: {  	s24 =	sor.u32 s20, s5;
	[tilespmem:s23+$0x0] =	vst v14;
	v12 =	vld.idx.msk [tilespmem:v12+s13+$0x0], $0xffff  }
0x56: {  	s25 =	sadd.s32 $0xA500, s11;
	[tilespmem:s24+$0x0] =	vst v15;
	v14 =	vadd.s32 $0x50, v4;
	v16 =	vld.idx.msk [tilespmem:v16+s13+$0x0], $0xffff  }
0x57: {  	s6 =	sor.u32 s28, s25;
	v15 =	vadd.s32 $0x10, v3;
	v9 =	vld.idx.msk [tilespmem:v9+s13+$0x0], $0xffff  }
0x58: {  	[tilespmem:s6+$0x0] =	vst v10;
	v10 =	vadd.s32 $0x10, v2  }
0x59: {  	s4 =	sor.u32 s9, s18;
	v11 =	vld.idx.msk [tilespmem:v11+s13+$0x0], $0xffff  }
0x5a: {  	[tilespmem:s4+$0x0] =	vst v12;
	v12 =	vadd.s32 $0x60, v13  }
0x5b: {  	[tilespmem:s23+$0x80] =	vst v16;
	v14 =	vld.idx.msk [tilespmem:v14+s13+$0x0], $0xffff  }
0x5c: {  	s26 =	sadd.s32 $0xA580, s11;
	v16 =	vadd.s32 $0x58, v4;
	v15 =	vld.idx.msk [tilespmem:v15+s13+$0x0], $0xffff;
	[tilespmem:s24+$0x80] =	vst v9  }
0x5d: {  	s29 =	sor.u32 s28, s26;
	v9 =	vld.idx.msk [tilespmem:v10+s13+$0x0], $0xffff;
	v10 =	vadd.s32 $0x18, v3  }
0x5e: {  	[tilespmem:s29+$0x0] =	vst v11;
	v11 =	vadd.s32 $0x18, v2  }
0x5f: {  	s5 =	sor.u32 s9, s25;
	v12 =	vld.idx.msk [tilespmem:v12+s13+$0x0], $0xffff  }
0x60: {  	[tilespmem:s5+$0x0] =	vst v14;
	v14 =	vadd.s32 $0x68, v13  }
0x61: {  	[tilespmem:s23+$0x100] =	vst v15;
	v16 =	vld.idx.msk [tilespmem:v16+s13+$0x0], $0xffff  }
0x62: {  	s30 =	sadd.s32 $0xA600, s11;
	v15 =	vadd.s32 $0x60, v4;
	v10 =	vld.idx.msk [tilespmem:v10+s13+$0x0], $0xffff;
	[tilespmem:s24+$0x100] =	vst v9  }
0x63: {  	s31 =	sor.u32 s28, s30;
	v9 =	vld.idx.msk [tilespmem:v11+s13+$0x0], $0xffff;
	v11 =	vadd.s32 $0x20, v3  }
0x64: {  	[tilespmem:s31+$0x0] =	vst v12;
	v12 =	vadd.s32 $0x20, v2  }
0x65: {  	s4 =	sor.u32 s9, s26;
	v14 =	vld.idx.msk [tilespmem:v14+s13+$0x0], $0xffff  }
0x66: {  	[tilespmem:s4+$0x0] =	vst v16;
	v16 =	vadd.s32 $0x70, v13  }
0x67: {  	v15 =	vld.idx.msk [tilespmem:v15+s13+$0x0], $0xffff;
	[tilespmem:s23+$0x180] =	vst v10  }
0x68: {  	s7 =	sadd.s32 $0xA680, s11;
	v10 =	vadd.s32 $0x68, v4;
	v11 =	vld.idx.msk [tilespmem:v11+s13+$0x0], $0xffff;
	[tilespmem:s24+$0x180] =	vst v9  }
0x69: {  	s8 =	sor.u32 s28, s7;
	v9 =	vld.idx.msk [tilespmem:v12+s13+$0x0], $0xffff;
	v12 =	vadd.s32 $0x28, v3  }
0x6a: {  	[tilespmem:s8+$0x0] =	vst v14;
	v14 =	vadd.s32 $0x28, v2  }
0x6b: {  	s5 =	sor.u32 s9, s30;
	v16 =	vld.idx.msk [tilespmem:v16+s13+$0x0], $0xffff  }
0x6c: {  	[tilespmem:s5+$0x0] =	vst v15;
	v15 =	vadd.s32 $0x78, v13  }
0x6d: {  	v10 =	vld.idx.msk [tilespmem:v10+s13+$0x0], $0xffff;
	[tilespmem:s23+$0x200] =	vst v11  }
0x6e: {  	s10 =	sadd.s32 $0xA700, s11;
	v11 =	vadd.s32 $0x70, v4;
	v12 =	vld.idx.msk [tilespmem:v12+s13+$0x0], $0xffff;
	[tilespmem:s24+$0x200] =	vst v9  }
0x6f: {  	s12 =	sor.u32 s28, s10;
	v9 =	vld.idx.msk [tilespmem:v14+s13+$0x0], $0xffff;
	v14 =	vadd.s32 $0x30, v3  }
0x70: {  	v6 =	vand.u32 $0x7F, v6;
	v17 =	vand.u32 $0xFFFFFF80, v13;
	[tilespmem:s12+$0x0] =	vst v16;
	v16 =	vadd.s32 $0x30, v2  }
0x71: {  	v6 =	vor.u32 v6, v17;
	s4 =	sor.u32 s9, s7;
	v15 =	vld.idx.msk [tilespmem:v15+s13+$0x0], $0xffff  }
0x72: {  	v6 =	vadd.s32 $0x80, v6;
	[tilespmem:s4+$0x0] =	vst v10  }
0x73: {  	s14 =	simm.s32 $0x1;
	v10 =	vld.idx.msk [tilespmem:v11+s13+$0x0], $0xffff;
	[tilespmem:s23+$0x280] =	vst v12  }
0x74: {  	s3 =	sand.u32 $0x3, s14;
	s15 =	sadd.s32 $0xA780, s11;
	v11 =	vadd.s32 $0x78, v4;
	v12 =	vld.idx.msk [tilespmem:v14+s13+$0x0], $0xffff;
	[tilespmem:s24+$0x280] =	vst v9  }
0x75: {  	s16 =	sshll.u32 s3, $0x5;
	s17 =	sor.u32 s28, s15;
	v14 =	vadd.s32 $0x38, v3;
	v9 =	vld.idx.msk [tilespmem:v16+s13+$0x0], $0xffff  }
0x76: {  	s1 =	sadd.s32 $0x100, s16;
	[tilespmem:s17+$0x0] =	vst v15;
	v15 =	vadd.s32 $0x38, v2  }
0x77: {  	s18 =	sor.u32 s9, s10;
	s19 =	sadd.s32 $0x10, s1;
	v6 =	vld.idx.msk [tilespmem:v6+s13+$0x0], $0xffff  }
0x78: {  	v5 =	vand.u32 $0x7F, v5;
	s25 =	sor.u32 $0x300, s19;
	s26 =	sor.u32 $0x300, s1;
	s1 =	simm.s32 $0x40;
	v16 =	vadd.s32 $0x88, v13;
	[tilespmem:s18+$0x0] =	vst v10;
	v10 =	vand.u32 $0xFFFFFF80, v4  }
0x79: {  	s23 =	sand.u32 $0x60, s1;
	v11 =	vld.idx.msk [tilespmem:v11+s13+$0x0], $0xffff;
	v5 =	vor.u32 v5, v10;
	[tilespmem:s25+$0x8400] =	vst v12  }
0x7a: {  	s29 =	sadd.s32 $0xC400, s11;
	s7 =	sand.u32 $0x380, s1;
	s24 =	sor.u32 $0x10, s23;
	v5 =	vadd.s32 $0x80, v5;
	v12 =	vld.idx.msk [tilespmem:v14+s13+$0x0], $0xffff;
	[tilespmem:s26+$0x8400] =	vst v9  }
0x7b: {  	s30 =	sor.u32 s28, s29;
	s31 =	sor.u32 s24, s7;
	v14 =	vld.idx.msk [tilespmem:v15+s13+$0x0], $0xffff;
	v15 =	vadd.s32 $0x40, v3  }
0x7c: {  	v10 =	vld [tilespmem:s31+$0x0];
	[tilespmem:s30+$0x0] =	vst v6;
	v6 =	vadd.s32 $0x40, v2  }
0x7d: {  	s4 =	sor.u32 s9, s15;
	v16 =	vld.idx.msk [tilespmem:v16+s13+$0x0], $0xffff  }
0x7e: {  	s0 =	sor.u32 s2, s0;
	s5 =	sor.u32 $0x380, s19;
	v9 =	vld [tilespmem:s1+$0x0];
	[tilespmem:s4+$0x0] =	vst v11;
	v11 =	vadd.s32 $0x90, v13  }
0x7f: {  	s0 =	sor.u32 $0x380, s0;
	v5 =	vld.idx.msk [tilespmem:v5+s13+$0x0], $0xffff;
	[tilespmem:s5+$0x8400] =	vst v12  }
0x80: {  	s6 =	sadd.s32 $0xC480, s11;
	v12 =	vadd.s32 $0x88, v4;
	v15 =	vld.idx.msk [tilespmem:v15+s13+$0x0], $0xffff;
	[tilespmem:s0+$0x8400] =	vst v14  }
0x81: {  	v17 =	vadd.s32 $0x48, v3;
	s7 =	sor.u32 s28, s6;
	v14 =	vld.idx.msk [tilespmem:v6+s13+$0x0], $0xffff  }
0x82: {  	[tilespmem:s7+$0x0] =	vst v16;
	v16 =	vadd.s32 $0x48, v2  }
0x83: {  	s10 =	sadd.s32 $0xA400, s22;
	s8 =	sor.u32 s9, s29;
	v6 =	vadd.s32 v0, v10;
	v11 =	vld.idx.msk [tilespmem:v11+s13+$0x0], $0xffff  }
0x84: {  	v18 =	vadd.s32 $0x98, v13;
	s12 =	sor.u32 s21, s10;
	[tilespmem:s8+$0x0] =	vst v5  }
0x85: {  	s3 =	sor.u32 s20, s10;
	v5 =	vadd.s32 v0, v9;
	v12 =	vld.idx.msk [tilespmem:v12+s13+$0x0], $0xffff;
	[tilespmem:s12+$0x0] =	vst v15  }
0x86: {  	s14 =	sadd.s32 $0xC500, s11;
	v15 =	vld.idx.msk [tilespmem:v17+s13+$0x0], $0xffff;
	v17 =	vadd.s32 $0x90, v4;
	[tilespmem:s3+$0x0] =	vst v14  }
0x87: {  	s15 =	sor.u32 s28, s14;
	v14 =	vld.idx.msk [tilespmem:v16+s13+$0x0], $0xffff;
	v16 =	vadd.s32 $0x50, v3  }
0x88: {  	v19 =	vld.idx.msk [tilespmem:v6+s13+$0x0], $0xffff;
	[tilespmem:s15+$0x0] =	vst v11;
	v11 =	vadd.s32 $0x50, v2  }
0x89: {  	s2 =	simm.s32 $0x200;
	s16 =	sadd.s32 $0xA480, s22;
	s0 =	sor.u32 s9, s6;
	v20 =	vadd.s32 $0x8, v6;
	v18 =	vld.idx.msk [tilespmem:v18+s13+$0x0], $0xffff  }
0x8a: {  	s17 =	sor.u32 s21, s16;
	s25 =	sand.u32 $0x1C00, s2;
	v21 =	vld.idx.msk [tilespmem:v5+s13+$0x0], $0xffff;
	[tilespmem:s0+$0x0] =	vst v12;
	v12 =	vadd.s32 $0xA0, v13  }
0x8b: {  	s19 =	sor.u32 s20, s16;
	s18 =	sadd.s32 $0x8400, s25;
	v17 =	vld.idx.msk [tilespmem:v17+s13+$0x0], $0xffff;
	[tilespmem:s17+$0x0] =	vst v15;
	v15 =	vadd.s32 $0x8, v5  }
0x8c: {  	s26 =	sadd.s32 $0xC580, s11;
	s3 =	sor.u32 s24, s18;
	v16 =	vld.idx.msk [tilespmem:v16+s13+$0x0], $0xffff;
	[tilespmem:s19+$0x0] =	vst v14;
	v14 =	vadd.s32 $0x98, v4  }
0x8d: {  	s29 =	sor.u32 s28, s26;
	[tilespmem:s3+$0x0] =	vst v19;
	v19 =	vadd.s32 $0x58, v3;
	v11 =	vld.idx.msk [tilespmem:v11+s13+$0x0], $0xffff  }
0x8e: {  	s0 =	sor.u32 s23, s18;
	v20 =	vld.idx.msk [tilespmem:v20+s13+$0x0], $0xffff;
	[tilespmem:s29+$0x0] =	vst v18;
	v18 =	vadd.s32 $0x58, v2  }
0x8f: {  	s30 =	sadd.s32 $0xA500, s22;
	s4 =	sor.u32 s9, s14;
	[tilespmem:s0+$0x0] =	vst v21;
	v21 =	vadd.s32 $0x10, v6;
	v12 =	vld.idx.msk [tilespmem:v12+s13+$0x0], $0xffff  }
0x90: {  	s31 =	sor.u32 s21, s30;
	v15 =	vld.idx.msk [tilespmem:v15+s13+$0x0], $0xffff;
	[tilespmem:s4+$0x0] =	vst v17;
	v17 =	vadd.s32 $0xA8, v13  }
0x91: {  	s6 =	sor.u32 s20, s30;
	[tilespmem:s31+$0x0] =	vst v16;
	v14 =	vld.idx.msk [tilespmem:v14+s13+$0x0], $0xffff;
	v16 =	vadd.s32 $0x10, v5  }
0x92: {  	s8 =	sadd.s32 $0xC600, s11;
	v19 =	vld.idx.msk [tilespmem:v19+s13+$0x0], $0xffff;
	[tilespmem:s6+$0x0] =	vst v11;
	v11 =	vadd.s32 $0xA0, v4  }
0x93: {  	s10 =	sor.u32 s28, s8;
	[tilespmem:s3+$0x80] =	vst v20;
	v20 =	vadd.s32 $0x60, v3;
	v18 =	vld.idx.msk [tilespmem:v18+s13+$0x0], $0xffff  }
0x94: {  	v21 =	vld.idx.msk [tilespmem:v21+s13+$0x0], $0xffff;
	[tilespmem:s10+$0x0] =	vst v12;
	v12 =	vadd.s32 $0x60, v2  }
0x95: {  	s5 =	sor.u32 s9, s26;
	s12 =	sadd.s32 $0xA580, s22;
	[tilespmem:s0+$0x80] =	vst v15;
	v15 =	vld.idx.msk [tilespmem:v17+s13+$0x0], $0xffff;
	v17 =	vadd.s32 $0x18, v6  }
0x96: {  	s14 =	sor.u32 s21, s12;
	v16 =	vld.idx.msk [tilespmem:v16+s13+$0x0], $0xffff;
	[tilespmem:s5+$0x0] =	vst v14;
	v14 =	vadd.s32 $0xB0, v13  }
0x97: {  	s15 =	sor.u32 s20, s12;
	[tilespmem:s14+$0x0] =	vst v19;
	v11 =	vld.idx.msk [tilespmem:v11+s13+$0x0], $0xffff;
	v19 =	vadd.s32 $0x18, v5  }
0x98: {  	s16 =	sadd.s32 $0xC680, s11;
	v20 =	vld.idx.msk [tilespmem:v20+s13+$0x0], $0xffff;
	[tilespmem:s15+$0x0] =	vst v18  }
0x99: {  	s17 =	sor.u32 s28, s16;
	[tilespmem:s3+$0x100] =	vst v21;
	v18 =	vadd.s32 $0xA8, v4;
	v12 =	vld.idx.msk [tilespmem:v12+s13+$0x0], $0xffff  }
0x9a: {  	v21 =	vadd.s32 $0x68, v3;
	v17 =	vld.idx.msk [tilespmem:v17+s13+$0x0], $0xffff;
	[tilespmem:s17+$0x0] =	vst v15  }
0x9b: {  	s18 =	sadd.s32 $0xA600, s22;
	s4 =	sor.u32 s9, s8;
	v15 =	vadd.s32 $0x68, v2;
	[tilespmem:s0+$0x100] =	vst v16;
	v14 =	vld.idx.msk [tilespmem:v14+s13+$0x0], $0xffff  }
0x9c: {  	s19 =	sor.u32 s21, s18;
	s5 =	simm.s32 $0x60;
	v16 =	vld.idx.msk [tilespmem:v19+s13+$0x0], $0xffff;
	v19 =	vadd.s32 $0x20, v6;
	[tilespmem:s4+$0x0] =	vst v11  }
0x9d: {  	v11 =	vld [tilespmem:s5+$0x0];
	[tilespmem:s19+$0x0] =	vst v20;
	v20 =	vadd.s32 $0xB8, v13  }
0x9e: {  	v22 =	vadd.s32 $0x20, v5;
	s26 =	sor.u32 s20, s18;
	v18 =	vld.idx.msk [tilespmem:v18+s13+$0x0], $0xffff  }
0x9f: {  	s29 =	sadd.s32 $0xC700, s11;
	v21 =	vld.idx.msk [tilespmem:v21+s13+$0x0], $0xffff;
	[tilespmem:s26+$0x0] =	vst v12;
	v12 =	vadd.s32 $0xB0, v4  }
0xa0: {  	s30 =	sor.u32 s28, s29;
	[tilespmem:s3+$0x180] =	vst v17;
	v15 =	vld.idx.msk [tilespmem:v15+s13+$0x0], $0xffff;
	v17 =	vadd.s32 $0x70, v3  }
0xa1: {  	[tilespmem:s30+$0x0] =	vst v14;
	v14 =	vadd.s32 $0x70, v2;
	v19 =	vld.idx.msk [tilespmem:v19+s13+$0x0], $0xffff  }
0xa2: {  	s31 =	sadd.s32 $0xA680, s22;
	s6 =	sor.u32 s9, s16;
	[tilespmem:s0+$0x180] =	vst v16;
	v16 =	vld.idx.msk [tilespmem:v20+s13+$0x0], $0xffff;
	v20 =	vadd.s32 $0x28, v6  }
0xa3: {  	s8 =	sor.u32 s21, s31;
	v22 =	vld.idx.msk [tilespmem:v22+s13+$0x0], $0xffff;
	[tilespmem:s6+$0x0] =	vst v18;
	v18 =	vadd.s32 $0xC0, v13  }
0xa4: {  	s10 =	sor.u32 s20, s31;
	[tilespmem:s8+$0x0] =	vst v21;
	v12 =	vld.idx.msk [tilespmem:v12+s13+$0x0], $0xffff;
	v21 =	vadd.s32 $0x28, v5  }
0xa5: {  	s12 =	sadd.s32 $0xC780, s11;
	v17 =	vld.idx.msk [tilespmem:v17+s13+$0x0], $0xffff;
	[tilespmem:s10+$0x0] =	vst v15;
	v15 =	vadd.s32 $0xB8, v4  }
0xa6: {  	s14 =	sor.u32 s28, s12;
	v14 =	vld.idx.msk [tilespmem:v14+s13+$0x0], $0xffff;
	[tilespmem:s3+$0x200] =	vst v19;
	v19 =	vadd.s32 $0x78, v3  }
0xa7: {  	v20 =	vld.idx.msk [tilespmem:v20+s13+$0x0], $0xffff;
	[tilespmem:s14+$0x0] =	vst v16;
	v16 =	vadd.s32 $0x78, v2  }
0xa8: {  	s15 =	sadd.s32 $0xA700, s22;
	s4 =	sor.u32 s9, s29;
	[tilespmem:s0+$0x200] =	vst v22;
	v22 =	vadd.s32 $0x30, v6;
	v18 =	vld.idx.msk [tilespmem:v18+s13+$0x0], $0xffff  }
0xa9: {  	v7 =	vand.u32 $0x7F, v7;
	s16 =	sor.u32 s21, s15;
	v21 =	vld.idx.msk [tilespmem:v21+s13+$0x0], $0xffff;
	[tilespmem:s4+$0x0] =	vst v12;
	v12 =	vadd.s32 $0xC8, v13  }
0xaa: {  	v8 =	vand.u32 $0x7F, v8;
	v23 =	vand.u32 $0xFFFFFF80, v3;
	s17 =	sor.u32 s20, s15;
	[tilespmem:s16+$0x0] =	vst v17;
	v15 =	vld.idx.msk [tilespmem:v15+s13+$0x0], $0xffff;
	v17 =	vadd.s32 $0x30, v5  }
0xab: {  	v8 =	vor.u32 v8, v23;
	v23 =	vand.u32 $0xFFFFFF80, v2;
	s18 =	sadd.s32 $0xE400, s11;
	[tilespmem:s17+$0x0] =	vst v14;
	v14 =	vadd.s32 $0xC0, v4;
	v19 =	vld.idx.msk [tilespmem:v19+s13+$0x0], $0xffff  }
0xac: {  	v8 =	vadd.s32 $0x80, v8;
	v7 =	vor.u32 v7, v23;
	s19 =	sor.u32 s28, s18;
	s8 =	simm.s32 $0x2;
	[tilespmem:s3+$0x280] =	vst v20;
	v16 =	vld.idx.msk [tilespmem:v16+s13+$0x0], $0xffff  }
0xad: {  	v7 =	vadd.s32 $0x80, v7;
	s26 =	sand.u32 $0x3, s8;
	v20 =	vld.idx.msk [tilespmem:v22+s13+$0x0], $0xffff;
	[tilespmem:s19+$0x0] =	vst v18  }
0xae: {  	s29 =	sadd.s32 $0xA780, s22;
	s6 =	sor.u32 s9, s12;
	s3 =	sshll.u32 s26, $0x5;
	[tilespmem:s0+$0x280] =	vst v21;
	v18 =	vadd.s32 $0x38, v6;
	v12 =	vld.idx.msk [tilespmem:v12+s13+$0x0], $0xffff  }
0xaf: {  	s30 =	sor.u32 s21, s29;
	s3 =	sadd.s32 $0x200, s3;
	v17 =	vld.idx.msk [tilespmem:v17+s13+$0x0], $0xffff;
	[tilespmem:s6+$0x0] =	vst v15;
	v15 =	vadd.s32 $0xD0, v13  }
0xb0: {  	s0 =	sor.u32 s20, s29;
	s31 =	sadd.s32 $0x10, s3;
	v14 =	vld.idx.msk [tilespmem:v14+s13+$0x0], $0xffff;
	[tilespmem:s30+$0x0] =	vst v19;
	v19 =	vadd.s32 $0x38, v5  }
0xb1: {  	s10 =	sadd.s32 $0xE480, s11;
	s12 =	sor.u32 $0x300, s31;
	v8 =	vld.idx.msk [tilespmem:v8+s13+$0x0], $0xffff;
	[tilespmem:s0+$0x0] =	vst v16  }
0xb2: {  	s14 =	sor.u32 s28, s10;
	v16 =	vadd.s32 $0xC8, v4;
	[tilespmem:s12+$0x8400] =	vst v20;
	v7 =	vld.idx.msk [tilespmem:v7+s13+$0x0], $0xffff  }
0xb3: {  	s26 =	sand.u32 $0x60, s5;
	s3 =	sor.u32 $0x300, s3;
	v20 =	vadd.s32 $0x88, v3;
	v18 =	vld.idx.msk [tilespmem:v18+s13+$0x0], $0xffff;
	[tilespmem:s14+$0x0] =	vst v12  }
0xb4: {  	s15 =	sor.u32 s9, s18;
	s18 =	sand.u32 $0x380, s5;
	s0 =	sor.u32 $0x10, s26;
	[tilespmem:s3+$0x8400] =	vst v17;
	v17 =	vadd.s32 $0x40, v6;
	v15 =	vld.idx.msk [tilespmem:v15+s13+$0x0], $0xffff  }
0xb5: {  	s16 =	sadd.s32 $0xC400, s22;
	s7 =	sor.u32 s0, s18;
	[tilespmem:s15+$0x0] =	vst v14;
	v14 =	vadd.s32 $0xD8, v13;
	v19 =	vld.idx.msk [tilespmem:v19+s13+$0x0], $0xffff  }
0xb6: {  	s17 =	sor.u32 s21, s16;
	v21 =	vadd.s32 $0x40, v5;
	v12 =	vld [tilespmem:s7+$0x0]  }
0xb7: {  	s19 =	sadd.s32 $0xE500, s11;
	v22 =	vadd.s32 $0x88, v2;
	s6 =	sor.u32 $0x380, s31;
	[tilespmem:s17+$0x0] =	vst v8;
	v16 =	vld.idx.msk [tilespmem:v16+s13+$0x0], $0xffff  }
0xb8: {  	v23 =	vadd.s32 $0xD0, v4;
	s1 =	sor.u32 s2, s1;
	s29 =	sor.u32 s28, s19;
	v20 =	vld.idx.msk [tilespmem:v20+s13+$0x0], $0xffff;
	[tilespmem:s6+$0x8400] =	vst v18  }
0xb9: {  	s1 =	sor.u32 $0x380, s1;
	v8 =	vadd.s32 v0, v11;
	v17 =	vld.idx.msk [tilespmem:v17+s13+$0x0], $0xffff;
	[tilespmem:s29+$0x0] =	vst v15  }
0xba: {  	s30 =	sor.u32 s20, s16;
	v18 =	vadd.s32 $0x90, v3;
	[tilespmem:s1+$0x8400] =	vst v19;
	v14 =	vld.idx.msk [tilespmem:v14+s13+$0x0], $0xffff  }
0xbb: {  	s31 =	sadd.s32 $0xC480, s22;
	s12 =	sor.u32 s9, s10;
	[tilespmem:s30+$0x0] =	vst v7;
	v7 =	vadd.s32 v0, v12;
	v15 =	vld.idx.msk [tilespmem:v21+s13+$0x0], $0xffff  }
0xbc: {  	s7 =	sor.u32 s21, s31;
	v19 =	vadd.s32 $0x48, v6;
	v21 =	vld.idx.msk [tilespmem:v22+s13+$0x0], $0xffff;
	[tilespmem:s12+$0x0] =	vst v16  }
0xbd: {  	s14 =	sadd.s32 $0xA400, s25;
	[tilespmem:s7+$0x0] =	vst v20;
	v20 =	vadd.s32 $0xE0, v13;
	v22 =	vld.idx.msk [tilespmem:v23+s13+$0x0], $0xffff  }
0xbe: {  	s2 =	sadd.s32 $0xE580, s11;
	s15 =	sor.u32 s24, s14;
	v16 =	vadd.s32 $0x48, v5;
	v23 =	vld.idx.msk [tilespmem:v8+s13+$0x0], $0xffff  }
0xbf: {  	v24 =	vadd.s32 $0x90, v2;
	s16 =	sor.u32 s28, s2;
	v18 =	vld.idx.msk [tilespmem:v18+s13+$0x0], $0xffff;
	[tilespmem:s15+$0x0] =	vst v17  }
0xc0: {  	s3 =	sor.u32 s23, s14;
	v25 =	vld.idx.msk [tilespmem:v7+s13+$0x0], $0xffff;
	v17 =	vadd.s32 $0x98, v3;
	[tilespmem:s16+$0x0] =	vst v14  }
0xc1: {  	s14 =	simm.s32 $0x300;
	v26 =	vadd.s32 $0x8, v8;
	s1 =	sor.u32 s20, s31;
	v19 =	vld.idx.msk [tilespmem:v19+s13+$0x0], $0xffff;
	[tilespmem:s3+$0x0] =	vst v15  }
0xc2: {  	s18 =	sor.u32 s9, s19;
	s7 =	sadd.s32 $0xC500, s22;
	[tilespmem:s1+$0x0] =	vst v21;
	s1 =	sand.u32 $0x1C00, s14;
	v15 =	vld.idx.msk [tilespmem:v20+s13+$0x0], $0xffff;
	v20 =	vadd.s32 $0x50, v6  }
0xc3: {  	s17 =	sor.u32 s21, s7;
	v16 =	vld.idx.msk [tilespmem:v16+s13+$0x0], $0xffff;
	[tilespmem:s18+$0x0] =	vst v22;
	v22 =	vadd.s32 $0x8, v7;
	s31 =	sadd.s32 $0x8400, s1  }
0xc4: {  	s19 =	sadd.s32 $0xA480, s25;
	v24 =	vld.idx.msk [tilespmem:v24+s13+$0x0], $0xffff;
	[tilespmem:s17+$0x0] =	vst v18;
	v18 =	vadd.s32 $0xE8, v13;
	s3 =	sor.u32 s26, s31  }
0xc5: {  	s29 =	sor.u32 s24, s19;
	v21 =	vadd.s32 $0x50, v5;
	v17 =	vld.idx.msk [tilespmem:v17+s13+$0x0], $0xffff;
	[tilespmem:s3+$0x0] =	vst v23  }
0xc6: {  	s4 =	sadd.s32 $0xE600, s11;
	v14 =	vadd.s32 $0xD8, v4;
	s6 =	sor.u32 s0, s31;
	[tilespmem:s29+$0x0] =	vst v19;
	v59 =	vld.idx.msk [tilespmem:v26+s13+$0x0], $0xffff  }
0xc7: {  	s30 =	sor.u32 s28, s4;
	[tilespmem:s6+$0x0] =	vst v25;
	v19 =	vadd.s32 $0xA0, v3;
	v20 =	vld.idx.msk [tilespmem:v20+s13+$0x0], $0xffff  }
0xc8: {  	v61 =	vadd.s32 $0x10, v8;
	s12 =	sor.u32 s23, s19;
	[tilespmem:s30+$0x0] =	vst v15;
	v22 =	vld.idx.msk [tilespmem:v22+s13+$0x0], $0xffff  }
0xc9: {  	s7 =	sor.u32 s20, s7;
	s16 =	sadd.s32 $0xC580, s22;
	[tilespmem:s12+$0x0] =	vst v16;
	v15 =	vadd.s32 $0x98, v2;
	v16 =	vld.idx.msk [tilespmem:v18+s13+$0x0], $0xffff  }
0xca: {  	s15 =	sor.u32 s21, s16;
	[tilespmem:s7+$0x0] =	vst v24;
	v18 =	vld.idx.msk [tilespmem:v21+s13+$0x0], $0xffff;
	v21 =	vadd.s32 $0x58, v6  }
0xcb: {  	s17 =	sadd.s32 $0xA500, s25;
	v14 =	vld.idx.msk [tilespmem:v14+s13+$0x0], $0xffff;
	[tilespmem:s15+$0x0] =	vst v17;
	v17 =	vadd.s32 $0xF0, v13  }
0xcc: {  	v23 =	vadd.s32 $0x58, v5;
	s18 =	sor.u32 s24, s17;
	v19 =	vld.idx.msk [tilespmem:v19+s13+$0x0], $0xffff;
	[tilespmem:s3+$0x80] =	vst v59  }
0xcd: {  	v60 =	vadd.s32 $0x10, v7;
	s7 =	sadd.s32 $0xE680, s11;
	v24 =	vld.idx.msk [tilespmem:v61+s13+$0x0], $0xffff;
	[tilespmem:s18+$0x0] =	vst v20  }
0xce: {  	s19 =	sor.u32 s28, s7;
	v15 =	vld.idx.msk [tilespmem:v15+s13+$0x0], $0xffff;
	v20 =	vadd.s32 $0xA8, v3;
	[tilespmem:s6+$0x80] =	vst v22  }
0xcf: {  	s10 =	sor.u32 s23, s17;
	s15 =	sadd.s32 $0xC600, s22;
	v21 =	vld.idx.msk [tilespmem:v21+s13+$0x0], $0xffff;
	[tilespmem:s19+$0x0] =	vst v16;
	v16 =	vadd.s32 $0xA0, v2  }
0xd0: {  	s29 =	sor.u32 s21, s15;
	v22 =	vadd.s32 $0x60, v6;
	[tilespmem:s10+$0x0] =	vst v18;
	v17 =	vld.idx.msk [tilespmem:v17+s13+$0x0], $0xffff  }
0xd1: {  	v13 =	vadd.s32 $0xF8, v13;
	v18 =	vld.idx.msk [tilespmem:v23+s13+$0x0], $0xffff;
	[tilespmem:s29+$0x0] =	vst v19  }
0xd2: {  	s31 =	sadd.s32 $0xA580, s25;
	s30 =	sor.u32 s20, s16;
	v23 =	vld.idx.msk [tilespmem:v60+s13+$0x0], $0xffff;
	v19 =	vadd.s32 $0x60, v5;
	[tilespmem:s3+$0x100] =	vst v24  }
0xd3: {  	v62 =	vadd.s32 $0x18, v7;
	s17 =	sadd.s32 $0xE700, s11;
	s16 =	sor.u32 s24, s31;
	v20 =	vld.idx.msk [tilespmem:v20+s13+$0x0], $0xffff;
	[tilespmem:s30+$0x0] =	vst v15  }
0xd4: {  	v63 =	vadd.s32 $0x18, v8;
	[tilespmem:s16+$0x0] =	vst v21;
	v15 =	vld.idx.msk [tilespmem:v16+s13+$0x0], $0xffff;
	s16 =	sor.u32 s28, s17  }
0xd5: {  	s12 =	sor.u32 s23, s31;
	v21 =	vadd.s32 $0xB0, v3;
	v22 =	vld.idx.msk [tilespmem:v22+s13+$0x0], $0xffff;
	[tilespmem:s16+$0x0] =	vst v17  }
0xd6: {  	v27 =	vadd.s32 $0xA8, v2;
	[tilespmem:s12+$0x0] =	vst v18;
	s16 =	sadd.s32 $0xC680, s22;
	v28 =	vld.idx.msk [tilespmem:v13+s13+$0x0], $0xffff  }
0xd7: {  	s11 =	sadd.s32 $0xE780, s11;
	[tilespmem:s6+$0x100] =	vst v23;
	v16 =	vld.idx.msk [tilespmem:v19+s13+$0x0], $0xffff;
	v19 =	vadd.s32 $0x68, v6;
	s18 =	sor.u32 s21, s16  }
0xd8: {  	s31 =	sor.u32 s28, s11;
	s29 =	sadd.s32 $0xA600, s25;
	v18 =	vld.idx.msk [tilespmem:v62+s13+$0x0], $0xffff;
	[tilespmem:s18+$0x0] =	vst v20;
	s18 =	sor.u32 s20, s15  }
0xd9: {  	s10 =	sor.u32 s9, s2;
	s19 =	sor.u32 s14, s5;
	s30 =	sor.u32 s24, s29;
	v23 =	vadd.s32 $0x68, v5;
	v13 =	vld.idx.msk [tilespmem:v63+s13+$0x0], $0xffff;
	[tilespmem:s18+$0x0] =	vst v15  }
0xda: {  	s2 =	sor.u32 s9, s4;
	s19 =	sor.u32 $0x380, s19;
	s28 =	simm.s32 $0x80;
	v17 =	vld.idx.msk [tilespmem:v21+s13+$0x0], $0xffff;
	[tilespmem:s30+$0x0] =	vst v22;
	v22 =	vadd.s32 $0x20, v7  }
0xdb: {  	s12 =	sor.u32 s9, s7;
	s7 =	sor.u32 s9, s17;
	s9 =	sor.u32 s9, s11;
	v20 =	vadd.s32 $0xB8, v3;
	v15 =	vld.idx.msk [tilespmem:v27+s13+$0x0], $0xffff  }
0xdc: {  	s11 =	simm.s32 $0x6;
	s17 =	sor.u32 s20, s16;
	s18 =	sor.u32 s23, s29;
	v21 =	vadd.s32 $0x20, v8;
	[tilespmem:s31+$0x0] =	vst v28;
	v19 =	vld.idx.msk [tilespmem:v19+s13+$0x0], $0xffff  }
.LBB2_2:
0xdd: {  	v24 =	vld [tilespmem:s28+$0x0];
	[tilespmem:s18+$0x0] =	vst v16;
	v16 =	vadd.s32 $0xB0, v2;
	s4 =	sadd.s32 $0xC700, s22;
	s15 =	smov.u32 s21;
	s21 =	smov.u32 s24  }
0xde: {  	s24 =	smov.u32 s0;
	[tilespmem:s6+$0x180] =	vst v18;
	v18 =	vld.idx.msk [tilespmem:v23+s13+$0x0], $0xffff;
	v23 =	vadd.s32 $0x70, v6;
	s16 =	sor.u32 s20, s4;
	s4 =	sor.u32 s15, s4  }
0xdf: {  	v22 =	vld.idx.msk [tilespmem:v22+s13+$0x0], $0xffff;
	[tilespmem:s4+$0x0] =	vst v17;
	v17 =	vadd.s32 $0xE0, v4;
	s4 =	smov.u32 s22;
	s22 =	smov.u32 s25;
	s25 =	smov.u32 s1  }
0xe0: {  	[tilespmem:s3+$0x180] =	vst v13;
	s0 =	sadd.s32 $0xA680, s22;
	v13 =	vadd.s32 $0x70, v5;
	v20 =	vld.idx.msk [tilespmem:v20+s13+$0x0], $0xffff  }
0xe1: {  	v25 =	vadd.s32 $0x28, v7;
	v21 =	vld.idx.msk [tilespmem:v21+s13+$0x0], $0xffff;
	s1 =	sor.u32 s23, s0;
	s0 =	sor.u32 s21, s0;
	[tilespmem:s17+$0x0] =	vst v15  }
0xe2: {  	[tilespmem:s0+$0x0] =	vst v19;
	v15 =	vld.idx.msk [tilespmem:v16+s13+$0x0], $0xffff;
	v16 =	vadd.s32 $0xC0, v3  }
0xe3: {  	v19 =	vadd.s32 $0x28, v8;
	v23 =	vld.idx.msk [tilespmem:v23+s13+$0x0], $0xffff;
	[tilespmem:s10+$0x0] =	vst v14  }
0xe4: {  	s0 =	sadd.s32 $0xC780, s4;
	v14 =	vadd.s32 $0xB8, v2;
	[tilespmem:s1+$0x0] =	vst v18;
	v17 =	vld.idx.msk [tilespmem:v17+s13+$0x0], $0xffff  }
0xe5: {  	v18 =	vadd.s32 $0x78, v6;
	s1 =	sor.u32 s20, s0;
	s0 =	sor.u32 s15, s0;
	[tilespmem:s6+$0x200] =	vst v22;
	v13 =	vld.idx.msk [tilespmem:v13+s13+$0x0], $0xffff  }
0xe6: {  	v22 =	vld.idx.msk [tilespmem:v25+s13+$0x0], $0xffff;
	[tilespmem:s0+$0x0] =	vst v20;
	v20 =	vadd.s32 $0xE8, v4  }
0xe7: {  	s0 =	sadd.s32 $0xA700, s22;
	[tilespmem:s3+$0x200] =	vst v21;
	v21 =	vadd.s32 $0x78, v5;
	v16 =	vld.idx.msk [tilespmem:v16+s13+$0x0], $0xffff  }
0xe8: {  	v25 =	vadd.s32 $0x30, v7;
	s10 =	sor.u32 s23, s0;
	s0 =	sor.u32 s21, s0;
	v19 =	vld.idx.msk [tilespmem:v19+s13+$0x0], $0xffff;
	[tilespmem:s16+$0x0] =	vst v15  }
0xe9: {  	v15 =	vadd.s32 $0xC8, v3;
	[tilespmem:s0+$0x0] =	vst v23;
	v14 =	vld.idx.msk [tilespmem:v14+s13+$0x0], $0xffff  }
0xea: {  	v26 =	vand.u32 $0xFFFFFF80, v6;
	v27 =	vand.u32 $0x7F, v10;
	v10 =	vmovc v12;
	v23 =	vadd.s32 $0x30, v8;
	v18 =	vld.idx.msk [tilespmem:v18+s13+$0x0], $0xffff;
	[tilespmem:s2+$0x0] =	vst v17  }
0xeb: {  	v12 =	vor.u32 v27, v26;
	s2 =	sadd.s32 $0xE400, s4;
	[tilespmem:s10+$0x0] =	vst v13;
	v13 =	vadd.s32 $0xC0, v2;
	v17 =	vld.idx.msk [tilespmem:v20+s13+$0x0], $0xffff  }
0xec: {  	v12 =	vadd.s32 $0x80, v12;
	s0 =	sor.u32 s20, s2;
	s2 =	sor.u32 s15, s2;
	[tilespmem:s6+$0x280] =	vst v22;
	v20 =	vld.idx.msk [tilespmem:v21+s13+$0x0], $0xffff;
	v21 =	vand.u32 $0xFFFFFF80, v5;
	v22 =	vand.u32 $0x7F, v9;
	v9 =	vmovc v11;
	v11 =	vmovc v24  }
0xed: {  	s8 =	sadd.s32 $0x1, s8;
	v24 =	vld.idx.msk [tilespmem:v25+s13+$0x0], $0xffff;
	v21 =	vor.u32 v22, v21;
	[tilespmem:s2+$0x0] =	vst v16;
	v16 =	vadd.s32 $0xF0, v4  }
0xee: {  	s2 =	sand.u32 $0x3, s8;
	[tilespmem:s3+$0x280] =	vst v19;
	s3 =	sadd.s32 $0xA780, s22;
	v19 =	vadd.s32 $0x80, v21;
	v15 =	vld.idx.msk [tilespmem:v15+s13+$0x0], $0xffff  }
0xef: {  	v22 =	vadd.s32 $0x38, v7;
	s2 =	sshll.u32 s2, $0x5;
	v21 =	vld.idx.msk [tilespmem:v23+s13+$0x0], $0xffff;
	s6 =	sor.u32 s23, s3;
	s3 =	sor.u32 s21, s3;
	[tilespmem:s1+$0x0] =	vst v14  }
0xf0: {  	s1 =	sadd.s32 s2, s14;
	v14 =	vadd.s32 $0xD0, v3;
	[tilespmem:s3+$0x0] =	vst v18;
	v13 =	vld.idx.msk [tilespmem:v13+s13+$0x0], $0xffff  }
0xf1: {  	s2 =	sor.u32 $0x300, s1;
	v18 =	vadd.s32 $0x38, v8;
	s1 =	sadd.s32 $0x10, s1;
	v12 =	vld.idx.msk [tilespmem:v12+s13+$0x0], $0xffff;
	[tilespmem:s12+$0x0] =	vst v17  }
0xf2: {  	s3 =	sor.u32 $0x300, s1;
	v17 =	vadd.s32 $0xC8, v2;
	[tilespmem:s6+$0x0] =	vst v20;
	s6 =	sadd.s32 $0xE480, s4;
	v16 =	vld.idx.msk [tilespmem:v16+s13+$0x0], $0xffff  }
0xf3: {  	v20 =	vadd.s32 $0x88, v6;
	[tilespmem:s3+$0x8400] =	vst v24;
	v19 =	vld.idx.msk [tilespmem:v19+s13+$0x0], $0xffff;
	s3 =	sor.u32 s20, s6;
	s6 =	sor.u32 s15, s6  }
0xf4: {  	v22 =	vld.idx.msk [tilespmem:v22+s13+$0x0], $0xffff;
	[tilespmem:s6+$0x0] =	vst v15;
	v15 =	vadd.s32 $0xF8, v4;
	v4 =	vmovc v2;
	v2 =	vmov v5;
	v5 =	vmov v8  }
0xf5: {  	[tilespmem:s2+$0x8400] =	vst v21;
	s2 =	sadd.s32 $0xC400, s22;
	v8 =	vld.idx.msk [tilespmem:v14+s13+$0x0], $0xffff  }
0xf6: {  	s5 =	sadd.s32 $0x20, s5;
	v14 =	vld.idx.msk [tilespmem:v18+s13+$0x0], $0xffff;
	v18 =	vadd.s32 $0x40, v7;
	s6 =	sor.u32 s23, s2;
	s2 =	sor.u32 s21, s2;
	[tilespmem:s0+$0x0] =	vst v13  }
0xf7: {  	s16 =	sand.u32 $0x60, s5;
	s10 =	sand.u32 $0x380, s5;
	[tilespmem:s2+$0x0] =	vst v12;
	v13 =	vld.idx.msk [tilespmem:v17+s13+$0x0], $0xffff;
	v17 =	vadd.s32 $0xD8, v3  }
0xf8: {  	s11 =	sadd.s32 $0x2, s11;
	v21 =	vadd.s32 $0x40, v5;
	s0 =	sor.u32 $0x10, s16;
	s2 =	sadd.s32 $0xE500, s4;
	v20 =	vld.idx.msk [tilespmem:v20+s13+$0x0], $0xffff;
	[tilespmem:s7+$0x0] =	vst v16  }
0xf9: {  	p0 =	slt.u32 s11, $0x3E;
	s1 =	sor.u32 $0x380, s1;
	s7 =	sor.u32 s0, s10;
	v16 =	vadd.s32 $0x88, v2;
	[tilespmem:s6+$0x0] =	vst v19;
	v15 =	vld.idx.msk [tilespmem:v15+s13+$0x0], $0xffff  }
0xfa: {  	v19 =	vadd.s32 $0x90, v6;
	v12 =	vld [tilespmem:s7+$0x0];
	[tilespmem:s1+$0x8400] =	vst v22;
	s1 =	sor.u32 s20, s2;
	s2 =	sor.u32 s15, s2  }
0xfb: {  	v22 =	vadd.s32 $0xD0, v4;
	v18 =	vld.idx.msk [tilespmem:v18+s13+$0x0], $0xffff;
	[tilespmem:s2+$0x0] =	vst v8  }
0xfc: {  	v8 =	vadd.s32 v0, v11;
	s2 =	sadd.s32 $0xC480, s22;
	[tilespmem:s19+$0x8400] =	vst v14;
	v14 =	vld.idx.msk [tilespmem:v17+s13+$0x0], $0xffff  }
0xfd: {  	s6 =	sor.u32 s23, s2;
	s2 =	sor.u32 s21, s2;
	v17 =	vld.idx.msk [tilespmem:v21+s13+$0x0], $0xffff;
	v21 =	vadd.s32 $0x48, v7;
	[tilespmem:s3+$0x0] =	vst v13  }
0xfe: {  	v13 =	vld.idx.msk [tilespmem:v16+s13+$0x0], $0xffff;
	[tilespmem:s2+$0x0] =	vst v20;
	v16 =	vadd.s32 $0xE0, v3  }
0xff: {  	s2 =	sadd.s32 $0xA400, s25;
	v20 =	vadd.s32 $0x48, v5;
	v19 =	vld.idx.msk [tilespmem:v19+s13+$0x0], $0xffff;
	[tilespmem:s9+$0x0] =	vst v15  }
0x100: {  	s7 =	sadd.s32 $0xE580, s4;
	v15 =	vadd.s32 v0, v12;
	s3 =	sor.u32 s26, s2;
	s2 =	sor.u32 s24, s2;
	v22 =	vld.idx.msk [tilespmem:v22+s13+$0x0], $0xffff  }
0x101: {  	s10 =	sor.u32 s20, s7;
	v23 =	vld.idx.msk [tilespmem:v8+s13+$0x0], $0xffff;
	[tilespmem:s2+$0x0] =	vst v18;
	v18 =	vadd.s32 $0x98, v6;
	s2 =	sor.u32 s15, s7  }
0x102: {  	v24 =	vadd.s32 $0x90, v2;
	v21 =	vld.idx.msk [tilespmem:v21+s13+$0x0], $0xffff;
	[tilespmem:s2+$0x0] =	vst v14  }
0x103: {  	s2 =	sadd.s32 $0xC500, s22;
	v14 =	vadd.s32 $0xD8, v4;
	[tilespmem:s3+$0x0] =	vst v17;
	v16 =	vld.idx.msk [tilespmem:v16+s13+$0x0], $0xffff  }
0x104: {  	s7 =	sor.u32 s23, s2;
	s2 =	sor.u32 s21, s2;
	v17 =	vld.idx.msk [tilespmem:v20+s13+$0x0], $0xffff;
	v20 =	vadd.s32 $0x50, v7;
	[tilespmem:s6+$0x0] =	vst v13  }
0x105: {  	v13 =	vld.idx.msk [tilespmem:v15+s13+$0x0], $0xffff;
	[tilespmem:s2+$0x0] =	vst v19;
	v19 =	vadd.s32 $0xE8, v3  }
0x106: {  	v25 =	vadd.s32 $0x50, v5;
	s2 =	sadd.s32 $0xA480, s25;
	v18 =	vld.idx.msk [tilespmem:v18+s13+$0x0], $0xffff;
	[tilespmem:s1+$0x0] =	vst v22  }
0x107: {  	s14 =	sadd.s32 $0x100, s14;
	s9 =	sadd.s32 $0xE600, s4;
	v22 =	vadd.s32 $0x8, v15;
	s3 =	sor.u32 s24, s2;
	v24 =	vld.idx.msk [tilespmem:v24+s13+$0x0], $0xffff  }
0x108: {  	s6 =	sor.u32 s14, s5;
	s1 =	sand.u32 $0x1C00, s14;
	[tilespmem:s3+$0x0] =	vst v21;
	v21 =	vadd.s32 $0xA0, v6;
	v14 =	vld.idx.msk [tilespmem:v14+s13+$0x0], $0xffff;
	s3 =	sor.u32 s15, s9  }
0x109: {  	v26 =	vadd.s32 $0x8, v8;
	s19 =	sor.u32 $0x380, s6;
	s2 =	sor.u32 s26, s2;
	s12 =	sadd.s32 $0x8400, s1;
	v20 =	vld.idx.msk [tilespmem:v20+s13+$0x0], $0xffff;
	[tilespmem:s3+$0x0] =	vst v16  }
0x10a: {  	s6 =	sor.u32 s0, s12;
	s3 =	sor.u32 s16, s12;
	v16 =	vadd.s32 $0x98, v2;
	[tilespmem:s2+$0x0] =	vst v17;
	s2 =	sadd.s32 $0xC580, s22;
	v17 =	vld.idx.msk [tilespmem:v19+s13+$0x0], $0xffff  }
0x10b: {  	v19 =	vadd.s32 $0x58, v7;
	[tilespmem:s6+$0x0] =	vst v13;
	v13 =	vld.idx.msk [tilespmem:v25+s13+$0x0], $0xffff;
	s17 =	sor.u32 s23, s2;
	s12 =	sor.u32 s21, s2;
	s2 =	sor.u32 s20, s9  }
0x10c: {  	v22 =	vld.idx.msk [tilespmem:v22+s13+$0x0], $0xffff;
	[tilespmem:s12+$0x0] =	vst v18;
	v18 =	vadd.s32 $0xF0, v3  }
0x10d: {  	s9 =	sadd.s32 $0xA500, s25;
	[tilespmem:s3+$0x0] =	vst v23;
	v23 =	vadd.s32 $0x58, v5;
	v21 =	vld.idx.msk [tilespmem:v21+s13+$0x0], $0xffff  }
0x10e: {  	s18 =	sor.u32 s26, s9;
	s9 =	sor.u32 s24, s9;
	v25 =	vld.idx.msk [tilespmem:v26+s13+$0x0], $0xffff;
	v26 =	vadd.s32 $0x10, v15;
	[tilespmem:s7+$0x0] =	vst v24;
	s7 =	sadd.s32 $0xE680, s4  }
0x10f: {  	[tilespmem:s9+$0x0] =	vst v20;
	v16 =	vld.idx.msk [tilespmem:v16+s13+$0x0], $0xffff;
	v20 =	vadd.s32 $0xA8, v6;
	s12 =	sor.u32 s20, s7;
	s7 =	sor.u32 s15, s7  }
0x110: {  	v24 =	vadd.s32 $0x10, v8;
	v19 =	vld.idx.msk [tilespmem:v19+s13+$0x0], $0xffff;
	[tilespmem:s7+$0x0] =	vst v17  }
0x111: {  	s7 =	sadd.s32 $0xC600, s22;
	[tilespmem:s18+$0x0] =	vst v13;
	v13 =	vadd.s32 $0xA0, v2;
	v17 =	vld.idx.msk [tilespmem:v18+s13+$0x0], $0xffff  }
0x112: {  	s9 =	sor.u32 s23, s7;
	s7 =	sor.u32 s21, s7;
	[tilespmem:s6+$0x80] =	vst v22;
	v18 =	vld.idx.msk [tilespmem:v23+s13+$0x0], $0xffff;
	v22 =	vadd.s32 $0x60, v7  }
0x113: {  	v23 =	vld.idx.msk [tilespmem:v26+s13+$0x0], $0xffff;
	[tilespmem:s7+$0x0] =	vst v21;
	v21 =	vadd.s32 $0xF8, v3;
	v3 =	vmovc v6;
	v6 =	vmov v7;
	v7 =	vmov v15  }
0x114: {  	s7 =	sadd.s32 $0xA580, s25;
	v15 =	vadd.s32 $0x60, v5;
	[tilespmem:s3+$0x80] =	vst v25;
	v20 =	vld.idx.msk [tilespmem:v20+s13+$0x0], $0xffff  }
0x115: {  	v25 =	vadd.s32 $0x18, v7;
	s18 =	sor.u32 s26, s7;
	s7 =	sor.u32 s24, s7;
	v24 =	vld.idx.msk [tilespmem:v24+s13+$0x0], $0xffff;
	[tilespmem:s17+$0x0] =	vst v16;
	s17 =	sadd.s32 $0xE700, s4  }
0x116: {  	[tilespmem:s7+$0x0] =	vst v19;
	v19 =	vld.idx.msk [tilespmem:v13+s13+$0x0], $0xffff;
	v13 =	vadd.s32 $0xB0, v3;
	s7 =	sor.u32 s20, s17;
	s17 =	sor.u32 s15, s17  }
0x117: {  	v26 =	vadd.s32 $0x18, v8;
	v27 =	vld.idx.msk [tilespmem:v22+s13+$0x0], $0xffff;
	[tilespmem:s17+$0x0] =	vst v17  }
0x118: {  	v28 =	vadd.s32 $0xA8, v2;
	[tilespmem:s18+$0x0] =	vst v18;
	s18 =	sadd.s32 $0xC680, s22;
	v29 =	vld.idx.msk [tilespmem:v21+s13+$0x0], $0xffff  }
0x119: {  	v30 =	vadd.s32 $0x68, v6;
	[tilespmem:s6+$0x100] =	vst v23;
	v16 =	vld.idx.msk [tilespmem:v15+s13+$0x0], $0xffff;
	s17 =	sor.u32 s23, s18;
	s18 =	sor.u32 s21, s18  }
.Ltmp0:
0x11a: {  	v18 =	vld.idx.msk [tilespmem:v25+s13+$0x0], $0xffff;
	[tilespmem:s18+$0x0] =	vst v20;
	(pc) =	sbr.rel @p0 .LBB2_2-.Ltmp0, $4  }
0x11b: {  	s29 =	sadd.s32 $0xA600, s25;
	v23 =	vadd.s32 $0x68, v5;
	[tilespmem:s3+$0x100] =	vst v24;
	v17 =	vld.idx.msk [tilespmem:v13+s13+$0x0], $0xffff  }
0x11c: {  	s4 =	sadd.s32 $0xE780, s4;
	v22 =	vadd.s32 $0x20, v7;
	s18 =	sor.u32 s26, s29;
	s29 =	sor.u32 s24, s29;
	v13 =	vld.idx.msk [tilespmem:v26+s13+$0x0], $0xffff;
	[tilespmem:s9+$0x0] =	vst v19  }
0x11d: {  	v20 =	vadd.s32 $0xB8, v3;
	s9 =	sor.u32 s20, s4;
	s4 =	sor.u32 s15, s4;
	s20 =	smov.u32 s23;
	[tilespmem:s29+$0x0] =	vst v27;
	v15 =	vld.idx.msk [tilespmem:v28+s13+$0x0], $0xffff  }
0x11e: {  	s28 =	sadd.s32 $0x20, s28;
	v21 =	vadd.s32 $0x20, v8;
	s23 =	smov.u32 s26;
	s26 =	smov.u32 s16;
	v19 =	vld.idx.msk [tilespmem:v30+s13+$0x0], $0xffff;
	[tilespmem:s4+$0x0] =	vst v29  }
0x11f: {  	_ =	sdelay $0x2  }
0x120: {  	[tilespmem:s18+$0x0] =	vst v16;
	v16 =	vadd.s32 $0xB0, v2;
	s5 =	sadd.s32 $0xC700, s22  }
0x121: {  	[tilespmem:s6+$0x180] =	vst v18;
	v18 =	vld.idx.msk [tilespmem:v23+s13+$0x0], $0xffff;
	s4 =	sor.u32 s21, s5  }
0x122: {  	v22 =	vld.idx.msk [tilespmem:v22+s13+$0x0], $0xffff;
	[tilespmem:s4+$0x0] =	vst v17;
	v17 =	vadd.s32 $0xE0, v4  }
0x123: {  	[tilespmem:s3+$0x180] =	vst v13;
	v13 =	vadd.s32 $0x70, v5;
	v20 =	vld.idx.msk [tilespmem:v20+s13+$0x0], $0xffff  }
0x124: {  	s16 =	sadd.s32 $0xA680, s25;
	v24 =	vadd.s32 $0x28, v7;
	v21 =	vld.idx.msk [tilespmem:v21+s13+$0x0], $0xffff;
	[tilespmem:s17+$0x0] =	vst v15  }
0x125: {  	[tilespmem:s10+$0x0] =	vst v14;
	s11 =	sor.u32 s24, s16;
	v15 =	vld.idx.msk [tilespmem:v16+s13+$0x0], $0xffff;
	v16 =	vadd.s32 $0xC0, v3  }
0x126: {  	s4 =	sor.u32 s23, s16;
	[tilespmem:s11+$0x0] =	vst v19;
	v19 =	vadd.s32 $0x28, v8  }
0x127: {  	[tilespmem:s4+$0x0] =	vst v18;
	s4 =	sadd.s32 $0xC780, s22;
	v14 =	vld.idx.msk [tilespmem:v17+s13+$0x0], $0xffff  }
0x128: {  	[tilespmem:s6+$0x200] =	vst v22;
	v17 =	vld.idx.msk [tilespmem:v13+s13+$0x0], $0xffff;
	s17 =	sor.u32 s21, s4  }
0x129: {  	v18 =	vld.idx.msk [tilespmem:v24+s13+$0x0], $0xffff;
	[tilespmem:s17+$0x0] =	vst v20  }
0x12a: {  	v23 =	vadd.s32 $0x70, v6;
	[tilespmem:s3+$0x200] =	vst v21;
	v13 =	vld.idx.msk [tilespmem:v16+s13+$0x0], $0xffff  }
0x12b: {  	v16 =	vld.idx.msk [tilespmem:v19+s13+$0x0], $0xffff;
	v19 =	vadd.s32 $0x30, v7  }
0x12c: {  	v20 =	vadd.s32 $0x30, v8;
	_ =	sdelay $0x2  }
0x12d: {  	s18 =	sadd.s32 $0x1, s8;
	v23 =	vld.idx.msk [tilespmem:v23+s13+$0x0], $0xffff;
	[tilespmem:s6+$0x280] =	vst v18  }
0x12e: {  	s6 =	sand.u32 $0x3, s18;
	v18 =	vld.idx.msk [tilespmem:v19+s13+$0x0], $0xffff;
	[tilespmem:s3+$0x280] =	vst v16  }
0x12f: {  	s29 =	sshll.u32 s6, $0x5;
	v19 =	vadd.s32 $0x38, v7;
	v16 =	vld.idx.msk [tilespmem:v20+s13+$0x0], $0xffff  }
0x130: {  	s3 =	sadd.s32 s29, s14;
	v20 =	vadd.s32 $0x38, v8  }
0x131: {  	s30 =	sadd.s32 $0x10, s3  }
0x132: {  	s31 =	sor.u32 $0x300, s30  }
0x133: {  	s3 =	sor.u32 $0x300, s3;
	[tilespmem:s31+$0x8400] =	vst v18  }
0x134: {  	v18 =	vld.idx.msk [tilespmem:v19+s13+$0x0], $0xffff;
	[tilespmem:s3+$0x8400] =	vst v16  }
0x135: {  	v19 =	vadd.s32 $0x40, v7;
	v16 =	vld.idx.msk [tilespmem:v20+s13+$0x0], $0xffff  }
0x136: {  	v20 =	vadd.s32 $0x40, v8;
	_ =	sdelay $0x1  }
0x137: {  	s10 =	sor.u32 $0x380, s30  }
0x138: {  	[tilespmem:s10+$0x8400] =	vst v18  }
0x139: {  	v18 =	vld.idx.msk [tilespmem:v19+s13+$0x0], $0xffff;
	[tilespmem:s19+$0x8400] =	vst v16  }
0x13a: {  	v19 =	vadd.s32 $0x48, v7;
	v16 =	vld.idx.msk [tilespmem:v20+s13+$0x0], $0xffff  }
0x13b: {  	v20 =	vadd.s32 $0x48, v8  }
0x13c: {  	s11 =	sadd.s32 $0xA400, s1  }
0x13d: {  	s14 =	sor.u32 s0, s11  }
0x13e: {  	s3 =	sor.u32 s26, s11;
	[tilespmem:s14+$0x0] =	vst v18  }
0x13f: {  	v18 =	vld.idx.msk [tilespmem:v19+s13+$0x0], $0xffff;
	[tilespmem:s3+$0x0] =	vst v16  }
0x140: {  	v19 =	vadd.s32 $0x50, v7;
	v16 =	vld.idx.msk [tilespmem:v20+s13+$0x0], $0xffff  }
0x141: {  	v20 =	vadd.s32 $0x50, v8  }
0x142: {  	s15 =	sadd.s32 $0xA480, s1  }
0x143: {  	s16 =	sor.u32 s0, s15  }
0x144: {  	s3 =	sor.u32 s26, s15;
	[tilespmem:s16+$0x0] =	vst v18  }
0x145: {  	v18 =	vld.idx.msk [tilespmem:v19+s13+$0x0], $0xffff;
	[tilespmem:s3+$0x0] =	vst v16  }
0x146: {  	v19 =	vadd.s32 $0x58, v7;
	v16 =	vld.idx.msk [tilespmem:v20+s13+$0x0], $0xffff  }
0x147: {  	v20 =	vadd.s32 $0x58, v8  }
0x148: {  	s17 =	sadd.s32 $0xA500, s1  }
0x149: {  	s18 =	sor.u32 s0, s17  }
0x14a: {  	s3 =	sor.u32 s26, s17;
	[tilespmem:s18+$0x0] =	vst v18  }
0x14b: {  	v18 =	vld.idx.msk [tilespmem:v19+s13+$0x0], $0xffff;
	[tilespmem:s3+$0x0] =	vst v16  }
0x14c: {  	v19 =	vadd.s32 $0x60, v7;
	v16 =	vld.idx.msk [tilespmem:v20+s13+$0x0], $0xffff  }
0x14d: {  	v20 =	vadd.s32 $0x60, v8  }
0x14e: {  	s19 =	sadd.s32 $0xA580, s1  }
0x14f: {  	s29 =	sor.u32 s0, s19  }
0x150: {  	s3 =	sor.u32 s26, s19;
	[tilespmem:s29+$0x0] =	vst v18  }
0x151: {  	v18 =	vld.idx.msk [tilespmem:v19+s13+$0x0], $0xffff;
	[tilespmem:s3+$0x0] =	vst v16  }
0x152: {  	v19 =	vadd.s32 $0x68, v7;
	v16 =	vld.idx.msk [tilespmem:v20+s13+$0x0], $0xffff  }
0x153: {  	v20 =	vadd.s32 $0x68, v8  }
0x154: {  	s30 =	sadd.s32 $0xA600, s1  }
0x155: {  	s31 =	sor.u32 s0, s30  }
0x156: {  	s3 =	sor.u32 s26, s30;
	[tilespmem:s31+$0x0] =	vst v18  }
0x157: {  	v18 =	vld.idx.msk [tilespmem:v19+s13+$0x0], $0xffff;
	[tilespmem:s3+$0x0] =	vst v16  }
0x158: {  	v19 =	vadd.s32 $0x70, v7;
	v16 =	vld.idx.msk [tilespmem:v20+s13+$0x0], $0xffff  }
0x159: {  	v20 =	vadd.s32 $0x70, v8  }
0x15a: {  	s8 =	sadd.s32 $0xA680, s1  }
0x15b: {  	s10 =	sor.u32 s0, s8  }
0x15c: {  	v21 =	vadd.s32 $0x78, v6;
	s3 =	sor.u32 s26, s8;
	[tilespmem:s10+$0x0] =	vst v18  }
0x15d: {  	v18 =	vadd.s32 $0x78, v5;
	v19 =	vld.idx.msk [tilespmem:v19+s13+$0x0], $0xffff;
	[tilespmem:s3+$0x0] =	vst v16  }
0x15e: {  	s11 =	sadd.s32 $0xA700, s25;
	v16 =	vld.idx.msk [tilespmem:v20+s13+$0x0], $0xffff;
	v20 =	vadd.s32 $0x78, v7  }
0x15f: {  	v10 =	vand.u32 $0x7F, v10;
	v57 =	vadd.s32 $0x78, v8;
	s14 =	sor.u32 s24, s11  }
0x160: {  	v9 =	vand.u32 $0x7F, v9;
	v12 =	vand.u32 $0x7F, v12;
	v22 =	vand.u32 $0xFFFFFF80, v6;
	[tilespmem:s14+$0x0] =	vst v23;
	s15 =	sadd.s32 $0xA700, s1;
	s3 =	sor.u32 s23, s11  }
0x161: {  	v11 =	vand.u32 $0x7F, v11;
	v10 =	vor.u32 v10, v22;
	v22 =	vand.u32 $0xFFFFFF80, v5;
	v21 =	vld.idx.msk [tilespmem:v21+s13+$0x0], $0xffff;
	s16 =	sor.u32 s0, s15;
	[tilespmem:s3+$0x0] =	vst v17  }
0x162: {  	v10 =	vadd.s32 $0x80, v10;
	v9 =	vor.u32 v9, v22;
	s6 =	sor.u32 s26, s15;
	v17 =	vld.idx.msk [tilespmem:v18+s13+$0x0], $0xffff;
	v18 =	vand.u32 $0xFFFFFF80, v7;
	[tilespmem:s16+$0x0] =	vst v19  }
0x163: {  	v9 =	vadd.s32 $0x80, v9;
	v12 =	vor.u32 v12, v18;
	v19 =	vld.idx.msk [tilespmem:v20+s13+$0x0], $0xffff;
	[tilespmem:s6+$0x0] =	vst v16;
	v16 =	vand.u32 $0xFFFFFF80, v8  }
0x164: {  	s17 =	sadd.s32 $0xA780, s25;
	v12 =	vadd.s32 $0x80, v12;
	v18 =	vld.idx.msk [tilespmem:v57+s13+$0x0], $0xffff;
	v11 =	vor.u32 v11, v16  }
0x165: {  	s18 =	sor.u32 s24, s17;
	v11 =	vadd.s32 $0x80, v11  }
0x166: {  	[tilespmem:s18+$0x0] =	vst v21;
	s19 =	sadd.s32 $0xA780, s1;
	s3 =	sor.u32 s23, s17  }
0x167: {  	v10 =	vld.idx.msk [tilespmem:v10+s13+$0x0], $0xffff;
	s29 =	sor.u32 s0, s19;
	[tilespmem:s3+$0x0] =	vst v17  }
0x168: {  	s6 =	sor.u32 s26, s19;
	v16 =	vadd.s32 $0x88, v6;
	v9 =	vld.idx.msk [tilespmem:v9+s13+$0x0], $0xffff;
	[tilespmem:s29+$0x0] =	vst v19  }
0x169: {  	v17 =	vadd.s32 $0x88, v5;
	v12 =	vld.idx.msk [tilespmem:v12+s13+$0x0], $0xffff;
	[tilespmem:s6+$0x0] =	vst v18  }
0x16a: {  	s30 =	sadd.s32 $0xC400, s25;
	v18 =	vadd.s32 $0x88, v7;
	v11 =	vld.idx.msk [tilespmem:v11+s13+$0x0], $0xffff  }
0x16b: {  	s31 =	sor.u32 s24, s30;
	v19 =	vadd.s32 $0x88, v8  }
0x16c: {  	[tilespmem:s31+$0x0] =	vst v10;
	s8 =	sadd.s32 $0xC400, s1;
	s3 =	sor.u32 s23, s30  }
0x16d: {  	s10 =	sor.u32 s0, s8;
	v10 =	vld.idx.msk [tilespmem:v16+s13+$0x0], $0xffff;
	[tilespmem:s3+$0x0] =	vst v9  }
0x16e: {  	s6 =	sor.u32 s26, s8;
	v9 =	vadd.s32 $0x90, v6;
	v16 =	vld.idx.msk [tilespmem:v17+s13+$0x0], $0xffff;
	[tilespmem:s10+$0x0] =	vst v12  }
0x16f: {  	v12 =	vadd.s32 $0x90, v5;
	v17 =	vld.idx.msk [tilespmem:v18+s13+$0x0], $0xffff;
	[tilespmem:s6+$0x0] =	vst v11  }
0x170: {  	s11 =	sadd.s32 $0xC480, s25;
	v11 =	vadd.s32 $0x90, v7;
	v18 =	vld.idx.msk [tilespmem:v19+s13+$0x0], $0xffff  }
0x171: {  	s14 =	sor.u32 s24, s11;
	v19 =	vadd.s32 $0x90, v8  }
0x172: {  	s15 =	sadd.s32 $0xC480, s1;
	s3 =	sor.u32 s23, s11;
	[tilespmem:s14+$0x0] =	vst v10  }
0x173: {  	s16 =	sor.u32 s0, s15;
	v9 =	vld.idx.msk [tilespmem:v9+s13+$0x0], $0xffff;
	[tilespmem:s3+$0x0] =	vst v16  }
0x174: {  	v10 =	vadd.s32 $0x98, v6;
	s6 =	sor.u32 s26, s15;
	v12 =	vld.idx.msk [tilespmem:v12+s13+$0x0], $0xffff;
	[tilespmem:s16+$0x0] =	vst v17  }
0x175: {  	v16 =	vadd.s32 $0x98, v5;
	v11 =	vld.idx.msk [tilespmem:v11+s13+$0x0], $0xffff;
	[tilespmem:s6+$0x0] =	vst v18  }
0x176: {  	s17 =	sadd.s32 $0xC500, s25;
	v17 =	vadd.s32 $0x98, v7;
	v18 =	vld.idx.msk [tilespmem:v19+s13+$0x0], $0xffff  }
0x177: {  	s18 =	sor.u32 s24, s17;
	v19 =	vadd.s32 $0x98, v8  }
0x178: {  	s19 =	sadd.s32 $0xC500, s1;
	s3 =	sor.u32 s23, s17;
	[tilespmem:s18+$0x0] =	vst v9  }
0x179: {  	s29 =	sor.u32 s0, s19;
	v9 =	vld.idx.msk [tilespmem:v10+s13+$0x0], $0xffff;
	[tilespmem:s3+$0x0] =	vst v12  }
0x17a: {  	s6 =	sor.u32 s26, s19;
	v10 =	vadd.s32 $0xA0, v6;
	v12 =	vld.idx.msk [tilespmem:v16+s13+$0x0], $0xffff;
	[tilespmem:s29+$0x0] =	vst v11  }
0x17b: {  	v11 =	vadd.s32 $0xA0, v5;
	v16 =	vld.idx.msk [tilespmem:v17+s13+$0x0], $0xffff;
	[tilespmem:s6+$0x0] =	vst v18  }
0x17c: {  	s30 =	sadd.s32 $0xC580, s25;
	v17 =	vadd.s32 $0xA0, v7;
	v18 =	vld.idx.msk [tilespmem:v19+s13+$0x0], $0xffff  }
0x17d: {  	s31 =	sor.u32 s24, s30;
	v19 =	vadd.s32 $0xA0, v8  }
0x17e: {  	s8 =	sadd.s32 $0xC580, s1;
	s3 =	sor.u32 s23, s30;
	[tilespmem:s31+$0x0] =	vst v9  }
0x17f: {  	s10 =	sor.u32 s0, s8;
	v9 =	vld.idx.msk [tilespmem:v10+s13+$0x0], $0xffff;
	[tilespmem:s3+$0x0] =	vst v12  }
0x180: {  	s6 =	sor.u32 s26, s8;
	v10 =	vadd.s32 $0xA8, v6;
	v11 =	vld.idx.msk [tilespmem:v11+s13+$0x0], $0xffff;
	[tilespmem:s10+$0x0] =	vst v16  }
0x181: {  	v12 =	vadd.s32 $0xA8, v5;
	v16 =	vld.idx.msk [tilespmem:v17+s13+$0x0], $0xffff;
	[tilespmem:s6+$0x0] =	vst v18  }
0x182: {  	s11 =	sadd.s32 $0xC600, s25;
	v17 =	vadd.s32 $0xA8, v7;
	v18 =	vld.idx.msk [tilespmem:v19+s13+$0x0], $0xffff  }
0x183: {  	s14 =	sor.u32 s24, s11;
	v19 =	vadd.s32 $0xA8, v8  }
0x184: {  	s15 =	sadd.s32 $0xC600, s1;
	s3 =	sor.u32 s23, s11;
	[tilespmem:s14+$0x0] =	vst v9  }
0x185: {  	s16 =	sor.u32 s0, s15;
	v9 =	vadd.s32 $0xB8, v2;
	v10 =	vld.idx.msk [tilespmem:v10+s13+$0x0], $0xffff;
	[tilespmem:s3+$0x0] =	vst v11  }
0x186: {  	s6 =	sor.u32 s26, s15;
	v11 =	vadd.s32 $0xB0, v6;
	v12 =	vld.idx.msk [tilespmem:v12+s13+$0x0], $0xffff;
	[tilespmem:s16+$0x0] =	vst v16  }
0x187: {  	s17 =	sor.u32 s20, s5;
	v16 =	vadd.s32 $0xB0, v5;
	v17 =	vld.idx.msk [tilespmem:v17+s13+$0x0], $0xffff;
	[tilespmem:s6+$0x0] =	vst v18  }
0x188: {  	[tilespmem:s17+$0x0] =	vst v15;
	v15 =	vadd.s32 $0xB0, v7;
	s18 =	sadd.s32 $0xC680, s25;
	v18 =	vld.idx.msk [tilespmem:v19+s13+$0x0], $0xffff  }
0x189: {  	[tilespmem:s2+$0x0] =	vst v14;
	v14 =	vadd.s32 $0xB0, v8;
	s19 =	sor.u32 s24, s18  }
0x18a: {  	s29 =	sadd.s32 $0xC680, s1;
	s3 =	sor.u32 s23, s18;
	v9 =	vld.idx.msk [tilespmem:v9+s13+$0x0], $0xffff;
	v19 =	vadd.s32 $0xE8, v4;
	[tilespmem:s19+$0x0] =	vst v10  }
0x18b: {  	s30 =	sor.u32 s0, s29;
	v10 =	vadd.s32 $0xC8, v3;
	v11 =	vld.idx.msk [tilespmem:v11+s13+$0x0], $0xffff;
	[tilespmem:s3+$0x0] =	vst v12  }
0x18c: {  	s2 =	sor.u32 s26, s29;
	s31 =	sadd.s32 $0xE400, s22;
	v12 =	vadd.s32 $0xB8, v6;
	v16 =	vld.idx.msk [tilespmem:v16+s13+$0x0], $0xffff;
	[tilespmem:s30+$0x0] =	vst v17  }
0x18d: {  	s6 =	sor.u32 s21, s31;
	v17 =	vadd.s32 $0xB8, v5;
	v15 =	vld.idx.msk [tilespmem:v15+s13+$0x0], $0xffff;
	[tilespmem:s2+$0x0] =	vst v18  }
0x18e: {  	s8 =	sor.u32 s20, s4;
	s10 =	sadd.s32 $0xC700, s25;
	[tilespmem:s6+$0x0] =	vst v13;
	v13 =	vadd.s32 $0xB8, v7;
	v14 =	vld.idx.msk [tilespmem:v14+s13+$0x0], $0xffff  }
0x18f: {  	s11 =	sor.u32 s24, s10;
	[tilespmem:s8+$0x0] =	vst v9;
	v9 =	vadd.s32 $0xB8, v8;
	v18 =	vld.idx.msk [tilespmem:v19+s13+$0x0], $0xffff  }
0x190: {  	s14 =	sadd.s32 $0xC700, s1;
	s3 =	sor.u32 s23, s10;
	v19 =	vadd.s32 $0xC0, v2;
	v10 =	vld.idx.msk [tilespmem:v10+s13+$0x0], $0xffff;
	[tilespmem:s11+$0x0] =	vst v11  }
0x191: {  	s15 =	sor.u32 s0, s14;
	v11 =	vadd.s32 $0xF0, v4;
	v12 =	vld.idx.msk [tilespmem:v12+s13+$0x0], $0xffff;
	[tilespmem:s3+$0x0] =	vst v16  }
0x192: {  	s2 =	sor.u32 s26, s14;
	v16 =	vadd.s32 $0xC0, v6;
	v17 =	vld.idx.msk [tilespmem:v17+s13+$0x0], $0xffff;
	[tilespmem:s15+$0x0] =	vst v15  }
0x193: {  	s16 =	sadd.s32 $0xE480, s22;
	v15 =	vadd.s32 $0xC0, v5;
	v13 =	vld.idx.msk [tilespmem:v13+s13+$0x0], $0xffff;
	[tilespmem:s2+$0x0] =	vst v14  }
0x194: {  	s18 =	sadd.s32 $0xC780, s25;
	s17 =	sor.u32 s21, s16;
	[tilespmem:s12+$0x0] =	vst v18;
	v14 =	vadd.s32 $0xC0, v7;
	v9 =	vld.idx.msk [tilespmem:v9+s13+$0x0], $0xffff  }
0x195: {  	s19 =	sor.u32 s24, s18;
	v18 =	vld.idx.msk [tilespmem:v19+s13+$0x0], $0xffff;
	[tilespmem:s17+$0x0] =	vst v10;
	v10 =	vadd.s32 $0xC0, v8  }
0x196: {  	s29 =	sadd.s32 $0xC780, s1;
	s4 =	sor.u32 s23, s18;
	v19 =	vadd.s32 $0xD0, v3;
	v11 =	vld.idx.msk [tilespmem:v11+s13+$0x0], $0xffff;
	[tilespmem:s19+$0x0] =	vst v12  }
0x197: {  	s30 =	sor.u32 s0, s29;
	v12 =	vadd.s32 $0xC8, v2;
	v16 =	vld.idx.msk [tilespmem:v16+s13+$0x0], $0xffff;
	[tilespmem:s4+$0x0] =	vst v17  }
0x198: {  	s2 =	sor.u32 s26, s29;
	v17 =	vadd.s32 $0xC8, v6;
	v15 =	vld.idx.msk [tilespmem:v15+s13+$0x0], $0xffff;
	[tilespmem:s30+$0x0] =	vst v13  }
0x199: {  	s31 =	sor.u32 s20, s31;
	v13 =	vadd.s32 $0xC8, v5;
	v14 =	vld.idx.msk [tilespmem:v14+s13+$0x0], $0xffff;
	[tilespmem:s2+$0x0] =	vst v9  }
0x19a: {  	s4 =	sadd.s32 $0xE400, s25;
	[tilespmem:s31+$0x0] =	vst v18;
	v9 =	vadd.s32 $0xC8, v7;
	v10 =	vld.idx.msk [tilespmem:v10+s13+$0x0], $0xffff  }
0x19b: {  	v18 =	vld.idx.msk [tilespmem:v19+s13+$0x0], $0xffff;
	s5 =	sor.u32 s24, s4;
	[tilespmem:s7+$0x0] =	vst v11;
	v11 =	vadd.s32 $0xC8, v8  }
0x19c: {  	s6 =	sadd.s32 $0xE400, s1;
	v4 =	vadd.s32 $0xF8, v4;
	v12 =	vld.idx.msk [tilespmem:v12+s13+$0x0], $0xffff;
	s2 =	sor.u32 s23, s4;
	[tilespmem:s5+$0x0] =	vst v16  }
0x19d: {  	s7 =	sor.u32 s0, s6;
	v16 =	vadd.s32 $0xD0, v2;
	v17 =	vld.idx.msk [tilespmem:v17+s13+$0x0], $0xffff;
	[tilespmem:s2+$0x0] =	vst v15  }
0x19e: {  	s8 =	sadd.s32 $0xE500, s22;
	s4 =	sor.u32 s26, s6;
	v15 =	vadd.s32 $0xD0, v6;
	v13 =	vld.idx.msk [tilespmem:v13+s13+$0x0], $0xffff;
	[tilespmem:s7+$0x0] =	vst v14  }
0x19f: {  	s10 =	sor.u32 s21, s8;
	v14 =	vadd.s32 $0xD0, v5;
	v9 =	vld.idx.msk [tilespmem:v9+s13+$0x0], $0xffff;
	[tilespmem:s4+$0x0] =	vst v10  }
0x1a0: {  	s11 =	sadd.s32 $0xE480, s25;
	s3 =	sor.u32 s20, s16;
	[tilespmem:s10+$0x0] =	vst v18;
	v10 =	vadd.s32 $0xD0, v7;
	v11 =	vld.idx.msk [tilespmem:v11+s13+$0x0], $0xffff  }
0x1a1: {  	s12 =	sor.u32 s24, s11;
	v4 =	vld.idx.msk [tilespmem:v4+s13+$0x0], $0xffff;
	[tilespmem:s3+$0x0] =	vst v12;
	v12 =	vadd.s32 $0xD0, v8  }
0x1a2: {  	s14 =	sadd.s32 $0xE480, s1;
	v18 =	vadd.s32 $0xD8, v3;
	s2 =	sor.u32 s23, s11;
	v16 =	vld.idx.msk [tilespmem:v16+s13+$0x0], $0xffff;
	[tilespmem:s12+$0x0] =	vst v17  }
0x1a3: {  	s15 =	sor.u32 s0, s14;
	v17 =	vadd.s32 $0xD8, v2;
	v15 =	vld.idx.msk [tilespmem:v15+s13+$0x0], $0xffff;
	[tilespmem:s2+$0x0] =	vst v13  }
0x1a4: {  	s3 =	sor.u32 s26, s14;
	v13 =	vadd.s32 $0xD8, v6;
	v14 =	vld.idx.msk [tilespmem:v14+s13+$0x0], $0xffff;
	[tilespmem:s15+$0x0] =	vst v9  }
0x1a5: {  	v9 =	vadd.s32 $0xD8, v5;
	v10 =	vld.idx.msk [tilespmem:v10+s13+$0x0], $0xffff;
	[tilespmem:s3+$0x0] =	vst v11  }
0x1a6: {  	s16 =	sor.u32 s20, s8;
	s17 =	sadd.s32 $0xE500, s25;
	[tilespmem:s9+$0x0] =	vst v4;
	v4 =	vadd.s32 $0xD8, v7;
	v11 =	vld.idx.msk [tilespmem:v12+s13+$0x0], $0xffff  }
0x1a7: {  	s18 =	sor.u32 s24, s17;
	[tilespmem:s16+$0x0] =	vst v16;
	v16 =	vadd.s32 $0xD8, v8;
	v12 =	vld.idx.msk [tilespmem:v18+s13+$0x0], $0xffff  }
0x1a8: {  	s19 =	sadd.s32 $0xE500, s1;
	v17 =	vld.idx.msk [tilespmem:v17+s13+$0x0], $0xffff;
	s3 =	sor.u32 s23, s17;
	v18 =	vadd.s32 $0xE0, v3;
	[tilespmem:s18+$0x0] =	vst v15  }
0x1a9: {  	s29 =	sor.u32 s0, s19;
	v15 =	vadd.s32 $0xE0, v2;
	v13 =	vld.idx.msk [tilespmem:v13+s13+$0x0], $0xffff;
	[tilespmem:s3+$0x0] =	vst v14  }
0x1aa: {  	s30 =	sadd.s32 $0xE580, s22;
	s2 =	sor.u32 s26, s19;
	v14 =	vadd.s32 $0xE0, v6;
	v9 =	vld.idx.msk [tilespmem:v9+s13+$0x0], $0xffff;
	[tilespmem:s29+$0x0] =	vst v10  }
0x1ab: {  	s31 =	sor.u32 s21, s30;
	v10 =	vadd.s32 $0xE0, v5;
	v4 =	vld.idx.msk [tilespmem:v4+s13+$0x0], $0xffff;
	[tilespmem:s2+$0x0] =	vst v11  }
0x1ac: {  	s5 =	sadd.s32 $0xE580, s25;
	s4 =	sor.u32 s20, s30;
	[tilespmem:s31+$0x0] =	vst v12;
	v11 =	vadd.s32 $0xE0, v7;
	v12 =	vld.idx.msk [tilespmem:v16+s13+$0x0], $0xffff  }
0x1ad: {  	s6 =	sor.u32 s24, s5;
	[tilespmem:s4+$0x0] =	vst v17;
	v17 =	vadd.s32 $0xE0, v8;
	v16 =	vld.idx.msk [tilespmem:v18+s13+$0x0], $0xffff  }
0x1ae: {  	s7 =	sadd.s32 $0xE580, s1;
	s3 =	sor.u32 s23, s5;
	v15 =	vld.idx.msk [tilespmem:v15+s13+$0x0], $0xffff;
	v18 =	vadd.s32 $0xE8, v3;
	[tilespmem:s6+$0x0] =	vst v13  }
0x1af: {  	s8 =	sor.u32 s0, s7;
	v13 =	vadd.s32 $0xE8, v2;
	v14 =	vld.idx.msk [tilespmem:v14+s13+$0x0], $0xffff;
	[tilespmem:s3+$0x0] =	vst v9  }
0x1b0: {  	s9 =	sadd.s32 $0xE600, s22;
	s2 =	sor.u32 s26, s7;
	v9 =	vadd.s32 $0xE8, v6;
	v10 =	vld.idx.msk [tilespmem:v10+s13+$0x0], $0xffff;
	[tilespmem:s8+$0x0] =	vst v4  }
0x1b1: {  	s10 =	sor.u32 s21, s9;
	v4 =	vadd.s32 $0xE8, v5;
	v11 =	vld.idx.msk [tilespmem:v11+s13+$0x0], $0xffff;
	[tilespmem:s2+$0x0] =	vst v12  }
0x1b2: {  	s11 =	sor.u32 s20, s9;
	s12 =	sadd.s32 $0xE600, s25;
	[tilespmem:s10+$0x0] =	vst v16;
	v12 =	vadd.s32 $0xE8, v7;
	v16 =	vld.idx.msk [tilespmem:v17+s13+$0x0], $0xffff  }
0x1b3: {  	s14 =	sor.u32 s24, s12;
	[tilespmem:s11+$0x0] =	vst v15;
	v15 =	vadd.s32 $0xE8, v8;
	v17 =	vld.idx.msk [tilespmem:v18+s13+$0x0], $0xffff  }
0x1b4: {  	s15 =	sor.u32 s23, s12;
	s16 =	sadd.s32 $0xE600, s1;
	v13 =	vld.idx.msk [tilespmem:v13+s13+$0x0], $0xffff;
	v18 =	vadd.s32 $0xF0, v3;
	[tilespmem:s14+$0x0] =	vst v14  }
0x1b5: {  	s17 =	sor.u32 s0, s16;
	v14 =	vadd.s32 $0xF0, v2;
	v9 =	vld.idx.msk [tilespmem:v9+s13+$0x0], $0xffff;
	[tilespmem:s15+$0x0] =	vst v10  }
0x1b6: {  	s19 =	sor.u32 s26, s16;
	s18 =	sadd.s32 $0xE680, s22;
	v10 =	vadd.s32 $0xF0, v6;
	v4 =	vld.idx.msk [tilespmem:v4+s13+$0x0], $0xffff;
	[tilespmem:s17+$0x0] =	vst v11  }
0x1b7: {  	s29 =	sor.u32 s21, s18;
	v11 =	vadd.s32 $0xF0, v5;
	v12 =	vld.idx.msk [tilespmem:v12+s13+$0x0], $0xffff;
	[tilespmem:s19+$0x0] =	vst v16  }
0x1b8: {  	s30 =	sor.u32 s20, s18;
	s31 =	sadd.s32 $0xE680, s25;
	[tilespmem:s29+$0x0] =	vst v17;
	v16 =	vadd.s32 $0xF0, v7;
	v15 =	vld.idx.msk [tilespmem:v15+s13+$0x0], $0xffff  }
0x1b9: {  	s4 =	sor.u32 s24, s31;
	[tilespmem:s30+$0x0] =	vst v13;
	v13 =	vadd.s32 $0xF0, v8;
	v17 =	vld.idx.msk [tilespmem:v18+s13+$0x0], $0xffff  }
0x1ba: {  	s5 =	sadd.s32 $0xE680, s1;
	s3 =	sor.u32 s23, s31;
	v3 =	vadd.s32 $0xF8, v3;
	v14 =	vld.idx.msk [tilespmem:v14+s13+$0x0], $0xffff;
	[tilespmem:s4+$0x0] =	vst v9  }
0x1bb: {  	s6 =	sor.u32 s0, s5;
	v2 =	vadd.s32 $0xF8, v2;
	v9 =	vld.idx.msk [tilespmem:v10+s13+$0x0], $0xffff;
	[tilespmem:s3+$0x0] =	vst v4  }
0x1bc: {  	s7 =	sadd.s32 $0xE700, s22;
	s2 =	sor.u32 s26, s5;
	v4 =	vadd.s32 $0xF8, v6;
	v6 =	vld.idx.msk [tilespmem:v11+s13+$0x0], $0xffff;
	[tilespmem:s6+$0x0] =	vst v12  }
0x1bd: {  	s8 =	sor.u32 s21, s7;
	v5 =	vadd.s32 $0xF8, v5;
	v10 =	vld.idx.msk [tilespmem:v16+s13+$0x0], $0xffff;
	[tilespmem:s2+$0x0] =	vst v15  }
0x1be: {  	s9 =	sor.u32 s20, s7;
	s10 =	sadd.s32 $0xE700, s25;
	v7 =	vadd.s32 $0xF8, v7;
	[tilespmem:s8+$0x0] =	vst v17;
	v11 =	vld.idx.msk [tilespmem:v13+s13+$0x0], $0xffff  }
0x1bf: {  	s11 =	sor.u32 s24, s10;
	v8 =	vadd.s32 $0xF8, v8;
	[tilespmem:s9+$0x0] =	vst v14;
	v3 =	vld.idx.msk [tilespmem:v3+s13+$0x0], $0xffff  }
0x1c0: {  	s12 =	sadd.s32 $0xE700, s1;
	s3 =	sor.u32 s23, s10;
	v2 =	vld.idx.msk [tilespmem:v2+s13+$0x0], $0xffff;
	[tilespmem:s11+$0x0] =	vst v9  }
0x1c1: {  	s14 =	sor.u32 s0, s12;
	v4 =	vld.idx.msk [tilespmem:v4+s13+$0x0], $0xffff;
	[tilespmem:s3+$0x0] =	vst v6  }
0x1c2: {  	s15 =	sadd.s32 $0xE780, s22;
	s2 =	sor.u32 s26, s12;
	v5 =	vld.idx.msk [tilespmem:v5+s13+$0x0], $0xffff;
	[tilespmem:s14+$0x0] =	vst v10  }
0x1c3: {  	s16 =	sor.u32 s21, s15;
	v6 =	vld.idx.msk [tilespmem:v7+s13+$0x0], $0xffff;
	[tilespmem:s2+$0x0] =	vst v11  }
0x1c4: {  	s18 =	sadd.s32 $0xE780, s25;
	s17 =	sor.u32 s20, s15;
	[tilespmem:s16+$0x0] =	vst v3;
	v3 =	vld.idx.msk [tilespmem:v8+s13+$0x0], $0xffff  }
0x1c5: {  	s19 =	sor.u32 s24, s18;
	[tilespmem:s17+$0x0] =	vst v2  }
0x1c6: {  	s20 =	sadd.s32 $0xE780, s1;
	s3 =	sor.u32 s23, s18;
	[tilespmem:s19+$0x0] =	vst v4  }
0x1c7: {  	s21 =	sor.u32 s0, s20;
	[tilespmem:s3+$0x0] =	vst v5  }
0x1c8: {  	s22 =	simm.s32 $0x0;
	s1 =	sor.u32 s26, s20;
	[tilespmem:s21+$0x0] =	vst v6  }
0x1c9: {  	s24 =	sand.u32 $0x380, s22;
	s8 =	sand.u32 $0x60, s22;
	[tilespmem:s1+$0x0] =	vst v3  }
0x1ca: {  	s9 =	sor.u32 $0x10, s8;
	s23 =	simm.s32 $0x8400;
	s0 =	rddreg [dreg:$0x8]  }
0x1cb: {  	[hbm4b:s0+s22] =	stream.linear.scatter [tilespmem:s23], [sflag:$0x1], $0x8000, $0x38;
	[tilespmem:$0x18400] =	vst v63  }
0x1cc: {  	s0 =	sor.u32 s9, s24  }
0x1cd: {  	v6 =	vld [tilespmem:s0+$0x0];
	_ =	sdelay $0x4  }
0x1ce: {  	v13 =	vadd.s32 v1, v6;
	_ =	sdelay $0x2  }
0x1cf: {  	v5 =	vld [tilespmem:s22+$0x0];
	_ =	sdelay $0x1  }
0x1d0: {  	v2 =	vld.idx.msk [tilespmem:v13+s13+$0x0], $0xffff  }
0x1d1: {  	v3 =	vadd.s32 $0x8, v13  }
0x1d2: {  	s12 =	sand.u32 $0x1C00, s22  }
0x1d3: {  	s25 =	sadd.s32 $0x10400, s12;
	v4 =	vadd.s32 v1, v5  }
0x1d4: {  	s26 =	sor.u32 s9, s25  }
0x1d5: {  	[tilespmem:s26+$0x0] =	vst v2  }
0x1d6: {  	v2 =	vld.idx.msk [tilespmem:v3+s13+$0x0], $0xffff  }
0x1d7: {  	v3 =	vadd.s32 $0x10, v13  }
0x1d8: {  	v7 =	vld.idx.msk [tilespmem:v4+s13+$0x0], $0xffff  }
0x1d9: {  	v8 =	vadd.s32 $0x8, v4;
	_ =	sdelay $0x1  }
0x1da: {  	[tilespmem:s26+$0x80] =	vst v2  }
0x1db: {  	s29 =	sor.u32 s8, s25;
	v2 =	vld.idx.msk [tilespmem:v3+s13+$0x0], $0xffff  }
0x1dc: {  	[tilespmem:s29+$0x0] =	vst v7;
	v3 =	vadd.s32 $0x18, v13  }
0x1dd: {  	v7 =	vld.idx.msk [tilespmem:v8+s13+$0x0], $0xffff  }
0x1de: {  	v8 =	vadd.s32 $0x10, v4;
	_ =	sdelay $0x1  }
0x1df: {  	[tilespmem:s26+$0x100] =	vst v2  }
0x1e0: {  	v2 =	vld.idx.msk [tilespmem:v3+s13+$0x0], $0xffff  }
0x1e1: {  	[tilespmem:s29+$0x80] =	vst v7;
	v3 =	vadd.s32 $0x20, v13  }
0x1e2: {  	v7 =	vld.idx.msk [tilespmem:v8+s13+$0x0], $0xffff  }
0x1e3: {  	v8 =	vadd.s32 $0x18, v4;
	_ =	sdelay $0x1  }
0x1e4: {  	[tilespmem:s26+$0x180] =	vst v2  }
0x1e5: {  	v2 =	vld.idx.msk [tilespmem:v3+s13+$0x0], $0xffff  }
0x1e6: {  	[tilespmem:s29+$0x100] =	vst v7;
	v3 =	vadd.s32 $0x28, v13  }
0x1e7: {  	v7 =	vld.idx.msk [tilespmem:v8+s13+$0x0], $0xffff  }
0x1e8: {  	v8 =	vadd.s32 $0x20, v4;
	_ =	sdelay $0x1  }
0x1e9: {  	[tilespmem:s26+$0x200] =	vst v2  }
0x1ea: {  	v2 =	vld.idx.msk [tilespmem:v3+s13+$0x0], $0xffff  }
0x1eb: {  	[tilespmem:s29+$0x180] =	vst v7;
	v3 =	vadd.s32 $0x30, v13  }
0x1ec: {  	v7 =	vld.idx.msk [tilespmem:v8+s13+$0x0], $0xffff  }
0x1ed: {  	v8 =	vadd.s32 $0x28, v4;
	_ =	sdelay $0x1  }
0x1ee: {  	[tilespmem:s26+$0x280] =	vst v2  }
0x1ef: {  	s30 =	sand.u32 $0x3, s22;
	v2 =	vld.idx.msk [tilespmem:v3+s13+$0x0], $0xffff  }
0x1f0: {  	s0 =	sshll.u32 s30, $0x5;
	[tilespmem:s29+$0x200] =	vst v7;
	v3 =	vadd.s32 $0x38, v13  }
0x1f1: {  	s31 =	sadd.s32 $0x0, s0;
	v7 =	vld.idx.msk [tilespmem:v8+s13+$0x0], $0xffff  }
0x1f2: {  	s5 =	sadd.s32 $0x10, s31;
	v8 =	vadd.s32 $0x30, v4  }
0x1f3: {  	s6 =	sor.u32 $0x300, s5  }
0x1f4: {  	[tilespmem:s6+$0x10400] =	vst v2  }
0x1f5: {  	v2 =	vld.idx.msk [tilespmem:v3+s13+$0x0], $0xffff  }
0x1f6: {  	s0 =	simm.s32 $0x20;
	[tilespmem:s29+$0x280] =	vst v7;
	v3 =	vadd.s32 $0x40, v13  }
0x1f7: {  	s20 =	sand.u32 $0x60, s0;
	v9 =	vld.idx.msk [tilespmem:v8+s13+$0x0], $0xffff  }
0x1f8: {  	s7 =	sand.u32 $0x380, s0;
	s21 =	sor.u32 $0x10, s20;
	v10 =	vadd.s32 $0x38, v4  }
0x1f9: {  	s4 =	sor.u32 $0x380, s5;
	s3 =	sor.u32 s21, s7;
	v7 =	vld [tilespmem:s0+$0x0]  }
0x1fa: {  	v8 =	vld [tilespmem:s3+$0x0];
	[tilespmem:s4+$0x10400] =	vst v2  }
0x1fb: {  	s2 =	sor.u32 $0x300, s31;
	v11 =	vld.idx.msk [tilespmem:v3+s13+$0x0], $0xffff  }
0x1fc: {  	[tilespmem:s2+$0x10400] =	vst v9;
	v9 =	vadd.s32 $0x48, v13  }
0x1fd: {  	v10 =	vld.idx.msk [tilespmem:v10+s13+$0x0], $0xffff  }
0x1fe: {  	s10 =	sadd.s32 $0x12400, s12;
	v12 =	vadd.s32 $0x40, v4  }
0x1ff: {  	s11 =	sor.u32 s9, s10;
	v3 =	vadd.s32 v1, v8  }
0x200: {  	s1 =	sor.u32 s22, s22;
	v2 =	vadd.s32 v1, v7;
	[tilespmem:s11+$0x0] =	vst v11  }
0x201: {  	s1 =	sor.u32 $0x380, s1;
	v9 =	vld.idx.msk [tilespmem:v9+s13+$0x0], $0xffff  }
0x202: {  	[tilespmem:s1+$0x10400] =	vst v10;
	v10 =	vadd.s32 $0x50, v13  }
0x203: {  	v11 =	vld.idx.msk [tilespmem:v12+s13+$0x0], $0xffff  }
0x204: {  	s14 =	sadd.s32 $0x12480, s12;
	v12 =	vadd.s32 $0x48, v4;
	v14 =	vld.idx.msk [tilespmem:v3+s13+$0x0], $0xffff  }
0x205: {  	s15 =	sor.u32 s9, s14;
	s2 =	simm.s32 $0x100;
	v16 =	vadd.s32 $0x8, v3;
	v15 =	vld.idx.msk [tilespmem:v2+s13+$0x0], $0xffff  }
0x206: {  	s22 =	sand.u32 $0x1C00, s2;
	[tilespmem:s15+$0x0] =	vst v9;
	v9 =	vadd.s32 $0x8, v2  }
0x207: {  	s16 =	sor.u32 s8, s10;
	s17 =	sadd.s32 $0x10400, s22;
	v10 =	vld.idx.msk [tilespmem:v10+s13+$0x0], $0xffff  }
0x208: {  	s18 =	sor.u32 s21, s17;
	[tilespmem:s16+$0x0] =	vst v11;
	v11 =	vadd.s32 $0x58, v13  }
0x209: {  	s19 =	sor.u32 s20, s17;
	[tilespmem:s18+$0x0] =	vst v14;
	v12 =	vld.idx.msk [tilespmem:v12+s13+$0x0], $0xffff  }
0x20a: {  	s23 =	sadd.s32 $0x12500, s12;
	[tilespmem:s19+$0x0] =	vst v15;
	v14 =	vadd.s32 $0x50, v4;
	v16 =	vld.idx.msk [tilespmem:v16+s13+$0x0], $0xffff  }
0x20b: {  	s24 =	sor.u32 s9, s23;
	v15 =	vadd.s32 $0x10, v3;
	v9 =	vld.idx.msk [tilespmem:v9+s13+$0x0], $0xffff  }
0x20c: {  	[tilespmem:s24+$0x0] =	vst v10;
	v10 =	vadd.s32 $0x10, v2  }
0x20d: {  	s4 =	sor.u32 s8, s14;
	v11 =	vld.idx.msk [tilespmem:v11+s13+$0x0], $0xffff  }
0x20e: {  	[tilespmem:s4+$0x0] =	vst v12;
	v12 =	vadd.s32 $0x60, v13  }
0x20f: {  	[tilespmem:s18+$0x80] =	vst v16;
	v14 =	vld.idx.msk [tilespmem:v14+s13+$0x0], $0xffff  }
0x210: {  	s25 =	sadd.s32 $0x12580, s12;
	v16 =	vadd.s32 $0x58, v4;
	v15 =	vld.idx.msk [tilespmem:v15+s13+$0x0], $0xffff;
	[tilespmem:s19+$0x80] =	vst v9  }
0x211: {  	s26 =	sor.u32 s9, s25;
	v9 =	vld.idx.msk [tilespmem:v10+s13+$0x0], $0xffff;
	v10 =	vadd.s32 $0x18, v3  }
0x212: {  	[tilespmem:s26+$0x0] =	vst v11;
	v11 =	vadd.s32 $0x18, v2  }
0x213: {  	s5 =	sor.u32 s8, s23;
	v12 =	vld.idx.msk [tilespmem:v12+s13+$0x0], $0xffff  }
0x214: {  	[tilespmem:s5+$0x0] =	vst v14;
	v14 =	vadd.s32 $0x68, v13  }
0x215: {  	[tilespmem:s18+$0x100] =	vst v15;
	v16 =	vld.idx.msk [tilespmem:v16+s13+$0x0], $0xffff  }
0x216: {  	s29 =	sadd.s32 $0x12600, s12;
	v15 =	vadd.s32 $0x60, v4;
	v10 =	vld.idx.msk [tilespmem:v10+s13+$0x0], $0xffff;
	[tilespmem:s19+$0x100] =	vst v9  }
0x217: {  	s30 =	sor.u32 s9, s29;
	v9 =	vld.idx.msk [tilespmem:v11+s13+$0x0], $0xffff;
	v11 =	vadd.s32 $0x20, v3  }
0x218: {  	[tilespmem:s30+$0x0] =	vst v12;
	v12 =	vadd.s32 $0x20, v2  }
0x219: {  	s4 =	sor.u32 s8, s25;
	v14 =	vld.idx.msk [tilespmem:v14+s13+$0x0], $0xffff  }
0x21a: {  	[tilespmem:s4+$0x0] =	vst v16;
	v16 =	vadd.s32 $0x70, v13  }
0x21b: {  	v15 =	vld.idx.msk [tilespmem:v15+s13+$0x0], $0xffff;
	[tilespmem:s18+$0x180] =	vst v10  }
0x21c: {  	s31 =	sadd.s32 $0x12680, s12;
	v10 =	vadd.s32 $0x68, v4;
	v11 =	vld.idx.msk [tilespmem:v11+s13+$0x0], $0xffff;
	[tilespmem:s19+$0x180] =	vst v9  }
0x21d: {  	s7 =	sor.u32 s9, s31;
	v9 =	vld.idx.msk [tilespmem:v12+s13+$0x0], $0xffff;
	v12 =	vadd.s32 $0x28, v3  }
0x21e: {  	[tilespmem:s7+$0x0] =	vst v14;
	v14 =	vadd.s32 $0x28, v2  }
0x21f: {  	s5 =	sor.u32 s8, s29;
	v16 =	vld.idx.msk [tilespmem:v16+s13+$0x0], $0xffff  }
0x220: {  	[tilespmem:s5+$0x0] =	vst v15;
	v15 =	vadd.s32 $0x78, v13  }
0x221: {  	v10 =	vld.idx.msk [tilespmem:v10+s13+$0x0], $0xffff;
	[tilespmem:s18+$0x200] =	vst v11  }
0x222: {  	s10 =	sadd.s32 $0x12700, s12;
	v11 =	vadd.s32 $0x70, v4;
	v12 =	vld.idx.msk [tilespmem:v12+s13+$0x0], $0xffff;
	[tilespmem:s19+$0x200] =	vst v9  }
0x223: {  	s11 =	sor.u32 s9, s10;
	v9 =	vld.idx.msk [tilespmem:v14+s13+$0x0], $0xffff;
	v14 =	vadd.s32 $0x30, v3  }
0x224: {  	v6 =	vand.u32 $0x7F, v6;
	v17 =	vand.u32 $0xFFFFFF80, v13;
	[tilespmem:s11+$0x0] =	vst v16;
	v16 =	vadd.s32 $0x30, v2  }
0x225: {  	v6 =	vor.u32 v6, v17;
	s4 =	sor.u32 s8, s31;
	v15 =	vld.idx.msk [tilespmem:v15+s13+$0x0], $0xffff  }
0x226: {  	v6 =	vadd.s32 $0x80, v6;
	[tilespmem:s4+$0x0] =	vst v10  }
0x227: {  	s14 =	simm.s32 $0x1;
	v10 =	vld.idx.msk [tilespmem:v11+s13+$0x0], $0xffff;
	[tilespmem:s18+$0x280] =	vst v12  }
0x228: {  	s3 =	sand.u32 $0x3, s14;
	s15 =	sadd.s32 $0x12780, s12;
	v11 =	vadd.s32 $0x78, v4;
	v12 =	vld.idx.msk [tilespmem:v14+s13+$0x0], $0xffff;
	[tilespmem:s19+$0x280] =	vst v9  }
0x229: {  	s16 =	sshll.u32 s3, $0x5;
	s17 =	sor.u32 s9, s15;
	v14 =	vadd.s32 $0x38, v3;
	v9 =	vld.idx.msk [tilespmem:v16+s13+$0x0], $0xffff  }
0x22a: {  	s1 =	sadd.s32 $0x100, s16;
	[tilespmem:s17+$0x0] =	vst v15;
	v15 =	vadd.s32 $0x38, v2  }
0x22b: {  	s18 =	sor.u32 s8, s10;
	s19 =	sadd.s32 $0x10, s1;
	v6 =	vld.idx.msk [tilespmem:v6+s13+$0x0], $0xffff  }
0x22c: {  	v5 =	vand.u32 $0x7F, v5;
	s24 =	sor.u32 $0x300, s19;
	v16 =	vadd.s32 $0x88, v13;
	[tilespmem:s18+$0x0] =	vst v10;
	v10 =	vand.u32 $0xFFFFFF80, v4  }
0x22d: {  	s25 =	sor.u32 $0x300, s1;
	v11 =	vld.idx.msk [tilespmem:v11+s13+$0x0], $0xffff;
	v5 =	vor.u32 v5, v10;
	[tilespmem:s24+$0x10400] =	vst v12  }
0x22e: {  	s26 =	sadd.s32 $0x14400, s12;
	s1 =	simm.s32 $0x40;
	v5 =	vadd.s32 $0x80, v5;
	v12 =	vld.idx.msk [tilespmem:v14+s13+$0x0], $0xffff;
	[tilespmem:s25+$0x10400] =	vst v9  }
0x22f: {  	s29 =	sor.u32 s9, s26;
	s23 =	sand.u32 $0x60, s1;
	v14 =	vld.idx.msk [tilespmem:v15+s13+$0x0], $0xffff;
	v15 =	vadd.s32 $0x40, v3  }
0x230: {  	s30 =	sand.u32 $0x380, s1;
	s24 =	sor.u32 $0x10, s23;
	v9 =	vld [tilespmem:s1+$0x0];
	[tilespmem:s29+$0x0] =	vst v6;
	v6 =	vadd.s32 $0x40, v2  }
0x231: {  	s4 =	sor.u32 s8, s15;
	s31 =	sor.u32 s24, s30;
	v16 =	vld.idx.msk [tilespmem:v16+s13+$0x0], $0xffff  }
0x232: {  	s0 =	sor.u32 s2, s0;
	s7 =	sor.u32 $0x380, s19;
	v10 =	vld [tilespmem:s31+$0x0];
	[tilespmem:s4+$0x0] =	vst v11;
	v11 =	vadd.s32 $0x90, v13  }
0x233: {  	s0 =	sor.u32 $0x380, s0;
	v5 =	vld.idx.msk [tilespmem:v5+s13+$0x0], $0xffff;
	[tilespmem:s7+$0x10400] =	vst v12  }
0x234: {  	s10 =	sadd.s32 $0x14480, s12;
	v12 =	vadd.s32 $0x88, v4;
	v15 =	vld.idx.msk [tilespmem:v15+s13+$0x0], $0xffff;
	[tilespmem:s0+$0x10400] =	vst v14  }
0x235: {  	v17 =	vadd.s32 $0x48, v3;
	s11 =	sor.u32 s9, s10;
	v14 =	vld.idx.msk [tilespmem:v6+s13+$0x0], $0xffff  }
0x236: {  	[tilespmem:s11+$0x0] =	vst v16;
	v16 =	vadd.s32 $0x48, v2  }
0x237: {  	s14 =	sor.u32 s8, s26;
	s15 =	sadd.s32 $0x12400, s22;
	v6 =	vadd.s32 v1, v10;
	v11 =	vld.idx.msk [tilespmem:v11+s13+$0x0], $0xffff  }
0x238: {  	v18 =	vadd.s32 $0x98, v13;
	s16 =	sor.u32 s21, s15;
	[tilespmem:s14+$0x0] =	vst v5  }
0x239: {  	s3 =	sor.u32 s20, s15;
	v5 =	vadd.s32 v1, v9;
	v12 =	vld.idx.msk [tilespmem:v12+s13+$0x0], $0xffff;
	[tilespmem:s16+$0x0] =	vst v15  }
0x23a: {  	s17 =	sadd.s32 $0x14500, s12;
	v15 =	vld.idx.msk [tilespmem:v17+s13+$0x0], $0xffff;
	v17 =	vadd.s32 $0x90, v4;
	[tilespmem:s3+$0x0] =	vst v14  }
0x23b: {  	s18 =	sor.u32 s9, s17;
	v14 =	vld.idx.msk [tilespmem:v16+s13+$0x0], $0xffff;
	v16 =	vadd.s32 $0x50, v3  }
0x23c: {  	v19 =	vld.idx.msk [tilespmem:v6+s13+$0x0], $0xffff;
	[tilespmem:s18+$0x0] =	vst v11;
	v11 =	vadd.s32 $0x50, v2  }
0x23d: {  	s2 =	simm.s32 $0x200;
	s19 =	sadd.s32 $0x12480, s22;
	s0 =	sor.u32 s8, s10;
	v20 =	vadd.s32 $0x8, v6;
	v18 =	vld.idx.msk [tilespmem:v18+s13+$0x0], $0xffff  }
0x23e: {  	s26 =	sor.u32 s21, s19;
	s25 =	sand.u32 $0x1C00, s2;
	v21 =	vld.idx.msk [tilespmem:v5+s13+$0x0], $0xffff;
	[tilespmem:s0+$0x0] =	vst v12;
	v12 =	vadd.s32 $0xA0, v13  }
0x23f: {  	s30 =	sor.u32 s20, s19;
	s29 =	sadd.s32 $0x10400, s25;
	v17 =	vld.idx.msk [tilespmem:v17+s13+$0x0], $0xffff;
	[tilespmem:s26+$0x0] =	vst v15;
	v15 =	vadd.s32 $0x8, v5  }
0x240: {  	s31 =	sadd.s32 $0x14580, s12;
	s3 =	sor.u32 s24, s29;
	v16 =	vld.idx.msk [tilespmem:v16+s13+$0x0], $0xffff;
	[tilespmem:s30+$0x0] =	vst v14;
	v14 =	vadd.s32 $0x98, v4  }
0x241: {  	s7 =	sor.u32 s9, s31;
	[tilespmem:s3+$0x0] =	vst v19;
	v19 =	vadd.s32 $0x58, v3;
	v11 =	vld.idx.msk [tilespmem:v11+s13+$0x0], $0xffff  }
0x242: {  	s0 =	sor.u32 s23, s29;
	v20 =	vld.idx.msk [tilespmem:v20+s13+$0x0], $0xffff;
	[tilespmem:s7+$0x0] =	vst v18;
	v18 =	vadd.s32 $0x58, v2  }
0x243: {  	s4 =	sor.u32 s8, s17;
	s10 =	sadd.s32 $0x12500, s22;
	[tilespmem:s0+$0x0] =	vst v21;
	v21 =	vadd.s32 $0x10, v6;
	v12 =	vld.idx.msk [tilespmem:v12+s13+$0x0], $0xffff  }
0x244: {  	s11 =	sor.u32 s21, s10;
	v15 =	vld.idx.msk [tilespmem:v15+s13+$0x0], $0xffff;
	[tilespmem:s4+$0x0] =	vst v17;
	v17 =	vadd.s32 $0xA8, v13  }
0x245: {  	s14 =	sor.u32 s20, s10;
	[tilespmem:s11+$0x0] =	vst v16;
	v14 =	vld.idx.msk [tilespmem:v14+s13+$0x0], $0xffff;
	v16 =	vadd.s32 $0x10, v5  }
0x246: {  	s15 =	sadd.s32 $0x14600, s12;
	v19 =	vld.idx.msk [tilespmem:v19+s13+$0x0], $0xffff;
	[tilespmem:s14+$0x0] =	vst v11;
	v11 =	vadd.s32 $0xA0, v4  }
0x247: {  	s16 =	sor.u32 s9, s15;
	[tilespmem:s3+$0x80] =	vst v20;
	v20 =	vadd.s32 $0x60, v3;
	v18 =	vld.idx.msk [tilespmem:v18+s13+$0x0], $0xffff  }
0x248: {  	v21 =	vld.idx.msk [tilespmem:v21+s13+$0x0], $0xffff;
	[tilespmem:s16+$0x0] =	vst v12;
	v12 =	vadd.s32 $0x60, v2  }
0x249: {  	s5 =	sor.u32 s8, s31;
	s17 =	sadd.s32 $0x12580, s22;
	[tilespmem:s0+$0x80] =	vst v15;
	v15 =	vld.idx.msk [tilespmem:v17+s13+$0x0], $0xffff;
	v17 =	vadd.s32 $0x18, v6  }
0x24a: {  	s18 =	sor.u32 s21, s17;
	v16 =	vld.idx.msk [tilespmem:v16+s13+$0x0], $0xffff;
	[tilespmem:s5+$0x0] =	vst v14;
	v14 =	vadd.s32 $0xB0, v13  }
0x24b: {  	s19 =	sor.u32 s20, s17;
	[tilespmem:s18+$0x0] =	vst v19;
	v11 =	vld.idx.msk [tilespmem:v11+s13+$0x0], $0xffff;
	v19 =	vadd.s32 $0x18, v5  }
0x24c: {  	s26 =	sadd.s32 $0x14680, s12;
	v20 =	vld.idx.msk [tilespmem:v20+s13+$0x0], $0xffff;
	[tilespmem:s19+$0x0] =	vst v18  }
0x24d: {  	s29 =	sor.u32 s9, s26;
	[tilespmem:s3+$0x100] =	vst v21;
	v18 =	vadd.s32 $0xA8, v4;
	v12 =	vld.idx.msk [tilespmem:v12+s13+$0x0], $0xffff  }
0x24e: {  	v21 =	vadd.s32 $0x68, v3;
	v17 =	vld.idx.msk [tilespmem:v17+s13+$0x0], $0xffff;
	[tilespmem:s29+$0x0] =	vst v15  }
0x24f: {  	s30 =	sadd.s32 $0x12600, s22;
	s4 =	sor.u32 s8, s15;
	v15 =	vadd.s32 $0x68, v2;
	[tilespmem:s0+$0x100] =	vst v16;
	v14 =	vld.idx.msk [tilespmem:v14+s13+$0x0], $0xffff  }
0x250: {  	s31 =	sor.u32 s21, s30;
	s5 =	simm.s32 $0x60;
	v16 =	vld.idx.msk [tilespmem:v19+s13+$0x0], $0xffff;
	v19 =	vadd.s32 $0x20, v6;
	[tilespmem:s4+$0x0] =	vst v11  }
0x251: {  	v11 =	vld [tilespmem:s5+$0x0];
	[tilespmem:s31+$0x0] =	vst v20;
	v20 =	vadd.s32 $0xB8, v13  }
0x252: {  	v22 =	vadd.s32 $0x20, v5;
	s10 =	sor.u32 s20, s30;
	v18 =	vld.idx.msk [tilespmem:v18+s13+$0x0], $0xffff  }
0x253: {  	s11 =	sadd.s32 $0x14700, s12;
	v21 =	vld.idx.msk [tilespmem:v21+s13+$0x0], $0xffff;
	[tilespmem:s10+$0x0] =	vst v12;
	v12 =	vadd.s32 $0xB0, v4  }
0x254: {  	s14 =	sor.u32 s9, s11;
	[tilespmem:s3+$0x180] =	vst v17;
	v15 =	vld.idx.msk [tilespmem:v15+s13+$0x0], $0xffff;
	v17 =	vadd.s32 $0x70, v3  }
0x255: {  	[tilespmem:s14+$0x0] =	vst v14;
	v14 =	vadd.s32 $0x70, v2;
	v19 =	vld.idx.msk [tilespmem:v19+s13+$0x0], $0xffff  }
0x256: {  	s6 =	sor.u32 s8, s26;
	s15 =	sadd.s32 $0x12680, s22;
	[tilespmem:s0+$0x180] =	vst v16;
	v16 =	vld.idx.msk [tilespmem:v20+s13+$0x0], $0xffff;
	v20 =	vadd.s32 $0x28, v6  }
0x257: {  	s16 =	sor.u32 s21, s15;
	v22 =	vld.idx.msk [tilespmem:v22+s13+$0x0], $0xffff;
	[tilespmem:s6+$0x0] =	vst v18;
	v18 =	vadd.s32 $0xC0, v13  }
0x258: {  	s17 =	sor.u32 s20, s15;
	[tilespmem:s16+$0x0] =	vst v21;
	v12 =	vld.idx.msk [tilespmem:v12+s13+$0x0], $0xffff;
	v21 =	vadd.s32 $0x28, v5  }
0x259: {  	s18 =	sadd.s32 $0x14780, s12;
	v17 =	vld.idx.msk [tilespmem:v17+s13+$0x0], $0xffff;
	[tilespmem:s17+$0x0] =	vst v15;
	v15 =	vadd.s32 $0xB8, v4  }
0x25a: {  	s19 =	sor.u32 s9, s18;
	v14 =	vld.idx.msk [tilespmem:v14+s13+$0x0], $0xffff;
	[tilespmem:s3+$0x200] =	vst v19;
	v19 =	vadd.s32 $0x78, v3  }
0x25b: {  	v20 =	vld.idx.msk [tilespmem:v20+s13+$0x0], $0xffff;
	[tilespmem:s19+$0x0] =	vst v16;
	v16 =	vadd.s32 $0x78, v2  }
0x25c: {  	s26 =	sadd.s32 $0x12700, s22;
	s4 =	sor.u32 s8, s11;
	[tilespmem:s0+$0x200] =	vst v22;
	v22 =	vadd.s32 $0x30, v6;
	v18 =	vld.idx.msk [tilespmem:v18+s13+$0x0], $0xffff  }
0x25d: {  	v7 =	vand.u32 $0x7F, v7;
	s29 =	sor.u32 s21, s26;
	v21 =	vld.idx.msk [tilespmem:v21+s13+$0x0], $0xffff;
	[tilespmem:s4+$0x0] =	vst v12;
	v12 =	vadd.s32 $0xC8, v13  }
0x25e: {  	v8 =	vand.u32 $0x7F, v8;
	v23 =	vand.u32 $0xFFFFFF80, v3;
	s30 =	sor.u32 s20, s26;
	[tilespmem:s29+$0x0] =	vst v17;
	v15 =	vld.idx.msk [tilespmem:v15+s13+$0x0], $0xffff;
	v17 =	vadd.s32 $0x30, v5  }
0x25f: {  	v8 =	vor.u32 v8, v23;
	v23 =	vand.u32 $0xFFFFFF80, v2;
	s31 =	sadd.s32 $0x16400, s12;
	[tilespmem:s30+$0x0] =	vst v14;
	v14 =	vadd.s32 $0xC0, v4;
	v19 =	vld.idx.msk [tilespmem:v19+s13+$0x0], $0xffff  }
0x260: {  	v8 =	vadd.s32 $0x80, v8;
	v7 =	vor.u32 v7, v23;
	s11 =	simm.s32 $0x2;
	s7 =	sor.u32 s9, s31;
	[tilespmem:s3+$0x280] =	vst v20;
	v16 =	vld.idx.msk [tilespmem:v16+s13+$0x0], $0xffff  }
0x261: {  	v7 =	vadd.s32 $0x80, v7;
	s10 =	sand.u32 $0x3, s11;
	v20 =	vld.idx.msk [tilespmem:v22+s13+$0x0], $0xffff;
	[tilespmem:s7+$0x0] =	vst v18  }
0x262: {  	s14 =	sadd.s32 $0x12780, s22;
	s6 =	sor.u32 s8, s18;
	s3 =	sshll.u32 s10, $0x5;
	[tilespmem:s0+$0x280] =	vst v21;
	v18 =	vadd.s32 $0x38, v6;
	v12 =	vld.idx.msk [tilespmem:v12+s13+$0x0], $0xffff  }
0x263: {  	s15 =	sor.u32 s21, s14;
	s3 =	sadd.s32 $0x200, s3;
	v17 =	vld.idx.msk [tilespmem:v17+s13+$0x0], $0xffff;
	[tilespmem:s6+$0x0] =	vst v15;
	v15 =	vadd.s32 $0xD0, v13  }
0x264: {  	s0 =	sor.u32 s20, s14;
	s16 =	sadd.s32 $0x10, s3;
	v14 =	vld.idx.msk [tilespmem:v14+s13+$0x0], $0xffff;
	[tilespmem:s15+$0x0] =	vst v19;
	v19 =	vadd.s32 $0x38, v5  }
0x265: {  	s18 =	sadd.s32 $0x16480, s12;
	s17 =	sor.u32 $0x300, s16;
	v8 =	vld.idx.msk [tilespmem:v8+s13+$0x0], $0xffff;
	[tilespmem:s0+$0x0] =	vst v16;
	v16 =	vadd.s32 $0xC8, v4  }
0x266: {  	s19 =	sor.u32 s9, s18;
	[tilespmem:s17+$0x10400] =	vst v20;
	v7 =	vld.idx.msk [tilespmem:v7+s13+$0x0], $0xffff;
	v20 =	vadd.s32 $0x88, v3  }
0x267: {  	s3 =	sor.u32 $0x300, s3;
	v18 =	vld.idx.msk [tilespmem:v18+s13+$0x0], $0xffff;
	[tilespmem:s19+$0x0] =	vst v12  }
0x268: {  	s26 =	sor.u32 s8, s31;
	s29 =	sadd.s32 $0x14400, s22;
	[tilespmem:s3+$0x10400] =	vst v17;
	v17 =	vadd.s32 $0x40, v6;
	v15 =	vld.idx.msk [tilespmem:v15+s13+$0x0], $0xffff  }
0x269: {  	s30 =	sor.u32 s21, s29;
	[tilespmem:s26+$0x0] =	vst v14;
	s26 =	sand.u32 $0x60, s5;
	v14 =	vadd.s32 $0xD8, v13;
	v19 =	vld.idx.msk [tilespmem:v19+s13+$0x0], $0xffff  }
0x26a: {  	s31 =	sand.u32 $0x380, s5;
	v21 =	vadd.s32 $0x40, v5;
	s15 =	sor.u32 s20, s29;
	s0 =	sor.u32 $0x10, s26;
	[tilespmem:s30+$0x0] =	vst v8;
	v16 =	vld.idx.msk [tilespmem:v16+s13+$0x0], $0xffff  }
0x26b: {  	s4 =	sadd.s32 $0x16500, s12;
	v22 =	vadd.s32 $0x88, v2;
	s6 =	sor.u32 $0x380, s16;
	s7 =	sor.u32 s0, s31;
	v20 =	vld.idx.msk [tilespmem:v20+s13+$0x0], $0xffff;
	[tilespmem:s15+$0x0] =	vst v7  }
0x26c: {  	v23 =	vadd.s32 $0xD0, v4;
	s1 =	sor.u32 s2, s1;
	s14 =	sor.u32 s9, s4;
	v12 =	vld [tilespmem:s7+$0x0];
	[tilespmem:s6+$0x10400] =	vst v18  }
0x26d: {  	s1 =	sor.u32 $0x380, s1;
	v8 =	vadd.s32 v1, v11;
	v17 =	vld.idx.msk [tilespmem:v17+s13+$0x0], $0xffff;
	[tilespmem:s14+$0x0] =	vst v15  }
0x26e: {  	s18 =	sor.u32 s8, s18;
	s16 =	sadd.s32 $0x14480, s22;
	v18 =	vadd.s32 $0x90, v3;
	[tilespmem:s1+$0x10400] =	vst v19;
	v14 =	vld.idx.msk [tilespmem:v14+s13+$0x0], $0xffff  }
0x26f: {  	s17 =	sor.u32 s21, s16;
	v19 =	vadd.s32 $0x48, v6;
	v15 =	vld.idx.msk [tilespmem:v21+s13+$0x0], $0xffff;
	[tilespmem:s18+$0x0] =	vst v16  }
0x270: {  	v21 =	vld.idx.msk [tilespmem:v22+s13+$0x0], $0xffff;
	[tilespmem:s17+$0x0] =	vst v20;
	v20 =	vadd.s32 $0xE0, v13  }
0x271: {  	s19 =	sadd.s32 $0x12400, s25;
	v16 =	vadd.s32 $0x48, v5;
	v22 =	vld.idx.msk [tilespmem:v23+s13+$0x0], $0xffff  }
0x272: {  	s2 =	sadd.s32 $0x16580, s12;
	s29 =	sor.u32 s24, s19;
	v7 =	vadd.s32 v1, v12;
	v23 =	vld.idx.msk [tilespmem:v8+s13+$0x0], $0xffff  }
0x273: {  	v58 =	vadd.s32 $0x90, v2;
	s30 =	sor.u32 s9, s2;
	v18 =	vld.idx.msk [tilespmem:v18+s13+$0x0], $0xffff;
	[tilespmem:s29+$0x0] =	vst v17  }
0x274: {  	s3 =	sor.u32 s23, s19;
	v17 =	vadd.s32 $0x98, v3;
	v19 =	vld.idx.msk [tilespmem:v19+s13+$0x0], $0xffff;
	[tilespmem:s30+$0x0] =	vst v14  }
0x275: {  	s19 =	simm.s32 $0x300;
	s1 =	sor.u32 s20, s16;
	v14 =	vadd.s32 $0xD8, v4;
	[tilespmem:s3+$0x0] =	vst v15;
	v15 =	vld.idx.msk [tilespmem:v20+s13+$0x0], $0xffff  }
0x276: {  	s31 =	sadd.s32 $0x14500, s22;
	s15 =	sor.u32 s8, s4;
	v26 =	vadd.s32 $0x8, v8;
	[tilespmem:s1+$0x0] =	vst v21;
	s1 =	sand.u32 $0x1C00, s19;
	v16 =	vld.idx.msk [tilespmem:v16+s13+$0x0], $0xffff  }
0x277: {  	s14 =	sor.u32 s21, s31;
	v20 =	vadd.s32 $0x50, v6;
	v25 =	vld.idx.msk [tilespmem:v7+s13+$0x0], $0xffff;
	[tilespmem:s15+$0x0] =	vst v22;
	s29 =	sadd.s32 $0x10400, s1  }
0x278: {  	s16 =	sadd.s32 $0x12480, s25;
	v24 =	vld.idx.msk [tilespmem:v58+s13+$0x0], $0xffff;
	[tilespmem:s14+$0x0] =	vst v18;
	v18 =	vadd.s32 $0xE8, v13;
	s6 =	sor.u32 s26, s29  }
0x279: {  	s17 =	sor.u32 s24, s16;
	v21 =	vadd.s32 $0x50, v5;
	s3 =	sadd.s32 $0x16600, s12;
	v17 =	vld.idx.msk [tilespmem:v17+s13+$0x0], $0xffff;
	[tilespmem:s6+$0x0] =	vst v23  }
0x27a: {  	v22 =	vadd.s32 $0x8, v7;
	s18 =	sor.u32 s9, s3;
	[tilespmem:s17+$0x0] =	vst v19;
	v14 =	vld.idx.msk [tilespmem:v14+s13+$0x0], $0xffff  }
0x27b: {  	s4 =	sor.u32 s23, s16;
	v19 =	vadd.s32 $0xA0, v3;
	v59 =	vld.idx.msk [tilespmem:v26+s13+$0x0], $0xffff;
	[tilespmem:s18+$0x0] =	vst v15  }
0x27c: {  	v61 =	vadd.s32 $0x10, v8;
	s10 =	sor.u32 s0, s29;
	v20 =	vld.idx.msk [tilespmem:v20+s13+$0x0], $0xffff;
	[tilespmem:s4+$0x0] =	vst v16  }
0x27d: {  	s7 =	sor.u32 s20, s31;
	s30 =	sadd.s32 $0x14580, s22;
	v15 =	vadd.s32 $0x98, v2;
	[tilespmem:s10+$0x0] =	vst v25;
	v16 =	vld.idx.msk [tilespmem:v18+s13+$0x0], $0xffff  }
0x27e: {  	s15 =	sor.u32 s21, s30;
	[tilespmem:s7+$0x0] =	vst v24;
	v18 =	vld.idx.msk [tilespmem:v21+s13+$0x0], $0xffff;
	v21 =	vadd.s32 $0x58, v6  }
0x27f: {  	s31 =	sadd.s32 $0x12500, s25;
	v22 =	vld.idx.msk [tilespmem:v22+s13+$0x0], $0xffff;
	[tilespmem:s15+$0x0] =	vst v17;
	v17 =	vadd.s32 $0xF0, v13  }
0x280: {  	s16 =	sor.u32 s24, s31;
	v23 =	vadd.s32 $0x58, v5;
	s7 =	sadd.s32 $0x16680, s12;
	v19 =	vld.idx.msk [tilespmem:v19+s13+$0x0], $0xffff;
	[tilespmem:s6+$0x80] =	vst v59  }
0x281: {  	v60 =	vadd.s32 $0x10, v7;
	s17 =	sor.u32 s9, s7;
	v24 =	vld.idx.msk [tilespmem:v61+s13+$0x0], $0xffff;
	[tilespmem:s16+$0x0] =	vst v20  }
0x282: {  	s14 =	sor.u32 s23, s31;
	v15 =	vld.idx.msk [tilespmem:v15+s13+$0x0], $0xffff;
	v20 =	vadd.s32 $0xA8, v3;
	[tilespmem:s17+$0x0] =	vst v16  }
0x283: {  	s15 =	sadd.s32 $0x14600, s22;
	v21 =	vld.idx.msk [tilespmem:v21+s13+$0x0], $0xffff;
	[tilespmem:s14+$0x0] =	vst v18;
	v16 =	vadd.s32 $0xA0, v2  }
0x284: {  	s18 =	sor.u32 s21, s15;
	[tilespmem:s10+$0x80] =	vst v22;
	v22 =	vadd.s32 $0x60, v6;
	v17 =	vld.idx.msk [tilespmem:v17+s13+$0x0], $0xffff  }
0x285: {  	v13 =	vadd.s32 $0xF8, v13;
	v18 =	vld.idx.msk [tilespmem:v23+s13+$0x0], $0xffff;
	[tilespmem:s18+$0x0] =	vst v19  }
0x286: {  	s29 =	sadd.s32 $0x12580, s25;
	s4 =	sor.u32 s20, s30;
	v23 =	vld.idx.msk [tilespmem:v60+s13+$0x0], $0xffff;
	v19 =	vadd.s32 $0x60, v5;
	[tilespmem:s6+$0x100] =	vst v24  }
0x287: {  	s16 =	sor.u32 s24, s29;
	v62 =	vld.idx.msk [tilespmem:v20+s13+$0x0], $0xffff;
	v20 =	vadd.s32 $0x18, v7;
	[tilespmem:s4+$0x0] =	vst v15;
	s4 =	sadd.s32 $0x16700, s12  }
0x288: {  	[tilespmem:s16+$0x0] =	vst v21;
	v15 =	vld.idx.msk [tilespmem:v16+s13+$0x0], $0xffff;
	v16 =	vadd.s32 $0xB0, v3;
	s30 =	sor.u32 s9, s4  }
0x289: {  	s14 =	sor.u32 s23, s29;
	v21 =	vadd.s32 $0x18, v8;
	v22 =	vld.idx.msk [tilespmem:v22+s13+$0x0], $0xffff;
	[tilespmem:s30+$0x0] =	vst v17  }
0x28a: {  	s16 =	sadd.s32 $0x14680, s22;
	[tilespmem:s14+$0x0] =	vst v18;
	v18 =	vadd.s32 $0xA8, v2;
	v63 =	vld.idx.msk [tilespmem:v13+s13+$0x0], $0xffff  }
0x28b: {  	s28 =	sor.u32 s8, s2;
	v27 =	vadd.s32 $0x68, v6;
	[tilespmem:s10+$0x100] =	vst v23;
	s31 =	sor.u32 s21, s16;
	v17 =	vld.idx.msk [tilespmem:v19+s13+$0x0], $0xffff  }
0x28c: {  	s17 =	sor.u32 s20, s15;
	s29 =	sadd.s32 $0x12600, s25;
	s18 =	sor.u32 s19, s5;
	v20 =	vld.idx.msk [tilespmem:v20+s13+$0x0], $0xffff;
	[tilespmem:s31+$0x0] =	vst v62  }
0x28d: {  	s2 =	sor.u32 s8, s3;
	s3 =	sor.u32 $0x380, s18;
	s30 =	sor.u32 s24, s29;
	v19 =	vadd.s32 $0x68, v5;
	v13 =	vld.idx.msk [tilespmem:v16+s13+$0x0], $0xffff;
	[tilespmem:s17+$0x0] =	vst v15  }
0x28e: {  	s18 =	sor.u32 s23, s29;
	s12 =	sadd.s32 $0x16780, s12;
	s14 =	sor.u32 s8, s7;
	v21 =	vld.idx.msk [tilespmem:v21+s13+$0x0], $0xffff;
	[tilespmem:s30+$0x0] =	vst v22;
	v22 =	vadd.s32 $0x20, v7  }
0x28f: {  	s7 =	sor.u32 s8, s4;
	s8 =	sor.u32 s8, s12;
	s31 =	sor.u32 s9, s12;
	v16 =	vadd.s32 $0xB8, v3;
	v15 =	vld.idx.msk [tilespmem:v18+s13+$0x0], $0xffff  }
0x290: {  	s16 =	sor.u32 s20, s16;
	v23 =	vadd.s32 $0x20, v8;
	s9 =	simm.s32 $0x6;
	s12 =	simm.s32 $0x80;
	[tilespmem:s31+$0x0] =	vst v63;
	v18 =	vld.idx.msk [tilespmem:v27+s13+$0x0], $0xffff  }
.LBB2_4:
0x291: {  	v24 =	vld [tilespmem:s12+$0x0];
	[tilespmem:s18+$0x0] =	vst v17;
	v17 =	vadd.s32 $0xB0, v2;
	s4 =	sadd.s32 $0x14700, s22;
	s15 =	smov.u32 s21;
	s21 =	smov.u32 s24  }
0x292: {  	s24 =	smov.u32 s0;
	[tilespmem:s10+$0x180] =	vst v20;
	v19 =	vld.idx.msk [tilespmem:v19+s13+$0x0], $0xffff;
	v20 =	vadd.s32 $0x70, v6;
	s17 =	sor.u32 s20, s4;
	s4 =	sor.u32 s15, s4  }
0x293: {  	v22 =	vld.idx.msk [tilespmem:v22+s13+$0x0], $0xffff;
	[tilespmem:s4+$0x0] =	vst v13;
	v13 =	vadd.s32 $0xE0, v4;
	s4 =	smov.u32 s22;
	s22 =	smov.u32 s25;
	s25 =	smov.u32 s1  }
0x294: {  	[tilespmem:s6+$0x180] =	vst v21;
	s0 =	sadd.s32 $0x12680, s22;
	v21 =	vadd.s32 $0x70, v5;
	v16 =	vld.idx.msk [tilespmem:v16+s13+$0x0], $0xffff  }
0x295: {  	v25 =	vadd.s32 $0x28, v7;
	v23 =	vld.idx.msk [tilespmem:v23+s13+$0x0], $0xffff;
	s1 =	sor.u32 s23, s0;
	s0 =	sor.u32 s21, s0;
	[tilespmem:s16+$0x0] =	vst v15  }
0x296: {  	[tilespmem:s0+$0x0] =	vst v18;
	v15 =	vld.idx.msk [tilespmem:v17+s13+$0x0], $0xffff;
	v17 =	vadd.s32 $0xC0, v3  }
0x297: {  	v18 =	vadd.s32 $0x28, v8;
	v20 =	vld.idx.msk [tilespmem:v20+s13+$0x0], $0xffff;
	[tilespmem:s28+$0x0] =	vst v14  }
0x298: {  	s0 =	sadd.s32 $0x14780, s4;
	v14 =	vadd.s32 $0xB8, v2;
	[tilespmem:s1+$0x0] =	vst v19;
	v13 =	vld.idx.msk [tilespmem:v13+s13+$0x0], $0xffff  }
0x299: {  	s1 =	sor.u32 s20, s0;
	s0 =	sor.u32 s15, s0;
	[tilespmem:s10+$0x200] =	vst v22;
	v19 =	vld.idx.msk [tilespmem:v21+s13+$0x0], $0xffff;
	v21 =	vadd.s32 $0x78, v6  }
0x29a: {  	v22 =	vld.idx.msk [tilespmem:v25+s13+$0x0], $0xffff;
	[tilespmem:s0+$0x0] =	vst v16;
	v16 =	vadd.s32 $0xE8, v4  }
0x29b: {  	s0 =	sadd.s32 $0x12700, s22;
	[tilespmem:s6+$0x200] =	vst v23;
	v23 =	vadd.s32 $0x78, v5;
	v17 =	vld.idx.msk [tilespmem:v17+s13+$0x0], $0xffff  }
0x29c: {  	v25 =	vadd.s32 $0x30, v7;
	s16 =	sor.u32 s23, s0;
	s0 =	sor.u32 s21, s0;
	v18 =	vld.idx.msk [tilespmem:v18+s13+$0x0], $0xffff;
	[tilespmem:s17+$0x0] =	vst v15  }
0x29d: {  	v15 =	vadd.s32 $0xC8, v3;
	[tilespmem:s0+$0x0] =	vst v20;
	v14 =	vld.idx.msk [tilespmem:v14+s13+$0x0], $0xffff  }
0x29e: {  	v26 =	vand.u32 $0xFFFFFF80, v6;
	v27 =	vand.u32 $0x7F, v10;
	v10 =	vmovc v12;
	v20 =	vadd.s32 $0x30, v8;
	v21 =	vld.idx.msk [tilespmem:v21+s13+$0x0], $0xffff;
	[tilespmem:s2+$0x0] =	vst v13  }
0x29f: {  	v12 =	vor.u32 v27, v26;
	v13 =	vadd.s32 $0xC0, v2;
	s2 =	sadd.s32 $0x16400, s4;
	[tilespmem:s16+$0x0] =	vst v19;
	v16 =	vld.idx.msk [tilespmem:v16+s13+$0x0], $0xffff  }
0x2a0: {  	v12 =	vadd.s32 $0x80, v12;
	s0 =	sor.u32 s20, s2;
	s2 =	sor.u32 s15, s2;
	[tilespmem:s10+$0x280] =	vst v22;
	v19 =	vld.idx.msk [tilespmem:v23+s13+$0x0], $0xffff;
	v22 =	vand.u32 $0xFFFFFF80, v5;
	v23 =	vand.u32 $0x7F, v9;
	v9 =	vmovc v11;
	v11 =	vmovc v24  }
0x2a1: {  	s11 =	sadd.s32 $0x1, s11;
	v24 =	vld.idx.msk [tilespmem:v25+s13+$0x0], $0xffff;
	v22 =	vor.u32 v23, v22;
	[tilespmem:s2+$0x0] =	vst v17;
	v17 =	vadd.s32 $0xF0, v4  }
0x2a2: {  	s2 =	sand.u32 $0x3, s11;
	[tilespmem:s6+$0x280] =	vst v18;
	s6 =	sadd.s32 $0x12780, s22;
	v18 =	vadd.s32 $0x80, v22;
	v15 =	vld.idx.msk [tilespmem:v15+s13+$0x0], $0xffff  }
0x2a3: {  	s2 =	sshll.u32 s2, $0x5;
	v22 =	vadd.s32 $0x38, v7;
	v20 =	vld.idx.msk [tilespmem:v20+s13+$0x0], $0xffff;
	s10 =	sor.u32 s23, s6;
	s6 =	sor.u32 s21, s6;
	[tilespmem:s1+$0x0] =	vst v14  }
0x2a4: {  	s1 =	sadd.s32 s2, s19;
	v14 =	vadd.s32 $0xD0, v3;
	[tilespmem:s6+$0x0] =	vst v21;
	v13 =	vld.idx.msk [tilespmem:v13+s13+$0x0], $0xffff  }
0x2a5: {  	s2 =	sor.u32 $0x300, s1;
	v21 =	vadd.s32 $0x38, v8;
	s1 =	sadd.s32 $0x10, s1;
	v12 =	vld.idx.msk [tilespmem:v12+s13+$0x0], $0xffff;
	[tilespmem:s14+$0x0] =	vst v16  }
0x2a6: {  	s6 =	sor.u32 $0x300, s1;
	v16 =	vadd.s32 $0xC8, v2;
	[tilespmem:s10+$0x0] =	vst v19;
	s10 =	sadd.s32 $0x16480, s4;
	v17 =	vld.idx.msk [tilespmem:v17+s13+$0x0], $0xffff  }
0x2a7: {  	v19 =	vadd.s32 $0x88, v6;
	[tilespmem:s6+$0x10400] =	vst v24;
	v18 =	vld.idx.msk [tilespmem:v18+s13+$0x0], $0xffff;
	s6 =	sor.u32 s20, s10;
	s10 =	sor.u32 s15, s10  }
0x2a8: {  	v22 =	vld.idx.msk [tilespmem:v22+s13+$0x0], $0xffff;
	[tilespmem:s10+$0x0] =	vst v15;
	v15 =	vadd.s32 $0xF8, v4;
	v4 =	vmovc v2;
	v2 =	vmov v5;
	v5 =	vmov v8  }
0x2a9: {  	[tilespmem:s2+$0x10400] =	vst v20;
	s2 =	sadd.s32 $0x14400, s22;
	v8 =	vld.idx.msk [tilespmem:v14+s13+$0x0], $0xffff  }
0x2aa: {  	s5 =	sadd.s32 $0x20, s5;
	v20 =	vadd.s32 $0x40, v7;
	v14 =	vld.idx.msk [tilespmem:v21+s13+$0x0], $0xffff;
	s10 =	sor.u32 s23, s2;
	s2 =	sor.u32 s21, s2;
	[tilespmem:s0+$0x0] =	vst v13  }
0x2ab: {  	s17 =	sand.u32 $0x60, s5;
	s14 =	sand.u32 $0x380, s5;
	[tilespmem:s2+$0x0] =	vst v12;
	v13 =	vld.idx.msk [tilespmem:v16+s13+$0x0], $0xffff;
	v16 =	vadd.s32 $0xD8, v3  }
0x2ac: {  	s9 =	sadd.s32 $0x2, s9;
	s0 =	sor.u32 $0x10, s17;
	v21 =	vadd.s32 $0x40, v5;
	s2 =	sadd.s32 $0x16500, s4;
	v19 =	vld.idx.msk [tilespmem:v19+s13+$0x0], $0xffff;
	[tilespmem:s7+$0x0] =	vst v17  }
0x2ad: {  	p0 =	slt.u32 s9, $0x3E;
	s1 =	sor.u32 $0x380, s1;
	s7 =	sor.u32 s0, s14;
	v17 =	vadd.s32 $0x88, v2;
	[tilespmem:s10+$0x0] =	vst v18;
	v15 =	vld.idx.msk [tilespmem:v15+s13+$0x0], $0xffff  }
0x2ae: {  	v18 =	vadd.s32 $0x90, v6;
	v12 =	vld [tilespmem:s7+$0x0];
	[tilespmem:s1+$0x10400] =	vst v22;
	s1 =	sor.u32 s20, s2;
	s2 =	sor.u32 s15, s2  }
0x2af: {  	v22 =	vadd.s32 $0xD0, v4;
	v20 =	vld.idx.msk [tilespmem:v20+s13+$0x0], $0xffff;
	[tilespmem:s2+$0x0] =	vst v8  }
0x2b0: {  	v8 =	vadd.s32 v1, v11;
	s2 =	sadd.s32 $0x14480, s22;
	[tilespmem:s3+$0x10400] =	vst v14;
	v14 =	vld.idx.msk [tilespmem:v16+s13+$0x0], $0xffff  }
0x2b1: {  	s3 =	sor.u32 s23, s2;
	s2 =	sor.u32 s21, s2;
	v16 =	vld.idx.msk [tilespmem:v21+s13+$0x0], $0xffff;
	v21 =	vadd.s32 $0x48, v7;
	[tilespmem:s6+$0x0] =	vst v13  }
0x2b2: {  	v13 =	vld.idx.msk [tilespmem:v17+s13+$0x0], $0xffff;
	[tilespmem:s2+$0x0] =	vst v19;
	v17 =	vadd.s32 $0xE0, v3  }
0x2b3: {  	s2 =	sadd.s32 $0x12400, s25;
	v19 =	vadd.s32 $0x48, v5;
	v18 =	vld.idx.msk [tilespmem:v18+s13+$0x0], $0xffff;
	[tilespmem:s8+$0x0] =	vst v15  }
0x2b4: {  	s7 =	sadd.s32 $0x16580, s4;
	v15 =	vadd.s32 v1, v12;
	s6 =	sor.u32 s26, s2;
	s2 =	sor.u32 s24, s2;
	v22 =	vld.idx.msk [tilespmem:v22+s13+$0x0], $0xffff  }
0x2b5: {  	s28 =	sor.u32 s20, s7;
	v23 =	vld.idx.msk [tilespmem:v8+s13+$0x0], $0xffff;
	[tilespmem:s2+$0x0] =	vst v20;
	v20 =	vadd.s32 $0x98, v6;
	s2 =	sor.u32 s15, s7  }
0x2b6: {  	v24 =	vadd.s32 $0x90, v2;
	v21 =	vld.idx.msk [tilespmem:v21+s13+$0x0], $0xffff;
	[tilespmem:s2+$0x0] =	vst v14  }
0x2b7: {  	s2 =	sadd.s32 $0x14500, s22;
	v14 =	vadd.s32 $0xD8, v4;
	[tilespmem:s6+$0x0] =	vst v16;
	v16 =	vld.idx.msk [tilespmem:v17+s13+$0x0], $0xffff  }
0x2b8: {  	s7 =	sor.u32 s23, s2;
	s2 =	sor.u32 s21, s2;
	v17 =	vld.idx.msk [tilespmem:v19+s13+$0x0], $0xffff;
	v19 =	vadd.s32 $0x50, v7;
	[tilespmem:s3+$0x0] =	vst v13  }
0x2b9: {  	v13 =	vld.idx.msk [tilespmem:v15+s13+$0x0], $0xffff;
	[tilespmem:s2+$0x0] =	vst v18;
	v18 =	vadd.s32 $0xE8, v3  }
0x2ba: {  	v25 =	vadd.s32 $0x50, v5;
	s2 =	sadd.s32 $0x12480, s25;
	v20 =	vld.idx.msk [tilespmem:v20+s13+$0x0], $0xffff;
	[tilespmem:s1+$0x0] =	vst v22  }
0x2bb: {  	s19 =	sadd.s32 $0x100, s19;
	s8 =	sadd.s32 $0x16600, s4;
	v22 =	vadd.s32 $0x8, v15;
	s3 =	sor.u32 s24, s2;
	v24 =	vld.idx.msk [tilespmem:v24+s13+$0x0], $0xffff  }
0x2bc: {  	s10 =	sor.u32 s15, s8;
	s6 =	sor.u32 s19, s5;
	s1 =	sand.u32 $0x1C00, s19;
	[tilespmem:s3+$0x0] =	vst v21;
	v21 =	vadd.s32 $0xA0, v6;
	v14 =	vld.idx.msk [tilespmem:v14+s13+$0x0], $0xffff  }
0x2bd: {  	v26 =	vadd.s32 $0x8, v8;
	s2 =	sor.u32 s26, s2;
	s14 =	sadd.s32 $0x10400, s1;
	s3 =	sor.u32 $0x380, s6;
	v19 =	vld.idx.msk [tilespmem:v19+s13+$0x0], $0xffff;
	[tilespmem:s10+$0x0] =	vst v16  }
0x2be: {  	s6 =	sor.u32 s17, s14;
	s10 =	sor.u32 s0, s14;
	v16 =	vadd.s32 $0x98, v2;
	[tilespmem:s2+$0x0] =	vst v17;
	s2 =	sadd.s32 $0x14580, s22;
	v17 =	vld.idx.msk [tilespmem:v18+s13+$0x0], $0xffff  }
0x2bf: {  	v18 =	vadd.s32 $0x58, v7;
	[tilespmem:s10+$0x0] =	vst v13;
	v13 =	vld.idx.msk [tilespmem:v25+s13+$0x0], $0xffff;
	s16 =	sor.u32 s23, s2;
	s14 =	sor.u32 s21, s2;
	s2 =	sor.u32 s20, s8  }
0x2c0: {  	v22 =	vld.idx.msk [tilespmem:v22+s13+$0x0], $0xffff;
	[tilespmem:s14+$0x0] =	vst v20;
	v20 =	vadd.s32 $0xF0, v3  }
0x2c1: {  	s8 =	sadd.s32 $0x12500, s25;
	[tilespmem:s6+$0x0] =	vst v23;
	v23 =	vadd.s32 $0x58, v5;
	v21 =	vld.idx.msk [tilespmem:v21+s13+$0x0], $0xffff  }
0x2c2: {  	s18 =	sor.u32 s26, s8;
	s8 =	sor.u32 s24, s8;
	v25 =	vld.idx.msk [tilespmem:v26+s13+$0x0], $0xffff;
	v26 =	vadd.s32 $0x10, v15;
	[tilespmem:s7+$0x0] =	vst v24;
	s7 =	sadd.s32 $0x16680, s4  }
0x2c3: {  	[tilespmem:s8+$0x0] =	vst v19;
	v16 =	vld.idx.msk [tilespmem:v16+s13+$0x0], $0xffff;
	v19 =	vadd.s32 $0xA8, v6;
	s14 =	sor.u32 s20, s7;
	s7 =	sor.u32 s15, s7  }
0x2c4: {  	v24 =	vadd.s32 $0x10, v8;
	v18 =	vld.idx.msk [tilespmem:v18+s13+$0x0], $0xffff;
	[tilespmem:s7+$0x0] =	vst v17  }
0x2c5: {  	s7 =	sadd.s32 $0x14600, s22;
	[tilespmem:s18+$0x0] =	vst v13;
	v13 =	vadd.s32 $0xA0, v2;
	v17 =	vld.idx.msk [tilespmem:v20+s13+$0x0], $0xffff  }
0x2c6: {  	s8 =	sor.u32 s23, s7;
	s7 =	sor.u32 s21, s7;
	[tilespmem:s10+$0x80] =	vst v22;
	v20 =	vld.idx.msk [tilespmem:v23+s13+$0x0], $0xffff;
	v22 =	vadd.s32 $0x60, v7  }
0x2c7: {  	v23 =	vld.idx.msk [tilespmem:v26+s13+$0x0], $0xffff;
	[tilespmem:s7+$0x0] =	vst v21;
	v21 =	vadd.s32 $0xF8, v3;
	v3 =	vmovc v6;
	v6 =	vmov v7;
	v7 =	vmov v15  }
0x2c8: {  	s7 =	sadd.s32 $0x12580, s25;
	v15 =	vadd.s32 $0x60, v5;
	[tilespmem:s6+$0x80] =	vst v25;
	v19 =	vld.idx.msk [tilespmem:v19+s13+$0x0], $0xffff  }
0x2c9: {  	v25 =	vadd.s32 $0x18, v7;
	s18 =	sor.u32 s26, s7;
	s7 =	sor.u32 s24, s7;
	v24 =	vld.idx.msk [tilespmem:v24+s13+$0x0], $0xffff;
	[tilespmem:s16+$0x0] =	vst v16;
	s16 =	sadd.s32 $0x16700, s4  }
0x2ca: {  	[tilespmem:s7+$0x0] =	vst v18;
	v16 =	vld.idx.msk [tilespmem:v13+s13+$0x0], $0xffff;
	v13 =	vadd.s32 $0xB0, v3;
	s7 =	sor.u32 s20, s16;
	s16 =	sor.u32 s15, s16  }
0x2cb: {  	v18 =	vadd.s32 $0x18, v8;
	v26 =	vld.idx.msk [tilespmem:v22+s13+$0x0], $0xffff;
	[tilespmem:s16+$0x0] =	vst v17  }
0x2cc: {  	v27 =	vadd.s32 $0xA8, v2;
	[tilespmem:s18+$0x0] =	vst v20;
	s18 =	sadd.s32 $0x14680, s22;
	v28 =	vld.idx.msk [tilespmem:v21+s13+$0x0], $0xffff  }
0x2cd: {  	v29 =	vadd.s32 $0x68, v6;
	[tilespmem:s10+$0x100] =	vst v23;
	v17 =	vld.idx.msk [tilespmem:v15+s13+$0x0], $0xffff;
	s16 =	sor.u32 s23, s18;
	s18 =	sor.u32 s21, s18  }
.Ltmp1:
0x2ce: {  	v20 =	vld.idx.msk [tilespmem:v25+s13+$0x0], $0xffff;
	[tilespmem:s18+$0x0] =	vst v19;
	(pc) =	sbr.rel @p0 .LBB2_4-.Ltmp1, $4  }
0x2cf: {  	s29 =	sadd.s32 $0x12600, s25;
	v19 =	vadd.s32 $0x68, v5;
	[tilespmem:s6+$0x100] =	vst v24;
	v13 =	vld.idx.msk [tilespmem:v13+s13+$0x0], $0xffff  }
0x2d0: {  	s4 =	sadd.s32 $0x16780, s4;
	v22 =	vadd.s32 $0x20, v7;
	s18 =	sor.u32 s26, s29;
	s29 =	sor.u32 s24, s29;
	v21 =	vld.idx.msk [tilespmem:v18+s13+$0x0], $0xffff;
	[tilespmem:s8+$0x0] =	vst v16  }
0x2d1: {  	v16 =	vadd.s32 $0xB8, v3;
	s8 =	sor.u32 s20, s4;
	s4 =	sor.u32 s15, s4;
	s20 =	smov.u32 s23;
	[tilespmem:s29+$0x0] =	vst v26;
	v15 =	vld.idx.msk [tilespmem:v27+s13+$0x0], $0xffff  }
0x2d2: {  	s12 =	sadd.s32 $0x20, s12;
	v23 =	vadd.s32 $0x20, v8;
	s23 =	smov.u32 s26;
	s26 =	smov.u32 s17;
	v18 =	vld.idx.msk [tilespmem:v29+s13+$0x0], $0xffff;
	[tilespmem:s4+$0x0] =	vst v28  }
0x2d3: {  	_ =	sdelay $0x2  }
0x2d4: {  	[tilespmem:s10+$0x180] =	vst v20  }
0x2d5: {  	v20 =	vld.idx.msk [tilespmem:v22+s13+$0x0], $0xffff;
	[tilespmem:s6+$0x180] =	vst v21  }
0x2d6: {  	v60 =	vadd.s32 $0x28, v7;
	v21 =	vld.idx.msk [tilespmem:v23+s13+$0x0], $0xffff  }
0x2d7: {  	v61 =	vadd.s32 $0x28, v8;
	_ =	sdelay $0x2  }
0x2d8: {  	[tilespmem:s10+$0x200] =	vst v20  }
0x2d9: {  	v20 =	vld.idx.msk [tilespmem:v60+s13+$0x0], $0xffff;
	[tilespmem:s6+$0x200] =	vst v21  }
0x2da: {  	v62 =	vadd.s32 $0x30, v7;
	v21 =	vld.idx.msk [tilespmem:v61+s13+$0x0], $0xffff  }
0x2db: {  	v63 =	vadd.s32 $0x30, v8;
	_ =	sdelay $0x2  }
0x2dc: {  	s4 =	sadd.s32 $0x1, s11;
	[tilespmem:s10+$0x280] =	vst v20  }
0x2dd: {  	s4 =	sand.u32 $0x3, s4;
	v20 =	vld.idx.msk [tilespmem:v62+s13+$0x0], $0xffff;
	[tilespmem:s6+$0x280] =	vst v21  }
0x2de: {  	v24 =	vadd.s32 $0x38, v7;
	s4 =	sshll.u32 s4, $0x5;
	v21 =	vld.idx.msk [tilespmem:v63+s13+$0x0], $0xffff  }
0x2df: {  	v25 =	vadd.s32 $0x38, v8;
	s4 =	sadd.s32 s4, s19  }
0x2e0: {  	s5 =	sadd.s32 $0x10, s4  }
0x2e1: {  	s30 =	sor.u32 $0x300, s5  }
0x2e2: {  	s4 =	sor.u32 $0x300, s4;
	[tilespmem:s30+$0x10400] =	vst v20  }
0x2e3: {  	v20 =	vld.idx.msk [tilespmem:v24+s13+$0x0], $0xffff;
	[tilespmem:s4+$0x10400] =	vst v21  }
0x2e4: {  	v26 =	vadd.s32 $0x40, v7;
	v21 =	vld.idx.msk [tilespmem:v25+s13+$0x0], $0xffff  }
0x2e5: {  	v27 =	vadd.s32 $0x40, v8;
	_ =	sdelay $0x1  }
0x2e6: {  	s31 =	sor.u32 $0x380, s5  }
0x2e7: {  	[tilespmem:s31+$0x10400] =	vst v20  }
0x2e8: {  	v20 =	vld.idx.msk [tilespmem:v26+s13+$0x0], $0xffff;
	[tilespmem:s3+$0x10400] =	vst v21  }
0x2e9: {  	v28 =	vadd.s32 $0x48, v7;
	v21 =	vld.idx.msk [tilespmem:v27+s13+$0x0], $0xffff  }
0x2ea: {  	v29 =	vadd.s32 $0x48, v8  }
0x2eb: {  	s4 =	sadd.s32 $0x12400, s1  }
0x2ec: {  	s5 =	sor.u32 s0, s4  }
0x2ed: {  	s3 =	sor.u32 s26, s4;
	[tilespmem:s5+$0x0] =	vst v20  }
0x2ee: {  	v20 =	vld.idx.msk [tilespmem:v28+s13+$0x0], $0xffff;
	[tilespmem:s3+$0x0] =	vst v21  }
0x2ef: {  	v30 =	vadd.s32 $0x50, v7;
	v21 =	vld.idx.msk [tilespmem:v29+s13+$0x0], $0xffff  }
0x2f0: {  	v31 =	vadd.s32 $0x50, v8  }
0x2f1: {  	s6 =	sadd.s32 $0x12480, s1  }
0x2f2: {  	s9 =	sor.u32 s0, s6  }
0x2f3: {  	s3 =	sor.u32 s26, s6;
	[tilespmem:s9+$0x0] =	vst v20  }
0x2f4: {  	v20 =	vld.idx.msk [tilespmem:v30+s13+$0x0], $0xffff;
	[tilespmem:s3+$0x0] =	vst v21  }
0x2f5: {  	v32 =	vadd.s32 $0x58, v7;
	v21 =	vld.idx.msk [tilespmem:v31+s13+$0x0], $0xffff  }
0x2f6: {  	v33 =	vadd.s32 $0x58, v8  }
0x2f7: {  	s10 =	sadd.s32 $0x12500, s1  }
0x2f8: {  	s11 =	sor.u32 s0, s10  }
0x2f9: {  	s3 =	sor.u32 s26, s10;
	[tilespmem:s11+$0x0] =	vst v20  }
0x2fa: {  	v20 =	vld.idx.msk [tilespmem:v32+s13+$0x0], $0xffff;
	[tilespmem:s3+$0x0] =	vst v21  }
0x2fb: {  	v34 =	vadd.s32 $0x60, v7;
	v21 =	vld.idx.msk [tilespmem:v33+s13+$0x0], $0xffff  }
0x2fc: {  	v35 =	vadd.s32 $0x60, v8  }
0x2fd: {  	s12 =	sadd.s32 $0x12580, s1  }
0x2fe: {  	s15 =	sor.u32 s0, s12  }
0x2ff: {  	s3 =	sor.u32 s26, s12;
	[tilespmem:s15+$0x0] =	vst v20  }
0x300: {  	v20 =	vld.idx.msk [tilespmem:v34+s13+$0x0], $0xffff;
	[tilespmem:s3+$0x0] =	vst v21  }
0x301: {  	v36 =	vadd.s32 $0x68, v7;
	v21 =	vld.idx.msk [tilespmem:v35+s13+$0x0], $0xffff  }
0x302: {  	v37 =	vadd.s32 $0x68, v8  }
0x303: {  	s17 =	sadd.s32 $0x12600, s1  }
0x304: {  	[tilespmem:s18+$0x0] =	vst v17;
	s19 =	sor.u32 s0, s17  }
0x305: {  	v38 =	vadd.s32 $0x70, v6;
	v17 =	vld.idx.msk [tilespmem:v19+s13+$0x0], $0xffff;
	s3 =	sor.u32 s26, s17;
	[tilespmem:s19+$0x0] =	vst v20  }
0x306: {  	v39 =	vadd.s32 $0x70, v5;
	v22 =	vld.idx.msk [tilespmem:v36+s13+$0x0], $0xffff;
	[tilespmem:s3+$0x0] =	vst v21  }
0x307: {  	s29 =	sadd.s32 $0x12680, s25;
	v40 =	vadd.s32 $0x70, v7;
	v21 =	vld.idx.msk [tilespmem:v37+s13+$0x0], $0xffff  }
0x308: {  	s30 =	sor.u32 s24, s29;
	v24 =	vadd.s32 $0x70, v8  }
0x309: {  	[tilespmem:s30+$0x0] =	vst v18;
	s31 =	sadd.s32 $0x12680, s1;
	s3 =	sor.u32 s23, s29  }
0x30a: {  	v18 =	vld.idx.msk [tilespmem:v38+s13+$0x0], $0xffff;
	s5 =	sor.u32 s0, s31;
	[tilespmem:s3+$0x0] =	vst v17  }
0x30b: {  	v41 =	vadd.s32 $0x78, v6;
	s4 =	sor.u32 s26, s31;
	v17 =	vld.idx.msk [tilespmem:v39+s13+$0x0], $0xffff;
	[tilespmem:s5+$0x0] =	vst v22  }
0x30c: {  	v42 =	vadd.s32 $0x78, v5;
	v22 =	vld.idx.msk [tilespmem:v40+s13+$0x0], $0xffff;
	[tilespmem:s4+$0x0] =	vst v21  }
0x30d: {  	v43 =	vadd.s32 $0x78, v7;
	s6 =	sadd.s32 $0x12700, s25;
	v21 =	vld.idx.msk [tilespmem:v24+s13+$0x0], $0xffff  }
0x30e: {  	v44 =	vand.u32 $0xFFFFFF80, v6;
	v25 =	vadd.s32 $0x78, v8;
	s9 =	sor.u32 s24, s6  }
0x30f: {  	v10 =	vand.u32 $0x7F, v10;
	v45 =	vand.u32 $0xFFFFFF80, v5;
	v9 =	vand.u32 $0x7F, v9;
	[tilespmem:s9+$0x0] =	vst v18;
	s10 =	sadd.s32 $0x12700, s1;
	s3 =	sor.u32 s23, s6  }
0x310: {  	v46 =	vand.u32 $0xFFFFFF80, v7;
	v12 =	vand.u32 $0x7F, v12;
	v10 =	vor.u32 v10, v44;
	v19 =	vld.idx.msk [tilespmem:v41+s13+$0x0], $0xffff;
	s11 =	sor.u32 s0, s10;
	[tilespmem:s3+$0x0] =	vst v17  }
0x311: {  	v48 =	vand.u32 $0xFFFFFF80, v8;
	v9 =	vor.u32 v9, v45;
	v10 =	vadd.s32 $0x80, v10;
	s4 =	sor.u32 s26, s10;
	v17 =	vld.idx.msk [tilespmem:v42+s13+$0x0], $0xffff;
	[tilespmem:s11+$0x0] =	vst v22  }
0x312: {  	v11 =	vand.u32 $0x7F, v11;
	v12 =	vor.u32 v12, v46;
	v9 =	vadd.s32 $0x80, v9;
	v47 =	vld.idx.msk [tilespmem:v43+s13+$0x0], $0xffff;
	[tilespmem:s4+$0x0] =	vst v21  }
0x313: {  	v11 =	vor.u32 v11, v48;
	v12 =	vadd.s32 $0x80, v12;
	s12 =	sadd.s32 $0x12780, s25;
	v21 =	vld.idx.msk [tilespmem:v25+s13+$0x0], $0xffff  }
0x314: {  	v11 =	vadd.s32 $0x80, v11;
	s15 =	sor.u32 s24, s12  }
0x315: {  	[tilespmem:s15+$0x0] =	vst v19;
	s17 =	sadd.s32 $0x12780, s1;
	s3 =	sor.u32 s23, s12  }
0x316: {  	v10 =	vld.idx.msk [tilespmem:v10+s13+$0x0], $0xffff;
	s18 =	sor.u32 s0, s17;
	[tilespmem:s3+$0x0] =	vst v17  }
0x317: {  	v49 =	vadd.s32 $0x88, v6;
	s4 =	sor.u32 s26, s17;
	v9 =	vld.idx.msk [tilespmem:v9+s13+$0x0], $0xffff;
	[tilespmem:s18+$0x0] =	vst v47  }
0x318: {  	v50 =	vadd.s32 $0x88, v5;
	v12 =	vld.idx.msk [tilespmem:v12+s13+$0x0], $0xffff;
	[tilespmem:s4+$0x0] =	vst v21  }
0x319: {  	v51 =	vadd.s32 $0x88, v7;
	s19 =	sadd.s32 $0x14400, s25;
	v11 =	vld.idx.msk [tilespmem:v11+s13+$0x0], $0xffff  }
0x31a: {  	v52 =	vadd.s32 $0x88, v8;
	s29 =	sor.u32 s24, s19  }
0x31b: {  	s30 =	sadd.s32 $0x14400, s1;
	[tilespmem:s29+$0x0] =	vst v10;
	s3 =	sor.u32 s23, s19  }
0x31c: {  	s31 =	sor.u32 s0, s30;
	v10 =	vld.idx.msk [tilespmem:v49+s13+$0x0], $0xffff;
	[tilespmem:s3+$0x0] =	vst v9  }
0x31d: {  	v53 =	vadd.s32 $0x90, v6;
	s4 =	sor.u32 s26, s30;
	v54 =	vld.idx.msk [tilespmem:v50+s13+$0x0], $0xffff;
	[tilespmem:s31+$0x0] =	vst v12  }
0x31e: {  	v55 =	vadd.s32 $0x90, v5;
	v56 =	vld.idx.msk [tilespmem:v51+s13+$0x0], $0xffff;
	[tilespmem:s4+$0x0] =	vst v11  }
0x31f: {  	v57 =	vadd.s32 $0x90, v7;
	s4 =	sadd.s32 $0x14480, s25;
	v58 =	vld.idx.msk [tilespmem:v52+s13+$0x0], $0xffff  }
0x320: {  	v59 =	vadd.s32 $0x90, v8;
	s5 =	sor.u32 s24, s4  }
0x321: {  	s6 =	sadd.s32 $0x14480, s1;
	s3 =	sor.u32 s23, s4;
	[tilespmem:s5+$0x0] =	vst v10  }
0x322: {  	s9 =	sor.u32 s0, s6;
	[tilespmem:s3+$0x0] =	vst v54;
	v9 =	vld.idx.msk [tilespmem:v53+s13+$0x0], $0xffff  }
0x323: {  	v60 =	vadd.s32 $0x98, v6;
	s4 =	sor.u32 s26, s6;
	v12 =	vld.idx.msk [tilespmem:v55+s13+$0x0], $0xffff;
	[tilespmem:s9+$0x0] =	vst v56  }
0x324: {  	v61 =	vadd.s32 $0x98, v5;
	v11 =	vld.idx.msk [tilespmem:v57+s13+$0x0], $0xffff;
	[tilespmem:s4+$0x0] =	vst v58  }
0x325: {  	v62 =	vadd.s32 $0x98, v7;
	s10 =	sadd.s32 $0x14500, s25;
	v19 =	vld.idx.msk [tilespmem:v59+s13+$0x0], $0xffff  }
0x326: {  	v63 =	vadd.s32 $0x98, v8;
	s11 =	sor.u32 s24, s10  }
0x327: {  	s12 =	sadd.s32 $0x14500, s1;
	s3 =	sor.u32 s23, s10;
	[tilespmem:s11+$0x0] =	vst v9  }
0x328: {  	v28 =	vadd.s32 $0xB0, v2;
	s15 =	sor.u32 s0, s12;
	[tilespmem:s3+$0x0] =	vst v12;
	v9 =	vld.idx.msk [tilespmem:v60+s13+$0x0], $0xffff  }
0x329: {  	v21 =	vadd.s32 $0xA0, v6;
	s4 =	sor.u32 s26, s12;
	v22 =	vld.idx.msk [tilespmem:v61+s13+$0x0], $0xffff;
	[tilespmem:s15+$0x0] =	vst v11  }
0x32a: {  	v23 =	vadd.s32 $0xA0, v5;
	s3 =	sadd.s32 $0x14700, s22;
	v24 =	vld.idx.msk [tilespmem:v62+s13+$0x0], $0xffff;
	[tilespmem:s4+$0x0] =	vst v19  }
0x32b: {  	[tilespmem:s16+$0x0] =	vst v15;
	v25 =	vadd.s32 $0xA0, v7;
	s18 =	sadd.s32 $0x14580, s25;
	s17 =	sor.u32 s21, s3;
	v26 =	vld.idx.msk [tilespmem:v63+s13+$0x0], $0xffff  }
0x32c: {  	v27 =	vadd.s32 $0xA0, v8;
	s19 =	sor.u32 s24, s18;
	[tilespmem:s17+$0x0] =	vst v13  }
0x32d: {  	v33 =	vld.idx.msk [tilespmem:v28+s13+$0x0], $0xffff;
	s29 =	sadd.s32 $0x14580, s1;
	s4 =	sor.u32 s23, s18;
	[tilespmem:s19+$0x0] =	vst v9  }
0x32e: {  	v29 =	vadd.s32 $0xE0, v4;
	s30 =	sor.u32 s0, s29;
	[tilespmem:s4+$0x0] =	vst v22;
	v10 =	vld.idx.msk [tilespmem:v21+s13+$0x0], $0xffff  }
0x32f: {  	v30 =	vadd.s32 $0xA8, v6;
	s5 =	sor.u32 s26, s29;
	v12 =	vld.idx.msk [tilespmem:v23+s13+$0x0], $0xffff;
	[tilespmem:s30+$0x0] =	vst v24  }
0x330: {  	v31 =	vadd.s32 $0xA8, v5;
	v13 =	vld.idx.msk [tilespmem:v25+s13+$0x0], $0xffff;
	[tilespmem:s5+$0x0] =	vst v26  }
0x331: {  	[tilespmem:s28+$0x0] =	vst v14;
	v32 =	vadd.s32 $0xA8, v7;
	s10 =	sadd.s32 $0x14600, s25;
	s3 =	sor.u32 s20, s3;
	v15 =	vld.idx.msk [tilespmem:v27+s13+$0x0], $0xffff  }
0x332: {  	v34 =	vadd.s32 $0xA8, v8;
	s11 =	sor.u32 s24, s10;
	[tilespmem:s3+$0x0] =	vst v33;
	v16 =	vld.idx.msk [tilespmem:v16+s13+$0x0], $0xffff  }
0x333: {  	v35 =	vadd.s32 $0xC0, v3;
	s6 =	sor.u32 s23, s10;
	s12 =	sadd.s32 $0x14600, s1;
	v9 =	vld.idx.msk [tilespmem:v29+s13+$0x0], $0xffff;
	[tilespmem:s11+$0x0] =	vst v10  }
0x334: {  	v36 =	vadd.s32 $0xB8, v2;
	s15 =	sor.u32 s0, s12;
	[tilespmem:s6+$0x0] =	vst v12;
	v11 =	vld.idx.msk [tilespmem:v30+s13+$0x0], $0xffff  }
0x335: {  	v37 =	vadd.s32 $0xB0, v6;
	s31 =	sadd.s32 $0x14780, s22;
	s5 =	sor.u32 s26, s12;
	v38 =	vld.idx.msk [tilespmem:v31+s13+$0x0], $0xffff;
	[tilespmem:s15+$0x0] =	vst v13  }
0x336: {  	v39 =	vadd.s32 $0xB0, v5;
	s9 =	sor.u32 s21, s31;
	v14 =	vld.idx.msk [tilespmem:v32+s13+$0x0], $0xffff;
	[tilespmem:s5+$0x0] =	vst v15  }
0x337: {  	s16 =	sadd.s32 $0x14680, s25;
	v40 =	vadd.s32 $0xB0, v7;
	[tilespmem:s9+$0x0] =	vst v16;
	v16 =	vld.idx.msk [tilespmem:v34+s13+$0x0], $0xffff  }
0x338: {  	v42 =	vadd.s32 $0xB0, v8;
	s17 =	sor.u32 s24, s16;
	v41 =	vld.idx.msk [tilespmem:v35+s13+$0x0], $0xffff;
	[tilespmem:s2+$0x0] =	vst v9  }
0x339: {  	v43 =	vadd.s32 $0xE8, v4;
	s3 =	sor.u32 s23, s16;
	s18 =	sadd.s32 $0x14680, s1;
	v10 =	vld.idx.msk [tilespmem:v36+s13+$0x0], $0xffff;
	[tilespmem:s17+$0x0] =	vst v11  }
0x33a: {  	v44 =	vadd.s32 $0xC8, v3;
	s19 =	sor.u32 s0, s18;
	[tilespmem:s3+$0x0] =	vst v38;
	v12 =	vld.idx.msk [tilespmem:v37+s13+$0x0], $0xffff  }
0x33b: {  	s28 =	sadd.s32 $0x16400, s22;
	v45 =	vadd.s32 $0xB8, v6;
	s2 =	sor.u32 s26, s18;
	v46 =	vld.idx.msk [tilespmem:v39+s13+$0x0], $0xffff;
	[tilespmem:s19+$0x0] =	vst v14  }
0x33c: {  	v47 =	vadd.s32 $0xB8, v5;
	s29 =	sor.u32 s21, s28;
	v48 =	vld.idx.msk [tilespmem:v40+s13+$0x0], $0xffff;
	[tilespmem:s2+$0x0] =	vst v16  }
0x33d: {  	v49 =	vadd.s32 $0xB8, v7;
	s4 =	sor.u32 s20, s31;
	s30 =	sadd.s32 $0x14700, s25;
	[tilespmem:s29+$0x0] =	vst v41;
	v9 =	vld.idx.msk [tilespmem:v42+s13+$0x0], $0xffff  }
0x33e: {  	v51 =	vadd.s32 $0xB8, v8;
	s31 =	sor.u32 s24, s30;
	v50 =	vld.idx.msk [tilespmem:v43+s13+$0x0], $0xffff;
	[tilespmem:s4+$0x0] =	vst v10  }
0x33f: {  	v52 =	vadd.s32 $0xC0, v2;
	s5 =	sadd.s32 $0x14700, s1;
	v11 =	vld.idx.msk [tilespmem:v44+s13+$0x0], $0xffff;
	s2 =	sor.u32 s23, s30;
	[tilespmem:s31+$0x0] =	vst v12  }
0x340: {  	v53 =	vadd.s32 $0xF0, v4;
	s6 =	sor.u32 s0, s5;
	[tilespmem:s2+$0x0] =	vst v46;
	v13 =	vld.idx.msk [tilespmem:v45+s13+$0x0], $0xffff  }
0x341: {  	v54 =	vadd.s32 $0xC0, v6;
	s4 =	sor.u32 s26, s5;
	v15 =	vld.idx.msk [tilespmem:v47+s13+$0x0], $0xffff;
	[tilespmem:s6+$0x0] =	vst v48  }
0x342: {  	v55 =	vadd.s32 $0xC0, v5;
	s9 =	sadd.s32 $0x16480, s22;
	v17 =	vld.idx.msk [tilespmem:v49+s13+$0x0], $0xffff;
	[tilespmem:s4+$0x0] =	vst v9  }
0x343: {  	v56 =	vadd.s32 $0xC0, v7;
	s10 =	sor.u32 s21, s9;
	s11 =	sadd.s32 $0x14780, s25;
	[tilespmem:s14+$0x0] =	vst v50;
	v10 =	vld.idx.msk [tilespmem:v51+s13+$0x0], $0xffff  }
0x344: {  	v58 =	vadd.s32 $0xC0, v8;
	s12 =	sor.u32 s24, s11;
	v57 =	vld.idx.msk [tilespmem:v52+s13+$0x0], $0xffff;
	[tilespmem:s10+$0x0] =	vst v11  }
0x345: {  	v59 =	vadd.s32 $0xD0, v3;
	s5 =	sor.u32 s23, s11;
	s14 =	sadd.s32 $0x14780, s1;
	v12 =	vld.idx.msk [tilespmem:v53+s13+$0x0], $0xffff;
	[tilespmem:s12+$0x0] =	vst v13  }
0x346: {  	v60 =	vadd.s32 $0xC8, v2;
	s15 =	sor.u32 s0, s14;
	[tilespmem:s5+$0x0] =	vst v15;
	v14 =	vld.idx.msk [tilespmem:v54+s13+$0x0], $0xffff  }
0x347: {  	v61 =	vadd.s32 $0xC8, v6;
	s4 =	sor.u32 s26, s14;
	v16 =	vld.idx.msk [tilespmem:v55+s13+$0x0], $0xffff;
	[tilespmem:s15+$0x0] =	vst v17  }
0x348: {  	v62 =	vadd.s32 $0xC8, v5;
	s3 =	sor.u32 s20, s28;
	v9 =	vld.idx.msk [tilespmem:v56+s13+$0x0], $0xffff;
	[tilespmem:s4+$0x0] =	vst v10  }
0x349: {  	s16 =	sadd.s32 $0x16400, s25;
	v63 =	vadd.s32 $0xC8, v7;
	[tilespmem:s3+$0x0] =	vst v57;
	v11 =	vld.idx.msk [tilespmem:v58+s13+$0x0], $0xffff  }
0x34a: {  	v22 =	vadd.s32 $0xC8, v8;
	s17 =	sor.u32 s24, s16;
	v21 =	vld.idx.msk [tilespmem:v59+s13+$0x0], $0xffff;
	[tilespmem:s7+$0x0] =	vst v12  }
0x34b: {  	v23 =	vadd.s32 $0xF8, v4;
	s18 =	sadd.s32 $0x16400, s1;
	s3 =	sor.u32 s23, s16;
	v13 =	vld.idx.msk [tilespmem:v60+s13+$0x0], $0xffff;
	[tilespmem:s17+$0x0] =	vst v14  }
0x34c: {  	v24 =	vadd.s32 $0xD0, v2;
	s19 =	sor.u32 s0, s18;
	[tilespmem:s3+$0x0] =	vst v16;
	v15 =	vld.idx.msk [tilespmem:v61+s13+$0x0], $0xffff  }
0x34d: {  	v25 =	vadd.s32 $0xD0, v6;
	s28 =	sadd.s32 $0x16500, s22;
	s4 =	sor.u32 s26, s18;
	v10 =	vld.idx.msk [tilespmem:v62+s13+$0x0], $0xffff;
	[tilespmem:s19+$0x0] =	vst v9  }
0x34e: {  	v26 =	vadd.s32 $0xD0, v5;
	s29 =	sor.u32 s21, s28;
	v27 =	vld.idx.msk [tilespmem:v63+s13+$0x0], $0xffff;
	[tilespmem:s4+$0x0] =	vst v11  }
0x34f: {  	v28 =	vadd.s32 $0xD0, v7;
	s30 =	sadd.s32 $0x16480, s25;
	s2 =	sor.u32 s20, s9;
	[tilespmem:s29+$0x0] =	vst v21;
	v12 =	vld.idx.msk [tilespmem:v22+s13+$0x0], $0xffff  }
0x350: {  	v29 =	vadd.s32 $0xD0, v8;
	s31 =	sor.u32 s24, s30;
	v4 =	vld.idx.msk [tilespmem:v23+s13+$0x0], $0xffff;
	[tilespmem:s2+$0x0] =	vst v13  }
0x351: {  	v30 =	vadd.s32 $0xD8, v3;
	s5 =	sadd.s32 $0x16480, s1;
	v14 =	vld.idx.msk [tilespmem:v24+s13+$0x0], $0xffff;
	s4 =	sor.u32 s23, s30;
	[tilespmem:s31+$0x0] =	vst v15  }
0x352: {  	v31 =	vadd.s32 $0xD8, v2;
	s6 =	sor.u32 s0, s5;
	[tilespmem:s4+$0x0] =	vst v10;
	v9 =	vld.idx.msk [tilespmem:v25+s13+$0x0], $0xffff  }
0x353: {  	v32 =	vadd.s32 $0xD8, v6;
	s2 =	sor.u32 s26, s5;
	v11 =	vld.idx.msk [tilespmem:v26+s13+$0x0], $0xffff;
	[tilespmem:s6+$0x0] =	vst v27  }
0x354: {  	v33 =	vadd.s32 $0xD8, v5;
	v16 =	vld.idx.msk [tilespmem:v28+s13+$0x0], $0xffff;
	[tilespmem:s2+$0x0] =	vst v12  }
0x355: {  	v34 =	vadd.s32 $0xD8, v7;
	s9 =	sadd.s32 $0x16500, s25;
	s7 =	sor.u32 s20, s28;
	[tilespmem:s8+$0x0] =	vst v4;
	v13 =	vld.idx.msk [tilespmem:v29+s13+$0x0], $0xffff  }
0x356: {  	v36 =	vadd.s32 $0xD8, v8;
	s10 =	sor.u32 s24, s9;
	v35 =	vld.idx.msk [tilespmem:v30+s13+$0x0], $0xffff;
	[tilespmem:s7+$0x0] =	vst v14  }
0x357: {  	s11 =	sadd.s32 $0x16500, s1;
	v37 =	vadd.s32 $0xE0, v3;
	s3 =	sor.u32 s23, s9;
	v15 =	vld.idx.msk [tilespmem:v31+s13+$0x0], $0xffff;
	[tilespmem:s10+$0x0] =	vst v9  }
0x358: {  	v38 =	vadd.s32 $0xE0, v2;
	s12 =	sor.u32 s0, s11;
	[tilespmem:s3+$0x0] =	vst v11;
	v10 =	vld.idx.msk [tilespmem:v32+s13+$0x0], $0xffff  }
0x359: {  	v39 =	vadd.s32 $0xE0, v6;
	s14 =	sadd.s32 $0x16580, s22;
	s2 =	sor.u32 s26, s11;
	v12 =	vld.idx.msk [tilespmem:v33+s13+$0x0], $0xffff;
	[tilespmem:s12+$0x0] =	vst v16  }
0x35a: {  	v40 =	vadd.s32 $0xE0, v5;
	s15 =	sor.u32 s21, s14;
	v4 =	vld.idx.msk [tilespmem:v34+s13+$0x0], $0xffff;
	[tilespmem:s2+$0x0] =	vst v13  }
0x35b: {  	v41 =	vadd.s32 $0xE0, v7;
	s16 =	sadd.s32 $0x16580, s25;
	[tilespmem:s15+$0x0] =	vst v35;
	s3 =	sor.u32 s20, s14;
	v14 =	vld.idx.msk [tilespmem:v36+s13+$0x0], $0xffff  }
0x35c: {  	v42 =	vadd.s32 $0xE0, v8;
	v17 =	vld.idx.msk [tilespmem:v37+s13+$0x0], $0xffff;
	s17 =	sor.u32 s24, s16;
	[tilespmem:s3+$0x0] =	vst v15  }
0x35d: {  	v43 =	vadd.s32 $0xE8, v3;
	s18 =	sadd.s32 $0x16580, s1;
	v9 =	vld.idx.msk [tilespmem:v38+s13+$0x0], $0xffff;
	s2 =	sor.u32 s23, s16;
	[tilespmem:s17+$0x0] =	vst v10  }
0x35e: {  	v44 =	vadd.s32 $0xE8, v2;
	s19 =	sor.u32 s0, s18;
	[tilespmem:s2+$0x0] =	vst v12;
	v11 =	vld.idx.msk [tilespmem:v39+s13+$0x0], $0xffff  }
0x35f: {  	v45 =	vadd.s32 $0xE8, v6;
	s28 =	sadd.s32 $0x16600, s22;
	s3 =	sor.u32 s26, s18;
	v12 =	vld.idx.msk [tilespmem:v40+s13+$0x0], $0xffff;
	[tilespmem:s19+$0x0] =	vst v4  }
0x360: {  	v46 =	vadd.s32 $0xE8, v5;
	s29 =	sor.u32 s21, s28;
	v47 =	vld.idx.msk [tilespmem:v41+s13+$0x0], $0xffff;
	[tilespmem:s3+$0x0] =	vst v14  }
0x361: {  	v48 =	vadd.s32 $0xE8, v7;
	s30 =	sadd.s32 $0x16600, s25;
	[tilespmem:s29+$0x0] =	vst v17;
	s2 =	sor.u32 s20, s28;
	v15 =	vld.idx.msk [tilespmem:v42+s13+$0x0], $0xffff  }
0x362: {  	v49 =	vadd.s32 $0xE8, v8;
	v17 =	vld.idx.msk [tilespmem:v43+s13+$0x0], $0xffff;
	s31 =	sor.u32 s24, s30;
	[tilespmem:s2+$0x0] =	vst v9  }
0x363: {  	v50 =	vadd.s32 $0xF0, v3;
	s4 =	sadd.s32 $0x16600, s1;
	v10 =	vld.idx.msk [tilespmem:v44+s13+$0x0], $0xffff;
	s3 =	sor.u32 s23, s30;
	[tilespmem:s31+$0x0] =	vst v11  }
0x364: {  	v51 =	vadd.s32 $0xF0, v2;
	s5 =	sor.u32 s0, s4;
	[tilespmem:s3+$0x0] =	vst v12;
	v4 =	vld.idx.msk [tilespmem:v45+s13+$0x0], $0xffff  }
0x365: {  	v52 =	vadd.s32 $0xF0, v6;
	s6 =	sadd.s32 $0x16680, s22;
	s3 =	sor.u32 s26, s4;
	v13 =	vld.idx.msk [tilespmem:v46+s13+$0x0], $0xffff;
	[tilespmem:s5+$0x0] =	vst v47  }
0x366: {  	v53 =	vadd.s32 $0xF0, v5;
	s7 =	sor.u32 s21, s6;
	v54 =	vld.idx.msk [tilespmem:v48+s13+$0x0], $0xffff;
	[tilespmem:s3+$0x0] =	vst v15  }
0x367: {  	v55 =	vadd.s32 $0xF0, v7;
	s8 =	sadd.s32 $0x16680, s25;
	[tilespmem:s7+$0x0] =	vst v17;
	s2 =	sor.u32 s20, s6;
	v9 =	vld.idx.msk [tilespmem:v49+s13+$0x0], $0xffff  }
0x368: {  	v56 =	vadd.s32 $0xF0, v8;
	s9 =	sor.u32 s24, s8;
	v17 =	vld.idx.msk [tilespmem:v50+s13+$0x0], $0xffff;
	[tilespmem:s2+$0x0] =	vst v10  }
0x369: {  	v3 =	vadd.s32 $0xF8, v3;
	s10 =	sadd.s32 $0x16680, s1;
	v11 =	vld.idx.msk [tilespmem:v51+s13+$0x0], $0xffff;
	s3 =	sor.u32 s23, s8;
	[tilespmem:s9+$0x0] =	vst v4  }
0x36a: {  	v2 =	vadd.s32 $0xF8, v2;
	s11 =	sor.u32 s0, s10;
	[tilespmem:s3+$0x0] =	vst v13;
	v4 =	vld.idx.msk [tilespmem:v52+s13+$0x0], $0xffff  }
0x36b: {  	v57 =	vadd.s32 $0xF8, v6;
	s12 =	sadd.s32 $0x16700, s22;
	s2 =	sor.u32 s26, s10;
	v58 =	vld.idx.msk [tilespmem:v53+s13+$0x0], $0xffff;
	[tilespmem:s11+$0x0] =	vst v54  }
0x36c: {  	v59 =	vadd.s32 $0xF8, v5;
	s14 =	sor.u32 s21, s12;
	v60 =	vld.idx.msk [tilespmem:v55+s13+$0x0], $0xffff;
	[tilespmem:s2+$0x0] =	vst v9  }
0x36d: {  	s15 =	sadd.s32 $0x16700, s25;
	v61 =	vadd.s32 $0xF8, v7;
	[tilespmem:s14+$0x0] =	vst v17;
	s3 =	sor.u32 s20, s12;
	v10 =	vld.idx.msk [tilespmem:v56+s13+$0x0], $0xffff  }
0x36e: {  	v62 =	vadd.s32 $0xF8, v8;
	s16 =	sor.u32 s24, s15;
	v3 =	vld.idx.msk [tilespmem:v3+s13+$0x0], $0xffff;
	[tilespmem:s3+$0x0] =	vst v11  }
0x36f: {  	s17 =	sadd.s32 $0x16700, s1;
	v2 =	vld.idx.msk [tilespmem:v2+s13+$0x0], $0xffff;
	s2 =	sor.u32 s23, s15;
	[tilespmem:s16+$0x0] =	vst v4  }
0x370: {  	s18 =	sor.u32 s0, s17;
	[tilespmem:s2+$0x0] =	vst v58;
	v4 =	vld.idx.msk [tilespmem:v57+s13+$0x0], $0xffff  }
0x371: {  	s19 =	sadd.s32 $0x16780, s22;
	s3 =	sor.u32 s26, s17;
	v5 =	vld.idx.msk [tilespmem:v59+s13+$0x0], $0xffff;
	[tilespmem:s18+$0x0] =	vst v60  }
0x372: {  	s21 =	sor.u32 s21, s19;
	v63 =	vld.idx.msk [tilespmem:v61+s13+$0x0], $0xffff;
	[tilespmem:s3+$0x0] =	vst v10  }
0x373: {  	s22 =	sadd.s32 $0x16780, s25;
	[tilespmem:s21+$0x0] =	vst v3;
	s2 =	sor.u32 s20, s19;
	v3 =	vld.idx.msk [tilespmem:v62+s13+$0x0], $0xffff  }
0x374: {  	s25 =	sor.u32 s24, s22;
	[tilespmem:s2+$0x0] =	vst v2  }
0x375: {  	s28 =	sadd.s32 $0x16780, s1;
	s3 =	sor.u32 s23, s22;
	[tilespmem:s25+$0x0] =	vst v4  }
0x376: {  	s29 =	sor.u32 s0, s28;
	[tilespmem:s3+$0x0] =	vst v5  }
0x377: {  	s1 =	sor.u32 s26, s28;
	[tilespmem:s29+$0x0] =	vst v63  }
0x378: {  	[tilespmem:s1+$0x0] =	vst v3  }
0x379: {  	s30 =	simm.s32 $0x0;
	s1 =	rddreg [dreg:$0xa]  }
0x37a: {  	s31 =	simm.s32 $0x10400;
	s20 =	simm.s32 $0x1;
	s0 =	rddreg [dreg:$0x6]  }
0x37b: {  	[hbm4b:s1+s30] =	stream.linear.scatter [tilespmem:s31], [sflag:$0x2], $0x8000, $0x38;
	[tilespmem:$0x18400] =	vst v63  }
.LBB2_6:
0x37c: {  	s1 =	rddreg [dreg:$0x3]  }
0x37d: {  	s12 =	sadd.s32 s1, s20  }
0x37e: {  	s1 =	sshrl.u32 s12, $0x6  }
0x37f: {  	p0 =	seq.s32 s1, s0  }
0x380: {  	[dreg:$0xd] =	wrdreg s1;
	s0 =	sshll.u32 @!p0 s1, $0x7  }
0x381: {  	s1 =	rddreg [dreg:$0x5];
	s0 =	sand.u32 @!p0 $0x1FFFFF80, s0  }
0x382: {  	s0 =	sadd.s32 @!p0 s1, s0;
	s1 =	simm.s32 @!p0 $0x0  }
0x383: {  	[tilespmem:s1], [sflag:$0x3] =	stream.linear.gather @!p0 [hbm4b:s0+s1], $0x400, $0x38;
	[tilespmem:$0x18400] =	vst v63  }
0x384: {  	s0 =	simm.s32 @!p0 $0x3  }
0x385: {  	_ =	swait.ge @!p0 [sflag:s0], $0x400  }
0x386: {  	[sflag:s0] =	ssyncset.done @!p0 $0x0  }
0x387: {  	s2 =	simm.s32 $0x0;
	s3 =	simm.s32 $0x1;
	[sflag:s0] =	ssyncadd.s32 @!p0 $0xFFFFFC00  }
0x388: {  	s1 =	sand.u32 $0x60, s2;
	_ =	swait.ge [sflag:s3], $0x8000  }
0x389: {  	s9 =	sand.u32 $0x380, s2;
	s11 =	sor.u32 $0x10, s1;
	[sflag:s3] =	ssyncset.done $0x0  }
0x38a: {  	s0 =	sor.u32 s11, s9;
	[sflag:s3] =	ssyncadd.s32 $0xFFFF8000  }
0x38b: {  	v6 =	vld [tilespmem:s0+$0x0];
	_ =	sdelay $0x1  }
0x38c: {  	s10 =	sshll.u32 s12, $0x9  }
0x38d: {  	s0 =	sand.u32 $0x7E00, s10  }
0x38e: {  	v8 =	vmov s0  }
0x38f: {  	v14 =	vadd.s32 v8, v6;
	_ =	sdelay $0x1  }
0x390: {  	[dreg:$0xf] =	wrdreg s0  }
0x391: {  	v5 =	vld [tilespmem:s2+$0x0];
	_ =	sdelay $0x1  }
0x392: {  	v2 =	vld.idx.msk [tilespmem:v14+s13+$0x0], $0xffff  }
0x393: {  	v3 =	vadd.s32 $0x8, v14  }
0x394: {  	s7 =	sand.u32 $0x1C00, s2  }
0x395: {  	s14 =	sadd.s32 $0x8400, s7;
	v4 =	vadd.s32 v8, v5  }
0x396: {  	s15 =	sor.u32 s11, s14  }
0x397: {  	[tilespmem:s15+$0x0] =	vst v2  }
0x398: {  	v2 =	vld.idx.msk [tilespmem:v3+s13+$0x0], $0xffff  }
0x399: {  	v3 =	vadd.s32 $0x10, v14  }
0x39a: {  	v7 =	vld.idx.msk [tilespmem:v4+s13+$0x0], $0xffff  }
0x39b: {  	v9 =	vadd.s32 $0x8, v4;
	_ =	sdelay $0x1  }
0x39c: {  	[tilespmem:s15+$0x80] =	vst v2  }
0x39d: {  	s4 =	sor.u32 s1, s14;
	v2 =	vld.idx.msk [tilespmem:v3+s13+$0x0], $0xffff  }
0x39e: {  	[tilespmem:s4+$0x0] =	vst v7;
	v3 =	vadd.s32 $0x18, v14  }
0x39f: {  	v7 =	vld.idx.msk [tilespmem:v9+s13+$0x0], $0xffff  }
0x3a0: {  	v9 =	vadd.s32 $0x10, v4;
	_ =	sdelay $0x1  }
0x3a1: {  	[tilespmem:s15+$0x100] =	vst v2  }
0x3a2: {  	v2 =	vld.idx.msk [tilespmem:v3+s13+$0x0], $0xffff  }
0x3a3: {  	[tilespmem:s4+$0x80] =	vst v7;
	v3 =	vadd.s32 $0x20, v14  }
0x3a4: {  	v7 =	vld.idx.msk [tilespmem:v9+s13+$0x0], $0xffff  }
0x3a5: {  	v9 =	vadd.s32 $0x18, v4;
	_ =	sdelay $0x1  }
0x3a6: {  	[tilespmem:s15+$0x180] =	vst v2  }
0x3a7: {  	v2 =	vld.idx.msk [tilespmem:v3+s13+$0x0], $0xffff  }
0x3a8: {  	[tilespmem:s4+$0x100] =	vst v7;
	v3 =	vadd.s32 $0x28, v14  }
0x3a9: {  	v7 =	vld.idx.msk [tilespmem:v9+s13+$0x0], $0xffff  }
0x3aa: {  	v9 =	vadd.s32 $0x20, v4;
	_ =	sdelay $0x1  }
0x3ab: {  	[tilespmem:s15+$0x200] =	vst v2  }
0x3ac: {  	v2 =	vld.idx.msk [tilespmem:v3+s13+$0x0], $0xffff  }
0x3ad: {  	[tilespmem:s4+$0x180] =	vst v7;
	v3 =	vadd.s32 $0x30, v14  }
0x3ae: {  	v7 =	vld.idx.msk [tilespmem:v9+s13+$0x0], $0xffff  }
0x3af: {  	v9 =	vadd.s32 $0x28, v4;
	_ =	sdelay $0x1  }
0x3b0: {  	[tilespmem:s15+$0x280] =	vst v2  }
0x3b1: {  	s16 =	sand.u32 $0x3, s2;
	v2 =	vld.idx.msk [tilespmem:v3+s13+$0x0], $0xffff  }
0x3b2: {  	s0 =	sshll.u32 s16, $0x5;
	[tilespmem:s4+$0x200] =	vst v7;
	v3 =	vadd.s32 $0x38, v14  }
0x3b3: {  	s17 =	sadd.s32 $0x0, s0;
	v7 =	vld.idx.msk [tilespmem:v9+s13+$0x0], $0xffff  }
0x3b4: {  	s5 =	sadd.s32 $0x10, s17;
	v9 =	vadd.s32 $0x30, v4  }
0x3b5: {  	s18 =	sor.u32 $0x300, s5  }
0x3b6: {  	[tilespmem:s18+$0x8400] =	vst v2  }
0x3b7: {  	v2 =	vld.idx.msk [tilespmem:v3+s13+$0x0], $0xffff  }
0x3b8: {  	s0 =	simm.s32 $0x20;
	[tilespmem:s4+$0x280] =	vst v7;
	v3 =	vadd.s32 $0x40, v14  }
0x3b9: {  	s24 =	sand.u32 $0x60, s0;
	v10 =	vld.idx.msk [tilespmem:v9+s13+$0x0], $0xffff  }
0x3ba: {  	s19 =	sand.u32 $0x380, s0;
	s25 =	sor.u32 $0x10, s24;
	v11 =	vadd.s32 $0x38, v4  }
0x3bb: {  	s5 =	sor.u32 $0x380, s5;
	v7 =	vld [tilespmem:s0+$0x0];
	s4 =	sor.u32 s25, s19  }
0x3bc: {  	v9 =	vld [tilespmem:s4+$0x0];
	[tilespmem:s5+$0x8400] =	vst v2  }
0x3bd: {  	s3 =	sor.u32 $0x300, s17;
	v12 =	vld.idx.msk [tilespmem:v3+s13+$0x0], $0xffff  }
0x3be: {  	[tilespmem:s3+$0x8400] =	vst v10;
	v10 =	vadd.s32 $0x48, v14  }
0x3bf: {  	v11 =	vld.idx.msk [tilespmem:v11+s13+$0x0], $0xffff  }
0x3c0: {  	s21 =	sadd.s32 $0xA400, s7;
	v13 =	vadd.s32 $0x40, v4  }
0x3c1: {  	s22 =	sor.u32 s11, s21;
	v3 =	vadd.s32 v8, v9  }
0x3c2: {  	s2 =	sor.u32 s2, s2;
	v2 =	vadd.s32 v8, v7;
	[tilespmem:s22+$0x0] =	vst v12  }
0x3c3: {  	s2 =	sor.u32 $0x380, s2;
	v10 =	vld.idx.msk [tilespmem:v10+s13+$0x0], $0xffff  }
0x3c4: {  	[tilespmem:s2+$0x8400] =	vst v11;
	v11 =	vadd.s32 $0x50, v14  }
0x3c5: {  	v12 =	vld.idx.msk [tilespmem:v13+s13+$0x0], $0xffff  }
0x3c6: {  	s23 =	sadd.s32 $0xA480, s7;
	v13 =	vadd.s32 $0x48, v4;
	v15 =	vld.idx.msk [tilespmem:v3+s13+$0x0], $0xffff  }
0x3c7: {  	s6 =	sor.u32 s11, s23;
	s3 =	simm.s32 $0x100;
	v17 =	vadd.s32 $0x8, v3;
	v16 =	vld.idx.msk [tilespmem:v2+s13+$0x0], $0xffff  }
0x3c8: {  	s26 =	sand.u32 $0x1C00, s3;
	[tilespmem:s6+$0x0] =	vst v10;
	v10 =	vadd.s32 $0x8, v2  }
0x3c9: {  	s8 =	sor.u32 s1, s21;
	s6 =	sadd.s32 $0x8400, s26;
	v11 =	vld.idx.msk [tilespmem:v11+s13+$0x0], $0xffff  }
0x3ca: {  	[tilespmem:s8+$0x0] =	vst v12;
	v12 =	vadd.s32 $0x58, v14;
	s9 =	sor.u32 s25, s6  }
0x3cb: {  	v13 =	vld.idx.msk [tilespmem:v13+s13+$0x0], $0xffff;
	s10 =	sor.u32 s24, s6;
	[tilespmem:s9+$0x0] =	vst v15  }
0x3cc: {  	s14 =	sadd.s32 $0xA500, s7;
	v15 =	vadd.s32 $0x50, v4;
	[tilespmem:s10+$0x0] =	vst v16;
	v17 =	vld.idx.msk [tilespmem:v17+s13+$0x0], $0xffff  }
0x3cd: {  	s8 =	sor.u32 s11, s14;
	v16 =	vadd.s32 $0x10, v3;
	v10 =	vld.idx.msk [tilespmem:v10+s13+$0x0], $0xffff  }
0x3ce: {  	[tilespmem:s8+$0x0] =	vst v11;
	v11 =	vadd.s32 $0x10, v2  }
0x3cf: {  	s5 =	sor.u32 s1, s23;
	v12 =	vld.idx.msk [tilespmem:v12+s13+$0x0], $0xffff  }
0x3d0: {  	[tilespmem:s5+$0x0] =	vst v13;
	v13 =	vadd.s32 $0x60, v14  }
0x3d1: {  	v15 =	vld.idx.msk [tilespmem:v15+s13+$0x0], $0xffff;
	[tilespmem:s9+$0x80] =	vst v17  }
0x3d2: {  	s15 =	sadd.s32 $0xA580, s7;
	v17 =	vadd.s32 $0x58, v4;
	v16 =	vld.idx.msk [tilespmem:v16+s13+$0x0], $0xffff;
	[tilespmem:s10+$0x80] =	vst v10  }
0x3d3: {  	s16 =	sor.u32 s11, s15;
	v10 =	vld.idx.msk [tilespmem:v11+s13+$0x0], $0xffff;
	v11 =	vadd.s32 $0x18, v3  }
0x3d4: {  	[tilespmem:s16+$0x0] =	vst v12;
	v12 =	vadd.s32 $0x18, v2  }
0x3d5: {  	s6 =	sor.u32 s1, s14;
	v13 =	vld.idx.msk [tilespmem:v13+s13+$0x0], $0xffff  }
0x3d6: {  	[tilespmem:s6+$0x0] =	vst v15;
	v15 =	vadd.s32 $0x68, v14  }
0x3d7: {  	v17 =	vld.idx.msk [tilespmem:v17+s13+$0x0], $0xffff;
	[tilespmem:s9+$0x100] =	vst v16  }
0x3d8: {  	s17 =	sadd.s32 $0xA600, s7;
	v16 =	vadd.s32 $0x60, v4;
	v11 =	vld.idx.msk [tilespmem:v11+s13+$0x0], $0xffff;
	[tilespmem:s10+$0x100] =	vst v10  }
0x3d9: {  	s18 =	sor.u32 s11, s17;
	v10 =	vld.idx.msk [tilespmem:v12+s13+$0x0], $0xffff;
	v12 =	vadd.s32 $0x20, v3  }
0x3da: {  	[tilespmem:s18+$0x0] =	vst v13;
	v13 =	vadd.s32 $0x20, v2  }
0x3db: {  	s5 =	sor.u32 s1, s15;
	v15 =	vld.idx.msk [tilespmem:v15+s13+$0x0], $0xffff  }
0x3dc: {  	[tilespmem:s5+$0x0] =	vst v17;
	v17 =	vadd.s32 $0x70, v14  }
0x3dd: {  	v16 =	vld.idx.msk [tilespmem:v16+s13+$0x0], $0xffff;
	[tilespmem:s9+$0x180] =	vst v11  }
0x3de: {  	s19 =	sadd.s32 $0xA680, s7;
	v11 =	vadd.s32 $0x68, v4;
	v12 =	vld.idx.msk [tilespmem:v12+s13+$0x0], $0xffff;
	[tilespmem:s10+$0x180] =	vst v10  }
0x3df: {  	s21 =	sor.u32 s11, s19;
	v10 =	vld.idx.msk [tilespmem:v13+s13+$0x0], $0xffff;
	v13 =	vadd.s32 $0x28, v3  }
0x3e0: {  	[tilespmem:s21+$0x0] =	vst v15;
	v15 =	vadd.s32 $0x28, v2  }
0x3e1: {  	s6 =	sor.u32 s1, s17;
	v17 =	vld.idx.msk [tilespmem:v17+s13+$0x0], $0xffff  }
0x3e2: {  	[tilespmem:s6+$0x0] =	vst v16;
	v16 =	vadd.s32 $0x78, v14  }
0x3e3: {  	v11 =	vld.idx.msk [tilespmem:v11+s13+$0x0], $0xffff;
	[tilespmem:s9+$0x200] =	vst v12  }
0x3e4: {  	s22 =	sadd.s32 $0xA700, s7;
	v12 =	vadd.s32 $0x70, v4;
	v13 =	vld.idx.msk [tilespmem:v13+s13+$0x0], $0xffff;
	[tilespmem:s10+$0x200] =	vst v10  }
0x3e5: {  	s23 =	sor.u32 s11, s22;
	v10 =	vld.idx.msk [tilespmem:v15+s13+$0x0], $0xffff;
	v15 =	vadd.s32 $0x30, v3  }
0x3e6: {  	v6 =	vand.u32 $0x7F, v6;
	v18 =	vand.u32 $0xFFFFFF80, v14;
	[tilespmem:s23+$0x0] =	vst v17;
	v17 =	vadd.s32 $0x30, v2  }
0x3e7: {  	v6 =	vor.u32 v6, v18;
	s5 =	sor.u32 s1, s19;
	v16 =	vld.idx.msk [tilespmem:v16+s13+$0x0], $0xffff  }
0x3e8: {  	v6 =	vadd.s32 $0x80, v6;
	[tilespmem:s5+$0x0] =	vst v11  }
0x3e9: {  	v11 =	vld.idx.msk [tilespmem:v12+s13+$0x0], $0xffff;
	[tilespmem:s9+$0x280] =	vst v13;
	s9 =	simm.s32 $0x1  }
0x3ea: {  	v12 =	vadd.s32 $0x78, v4;
	v13 =	vld.idx.msk [tilespmem:v15+s13+$0x0], $0xffff;
	s4 =	sand.u32 $0x3, s9;
	[tilespmem:s10+$0x280] =	vst v10;
	s10 =	sadd.s32 $0xA780, s7  }
0x3eb: {  	v15 =	vadd.s32 $0x38, v3;
	s14 =	sshll.u32 s4, $0x5;
	v10 =	vld.idx.msk [tilespmem:v17+s13+$0x0], $0xffff;
	s15 =	sor.u32 s11, s10  }
0x3ec: {  	s2 =	sadd.s32 $0x100, s14;
	[tilespmem:s15+$0x0] =	vst v16;
	v16 =	vadd.s32 $0x38, v2  }
0x3ed: {  	s16 =	sor.u32 s1, s22;
	s17 =	sadd.s32 $0x10, s2;
	v6 =	vld.idx.msk [tilespmem:v6+s13+$0x0], $0xffff  }
0x3ee: {  	v5 =	vand.u32 $0x7F, v5;
	v17 =	vadd.s32 $0x88, v14;
	[tilespmem:s16+$0x0] =	vst v11;
	v11 =	vand.u32 $0xFFFFFF80, v4;
	s18 =	sor.u32 $0x300, s17  }
0x3ef: {  	s19 =	sor.u32 $0x300, s2;
	v12 =	vld.idx.msk [tilespmem:v12+s13+$0x0], $0xffff;
	v5 =	vor.u32 v5, v11;
	[tilespmem:s18+$0x8400] =	vst v13  }
0x3f0: {  	s21 =	sadd.s32 $0xC400, s7;
	s2 =	simm.s32 $0x40;
	v5 =	vadd.s32 $0x80, v5;
	v13 =	vld.idx.msk [tilespmem:v15+s13+$0x0], $0xffff;
	[tilespmem:s19+$0x8400] =	vst v10  }
0x3f1: {  	s22 =	sor.u32 s11, s21;
	s28 =	sand.u32 $0x60, s2;
	v15 =	vld.idx.msk [tilespmem:v16+s13+$0x0], $0xffff;
	v16 =	vadd.s32 $0x40, v3  }
0x3f2: {  	s9 =	sand.u32 $0x380, s2;
	s29 =	sor.u32 $0x10, s28;
	v10 =	vld [tilespmem:s2+$0x0];
	[tilespmem:s22+$0x0] =	vst v6;
	v6 =	vadd.s32 $0x40, v2  }
0x3f3: {  	s5 =	sor.u32 s1, s10;
	s23 =	sor.u32 s29, s9;
	v17 =	vld.idx.msk [tilespmem:v17+s13+$0x0], $0xffff  }
0x3f4: {  	s0 =	sor.u32 s3, s0;
	s6 =	sor.u32 $0x380, s17;
	v11 =	vld [tilespmem:s23+$0x0];
	[tilespmem:s5+$0x0] =	vst v12;
	v12 =	vadd.s32 $0x90, v14  }
0x3f5: {  	s0 =	sor.u32 $0x380, s0;
	v5 =	vld.idx.msk [tilespmem:v5+s13+$0x0], $0xffff;
	[tilespmem:s6+$0x8400] =	vst v13  }
0x3f6: {  	s8 =	sadd.s32 $0xC480, s7;
	v13 =	vadd.s32 $0x88, v4;
	v16 =	vld.idx.msk [tilespmem:v16+s13+$0x0], $0xffff;
	[tilespmem:s0+$0x8400] =	vst v15  }
0x3f7: {  	v18 =	vadd.s32 $0x48, v3;
	s9 =	sor.u32 s11, s8;
	v15 =	vld.idx.msk [tilespmem:v6+s13+$0x0], $0xffff  }
0x3f8: {  	[tilespmem:s9+$0x0] =	vst v17;
	v17 =	vadd.s32 $0x48, v2  }
0x3f9: {  	s10 =	sor.u32 s1, s21;
	s14 =	sadd.s32 $0xA400, s26;
	v6 =	vadd.s32 v8, v11;
	v12 =	vld.idx.msk [tilespmem:v12+s13+$0x0], $0xffff  }
0x3fa: {  	v19 =	vadd.s32 $0x98, v14;
	s15 =	sor.u32 s25, s14;
	[tilespmem:s10+$0x0] =	vst v5  }
0x3fb: {  	s4 =	sor.u32 s24, s14;
	v5 =	vadd.s32 v8, v10;
	v13 =	vld.idx.msk [tilespmem:v13+s13+$0x0], $0xffff;
	[tilespmem:s15+$0x0] =	vst v16  }
0x3fc: {  	s16 =	sadd.s32 $0xC500, s7;
	v16 =	vld.idx.msk [tilespmem:v18+s13+$0x0], $0xffff;
	v18 =	vadd.s32 $0x90, v4;
	[tilespmem:s4+$0x0] =	vst v15  }
0x3fd: {  	s17 =	sor.u32 s11, s16;
	v15 =	vld.idx.msk [tilespmem:v17+s13+$0x0], $0xffff;
	v17 =	vadd.s32 $0x50, v3  }
0x3fe: {  	v20 =	vld.idx.msk [tilespmem:v6+s13+$0x0], $0xffff;
	[tilespmem:s17+$0x0] =	vst v12;
	v12 =	vadd.s32 $0x50, v2  }
0x3ff: {  	s3 =	simm.s32 $0x200;
	s18 =	sadd.s32 $0xA480, s26;
	s0 =	sor.u32 s1, s8;
	v21 =	vadd.s32 $0x8, v6;
	v19 =	vld.idx.msk [tilespmem:v19+s13+$0x0], $0xffff  }
0x400: {  	s30 =	sand.u32 $0x1C00, s3;
	s19 =	sor.u32 s25, s18;
	v22 =	vld.idx.msk [tilespmem:v5+s13+$0x0], $0xffff;
	[tilespmem:s0+$0x0] =	vst v13;
	v13 =	vadd.s32 $0xA0, v14  }
0x401: {  	s21 =	sadd.s32 $0x8400, s30;
	s22 =	sor.u32 s24, s18;
	v18 =	vld.idx.msk [tilespmem:v18+s13+$0x0], $0xffff;
	[tilespmem:s19+$0x0] =	vst v16;
	v16 =	vadd.s32 $0x8, v5  }
0x402: {  	s23 =	sadd.s32 $0xC580, s7;
	s4 =	sor.u32 s29, s21;
	v17 =	vld.idx.msk [tilespmem:v17+s13+$0x0], $0xffff;
	[tilespmem:s22+$0x0] =	vst v15;
	v15 =	vadd.s32 $0x98, v4  }
0x403: {  	s10 =	sor.u32 s11, s23;
	[tilespmem:s4+$0x0] =	vst v20;
	v20 =	vadd.s32 $0x58, v3;
	v12 =	vld.idx.msk [tilespmem:v12+s13+$0x0], $0xffff  }
0x404: {  	s0 =	sor.u32 s28, s21;
	v21 =	vld.idx.msk [tilespmem:v21+s13+$0x0], $0xffff;
	[tilespmem:s10+$0x0] =	vst v19;
	v19 =	vadd.s32 $0x58, v2  }
0x405: {  	s14 =	sadd.s32 $0xA500, s26;
	s5 =	sor.u32 s1, s16;
	[tilespmem:s0+$0x0] =	vst v22;
	v22 =	vadd.s32 $0x10, v6;
	v13 =	vld.idx.msk [tilespmem:v13+s13+$0x0], $0xffff  }
0x406: {  	s15 =	sor.u32 s25, s14;
	v16 =	vld.idx.msk [tilespmem:v16+s13+$0x0], $0xffff;
	[tilespmem:s5+$0x0] =	vst v18;
	v18 =	vadd.s32 $0xA8, v14  }
0x407: {  	s16 =	sor.u32 s24, s14;
	[tilespmem:s15+$0x0] =	vst v17;
	v15 =	vld.idx.msk [tilespmem:v15+s13+$0x0], $0xffff;
	v17 =	vadd.s32 $0x10, v5  }
0x408: {  	s17 =	sadd.s32 $0xC600, s7;
	v20 =	vld.idx.msk [tilespmem:v20+s13+$0x0], $0xffff;
	[tilespmem:s16+$0x0] =	vst v12;
	v12 =	vadd.s32 $0xA0, v4  }
0x409: {  	s18 =	sor.u32 s11, s17;
	[tilespmem:s4+$0x80] =	vst v21;
	v21 =	vadd.s32 $0x60, v3;
	v19 =	vld.idx.msk [tilespmem:v19+s13+$0x0], $0xffff  }
0x40a: {  	v22 =	vld.idx.msk [tilespmem:v22+s13+$0x0], $0xffff;
	[tilespmem:s18+$0x0] =	vst v13;
	v13 =	vadd.s32 $0x60, v2  }
0x40b: {  	s6 =	sor.u32 s1, s23;
	s19 =	sadd.s32 $0xA580, s26;
	[tilespmem:s0+$0x80] =	vst v16;
	v16 =	vld.idx.msk [tilespmem:v18+s13+$0x0], $0xffff;
	v18 =	vadd.s32 $0x18, v6  }
0x40c: {  	s21 =	sor.u32 s25, s19;
	v17 =	vld.idx.msk [tilespmem:v17+s13+$0x0], $0xffff;
	[tilespmem:s6+$0x0] =	vst v15;
	v15 =	vadd.s32 $0xB0, v14  }
0x40d: {  	s22 =	sor.u32 s24, s19;
	[tilespmem:s21+$0x0] =	vst v20;
	v12 =	vld.idx.msk [tilespmem:v12+s13+$0x0], $0xffff;
	v20 =	vadd.s32 $0x18, v5  }
0x40e: {  	s23 =	sadd.s32 $0xC680, s7;
	v21 =	vld.idx.msk [tilespmem:v21+s13+$0x0], $0xffff;
	[tilespmem:s22+$0x0] =	vst v19  }
0x40f: {  	s10 =	sor.u32 s11, s23;
	[tilespmem:s4+$0x100] =	vst v22;
	v19 =	vadd.s32 $0xA8, v4;
	v13 =	vld.idx.msk [tilespmem:v13+s13+$0x0], $0xffff  }
0x410: {  	v22 =	vadd.s32 $0x68, v3;
	v18 =	vld.idx.msk [tilespmem:v18+s13+$0x0], $0xffff;
	[tilespmem:s10+$0x0] =	vst v16  }
0x411: {  	s14 =	sadd.s32 $0xA600, s26;
	s5 =	sor.u32 s1, s17;
	v16 =	vadd.s32 $0x68, v2;
	[tilespmem:s0+$0x100] =	vst v17;
	v15 =	vld.idx.msk [tilespmem:v15+s13+$0x0], $0xffff  }
0x412: {  	s8 =	simm.s32 $0x60;
	s15 =	sor.u32 s25, s14;
	v17 =	vld.idx.msk [tilespmem:v20+s13+$0x0], $0xffff;
	v20 =	vadd.s32 $0x20, v6;
	[tilespmem:s5+$0x0] =	vst v12  }
0x413: {  	v12 =	vld [tilespmem:s8+$0x0];
	[tilespmem:s15+$0x0] =	vst v21;
	v21 =	vadd.s32 $0xB8, v14  }
0x414: {  	v23 =	vadd.s32 $0x20, v5;
	s16 =	sor.u32 s24, s14;
	v19 =	vld.idx.msk [tilespmem:v19+s13+$0x0], $0xffff  }
0x415: {  	s17 =	sadd.s32 $0xC700, s7;
	v22 =	vld.idx.msk [tilespmem:v22+s13+$0x0], $0xffff;
	[tilespmem:s16+$0x0] =	vst v13;
	v13 =	vadd.s32 $0xB0, v4  }
0x416: {  	s18 =	sor.u32 s11, s17;
	[tilespmem:s4+$0x180] =	vst v18;
	v16 =	vld.idx.msk [tilespmem:v16+s13+$0x0], $0xffff;
	v18 =	vadd.s32 $0x70, v3  }
0x417: {  	[tilespmem:s18+$0x0] =	vst v15;
	v15 =	vadd.s32 $0x70, v2;
	v20 =	vld.idx.msk [tilespmem:v20+s13+$0x0], $0xffff  }
0x418: {  	s19 =	sadd.s32 $0xA680, s26;
	s6 =	sor.u32 s1, s23;
	[tilespmem:s0+$0x180] =	vst v17;
	v17 =	vld.idx.msk [tilespmem:v21+s13+$0x0], $0xffff;
	v21 =	vadd.s32 $0x28, v6  }
0x419: {  	s10 =	sor.u32 s25, s19;
	v23 =	vld.idx.msk [tilespmem:v23+s13+$0x0], $0xffff;
	[tilespmem:s6+$0x0] =	vst v19;
	v19 =	vadd.s32 $0xC0, v14  }
0x41a: {  	s21 =	sor.u32 s24, s19;
	[tilespmem:s10+$0x0] =	vst v22;
	v13 =	vld.idx.msk [tilespmem:v13+s13+$0x0], $0xffff;
	v22 =	vadd.s32 $0x28, v5  }
0x41b: {  	s22 =	sadd.s32 $0xC780, s7;
	v18 =	vld.idx.msk [tilespmem:v18+s13+$0x0], $0xffff;
	[tilespmem:s21+$0x0] =	vst v16;
	v16 =	vadd.s32 $0xB8, v4  }
0x41c: {  	s23 =	sor.u32 s11, s22;
	v15 =	vld.idx.msk [tilespmem:v15+s13+$0x0], $0xffff;
	[tilespmem:s4+$0x200] =	vst v20;
	v20 =	vadd.s32 $0x78, v3  }
0x41d: {  	v21 =	vld.idx.msk [tilespmem:v21+s13+$0x0], $0xffff;
	[tilespmem:s23+$0x0] =	vst v17;
	v17 =	vadd.s32 $0x78, v2  }
0x41e: {  	s5 =	sor.u32 s1, s17;
	s10 =	sadd.s32 $0xA700, s26;
	[tilespmem:s0+$0x200] =	vst v23;
	v23 =	vadd.s32 $0x30, v6;
	v19 =	vld.idx.msk [tilespmem:v19+s13+$0x0], $0xffff  }
0x41f: {  	v7 =	vand.u32 $0x7F, v7;
	s14 =	sor.u32 s25, s10;
	v22 =	vld.idx.msk [tilespmem:v22+s13+$0x0], $0xffff;
	[tilespmem:s5+$0x0] =	vst v13;
	v13 =	vadd.s32 $0xC8, v14  }
0x420: {  	v9 =	vand.u32 $0x7F, v9;
	v24 =	vand.u32 $0xFFFFFF80, v3;
	s15 =	sor.u32 s24, s10;
	[tilespmem:s14+$0x0] =	vst v18;
	v16 =	vld.idx.msk [tilespmem:v16+s13+$0x0], $0xffff;
	v18 =	vadd.s32 $0x30, v5  }
0x421: {  	v9 =	vor.u32 v9, v24;
	v24 =	vand.u32 $0xFFFFFF80, v2;
	s16 =	sadd.s32 $0xE400, s7;
	[tilespmem:s15+$0x0] =	vst v15;
	v15 =	vadd.s32 $0xC0, v4;
	v20 =	vld.idx.msk [tilespmem:v20+s13+$0x0], $0xffff  }
0x422: {  	v9 =	vadd.s32 $0x80, v9;
	v7 =	vor.u32 v7, v24;
	s9 =	simm.s32 $0x2;
	s17 =	sor.u32 s11, s16;
	[tilespmem:s4+$0x280] =	vst v21;
	v17 =	vld.idx.msk [tilespmem:v17+s13+$0x0], $0xffff  }
0x423: {  	v7 =	vadd.s32 $0x80, v7;
	s18 =	sand.u32 $0x3, s9;
	v21 =	vld.idx.msk [tilespmem:v23+s13+$0x0], $0xffff;
	[tilespmem:s17+$0x0] =	vst v19  }
0x424: {  	s19 =	sadd.s32 $0xA780, s26;
	s6 =	sor.u32 s1, s22;
	s4 =	sshll.u32 s18, $0x5;
	[tilespmem:s0+$0x280] =	vst v22;
	v19 =	vadd.s32 $0x38, v6;
	v13 =	vld.idx.msk [tilespmem:v13+s13+$0x0], $0xffff  }
0x425: {  	s21 =	sor.u32 s25, s19;
	s4 =	sadd.s32 $0x200, s4;
	v18 =	vld.idx.msk [tilespmem:v18+s13+$0x0], $0xffff;
	[tilespmem:s6+$0x0] =	vst v16;
	v16 =	vadd.s32 $0xD0, v14  }
0x426: {  	s0 =	sor.u32 s24, s19;
	s22 =	sadd.s32 $0x10, s4;
	v15 =	vld.idx.msk [tilespmem:v15+s13+$0x0], $0xffff;
	[tilespmem:s21+$0x0] =	vst v20;
	v20 =	vadd.s32 $0x38, v5  }
0x427: {  	s14 =	sadd.s32 $0xE480, s7;
	s23 =	sor.u32 $0x300, s22;
	v9 =	vld.idx.msk [tilespmem:v9+s13+$0x0], $0xffff;
	[tilespmem:s0+$0x0] =	vst v17  }
0x428: {  	s10 =	sor.u32 s11, s14;
	v17 =	vadd.s32 $0xC8, v4;
	[tilespmem:s23+$0x8400] =	vst v21;
	v7 =	vld.idx.msk [tilespmem:v7+s13+$0x0], $0xffff  }
0x429: {  	s31 =	sand.u32 $0x60, s8;
	s4 =	sor.u32 $0x300, s4;
	v21 =	vadd.s32 $0x88, v3;
	v19 =	vld.idx.msk [tilespmem:v19+s13+$0x0], $0xffff;
	[tilespmem:s10+$0x0] =	vst v13  }
0x42a: {  	s15 =	sor.u32 s1, s16;
	s18 =	sand.u32 $0x380, s8;
	s0 =	sor.u32 $0x10, s31;
	[tilespmem:s4+$0x8400] =	vst v18;
	v18 =	vadd.s32 $0x40, v6;
	v16 =	vld.idx.msk [tilespmem:v16+s13+$0x0], $0xffff  }
0x42b: {  	s16 =	sadd.s32 $0xC400, s26;
	s10 =	sor.u32 s0, s18;
	[tilespmem:s15+$0x0] =	vst v15;
	v15 =	vadd.s32 $0xD8, v14;
	v20 =	vld.idx.msk [tilespmem:v20+s13+$0x0], $0xffff  }
0x42c: {  	s17 =	sor.u32 s25, s16;
	v22 =	vadd.s32 $0x40, v5;
	v13 =	vld [tilespmem:s10+$0x0]  }
0x42d: {  	s19 =	sadd.s32 $0xE500, s7;
	v23 =	vadd.s32 $0x88, v2;
	s6 =	sor.u32 $0x380, s22;
	[tilespmem:s17+$0x0] =	vst v9;
	v17 =	vld.idx.msk [tilespmem:v17+s13+$0x0], $0xffff  }
0x42e: {  	v24 =	vadd.s32 $0xD0, v4;
	s2 =	sor.u32 s3, s2;
	s21 =	sor.u32 s11, s19;
	v21 =	vld.idx.msk [tilespmem:v21+s13+$0x0], $0xffff;
	[tilespmem:s6+$0x8400] =	vst v19  }
0x42f: {  	s2 =	sor.u32 $0x380, s2;
	v9 =	vadd.s32 v8, v12;
	v18 =	vld.idx.msk [tilespmem:v18+s13+$0x0], $0xffff;
	[tilespmem:s21+$0x0] =	vst v16  }
0x430: {  	s22 =	sor.u32 s24, s16;
	v19 =	vadd.s32 $0x90, v3;
	[tilespmem:s2+$0x8400] =	vst v20;
	v15 =	vld.idx.msk [tilespmem:v15+s13+$0x0], $0xffff  }
0x431: {  	s23 =	sadd.s32 $0xC480, s26;
	[tilespmem:s22+$0x0] =	vst v7;
	s6 =	sor.u32 s1, s14;
	v7 =	vadd.s32 v8, v13;
	v16 =	vld.idx.msk [tilespmem:v22+s13+$0x0], $0xffff  }
0x432: {  	s3 =	sor.u32 s25, s23;
	s10 =	sadd.s32 $0xA400, s30;
	v20 =	vadd.s32 $0x48, v6;
	v22 =	vld.idx.msk [tilespmem:v23+s13+$0x0], $0xffff;
	[tilespmem:s6+$0x0] =	vst v17  }
0x433: {  	s14 =	sor.u32 s29, s10;
	s2 =	sadd.s32 $0xE580, s7;
	[tilespmem:s3+$0x0] =	vst v21;
	v21 =	vadd.s32 $0xE0, v14;
	v23 =	vld.idx.msk [tilespmem:v24+s13+$0x0], $0xffff  }
0x434: {  	v17 =	vadd.s32 $0x48, v5;
	s15 =	sor.u32 s11, s2;
	v24 =	vld.idx.msk [tilespmem:v9+s13+$0x0], $0xffff;
	[tilespmem:s14+$0x0] =	vst v18  }
0x435: {  	v25 =	vadd.s32 $0x90, v2;
	s17 =	sor.u32 s1, s19;
	s19 =	simm.s32 $0x300;
	s3 =	sor.u32 s28, s10;
	v19 =	vld.idx.msk [tilespmem:v19+s13+$0x0], $0xffff;
	[tilespmem:s15+$0x0] =	vst v15  }
0x436: {  	s4 =	sor.u32 s24, s23;
	s5 =	sand.u32 $0x1C00, s19;
	v18 =	vadd.s32 $0x98, v3;
	v26 =	vld.idx.msk [tilespmem:v7+s13+$0x0], $0xffff;
	[tilespmem:s3+$0x0] =	vst v16  }
0x437: {  	v27 =	vadd.s32 $0x8, v9;
	s23 =	sadd.s32 $0x8400, s5;
	v20 =	vld.idx.msk [tilespmem:v20+s13+$0x0], $0xffff;
	[tilespmem:s4+$0x0] =	vst v22  }
0x438: {  	s6 =	sor.u32 s31, s23;
	s10 =	sadd.s32 $0xC500, s26;
	v16 =	vld.idx.msk [tilespmem:v21+s13+$0x0], $0xffff;
	v21 =	vadd.s32 $0x50, v6;
	[tilespmem:s17+$0x0] =	vst v23  }
0x439: {  	s16 =	sor.u32 s25, s10;
	v17 =	vld.idx.msk [tilespmem:v17+s13+$0x0], $0xffff;
	v23 =	vadd.s32 $0x8, v7;
	[tilespmem:s6+$0x0] =	vst v24  }
0x43a: {  	s18 =	sadd.s32 $0xA480, s30;
	s4 =	sor.u32 s0, s23;
	v25 =	vld.idx.msk [tilespmem:v25+s13+$0x0], $0xffff;
	[tilespmem:s16+$0x0] =	vst v19;
	v19 =	vadd.s32 $0xE8, v14  }
0x43b: {  	s21 =	sor.u32 s29, s18;
	v22 =	vadd.s32 $0x50, v5;
	s3 =	sadd.s32 $0xE600, s7;
	v18 =	vld.idx.msk [tilespmem:v18+s13+$0x0], $0xffff;
	[tilespmem:s4+$0x0] =	vst v26  }
0x43c: {  	v15 =	vadd.s32 $0xD8, v4;
	s22 =	sor.u32 s11, s3;
	v26 =	vld.idx.msk [tilespmem:v27+s13+$0x0], $0xffff;
	[tilespmem:s21+$0x0] =	vst v20  }
0x43d: {  	s15 =	sor.u32 s28, s18;
	v20 =	vadd.s32 $0xA0, v3;
	v21 =	vld.idx.msk [tilespmem:v21+s13+$0x0], $0xffff;
	[tilespmem:s22+$0x0] =	vst v16  }
0x43e: {  	s10 =	sor.u32 s24, s10;
	[tilespmem:s15+$0x0] =	vst v17;
	v16 =	vadd.s32 $0x98, v2;
	v23 =	vld.idx.msk [tilespmem:v23+s13+$0x0], $0xffff  }
0x43f: {  	s17 =	sadd.s32 $0xC580, s26;
	[tilespmem:s10+$0x0] =	vst v25;
	v25 =	vadd.s32 $0x10, v9;
	v17 =	vld.idx.msk [tilespmem:v19+s13+$0x0], $0xffff  }
0x440: {  	s16 =	sor.u32 s25, s17;
	v19 =	vld.idx.msk [tilespmem:v22+s13+$0x0], $0xffff;
	v22 =	vadd.s32 $0x58, v6  }
0x441: {  	s18 =	sadd.s32 $0xA500, s30;
	v15 =	vld.idx.msk [tilespmem:v15+s13+$0x0], $0xffff;
	[tilespmem:s16+$0x0] =	vst v18;
	v18 =	vadd.s32 $0xF0, v14  }
0x442: {  	v24 =	vadd.s32 $0x58, v5;
	s21 =	sor.u32 s29, s18;
	[tilespmem:s6+$0x80] =	vst v26;
	v20 =	vld.idx.msk [tilespmem:v20+s13+$0x0], $0xffff  }
0x443: {  	v27 =	vadd.s32 $0x10, v7;
	s10 =	sadd.s32 $0xE680, s7;
	[tilespmem:s21+$0x0] =	vst v21;
	v16 =	vld.idx.msk [tilespmem:v16+s13+$0x0], $0xffff  }
0x444: {  	s22 =	sor.u32 s11, s10;
	v21 =	vadd.s32 $0xA8, v3;
	[tilespmem:s4+$0x80] =	vst v23;
	v25 =	vld.idx.msk [tilespmem:v25+s13+$0x0], $0xffff  }
0x445: {  	s14 =	sor.u32 s28, s18;
	s16 =	sadd.s32 $0xC600, s26;
	v22 =	vld.idx.msk [tilespmem:v22+s13+$0x0], $0xffff;
	[tilespmem:s22+$0x0] =	vst v17;
	v17 =	vadd.s32 $0xA0, v2  }
0x446: {  	s23 =	sor.u32 s25, s16;
	v23 =	vadd.s32 $0x60, v6;
	[tilespmem:s14+$0x0] =	vst v19;
	v18 =	vld.idx.msk [tilespmem:v18+s13+$0x0], $0xffff  }
0x447: {  	s15 =	sor.u32 s24, s17;
	v14 =	vadd.s32 $0xF8, v14;
	v19 =	vld.idx.msk [tilespmem:v24+s13+$0x0], $0xffff;
	[tilespmem:s23+$0x0] =	vst v20  }
0x448: {  	s17 =	sadd.s32 $0xA580, s30;
	v24 =	vld.idx.msk [tilespmem:v27+s13+$0x0], $0xffff;
	v20 =	vadd.s32 $0x60, v5;
	[tilespmem:s15+$0x0] =	vst v16  }
0x449: {  	s18 =	sadd.s32 $0xE700, s7;
	v26 =	vadd.s32 $0x18, v7;
	s21 =	sor.u32 s29, s17;
	v21 =	vld.idx.msk [tilespmem:v21+s13+$0x0], $0xffff;
	[tilespmem:s6+$0x100] =	vst v25  }
0x44a: {  	s22 =	sor.u32 s11, s18;
	[tilespmem:s21+$0x0] =	vst v22;
	v16 =	vld.idx.msk [tilespmem:v17+s13+$0x0], $0xffff;
	v22 =	vadd.s32 $0xB0, v3  }
0x44b: {  	s23 =	sor.u32 s28, s17;
	s15 =	sadd.s32 $0xC680, s26;
	[tilespmem:s22+$0x0] =	vst v18;
	v18 =	vadd.s32 $0x18, v9;
	v23 =	vld.idx.msk [tilespmem:v23+s13+$0x0], $0xffff  }
0x44c: {  	v27 =	vadd.s32 $0xA8, v2;
	s17 =	sor.u32 s1, s2;
	s2 =	sor.u32 s1, s3;
	s14 =	sor.u32 s25, s15;
	[tilespmem:s23+$0x0] =	vst v19;
	v28 =	vld.idx.msk [tilespmem:v14+s13+$0x0], $0xffff  }
0x44d: {  	s21 =	sor.u32 s24, s16;
	s16 =	sadd.s32 $0xA600, s30;
	s22 =	sshll.u32 s12, $0xD;
	[tilespmem:s4+$0x100] =	vst v24;
	v17 =	vld.idx.msk [tilespmem:v20+s13+$0x0], $0xffff;
	v20 =	vadd.s32 $0x68, v6  }
0x44e: {  	s23 =	sadd.s32 $0xE780, s7;
	s7 =	sor.u32 s1, s18;
	s18 =	sor.u32 s19, s8;
	v19 =	vld.idx.msk [tilespmem:v26+s13+$0x0], $0xffff;
	[tilespmem:s14+$0x0] =	vst v21  }
0x44f: {  	v24 =	vadd.s32 $0x68, v5;
	s12 =	sor.u32 s1, s23;
	s3 =	sor.u32 s11, s23;
	v14 =	vld.idx.msk [tilespmem:v22+s13+$0x0], $0xffff;
	[tilespmem:s21+$0x0] =	vst v16;
	s21 =	sor.u32 s29, s16  }
0x450: {  	s11 =	sor.u32 $0x380, s18;
	s23 =	rddreg [dreg:$0x1];
	s14 =	sor.u32 s1, s10;
	v18 =	vld.idx.msk [tilespmem:v18+s13+$0x0], $0xffff;
	[tilespmem:s21+$0x0] =	vst v23;
	v23 =	vadd.s32 $0x20, v7  }
0x451: {  	s1 =	sadd.s32 s23, s22;
	v21 =	vadd.s32 $0xB8, v3;
	s21 =	sor.u32 s24, s15;
	v16 =	vld.idx.msk [tilespmem:v27+s13+$0x0], $0xffff;
	[dreg:$0xe] =	wrdreg s22  }
0x452: {  	v22 =	vadd.s32 $0x20, v9;
	s15 =	simm.s32 $0x6;
	s22 =	sor.u32 s28, s16;
	s16 =	simm.s32 $0x80;
	[tilespmem:s3+$0x0] =	vst v28;
	v20 =	vld.idx.msk [tilespmem:v20+s13+$0x0], $0xffff  }
.LBB2_7:
0x453: {  	v25 =	vld [tilespmem:s16+$0x0];
	[tilespmem:s22+$0x0] =	vst v17;
	v17 =	vadd.s32 $0xB0, v2;
	s10 =	sadd.s32 $0xC700, s26;
	s3 =	smov.u32 s25;
	s25 =	smov.u32 s29  }
0x454: {  	s29 =	smov.u32 s0;
	[tilespmem:s4+$0x180] =	vst v19;
	v19 =	vld.idx.msk [tilespmem:v24+s13+$0x0], $0xffff;
	v24 =	vadd.s32 $0x70, v6;
	s18 =	sor.u32 s24, s10;
	s10 =	sor.u32 s3, s10  }
0x455: {  	v23 =	vld.idx.msk [tilespmem:v23+s13+$0x0], $0xffff;
	[tilespmem:s10+$0x0] =	vst v14;
	v14 =	vadd.s32 $0xE0, v4;
	s10 =	smov.u32 s26;
	s26 =	smov.u32 s30;
	s30 =	smov.u32 s5  }
0x456: {  	[tilespmem:s6+$0x180] =	vst v18;
	s0 =	sadd.s32 $0xA680, s26;
	v18 =	vadd.s32 $0x70, v5;
	v21 =	vld.idx.msk [tilespmem:v21+s13+$0x0], $0xffff  }
0x457: {  	v26 =	vadd.s32 $0x28, v7;
	v22 =	vld.idx.msk [tilespmem:v22+s13+$0x0], $0xffff;
	s5 =	sor.u32 s28, s0;
	s0 =	sor.u32 s25, s0;
	[tilespmem:s21+$0x0] =	vst v16  }
0x458: {  	[tilespmem:s0+$0x0] =	vst v20;
	v16 =	vld.idx.msk [tilespmem:v17+s13+$0x0], $0xffff;
	v17 =	vadd.s32 $0xC0, v3  }
0x459: {  	v20 =	vadd.s32 $0x28, v9;
	v24 =	vld.idx.msk [tilespmem:v24+s13+$0x0], $0xffff;
	[tilespmem:s17+$0x0] =	vst v15  }
0x45a: {  	s0 =	sadd.s32 $0xC780, s10;
	v15 =	vadd.s32 $0xB8, v2;
	[tilespmem:s5+$0x0] =	vst v19;
	v14 =	vld.idx.msk [tilespmem:v14+s13+$0x0], $0xffff  }
0x45b: {  	v19 =	vadd.s32 $0x78, v6;
	s5 =	sor.u32 s24, s0;
	s0 =	sor.u32 s3, s0;
	[tilespmem:s4+$0x200] =	vst v23;
	v18 =	vld.idx.msk [tilespmem:v18+s13+$0x0], $0xffff  }
0x45c: {  	v23 =	vld.idx.msk [tilespmem:v26+s13+$0x0], $0xffff;
	[tilespmem:s0+$0x0] =	vst v21;
	v21 =	vadd.s32 $0xE8, v4  }
0x45d: {  	s0 =	sadd.s32 $0xA700, s26;
	[tilespmem:s6+$0x200] =	vst v22;
	v22 =	vadd.s32 $0x78, v5;
	v17 =	vld.idx.msk [tilespmem:v17+s13+$0x0], $0xffff  }
0x45e: {  	v26 =	vadd.s32 $0x30, v7;
	s17 =	sor.u32 s28, s0;
	s0 =	sor.u32 s25, s0;
	v20 =	vld.idx.msk [tilespmem:v20+s13+$0x0], $0xffff;
	[tilespmem:s18+$0x0] =	vst v16  }
0x45f: {  	v16 =	vadd.s32 $0xC8, v3;
	[tilespmem:s0+$0x0] =	vst v24;
	v15 =	vld.idx.msk [tilespmem:v15+s13+$0x0], $0xffff  }
0x460: {  	v27 =	vand.u32 $0xFFFFFF80, v6;
	v28 =	vand.u32 $0x7F, v11;
	v11 =	vmovc v13;
	v24 =	vadd.s32 $0x30, v9;
	v19 =	vld.idx.msk [tilespmem:v19+s13+$0x0], $0xffff;
	[tilespmem:s2+$0x0] =	vst v14  }
0x461: {  	v13 =	vor.u32 v28, v27;
	v14 =	vadd.s32 $0xC0, v2;
	s2 =	sadd.s32 $0xE400, s10;
	[tilespmem:s17+$0x0] =	vst v18;
	v18 =	vld.idx.msk [tilespmem:v21+s13+$0x0], $0xffff  }
0x462: {  	v13 =	vadd.s32 $0x80, v13;
	s0 =	sor.u32 s24, s2;
	s2 =	sor.u32 s3, s2;
	[tilespmem:s4+$0x280] =	vst v23;
	v21 =	vld.idx.msk [tilespmem:v22+s13+$0x0], $0xffff;
	v22 =	vand.u32 $0xFFFFFF80, v5;
	v23 =	vand.u32 $0x7F, v10;
	v10 =	vmovc v12;
	v12 =	vmovc v25  }
0x463: {  	s9 =	sadd.s32 $0x1, s9;
	v25 =	vld.idx.msk [tilespmem:v26+s13+$0x0], $0xffff;
	v22 =	vor.u32 v23, v22;
	[tilespmem:s2+$0x0] =	vst v17;
	v17 =	vadd.s32 $0xF0, v4  }
0x464: {  	s4 =	sadd.s32 $0xA780, s26;
	s2 =	sand.u32 $0x3, s9;
	[tilespmem:s6+$0x280] =	vst v20;
	v20 =	vadd.s32 $0x80, v22;
	v16 =	vld.idx.msk [tilespmem:v16+s13+$0x0], $0xffff  }
0x465: {  	v23 =	vadd.s32 $0x38, v7;
	s2 =	sshll.u32 s2, $0x5;
	s6 =	sor.u32 s28, s4;
	s4 =	sor.u32 s25, s4;
	v22 =	vld.idx.msk [tilespmem:v24+s13+$0x0], $0xffff;
	[tilespmem:s5+$0x0] =	vst v15  }
0x466: {  	s2 =	sadd.s32 s2, s19;
	v15 =	vadd.s32 $0xD0, v3;
	[tilespmem:s4+$0x0] =	vst v19;
	v14 =	vld.idx.msk [tilespmem:v14+s13+$0x0], $0xffff  }
0x467: {  	s4 =	sor.u32 $0x300, s2;
	v19 =	vadd.s32 $0x38, v9;
	s2 =	sadd.s32 $0x10, s2;
	v13 =	vld.idx.msk [tilespmem:v13+s13+$0x0], $0xffff;
	[tilespmem:s14+$0x0] =	vst v18  }
0x468: {  	s5 =	sor.u32 $0x300, s2;
	v18 =	vadd.s32 $0xC8, v2;
	[tilespmem:s6+$0x0] =	vst v21;
	s6 =	sadd.s32 $0xE480, s10;
	v17 =	vld.idx.msk [tilespmem:v17+s13+$0x0], $0xffff  }
0x469: {  	v21 =	vadd.s32 $0x88, v6;
	[tilespmem:s5+$0x8400] =	vst v25;
	v20 =	vld.idx.msk [tilespmem:v20+s13+$0x0], $0xffff;
	s5 =	sor.u32 s24, s6;
	s6 =	sor.u32 s3, s6  }
0x46a: {  	v23 =	vld.idx.msk [tilespmem:v23+s13+$0x0], $0xffff;
	[tilespmem:s6+$0x0] =	vst v16;
	v16 =	vadd.s32 $0xF8, v4;
	v4 =	vmovc v2;
	v2 =	vmov v5;
	v5 =	vmov v9  }
0x46b: {  	[tilespmem:s4+$0x8400] =	vst v22;
	s4 =	sadd.s32 $0xC400, s26;
	v9 =	vld.idx.msk [tilespmem:v15+s13+$0x0], $0xffff  }
0x46c: {  	s8 =	sadd.s32 $0x20, s8;
	v15 =	vld.idx.msk [tilespmem:v19+s13+$0x0], $0xffff;
	v19 =	vadd.s32 $0x40, v7;
	s6 =	sor.u32 s28, s4;
	s4 =	sor.u32 s25, s4;
	[tilespmem:s0+$0x0] =	vst v14  }
0x46d: {  	s18 =	sand.u32 $0x60, s8;
	s14 =	sand.u32 $0x380, s8;
	[tilespmem:s4+$0x0] =	vst v13;
	v14 =	vld.idx.msk [tilespmem:v18+s13+$0x0], $0xffff;
	v18 =	vadd.s32 $0xD8, v3  }
0x46e: {  	s15 =	sadd.s32 $0x2, s15;
	v22 =	vadd.s32 $0x40, v5;
	s0 =	sor.u32 $0x10, s18;
	s4 =	sadd.s32 $0xE500, s10;
	v21 =	vld.idx.msk [tilespmem:v21+s13+$0x0], $0xffff;
	[tilespmem:s7+$0x0] =	vst v17  }
0x46f: {  	p0 =	slt.u32 s15, $0x3E;
	s2 =	sor.u32 $0x380, s2;
	s7 =	sor.u32 s0, s14;
	v17 =	vadd.s32 $0x88, v2;
	[tilespmem:s6+$0x0] =	vst v20;
	v16 =	vld.idx.msk [tilespmem:v16+s13+$0x0], $0xffff  }
0x470: {  	v20 =	vadd.s32 $0x90, v6;
	v13 =	vld [tilespmem:s7+$0x0];
	[tilespmem:s2+$0x8400] =	vst v23;
	s2 =	sor.u32 s24, s4;
	s4 =	sor.u32 s3, s4  }
0x471: {  	v23 =	vadd.s32 $0xD0, v4;
	v19 =	vld.idx.msk [tilespmem:v19+s13+$0x0], $0xffff;
	[tilespmem:s4+$0x0] =	vst v9  }
0x472: {  	v9 =	vadd.s32 v8, v12;
	s4 =	sadd.s32 $0xC480, s26;
	[tilespmem:s11+$0x8400] =	vst v15;
	v15 =	vld.idx.msk [tilespmem:v18+s13+$0x0], $0xffff  }
0x473: {  	s6 =	sor.u32 s28, s4;
	s4 =	sor.u32 s25, s4;
	v18 =	vld.idx.msk [tilespmem:v22+s13+$0x0], $0xffff;
	v22 =	vadd.s32 $0x48, v7;
	[tilespmem:s5+$0x0] =	vst v14  }
0x474: {  	v14 =	vld.idx.msk [tilespmem:v17+s13+$0x0], $0xffff;
	[tilespmem:s4+$0x0] =	vst v21;
	v17 =	vadd.s32 $0xE0, v3  }
0x475: {  	s4 =	sadd.s32 $0xA400, s30;
	v21 =	vadd.s32 $0x48, v5;
	v20 =	vld.idx.msk [tilespmem:v20+s13+$0x0], $0xffff;
	[tilespmem:s12+$0x0] =	vst v16  }
0x476: {  	s7 =	sadd.s32 $0xE580, s10;
	v16 =	vadd.s32 v8, v13;
	s5 =	sor.u32 s31, s4;
	s4 =	sor.u32 s29, s4;
	v23 =	vld.idx.msk [tilespmem:v23+s13+$0x0], $0xffff  }
0x477: {  	s17 =	sor.u32 s24, s7;
	v24 =	vld.idx.msk [tilespmem:v9+s13+$0x0], $0xffff;
	[tilespmem:s4+$0x0] =	vst v19;
	v19 =	vadd.s32 $0x98, v6;
	s4 =	sor.u32 s3, s7  }
0x478: {  	v25 =	vadd.s32 $0x90, v2;
	v22 =	vld.idx.msk [tilespmem:v22+s13+$0x0], $0xffff;
	[tilespmem:s4+$0x0] =	vst v15  }
0x479: {  	s4 =	sadd.s32 $0xC500, s26;
	v15 =	vadd.s32 $0xD8, v4;
	[tilespmem:s5+$0x0] =	vst v18;
	v17 =	vld.idx.msk [tilespmem:v17+s13+$0x0], $0xffff  }
0x47a: {  	s7 =	sor.u32 s28, s4;
	s4 =	sor.u32 s25, s4;
	v18 =	vld.idx.msk [tilespmem:v21+s13+$0x0], $0xffff;
	v21 =	vadd.s32 $0x50, v7;
	[tilespmem:s6+$0x0] =	vst v14  }
0x47b: {  	v14 =	vld.idx.msk [tilespmem:v16+s13+$0x0], $0xffff;
	[tilespmem:s4+$0x0] =	vst v20;
	v20 =	vadd.s32 $0xE8, v3  }
0x47c: {  	v26 =	vadd.s32 $0x50, v5;
	s4 =	sadd.s32 $0xA480, s30;
	v19 =	vld.idx.msk [tilespmem:v19+s13+$0x0], $0xffff;
	[tilespmem:s2+$0x0] =	vst v23  }
0x47d: {  	s19 =	sadd.s32 $0x100, s19;
	s12 =	sadd.s32 $0xE600, s10;
	v23 =	vadd.s32 $0x8, v16;
	s2 =	sor.u32 s29, s4;
	v25 =	vld.idx.msk [tilespmem:v25+s13+$0x0], $0xffff  }
0x47e: {  	s5 =	sand.u32 $0x1C00, s19;
	s6 =	sor.u32 s19, s8;
	[tilespmem:s2+$0x0] =	vst v22;
	v22 =	vadd.s32 $0xA0, v6;
	v15 =	vld.idx.msk [tilespmem:v15+s13+$0x0], $0xffff;
	s2 =	sor.u32 s3, s12  }
0x47f: {  	v27 =	vadd.s32 $0x8, v9;
	s14 =	sadd.s32 $0x8400, s5;
	s11 =	sor.u32 $0x380, s6;
	s21 =	sor.u32 s31, s4;
	v21 =	vld.idx.msk [tilespmem:v21+s13+$0x0], $0xffff;
	[tilespmem:s2+$0x0] =	vst v17  }
0x480: {  	s6 =	sor.u32 s18, s14;
	s4 =	sor.u32 s0, s14;
	v17 =	vadd.s32 $0x98, v2;
	s2 =	sadd.s32 $0xC580, s26;
	[tilespmem:s21+$0x0] =	vst v18;
	v18 =	vld.idx.msk [tilespmem:v20+s13+$0x0], $0xffff  }
0x481: {  	v20 =	vadd.s32 $0x58, v7;
	s21 =	sor.u32 s28, s2;
	s14 =	sor.u32 s25, s2;
	s2 =	sor.u32 s24, s12;
	[tilespmem:s4+$0x0] =	vst v14;
	v14 =	vld.idx.msk [tilespmem:v26+s13+$0x0], $0xffff  }
0x482: {  	v23 =	vld.idx.msk [tilespmem:v23+s13+$0x0], $0xffff;
	[tilespmem:s14+$0x0] =	vst v19;
	v19 =	vadd.s32 $0xF0, v3  }
0x483: {  	s12 =	sadd.s32 $0xA500, s30;
	[tilespmem:s6+$0x0] =	vst v24;
	v24 =	vadd.s32 $0x58, v5;
	v22 =	vld.idx.msk [tilespmem:v22+s13+$0x0], $0xffff  }
0x484: {  	s22 =	sor.u32 s31, s12;
	s12 =	sor.u32 s29, s12;
	v26 =	vld.idx.msk [tilespmem:v27+s13+$0x0], $0xffff;
	v27 =	vadd.s32 $0x10, v16;
	[tilespmem:s7+$0x0] =	vst v25;
	s7 =	sadd.s32 $0xE680, s10  }
0x485: {  	[tilespmem:s12+$0x0] =	vst v21;
	v17 =	vld.idx.msk [tilespmem:v17+s13+$0x0], $0xffff;
	v21 =	vadd.s32 $0xA8, v6;
	s14 =	sor.u32 s24, s7;
	s7 =	sor.u32 s3, s7  }
0x486: {  	v25 =	vadd.s32 $0x10, v9;
	v20 =	vld.idx.msk [tilespmem:v20+s13+$0x0], $0xffff;
	[tilespmem:s7+$0x0] =	vst v18  }
0x487: {  	s7 =	sadd.s32 $0xC600, s26;
	[tilespmem:s22+$0x0] =	vst v14;
	v14 =	vadd.s32 $0xA0, v2;
	v18 =	vld.idx.msk [tilespmem:v19+s13+$0x0], $0xffff  }
0x488: {  	s12 =	sor.u32 s28, s7;
	s7 =	sor.u32 s25, s7;
	[tilespmem:s4+$0x80] =	vst v23;
	v19 =	vld.idx.msk [tilespmem:v24+s13+$0x0], $0xffff;
	v23 =	vadd.s32 $0x60, v7  }
0x489: {  	v24 =	vld.idx.msk [tilespmem:v27+s13+$0x0], $0xffff;
	[tilespmem:s7+$0x0] =	vst v22;
	v22 =	vadd.s32 $0xF8, v3;
	v3 =	vmovc v6;
	v6 =	vmov v7;
	v7 =	vmov v16  }
0x48a: {  	s7 =	sadd.s32 $0xA580, s30;
	v16 =	vadd.s32 $0x60, v5;
	[tilespmem:s6+$0x80] =	vst v26;
	v21 =	vld.idx.msk [tilespmem:v21+s13+$0x0], $0xffff  }
0x48b: {  	v26 =	vadd.s32 $0x18, v7;
	s22 =	sor.u32 s31, s7;
	s7 =	sor.u32 s29, s7;
	v25 =	vld.idx.msk [tilespmem:v25+s13+$0x0], $0xffff;
	[tilespmem:s21+$0x0] =	vst v17;
	s21 =	sadd.s32 $0xE700, s10  }
0x48c: {  	[tilespmem:s7+$0x0] =	vst v20;
	v20 =	vld.idx.msk [tilespmem:v14+s13+$0x0], $0xffff;
	v14 =	vadd.s32 $0xB0, v3;
	s7 =	sor.u32 s24, s21;
	s21 =	sor.u32 s3, s21  }
0x48d: {  	v27 =	vadd.s32 $0x18, v9;
	v28 =	vld.idx.msk [tilespmem:v23+s13+$0x0], $0xffff;
	[tilespmem:s21+$0x0] =	vst v18  }
0x48e: {  	v29 =	vadd.s32 $0xA8, v2;
	[tilespmem:s22+$0x0] =	vst v19;
	s22 =	sadd.s32 $0xC680, s26;
	v30 =	vld.idx.msk [tilespmem:v22+s13+$0x0], $0xffff  }
0x48f: {  	v31 =	vadd.s32 $0x68, v6;
	[tilespmem:s4+$0x100] =	vst v24;
	v17 =	vld.idx.msk [tilespmem:v16+s13+$0x0], $0xffff;
	s21 =	sor.u32 s28, s22;
	s22 =	sor.u32 s25, s22  }
.Ltmp2:
0x490: {  	v19 =	vld.idx.msk [tilespmem:v26+s13+$0x0], $0xffff;
	[tilespmem:s22+$0x0] =	vst v21;
	(pc) =	sbr.rel @p0 .LBB2_7-.Ltmp2, $4  }
0x491: {  	s23 =	sadd.s32 $0xA600, s30;
	v24 =	vadd.s32 $0x68, v5;
	[tilespmem:s6+$0x100] =	vst v25;
	v14 =	vld.idx.msk [tilespmem:v14+s13+$0x0], $0xffff  }
0x492: {  	s10 =	sadd.s32 $0xE780, s10;
	v23 =	vadd.s32 $0x20, v7;
	s22 =	sor.u32 s31, s23;
	s23 =	sor.u32 s29, s23;
	v18 =	vld.idx.msk [tilespmem:v27+s13+$0x0], $0xffff;
	[tilespmem:s12+$0x0] =	vst v20  }
0x493: {  	s3 =	sor.u32 s3, s10;
	v21 =	vadd.s32 $0xB8, v3;
	s12 =	sor.u32 s24, s10;
	s24 =	smov.u32 s28;
	[tilespmem:s23+$0x0] =	vst v28;
	v16 =	vld.idx.msk [tilespmem:v29+s13+$0x0], $0xffff  }
0x494: {  	s16 =	sadd.s32 $0x20, s16;
	v22 =	vadd.s32 $0x20, v9;
	s28 =	smov.u32 s31;
	s31 =	smov.u32 s18;
	v20 =	vld.idx.msk [tilespmem:v31+s13+$0x0], $0xffff;
	[tilespmem:s3+$0x0] =	vst v30  }
0x495: {  	_ =	sdelay $0x1  }
0x496: {  	[tilespmem:s22+$0x0] =	vst v17  }
0x497: {  	v8 =	vadd.s32 $0xB0, v2;
	s8 =	sadd.s32 $0xC700, s26;
	[tilespmem:s4+$0x180] =	vst v19  }
0x498: {  	v19 =	vadd.s32 $0x70, v6;
	s3 =	sor.u32 s25, s8;
	v23 =	vld.idx.msk [tilespmem:v23+s13+$0x0], $0xffff;
	[tilespmem:s6+$0x180] =	vst v18  }
0x499: {  	[tilespmem:s3+$0x0] =	vst v14;
	v18 =	vld.idx.msk [tilespmem:v22+s13+$0x0], $0xffff;
	v22 =	vadd.s32 $0x28, v7  }
0x49a: {  	s15 =	sadd.s32 $0xA680, s30;
	v17 =	vld.idx.msk [tilespmem:v24+s13+$0x0], $0xffff;
	[tilespmem:s21+$0x0] =	vst v16;
	v16 =	vadd.s32 $0x28, v9  }
0x49b: {  	[tilespmem:s17+$0x0] =	vst v15;
	s10 =	sor.u32 s29, s15;
	v21 =	vld.idx.msk [tilespmem:v21+s13+$0x0], $0xffff  }
0x49c: {  	v24 =	vadd.s32 $0xE0, v4;
	[tilespmem:s10+$0x0] =	vst v20;
	v20 =	vld.idx.msk [tilespmem:v8+s13+$0x0], $0xffff  }
0x49d: {  	v25 =	vadd.s32 $0x70, v5;
	v19 =	vld.idx.msk [tilespmem:v19+s13+$0x0], $0xffff;
	[tilespmem:s4+$0x200] =	vst v23  }
0x49e: {  	s16 =	sor.u32 s28, s15;
	s3 =	sadd.s32 $0xC780, s26;
	v8 =	vadd.s32 $0xC0, v3;
	v15 =	vld.idx.msk [tilespmem:v22+s13+$0x0], $0xffff;
	[tilespmem:s6+$0x200] =	vst v18  }
0x49f: {  	s17 =	sor.u32 s25, s3;
	[tilespmem:s16+$0x0] =	vst v17;
	v17 =	vadd.s32 $0x30, v7;
	v16 =	vld.idx.msk [tilespmem:v16+s13+$0x0], $0xffff  }
0x4a0: {  	s15 =	sor.u32 s24, s8;
	s8 =	sadd.s32 $0xA700, s30;
	[tilespmem:s17+$0x0] =	vst v21;
	v21 =	vadd.s32 $0x30, v9  }
0x4a1: {  	s18 =	sor.u32 s29, s8;
	v14 =	vld.idx.msk [tilespmem:v24+s13+$0x0], $0xffff;
	[tilespmem:s15+$0x0] =	vst v20  }
0x4a2: {  	v18 =	vld.idx.msk [tilespmem:v25+s13+$0x0], $0xffff;
	[tilespmem:s18+$0x0] =	vst v19  }
0x4a3: {  	s21 =	sadd.s32 $0x1, s9;
	v8 =	vld.idx.msk [tilespmem:v8+s13+$0x0], $0xffff;
	[tilespmem:s4+$0x280] =	vst v15  }
0x4a4: {  	s4 =	sand.u32 $0x3, s21;
	v15 =	vld.idx.msk [tilespmem:v17+s13+$0x0], $0xffff;
	[tilespmem:s6+$0x280] =	vst v16  }
0x4a5: {  	s4 =	sshll.u32 s4, $0x5;
	v17 =	vadd.s32 $0x38, v7;
	v16 =	vld.idx.msk [tilespmem:v21+s13+$0x0], $0xffff  }
0x4a6: {  	v19 =	vadd.s32 $0x38, v9;
	s4 =	sadd.s32 s4, s19  }
0x4a7: {  	s22 =	sadd.s32 $0x10, s4  }
0x4a8: {  	s23 =	sor.u32 $0x300, s22  }
0x4a9: {  	s4 =	sor.u32 $0x300, s4;
	[tilespmem:s23+$0x8400] =	vst v15  }
0x4aa: {  	v15 =	vld.idx.msk [tilespmem:v17+s13+$0x0], $0xffff;
	[tilespmem:s4+$0x8400] =	vst v16  }
0x4ab: {  	v17 =	vadd.s32 $0x40, v7;
	v16 =	vld.idx.msk [tilespmem:v19+s13+$0x0], $0xffff  }
0x4ac: {  	v19 =	vadd.s32 $0x40, v9;
	_ =	sdelay $0x1  }
0x4ad: {  	s9 =	sor.u32 $0x380, s22  }
0x4ae: {  	[tilespmem:s9+$0x8400] =	vst v15  }
0x4af: {  	v15 =	vld.idx.msk [tilespmem:v17+s13+$0x0], $0xffff;
	[tilespmem:s11+$0x8400] =	vst v16  }
0x4b0: {  	v17 =	vadd.s32 $0x48, v7;
	v16 =	vld.idx.msk [tilespmem:v19+s13+$0x0], $0xffff  }
0x4b1: {  	v19 =	vadd.s32 $0x48, v9  }
0x4b2: {  	s10 =	sadd.s32 $0xA400, s5  }
0x4b3: {  	s11 =	sor.u32 s0, s10  }
0x4b4: {  	s4 =	sor.u32 s31, s10;
	[tilespmem:s11+$0x0] =	vst v15  }
0x4b5: {  	v15 =	vld.idx.msk [tilespmem:v17+s13+$0x0], $0xffff;
	[tilespmem:s4+$0x0] =	vst v16  }
0x4b6: {  	v17 =	vadd.s32 $0x50, v7;
	v16 =	vld.idx.msk [tilespmem:v19+s13+$0x0], $0xffff  }
0x4b7: {  	v19 =	vadd.s32 $0x50, v9  }
0x4b8: {  	s15 =	sadd.s32 $0xA480, s5  }
0x4b9: {  	s16 =	sor.u32 s0, s15  }
0x4ba: {  	s4 =	sor.u32 s31, s15;
	[tilespmem:s16+$0x0] =	vst v15  }
0x4bb: {  	v15 =	vld.idx.msk [tilespmem:v17+s13+$0x0], $0xffff;
	[tilespmem:s4+$0x0] =	vst v16  }
0x4bc: {  	v17 =	vadd.s32 $0x58, v7;
	v16 =	vld.idx.msk [tilespmem:v19+s13+$0x0], $0xffff  }
0x4bd: {  	v19 =	vadd.s32 $0x58, v9  }
0x4be: {  	s17 =	sadd.s32 $0xA500, s5  }
0x4bf: {  	s18 =	sor.u32 s0, s17  }
0x4c0: {  	s4 =	sor.u32 s31, s17;
	[tilespmem:s18+$0x0] =	vst v15  }
0x4c1: {  	v15 =	vld.idx.msk [tilespmem:v17+s13+$0x0], $0xffff;
	[tilespmem:s4+$0x0] =	vst v16  }
0x4c2: {  	v17 =	vadd.s32 $0x60, v7;
	v16 =	vld.idx.msk [tilespmem:v19+s13+$0x0], $0xffff  }
0x4c3: {  	v19 =	vadd.s32 $0x60, v9  }
0x4c4: {  	s19 =	sadd.s32 $0xA580, s5  }
0x4c5: {  	s21 =	sor.u32 s0, s19  }
0x4c6: {  	s4 =	sor.u32 s31, s19;
	[tilespmem:s21+$0x0] =	vst v15  }
0x4c7: {  	v15 =	vld.idx.msk [tilespmem:v17+s13+$0x0], $0xffff;
	[tilespmem:s4+$0x0] =	vst v16  }
0x4c8: {  	v17 =	vadd.s32 $0x68, v7;
	v16 =	vld.idx.msk [tilespmem:v19+s13+$0x0], $0xffff  }
0x4c9: {  	v19 =	vadd.s32 $0x68, v9  }
0x4ca: {  	s22 =	sadd.s32 $0xA600, s5  }
0x4cb: {  	s23 =	sor.u32 s0, s22  }
0x4cc: {  	s4 =	sor.u32 s31, s22;
	[tilespmem:s23+$0x0] =	vst v15  }
0x4cd: {  	v15 =	vld.idx.msk [tilespmem:v17+s13+$0x0], $0xffff;
	[tilespmem:s4+$0x0] =	vst v16  }
0x4ce: {  	v17 =	vadd.s32 $0x70, v7;
	v16 =	vld.idx.msk [tilespmem:v19+s13+$0x0], $0xffff  }
0x4cf: {  	v19 =	vadd.s32 $0x70, v9  }
0x4d0: {  	s9 =	sadd.s32 $0xA680, s5  }
0x4d1: {  	s10 =	sor.u32 s0, s9  }
0x4d2: {  	v20 =	vadd.s32 $0x78, v6;
	s4 =	sor.u32 s31, s9;
	[tilespmem:s10+$0x0] =	vst v15  }
0x4d3: {  	v15 =	vadd.s32 $0x78, v5;
	v17 =	vld.idx.msk [tilespmem:v17+s13+$0x0], $0xffff;
	[tilespmem:s4+$0x0] =	vst v16  }
0x4d4: {  	v16 =	vld.idx.msk [tilespmem:v19+s13+$0x0], $0xffff;
	v19 =	vadd.s32 $0x78, v7  }
0x4d5: {  	v11 =	vand.u32 $0x7F, v11;
	v22 =	vadd.s32 $0x78, v9  }
0x4d6: {  	v10 =	vand.u32 $0x7F, v10;
	v13 =	vand.u32 $0x7F, v13;
	v21 =	vand.u32 $0xFFFFFF80, v6;
	s11 =	sor.u32 s28, s8;
	s15 =	sadd.s32 $0xA700, s5  }
0x4d7: {  	v12 =	vand.u32 $0x7F, v12;
	v20 =	vld.idx.msk [tilespmem:v20+s13+$0x0], $0xffff;
	v11 =	vor.u32 v11, v21;
	v21 =	vand.u32 $0xFFFFFF80, v5;
	[tilespmem:s11+$0x0] =	vst v18;
	s16 =	sor.u32 s0, s15  }
0x4d8: {  	v11 =	vadd.s32 $0x80, v11;
	v10 =	vor.u32 v10, v21;
	s6 =	sor.u32 s31, s15;
	v15 =	vld.idx.msk [tilespmem:v15+s13+$0x0], $0xffff;
	[tilespmem:s16+$0x0] =	vst v17;
	v17 =	vand.u32 $0xFFFFFF80, v7  }
0x4d9: {  	v10 =	vadd.s32 $0x80, v10;
	v18 =	vld.idx.msk [tilespmem:v19+s13+$0x0], $0xffff;
	[tilespmem:s6+$0x0] =	vst v16;
	v13 =	vor.u32 v13, v17;
	v16 =	vand.u32 $0xFFFFFF80, v9  }
0x4da: {  	s17 =	sadd.s32 $0xA780, s30;
	v17 =	vld.idx.msk [tilespmem:v22+s13+$0x0], $0xffff;
	v13 =	vadd.s32 $0x80, v13;
	v12 =	vor.u32 v12, v16  }
0x4db: {  	s18 =	sor.u32 s29, s17;
	v12 =	vadd.s32 $0x80, v12  }
0x4dc: {  	[tilespmem:s18+$0x0] =	vst v20;
	s19 =	sadd.s32 $0xA780, s5;
	s4 =	sor.u32 s28, s17  }
0x4dd: {  	v11 =	vld.idx.msk [tilespmem:v11+s13+$0x0], $0xffff;
	s21 =	sor.u32 s0, s19;
	[tilespmem:s4+$0x0] =	vst v15  }
0x4de: {  	s6 =	sor.u32 s31, s19;
	v15 =	vadd.s32 $0x88, v6;
	v10 =	vld.idx.msk [tilespmem:v10+s13+$0x0], $0xffff;
	[tilespmem:s21+$0x0] =	vst v18  }
0x4df: {  	v16 =	vadd.s32 $0x88, v5;
	v13 =	vld.idx.msk [tilespmem:v13+s13+$0x0], $0xffff;
	[tilespmem:s6+$0x0] =	vst v17  }
0x4e0: {  	s22 =	sadd.s32 $0xC400, s30;
	v17 =	vadd.s32 $0x88, v7;
	v12 =	vld.idx.msk [tilespmem:v12+s13+$0x0], $0xffff  }
0x4e1: {  	s23 =	sor.u32 s29, s22;
	v18 =	vadd.s32 $0x88, v9  }
0x4e2: {  	s8 =	sadd.s32 $0xC400, s5;
	[tilespmem:s23+$0x0] =	vst v11;
	s4 =	sor.u32 s28, s22  }
0x4e3: {  	s9 =	sor.u32 s0, s8;
	v11 =	vld.idx.msk [tilespmem:v15+s13+$0x0], $0xffff;
	[tilespmem:s4+$0x0] =	vst v10  }
0x4e4: {  	s6 =	sor.u32 s31, s8;
	v10 =	vadd.s32 $0x90, v6;
	v15 =	vld.idx.msk [tilespmem:v16+s13+$0x0], $0xffff;
	[tilespmem:s9+$0x0] =	vst v13  }
0x4e5: {  	v13 =	vadd.s32 $0x90, v5;
	v16 =	vld.idx.msk [tilespmem:v17+s13+$0x0], $0xffff;
	[tilespmem:s6+$0x0] =	vst v12  }
0x4e6: {  	s10 =	sadd.s32 $0xC480, s30;
	v12 =	vadd.s32 $0x90, v7;
	v17 =	vld.idx.msk [tilespmem:v18+s13+$0x0], $0xffff  }
0x4e7: {  	s11 =	sor.u32 s29, s10;
	v18 =	vadd.s32 $0x90, v9  }
0x4e8: {  	s15 =	sadd.s32 $0xC480, s5;
	s4 =	sor.u32 s28, s10;
	[tilespmem:s11+$0x0] =	vst v11  }
0x4e9: {  	s16 =	sor.u32 s0, s15;
	v10 =	vld.idx.msk [tilespmem:v10+s13+$0x0], $0xffff;
	[tilespmem:s4+$0x0] =	vst v15  }
0x4ea: {  	s6 =	sor.u32 s31, s15;
	v11 =	vadd.s32 $0x98, v6;
	v13 =	vld.idx.msk [tilespmem:v13+s13+$0x0], $0xffff;
	[tilespmem:s16+$0x0] =	vst v16  }
0x4eb: {  	v15 =	vadd.s32 $0x98, v5;
	v12 =	vld.idx.msk [tilespmem:v12+s13+$0x0], $0xffff;
	[tilespmem:s6+$0x0] =	vst v17  }
0x4ec: {  	s17 =	sadd.s32 $0xC500, s30;
	v16 =	vadd.s32 $0x98, v7;
	v17 =	vld.idx.msk [tilespmem:v18+s13+$0x0], $0xffff  }
0x4ed: {  	s18 =	sor.u32 s29, s17;
	v18 =	vadd.s32 $0x98, v9  }
0x4ee: {  	s19 =	sadd.s32 $0xC500, s5;
	s4 =	sor.u32 s28, s17;
	[tilespmem:s18+$0x0] =	vst v10  }
0x4ef: {  	s21 =	sor.u32 s0, s19;
	v10 =	vld.idx.msk [tilespmem:v11+s13+$0x0], $0xffff;
	[tilespmem:s4+$0x0] =	vst v13  }
0x4f0: {  	s6 =	sor.u32 s31, s19;
	v11 =	vadd.s32 $0xA0, v6;
	v13 =	vld.idx.msk [tilespmem:v15+s13+$0x0], $0xffff;
	[tilespmem:s21+$0x0] =	vst v12  }
0x4f1: {  	v12 =	vadd.s32 $0xA0, v5;
	v15 =	vld.idx.msk [tilespmem:v16+s13+$0x0], $0xffff;
	[tilespmem:s6+$0x0] =	vst v17  }
0x4f2: {  	s22 =	sadd.s32 $0xC580, s30;
	v16 =	vadd.s32 $0xA0, v7;
	v17 =	vld.idx.msk [tilespmem:v18+s13+$0x0], $0xffff  }
0x4f3: {  	s23 =	sor.u32 s29, s22;
	v18 =	vadd.s32 $0xA0, v9  }
0x4f4: {  	s8 =	sadd.s32 $0xC580, s5;
	s4 =	sor.u32 s28, s22;
	[tilespmem:s23+$0x0] =	vst v10  }
0x4f5: {  	s9 =	sor.u32 s0, s8;
	v10 =	vld.idx.msk [tilespmem:v11+s13+$0x0], $0xffff;
	[tilespmem:s4+$0x0] =	vst v13  }
0x4f6: {  	s6 =	sor.u32 s31, s8;
	v11 =	vadd.s32 $0xA8, v6;
	v12 =	vld.idx.msk [tilespmem:v12+s13+$0x0], $0xffff;
	[tilespmem:s9+$0x0] =	vst v15  }
0x4f7: {  	v13 =	vadd.s32 $0xA8, v5;
	v15 =	vld.idx.msk [tilespmem:v16+s13+$0x0], $0xffff;
	[tilespmem:s6+$0x0] =	vst v17  }
0x4f8: {  	s10 =	sadd.s32 $0xC600, s30;
	v16 =	vadd.s32 $0xA8, v7;
	v17 =	vld.idx.msk [tilespmem:v18+s13+$0x0], $0xffff  }
0x4f9: {  	s11 =	sor.u32 s29, s10;
	v18 =	vadd.s32 $0xA8, v9  }
0x4fa: {  	s15 =	sadd.s32 $0xC600, s5;
	s4 =	sor.u32 s28, s10;
	[tilespmem:s11+$0x0] =	vst v10  }
0x4fb: {  	s16 =	sor.u32 s0, s15;
	v10 =	vadd.s32 $0xB8, v2;
	v11 =	vld.idx.msk [tilespmem:v11+s13+$0x0], $0xffff;
	[tilespmem:s4+$0x0] =	vst v12  }
0x4fc: {  	s6 =	sor.u32 s31, s15;
	v12 =	vadd.s32 $0xB0, v6;
	v13 =	vld.idx.msk [tilespmem:v13+s13+$0x0], $0xffff;
	[tilespmem:s16+$0x0] =	vst v15  }
0x4fd: {  	v15 =	vadd.s32 $0xB0, v5;
	v16 =	vld.idx.msk [tilespmem:v16+s13+$0x0], $0xffff;
	[tilespmem:s6+$0x0] =	vst v17  }
0x4fe: {  	s17 =	sadd.s32 $0xC680, s30;
	v17 =	vadd.s32 $0xB0, v7;
	v18 =	vld.idx.msk [tilespmem:v18+s13+$0x0], $0xffff  }
0x4ff: {  	[tilespmem:s2+$0x0] =	vst v14;
	v14 =	vadd.s32 $0xB0, v9;
	s18 =	sor.u32 s29, s17  }
0x500: {  	v19 =	vadd.s32 $0xE8, v4;
	s19 =	sadd.s32 $0xC680, s5;
	s4 =	sor.u32 s28, s17;
	v10 =	vld.idx.msk [tilespmem:v10+s13+$0x0], $0xffff;
	[tilespmem:s18+$0x0] =	vst v11  }
0x501: {  	s21 =	sor.u32 s0, s19;
	v11 =	vadd.s32 $0xC8, v3;
	v12 =	vld.idx.msk [tilespmem:v12+s13+$0x0], $0xffff;
	[tilespmem:s4+$0x0] =	vst v13  }
0x502: {  	s2 =	sor.u32 s31, s19;
	s22 =	sadd.s32 $0xE400, s26;
	v13 =	vadd.s32 $0xB8, v6;
	v15 =	vld.idx.msk [tilespmem:v15+s13+$0x0], $0xffff;
	[tilespmem:s21+$0x0] =	vst v16  }
0x503: {  	s23 =	sor.u32 s25, s22;
	v16 =	vadd.s32 $0xB8, v5;
	v17 =	vld.idx.msk [tilespmem:v17+s13+$0x0], $0xffff;
	[tilespmem:s2+$0x0] =	vst v18  }
0x504: {  	s3 =	sor.u32 s24, s3;
	[tilespmem:s23+$0x0] =	vst v8;
	v8 =	vadd.s32 $0xB8, v7;
	s4 =	sadd.s32 $0xC700, s30;
	v14 =	vld.idx.msk [tilespmem:v14+s13+$0x0], $0xffff  }
0x505: {  	s8 =	sor.u32 s29, s4;
	[tilespmem:s3+$0x0] =	vst v10;
	v10 =	vadd.s32 $0xB8, v9;
	v18 =	vld.idx.msk [tilespmem:v19+s13+$0x0], $0xffff  }
0x506: {  	s9 =	sadd.s32 $0xC700, s5;
	s3 =	sor.u32 s28, s4;
	v19 =	vadd.s32 $0xC0, v2;
	v11 =	vld.idx.msk [tilespmem:v11+s13+$0x0], $0xffff;
	[tilespmem:s8+$0x0] =	vst v12  }
0x507: {  	s10 =	sor.u32 s0, s9;
	v12 =	vadd.s32 $0xF0, v4;
	v13 =	vld.idx.msk [tilespmem:v13+s13+$0x0], $0xffff;
	[tilespmem:s3+$0x0] =	vst v15  }
0x508: {  	s2 =	sor.u32 s31, s9;
	v15 =	vadd.s32 $0xC0, v6;
	v16 =	vld.idx.msk [tilespmem:v16+s13+$0x0], $0xffff;
	[tilespmem:s10+$0x0] =	vst v17  }
0x509: {  	s11 =	sadd.s32 $0xE480, s26;
	v17 =	vadd.s32 $0xC0, v5;
	v8 =	vld.idx.msk [tilespmem:v8+s13+$0x0], $0xffff;
	[tilespmem:s2+$0x0] =	vst v14  }
0x50a: {  	s15 =	sor.u32 s25, s11;
	s16 =	sadd.s32 $0xC780, s30;
	[tilespmem:s14+$0x0] =	vst v18;
	v14 =	vadd.s32 $0xC0, v7;
	v10 =	vld.idx.msk [tilespmem:v10+s13+$0x0], $0xffff  }
0x50b: {  	s17 =	sor.u32 s29, s16;
	v18 =	vld.idx.msk [tilespmem:v19+s13+$0x0], $0xffff;
	[tilespmem:s15+$0x0] =	vst v11;
	v11 =	vadd.s32 $0xC0, v9  }
0x50c: {  	s18 =	sadd.s32 $0xC780, s5;
	s4 =	sor.u32 s28, s16;
	v19 =	vadd.s32 $0xD0, v3;
	v12 =	vld.idx.msk [tilespmem:v12+s13+$0x0], $0xffff;
	[tilespmem:s17+$0x0] =	vst v13  }
0x50d: {  	s19 =	sor.u32 s0, s18;
	v13 =	vadd.s32 $0xC8, v2;
	v15 =	vld.idx.msk [tilespmem:v15+s13+$0x0], $0xffff;
	[tilespmem:s4+$0x0] =	vst v16  }
0x50e: {  	s2 =	sor.u32 s31, s18;
	v16 =	vadd.s32 $0xC8, v6;
	v17 =	vld.idx.msk [tilespmem:v17+s13+$0x0], $0xffff;
	[tilespmem:s19+$0x0] =	vst v8  }
0x50f: {  	s21 =	sor.u32 s24, s22;
	v8 =	vadd.s32 $0xC8, v5;
	v14 =	vld.idx.msk [tilespmem:v14+s13+$0x0], $0xffff;
	[tilespmem:s2+$0x0] =	vst v10  }
0x510: {  	s22 =	sadd.s32 $0xE400, s30;
	[tilespmem:s21+$0x0] =	vst v18;
	v10 =	vadd.s32 $0xC8, v7;
	v11 =	vld.idx.msk [tilespmem:v11+s13+$0x0], $0xffff  }
0x511: {  	s23 =	sor.u32 s29, s22;
	v18 =	vld.idx.msk [tilespmem:v19+s13+$0x0], $0xffff;
	[tilespmem:s7+$0x0] =	vst v12;
	v12 =	vadd.s32 $0xC8, v9  }
0x512: {  	s6 =	sadd.s32 $0xE400, s5;
	v4 =	vadd.s32 $0xF8, v4;
	v13 =	vld.idx.msk [tilespmem:v13+s13+$0x0], $0xffff;
	s2 =	sor.u32 s28, s22;
	[tilespmem:s23+$0x0] =	vst v15  }
0x513: {  	s7 =	sor.u32 s0, s6;
	v15 =	vadd.s32 $0xD0, v2;
	v16 =	vld.idx.msk [tilespmem:v16+s13+$0x0], $0xffff;
	[tilespmem:s2+$0x0] =	vst v17  }
0x514: {  	s8 =	sadd.s32 $0xE500, s26;
	s4 =	sor.u32 s31, s6;
	v17 =	vadd.s32 $0xD0, v6;
	v8 =	vld.idx.msk [tilespmem:v8+s13+$0x0], $0xffff;
	[tilespmem:s7+$0x0] =	vst v14  }
0x515: {  	s9 =	sor.u32 s25, s8;
	v14 =	vadd.s32 $0xD0, v5;
	v10 =	vld.idx.msk [tilespmem:v10+s13+$0x0], $0xffff;
	[tilespmem:s4+$0x0] =	vst v11  }
0x516: {  	s3 =	sor.u32 s24, s11;
	s10 =	sadd.s32 $0xE480, s30;
	[tilespmem:s9+$0x0] =	vst v18;
	v11 =	vadd.s32 $0xD0, v7;
	v12 =	vld.idx.msk [tilespmem:v12+s13+$0x0], $0xffff  }
0x517: {  	s11 =	sor.u32 s29, s10;
	v4 =	vld.idx.msk [tilespmem:v4+s13+$0x0], $0xffff;
	[tilespmem:s3+$0x0] =	vst v13;
	v13 =	vadd.s32 $0xD0, v9  }
0x518: {  	s14 =	sadd.s32 $0xE480, s5;
	v18 =	vadd.s32 $0xD8, v3;
	s2 =	sor.u32 s28, s10;
	v15 =	vld.idx.msk [tilespmem:v15+s13+$0x0], $0xffff;
	[tilespmem:s11+$0x0] =	vst v16  }
0x519: {  	s15 =	sor.u32 s0, s14;
	v16 =	vadd.s32 $0xD8, v2;
	v17 =	vld.idx.msk [tilespmem:v17+s13+$0x0], $0xffff;
	[tilespmem:s2+$0x0] =	vst v8  }
0x51a: {  	s3 =	sor.u32 s31, s14;
	v8 =	vadd.s32 $0xD8, v6;
	v14 =	vld.idx.msk [tilespmem:v14+s13+$0x0], $0xffff;
	[tilespmem:s15+$0x0] =	vst v10  }
0x51b: {  	v10 =	vadd.s32 $0xD8, v5;
	v11 =	vld.idx.msk [tilespmem:v11+s13+$0x0], $0xffff;
	[tilespmem:s3+$0x0] =	vst v12  }
0x51c: {  	s16 =	sor.u32 s24, s8;
	s17 =	sadd.s32 $0xE500, s30;
	[tilespmem:s12+$0x0] =	vst v4;
	v4 =	vadd.s32 $0xD8, v7;
	v12 =	vld.idx.msk [tilespmem:v13+s13+$0x0], $0xffff  }
0x51d: {  	s18 =	sor.u32 s29, s17;
	[tilespmem:s16+$0x0] =	vst v15;
	v15 =	vadd.s32 $0xD8, v9;
	v13 =	vld.idx.msk [tilespmem:v18+s13+$0x0], $0xffff  }
0x51e: {  	s19 =	sadd.s32 $0xE500, s5;
	v16 =	vld.idx.msk [tilespmem:v16+s13+$0x0], $0xffff;
	s3 =	sor.u32 s28, s17;
	v18 =	vadd.s32 $0xE0, v3;
	[tilespmem:s18+$0x0] =	vst v17  }
0x51f: {  	s21 =	sor.u32 s0, s19;
	v17 =	vadd.s32 $0xE0, v2;
	v8 =	vld.idx.msk [tilespmem:v8+s13+$0x0], $0xffff;
	[tilespmem:s3+$0x0] =	vst v14  }
0x520: {  	s22 =	sadd.s32 $0xE580, s26;
	s2 =	sor.u32 s31, s19;
	v14 =	vadd.s32 $0xE0, v6;
	v10 =	vld.idx.msk [tilespmem:v10+s13+$0x0], $0xffff;
	[tilespmem:s21+$0x0] =	vst v11  }
0x521: {  	s23 =	sor.u32 s25, s22;
	v11 =	vadd.s32 $0xE0, v5;
	v4 =	vld.idx.msk [tilespmem:v4+s13+$0x0], $0xffff;
	[tilespmem:s2+$0x0] =	vst v12  }
0x522: {  	s6 =	sor.u32 s24, s22;
	s7 =	sadd.s32 $0xE580, s30;
	[tilespmem:s23+$0x0] =	vst v13;
	v12 =	vadd.s32 $0xE0, v7;
	v13 =	vld.idx.msk [tilespmem:v15+s13+$0x0], $0xffff  }
0x523: {  	s8 =	sor.u32 s29, s7;
	[tilespmem:s6+$0x0] =	vst v16;
	v16 =	vadd.s32 $0xE0, v9;
	v15 =	vld.idx.msk [tilespmem:v18+s13+$0x0], $0xffff  }
0x524: {  	s9 =	sadd.s32 $0xE580, s5;
	s3 =	sor.u32 s28, s7;
	v17 =	vld.idx.msk [tilespmem:v17+s13+$0x0], $0xffff;
	v18 =	vadd.s32 $0xE8, v3;
	[tilespmem:s8+$0x0] =	vst v8  }
0x525: {  	s10 =	sor.u32 s0, s9;
	v8 =	vadd.s32 $0xE8, v2;
	v14 =	vld.idx.msk [tilespmem:v14+s13+$0x0], $0xffff;
	[tilespmem:s3+$0x0] =	vst v10  }
0x526: {  	s11 =	sadd.s32 $0xE600, s26;
	s2 =	sor.u32 s31, s9;
	v10 =	vadd.s32 $0xE8, v6;
	v11 =	vld.idx.msk [tilespmem:v11+s13+$0x0], $0xffff;
	[tilespmem:s10+$0x0] =	vst v4  }
0x527: {  	s12 =	sor.u32 s25, s11;
	v4 =	vadd.s32 $0xE8, v5;
	v12 =	vld.idx.msk [tilespmem:v12+s13+$0x0], $0xffff;
	[tilespmem:s2+$0x0] =	vst v13  }
0x528: {  	s14 =	sor.u32 s24, s11;
	s15 =	sadd.s32 $0xE600, s30;
	[tilespmem:s12+$0x0] =	vst v15;
	v13 =	vadd.s32 $0xE8, v7;
	v15 =	vld.idx.msk [tilespmem:v16+s13+$0x0], $0xffff  }
0x529: {  	s16 =	sor.u32 s29, s15;
	[tilespmem:s14+$0x0] =	vst v17;
	v17 =	vadd.s32 $0xE8, v9;
	v16 =	vld.idx.msk [tilespmem:v18+s13+$0x0], $0xffff  }
0x52a: {  	s17 =	sor.u32 s28, s15;
	s18 =	sadd.s32 $0xE600, s5;
	v8 =	vld.idx.msk [tilespmem:v8+s13+$0x0], $0xffff;
	v18 =	vadd.s32 $0xF0, v3;
	[tilespmem:s16+$0x0] =	vst v14  }
0x52b: {  	s19 =	sor.u32 s0, s18;
	v14 =	vadd.s32 $0xF0, v2;
	v10 =	vld.idx.msk [tilespmem:v10+s13+$0x0], $0xffff;
	[tilespmem:s17+$0x0] =	vst v11  }
0x52c: {  	s22 =	sor.u32 s31, s18;
	s21 =	sadd.s32 $0xE680, s26;
	v11 =	vadd.s32 $0xF0, v6;
	v4 =	vld.idx.msk [tilespmem:v4+s13+$0x0], $0xffff;
	[tilespmem:s19+$0x0] =	vst v12  }
0x52d: {  	s23 =	sor.u32 s25, s21;
	v12 =	vadd.s32 $0xF0, v5;
	v13 =	vld.idx.msk [tilespmem:v13+s13+$0x0], $0xffff;
	[tilespmem:s22+$0x0] =	vst v15  }
0x52e: {  	s6 =	sadd.s32 $0xE680, s30;
	s4 =	sor.u32 s24, s21;
	[tilespmem:s23+$0x0] =	vst v16;
	v15 =	vadd.s32 $0xF0, v7;
	v16 =	vld.idx.msk [tilespmem:v17+s13+$0x0], $0xffff  }
0x52f: {  	s7 =	sor.u32 s29, s6;
	[tilespmem:s4+$0x0] =	vst v8;
	v8 =	vadd.s32 $0xF0, v9;
	v17 =	vld.idx.msk [tilespmem:v18+s13+$0x0], $0xffff  }
0x530: {  	s8 =	sadd.s32 $0xE680, s5;
	s3 =	sor.u32 s28, s6;
	v3 =	vadd.s32 $0xF8, v3;
	v14 =	vld.idx.msk [tilespmem:v14+s13+$0x0], $0xffff;
	[tilespmem:s7+$0x0] =	vst v10  }
0x531: {  	s9 =	sor.u32 s0, s8;
	v2 =	vadd.s32 $0xF8, v2;
	v10 =	vld.idx.msk [tilespmem:v11+s13+$0x0], $0xffff;
	[tilespmem:s3+$0x0] =	vst v4  }
0x532: {  	s10 =	sadd.s32 $0xE700, s26;
	s2 =	sor.u32 s31, s8;
	v4 =	vadd.s32 $0xF8, v6;
	v6 =	vld.idx.msk [tilespmem:v12+s13+$0x0], $0xffff;
	[tilespmem:s9+$0x0] =	vst v13  }
0x533: {  	s11 =	sor.u32 s25, s10;
	v5 =	vadd.s32 $0xF8, v5;
	v11 =	vld.idx.msk [tilespmem:v15+s13+$0x0], $0xffff;
	[tilespmem:s2+$0x0] =	vst v16  }
0x534: {  	s14 =	sadd.s32 $0xE700, s30;
	s12 =	sor.u32 s24, s10;
	v7 =	vadd.s32 $0xF8, v7;
	[tilespmem:s11+$0x0] =	vst v17;
	v8 =	vld.idx.msk [tilespmem:v8+s13+$0x0], $0xffff  }
0x535: {  	s15 =	sor.u32 s29, s14;
	v9 =	vadd.s32 $0xF8, v9;
	[tilespmem:s12+$0x0] =	vst v14;
	v3 =	vld.idx.msk [tilespmem:v3+s13+$0x0], $0xffff  }
0x536: {  	s16 =	sadd.s32 $0xE700, s5;
	s3 =	sor.u32 s28, s14;
	v2 =	vld.idx.msk [tilespmem:v2+s13+$0x0], $0xffff;
	[tilespmem:s15+$0x0] =	vst v10  }
0x537: {  	s17 =	sor.u32 s0, s16;
	v4 =	vld.idx.msk [tilespmem:v4+s13+$0x0], $0xffff;
	[tilespmem:s3+$0x0] =	vst v6  }
0x538: {  	s18 =	sadd.s32 $0xE780, s26;
	s2 =	sor.u32 s31, s16;
	v5 =	vld.idx.msk [tilespmem:v5+s13+$0x0], $0xffff;
	[tilespmem:s17+$0x0] =	vst v11  }
0x539: {  	s19 =	sor.u32 s25, s18;
	v6 =	vld.idx.msk [tilespmem:v7+s13+$0x0], $0xffff;
	[tilespmem:s2+$0x0] =	vst v8  }
0x53a: {  	s21 =	sor.u32 s24, s18;
	s22 =	sadd.s32 $0xE780, s30;
	[tilespmem:s19+$0x0] =	vst v3;
	v3 =	vld.idx.msk [tilespmem:v9+s13+$0x0], $0xffff  }
0x53b: {  	s23 =	sor.u32 s29, s22;
	[tilespmem:s21+$0x0] =	vst v2  }
0x53c: {  	s24 =	sadd.s32 $0xE780, s5;
	s3 =	sor.u32 s28, s22;
	[tilespmem:s23+$0x0] =	vst v4  }
0x53d: {  	s25 =	sor.u32 s0, s24;
	[tilespmem:s3+$0x0] =	vst v5  }
0x53e: {  	s2 =	sor.u32 s31, s24;
	[tilespmem:s25+$0x0] =	vst v6  }
0x53f: {  	s6 =	simm.s32 $0x2;
	s26 =	simm.s32 $0x0;
	s5 =	simm.s32 $0x8400;
	[tilespmem:s2+$0x0] =	vst v3  }
0x540: {  	[hbm4b:s1+s26] =	stream.linear.scatter [tilespmem:s5], [sflag:$0x1], $0x8000, $0x38;
	[tilespmem:$0x18400] =	vst v63  }
0x541: {  	s8 =	sand.u32 $0x60, s26;
	_ =	swait.ge [sflag:s6], $0x8000  }
0x542: {  	s7 =	sand.u32 $0x380, s26;
	s9 =	sor.u32 $0x10, s8;
	[sflag:s6] =	ssyncset.done $0x0  }
0x543: {  	s0 =	sor.u32 s9, s7;
	[sflag:s6] =	ssyncadd.s32 $0xFFFF8000  }
0x544: {  	v6 =	vld [tilespmem:s0+$0x0];
	_ =	sdelay $0x1  }
0x545: {  	s10 =	rddreg [dreg:$0xf]  }
0x546: {  	s0 =	sor.u32 $0x100, s10  }
0x547: {  	v8 =	vmov s0  }
0x548: {  	v14 =	vadd.s32 v8, v6;
	_ =	sdelay $0x2  }
0x549: {  	v5 =	vld [tilespmem:s26+$0x0];
	_ =	sdelay $0x1  }
0x54a: {  	v2 =	vld.idx.msk [tilespmem:v14+s13+$0x0], $0xffff  }
0x54b: {  	v3 =	vadd.s32 $0x8, v14  }
0x54c: {  	s12 =	sand.u32 $0x1C00, s26  }
0x54d: {  	s11 =	sadd.s32 $0x10400, s12;
	v4 =	vadd.s32 v8, v5  }
0x54e: {  	s14 =	sor.u32 s9, s11  }
0x54f: {  	[tilespmem:s14+$0x0] =	vst v2  }
0x550: {  	v2 =	vld.idx.msk [tilespmem:v3+s13+$0x0], $0xffff  }
0x551: {  	v3 =	vadd.s32 $0x10, v14  }
0x552: {  	v7 =	vld.idx.msk [tilespmem:v4+s13+$0x0], $0xffff  }
0x553: {  	v9 =	vadd.s32 $0x8, v4;
	_ =	sdelay $0x1  }
0x554: {  	[tilespmem:s14+$0x80] =	vst v2  }
0x555: {  	s15 =	sor.u32 s8, s11;
	v2 =	vld.idx.msk [tilespmem:v3+s13+$0x0], $0xffff  }
0x556: {  	[tilespmem:s15+$0x0] =	vst v7;
	v3 =	vadd.s32 $0x18, v14  }
0x557: {  	v7 =	vld.idx.msk [tilespmem:v9+s13+$0x0], $0xffff  }
0x558: {  	v9 =	vadd.s32 $0x10, v4;
	_ =	sdelay $0x1  }
0x559: {  	[tilespmem:s14+$0x100] =	vst v2  }
0x55a: {  	v2 =	vld.idx.msk [tilespmem:v3+s13+$0x0], $0xffff  }
0x55b: {  	[tilespmem:s15+$0x80] =	vst v7;
	v3 =	vadd.s32 $0x20, v14  }
0x55c: {  	v7 =	vld.idx.msk [tilespmem:v9+s13+$0x0], $0xffff  }
0x55d: {  	v9 =	vadd.s32 $0x18, v4;
	_ =	sdelay $0x1  }
0x55e: {  	[tilespmem:s14+$0x180] =	vst v2  }
0x55f: {  	v2 =	vld.idx.msk [tilespmem:v3+s13+$0x0], $0xffff  }
0x560: {  	[tilespmem:s15+$0x100] =	vst v7;
	v3 =	vadd.s32 $0x28, v14  }
0x561: {  	v7 =	vld.idx.msk [tilespmem:v9+s13+$0x0], $0xffff  }
0x562: {  	v9 =	vadd.s32 $0x20, v4;
	_ =	sdelay $0x1  }
0x563: {  	[tilespmem:s14+$0x200] =	vst v2  }
0x564: {  	v2 =	vld.idx.msk [tilespmem:v3+s13+$0x0], $0xffff  }
0x565: {  	[tilespmem:s15+$0x180] =	vst v7;
	v3 =	vadd.s32 $0x30, v14  }
0x566: {  	v7 =	vld.idx.msk [tilespmem:v9+s13+$0x0], $0xffff  }
0x567: {  	v9 =	vadd.s32 $0x28, v4;
	_ =	sdelay $0x1  }
0x568: {  	[tilespmem:s14+$0x280] =	vst v2  }
0x569: {  	s16 =	sand.u32 $0x3, s26;
	v2 =	vld.idx.msk [tilespmem:v3+s13+$0x0], $0xffff  }
0x56a: {  	s0 =	sshll.u32 s16, $0x5;
	[tilespmem:s15+$0x200] =	vst v7;
	v3 =	vadd.s32 $0x38, v14  }
0x56b: {  	s17 =	sadd.s32 $0x0, s0;
	v7 =	vld.idx.msk [tilespmem:v9+s13+$0x0], $0xffff  }
0x56c: {  	s18 =	sadd.s32 $0x10, s17;
	v9 =	vadd.s32 $0x30, v4  }
0x56d: {  	s19 =	sor.u32 $0x300, s18  }
0x56e: {  	[tilespmem:s19+$0x10400] =	vst v2  }
0x56f: {  	v2 =	vld.idx.msk [tilespmem:v3+s13+$0x0], $0xffff  }
0x570: {  	s0 =	simm.s32 $0x20;
	[tilespmem:s15+$0x280] =	vst v7;
	v3 =	vadd.s32 $0x40, v14  }
0x571: {  	s23 =	sand.u32 $0x60, s0;
	v10 =	vld.idx.msk [tilespmem:v9+s13+$0x0], $0xffff  }
0x572: {  	s21 =	sand.u32 $0x380, s0;
	s24 =	sor.u32 $0x10, s23;
	v11 =	vadd.s32 $0x38, v4  }
0x573: {  	s4 =	sor.u32 $0x380, s18;
	s3 =	sor.u32 s24, s21;
	v7 =	vld [tilespmem:s0+$0x0]  }
0x574: {  	v9 =	vld [tilespmem:s3+$0x0];
	[tilespmem:s4+$0x10400] =	vst v2  }
0x575: {  	s1 =	sor.u32 $0x300, s17;
	v12 =	vld.idx.msk [tilespmem:v3+s13+$0x0], $0xffff  }
0x576: {  	[tilespmem:s1+$0x10400] =	vst v10;
	v10 =	vadd.s32 $0x48, v14  }
0x577: {  	v11 =	vld.idx.msk [tilespmem:v11+s13+$0x0], $0xffff  }
0x578: {  	s22 =	sadd.s32 $0x12400, s12;
	v13 =	vadd.s32 $0x40, v4  }
0x579: {  	s25 =	sor.u32 s9, s22;
	v3 =	vadd.s32 v8, v9  }
0x57a: {  	s2 =	sor.u32 s26, s26;
	v2 =	vadd.s32 v8, v7;
	[tilespmem:s25+$0x0] =	vst v12  }
0x57b: {  	s2 =	sor.u32 $0x380, s2;
	v10 =	vld.idx.msk [tilespmem:v10+s13+$0x0], $0xffff  }
0x57c: {  	[tilespmem:s2+$0x10400] =	vst v11;
	v11 =	vadd.s32 $0x50, v14  }
0x57d: {  	v12 =	vld.idx.msk [tilespmem:v13+s13+$0x0], $0xffff  }
0x57e: {  	s26 =	sadd.s32 $0x12480, s12;
	v13 =	vadd.s32 $0x48, v4;
	v15 =	vld.idx.msk [tilespmem:v3+s13+$0x0], $0xffff  }
0x57f: {  	s7 =	sor.u32 s9, s26;
	s2 =	simm.s32 $0x100;
	v17 =	vadd.s32 $0x8, v3;
	v16 =	vld.idx.msk [tilespmem:v2+s13+$0x0], $0xffff  }
0x580: {  	s25 =	sand.u32 $0x1C00, s2;
	[tilespmem:s7+$0x0] =	vst v10;
	v10 =	vadd.s32 $0x8, v2  }
0x581: {  	s1 =	sor.u32 s8, s22;
	s10 =	sadd.s32 $0x10400, s25;
	v11 =	vld.idx.msk [tilespmem:v11+s13+$0x0], $0xffff  }
0x582: {  	s11 =	sor.u32 s24, s10;
	[tilespmem:s1+$0x0] =	vst v12;
	v12 =	vadd.s32 $0x58, v14  }
0x583: {  	s14 =	sor.u32 s23, s10;
	[tilespmem:s11+$0x0] =	vst v15;
	v13 =	vld.idx.msk [tilespmem:v13+s13+$0x0], $0xffff  }
0x584: {  	s15 =	sadd.s32 $0x12500, s12;
	[tilespmem:s14+$0x0] =	vst v16;
	v15 =	vadd.s32 $0x50, v4;
	v17 =	vld.idx.msk [tilespmem:v17+s13+$0x0], $0xffff  }
0x585: {  	s16 =	sor.u32 s9, s15;
	v16 =	vadd.s32 $0x10, v3;
	v10 =	vld.idx.msk [tilespmem:v10+s13+$0x0], $0xffff  }
0x586: {  	[tilespmem:s16+$0x0] =	vst v11;
	v11 =	vadd.s32 $0x10, v2  }
0x587: {  	s4 =	sor.u32 s8, s26;
	v12 =	vld.idx.msk [tilespmem:v12+s13+$0x0], $0xffff  }
0x588: {  	[tilespmem:s4+$0x0] =	vst v13;
	v13 =	vadd.s32 $0x60, v14  }
0x589: {  	[tilespmem:s11+$0x80] =	vst v17;
	v15 =	vld.idx.msk [tilespmem:v15+s13+$0x0], $0xffff  }
0x58a: {  	s17 =	sadd.s32 $0x12580, s12;
	v17 =	vadd.s32 $0x58, v4;
	v16 =	vld.idx.msk [tilespmem:v16+s13+$0x0], $0xffff;
	[tilespmem:s14+$0x80] =	vst v10  }
0x58b: {  	s18 =	sor.u32 s9, s17;
	v10 =	vld.idx.msk [tilespmem:v11+s13+$0x0], $0xffff;
	v11 =	vadd.s32 $0x18, v3  }
0x58c: {  	[tilespmem:s18+$0x0] =	vst v12;
	v12 =	vadd.s32 $0x18, v2  }
0x58d: {  	s5 =	sor.u32 s8, s15;
	v13 =	vld.idx.msk [tilespmem:v13+s13+$0x0], $0xffff  }
0x58e: {  	[tilespmem:s5+$0x0] =	vst v15;
	v15 =	vadd.s32 $0x68, v14  }
0x58f: {  	[tilespmem:s11+$0x100] =	vst v16;
	v17 =	vld.idx.msk [tilespmem:v17+s13+$0x0], $0xffff  }
0x590: {  	s19 =	sadd.s32 $0x12600, s12;
	v16 =	vadd.s32 $0x60, v4;
	v11 =	vld.idx.msk [tilespmem:v11+s13+$0x0], $0xffff;
	[tilespmem:s14+$0x100] =	vst v10  }
0x591: {  	s21 =	sor.u32 s9, s19;
	v10 =	vld.idx.msk [tilespmem:v12+s13+$0x0], $0xffff;
	v12 =	vadd.s32 $0x20, v3  }
0x592: {  	[tilespmem:s21+$0x0] =	vst v13;
	v13 =	vadd.s32 $0x20, v2  }
0x593: {  	s4 =	sor.u32 s8, s17;
	v15 =	vld.idx.msk [tilespmem:v15+s13+$0x0], $0xffff  }
0x594: {  	[tilespmem:s4+$0x0] =	vst v17;
	v17 =	vadd.s32 $0x70, v14  }
0x595: {  	v16 =	vld.idx.msk [tilespmem:v16+s13+$0x0], $0xffff;
	[tilespmem:s11+$0x180] =	vst v11  }
0x596: {  	s22 =	sadd.s32 $0x12680, s12;
	v11 =	vadd.s32 $0x68, v4;
	v12 =	vld.idx.msk [tilespmem:v12+s13+$0x0], $0xffff;
	[tilespmem:s14+$0x180] =	vst v10  }
0x597: {  	s26 =	sor.u32 s9, s22;
	v10 =	vld.idx.msk [tilespmem:v13+s13+$0x0], $0xffff;
	v13 =	vadd.s32 $0x28, v3  }
0x598: {  	[tilespmem:s26+$0x0] =	vst v15;
	v15 =	vadd.s32 $0x28, v2  }
0x599: {  	s5 =	sor.u32 s8, s19;
	v17 =	vld.idx.msk [tilespmem:v17+s13+$0x0], $0xffff  }
0x59a: {  	[tilespmem:s5+$0x0] =	vst v16;
	v16 =	vadd.s32 $0x78, v14  }
0x59b: {  	v11 =	vld.idx.msk [tilespmem:v11+s13+$0x0], $0xffff;
	[tilespmem:s11+$0x200] =	vst v12  }
0x59c: {  	s7 =	sadd.s32 $0x12700, s12;
	v12 =	vadd.s32 $0x70, v4;
	v13 =	vld.idx.msk [tilespmem:v13+s13+$0x0], $0xffff;
	[tilespmem:s14+$0x200] =	vst v10  }
0x59d: {  	s10 =	sor.u32 s9, s7;
	v10 =	vld.idx.msk [tilespmem:v15+s13+$0x0], $0xffff;
	v15 =	vadd.s32 $0x30, v3  }
0x59e: {  	v6 =	vand.u32 $0x7F, v6;
	v18 =	vand.u32 $0xFFFFFF80, v14;
	[tilespmem:s10+$0x0] =	vst v17;
	v17 =	vadd.s32 $0x30, v2  }
0x59f: {  	v6 =	vor.u32 v6, v18;
	s4 =	sor.u32 s8, s22;
	v16 =	vld.idx.msk [tilespmem:v16+s13+$0x0], $0xffff  }
0x5a0: {  	v6 =	vadd.s32 $0x80, v6;
	[tilespmem:s4+$0x0] =	vst v11  }
0x5a1: {  	v11 =	vld.idx.msk [tilespmem:v12+s13+$0x0], $0xffff;
	[tilespmem:s11+$0x280] =	vst v13;
	s11 =	simm.s32 $0x1  }
0x5a2: {  	v12 =	vadd.s32 $0x78, v4;
	v13 =	vld.idx.msk [tilespmem:v15+s13+$0x0], $0xffff;
	s3 =	sand.u32 $0x3, s11;
	[tilespmem:s14+$0x280] =	vst v10;
	s14 =	sadd.s32 $0x12780, s12  }
0x5a3: {  	v15 =	vadd.s32 $0x38, v3;
	s15 =	sshll.u32 s3, $0x5;
	v10 =	vld.idx.msk [tilespmem:v17+s13+$0x0], $0xffff;
	s16 =	sor.u32 s9, s14  }
0x5a4: {  	s1 =	sadd.s32 $0x100, s15;
	[tilespmem:s16+$0x0] =	vst v16;
	v16 =	vadd.s32 $0x38, v2  }
0x5a5: {  	s17 =	sor.u32 s8, s7;
	s18 =	sadd.s32 $0x10, s1;
	v6 =	vld.idx.msk [tilespmem:v6+s13+$0x0], $0xffff  }
0x5a6: {  	v5 =	vand.u32 $0x7F, v5;
	v17 =	vadd.s32 $0x88, v14;
	[tilespmem:s17+$0x0] =	vst v11;
	v11 =	vand.u32 $0xFFFFFF80, v4;
	s19 =	sor.u32 $0x300, s18  }
0x5a7: {  	s21 =	sor.u32 $0x300, s1;
	v12 =	vld.idx.msk [tilespmem:v12+s13+$0x0], $0xffff;
	v5 =	vor.u32 v5, v11;
	[tilespmem:s19+$0x10400] =	vst v13  }
0x5a8: {  	s22 =	sadd.s32 $0x14400, s12;
	s1 =	simm.s32 $0x40;
	v5 =	vadd.s32 $0x80, v5;
	v13 =	vld.idx.msk [tilespmem:v15+s13+$0x0], $0xffff;
	[tilespmem:s21+$0x10400] =	vst v10  }
0x5a9: {  	s10 =	sor.u32 s9, s22;
	s26 =	sand.u32 $0x60, s1;
	v15 =	vld.idx.msk [tilespmem:v16+s13+$0x0], $0xffff;
	v16 =	vadd.s32 $0x40, v3  }
0x5aa: {  	s11 =	sand.u32 $0x380, s1;
	s28 =	sor.u32 $0x10, s26;
	v10 =	vld [tilespmem:s1+$0x0];
	[tilespmem:s10+$0x0] =	vst v6;
	v6 =	vadd.s32 $0x40, v2  }
0x5ab: {  	s4 =	sor.u32 s8, s14;
	s14 =	sor.u32 s28, s11;
	v17 =	vld.idx.msk [tilespmem:v17+s13+$0x0], $0xffff  }
0x5ac: {  	s0 =	sor.u32 s2, s0;
	s15 =	sor.u32 $0x380, s18;
	v11 =	vld [tilespmem:s14+$0x0];
	[tilespmem:s4+$0x0] =	vst v12;
	v12 =	vadd.s32 $0x90, v14  }
0x5ad: {  	s0 =	sor.u32 $0x380, s0;
	v5 =	vld.idx.msk [tilespmem:v5+s13+$0x0], $0xffff;
	[tilespmem:s15+$0x10400] =	vst v13  }
0x5ae: {  	s16 =	sadd.s32 $0x14480, s12;
	v13 =	vadd.s32 $0x88, v4;
	v16 =	vld.idx.msk [tilespmem:v16+s13+$0x0], $0xffff;
	[tilespmem:s0+$0x10400] =	vst v15  }
0x5af: {  	v18 =	vadd.s32 $0x48, v3;
	s17 =	sor.u32 s9, s16;
	v15 =	vld.idx.msk [tilespmem:v6+s13+$0x0], $0xffff  }
0x5b0: {  	[tilespmem:s17+$0x0] =	vst v17;
	v17 =	vadd.s32 $0x48, v2  }
0x5b1: {  	s18 =	sor.u32 s8, s22;
	s19 =	sadd.s32 $0x12400, s25;
	v6 =	vadd.s32 v8, v11;
	v12 =	vld.idx.msk [tilespmem:v12+s13+$0x0], $0xffff  }
0x5b2: {  	v19 =	vadd.s32 $0x98, v14;
	s21 =	sor.u32 s24, s19;
	[tilespmem:s18+$0x0] =	vst v5  }
0x5b3: {  	s3 =	sor.u32 s23, s19;
	v5 =	vadd.s32 v8, v10;
	v13 =	vld.idx.msk [tilespmem:v13+s13+$0x0], $0xffff;
	[tilespmem:s21+$0x0] =	vst v16  }
0x5b4: {  	s22 =	sadd.s32 $0x14500, s12;
	v16 =	vld.idx.msk [tilespmem:v18+s13+$0x0], $0xffff;
	v18 =	vadd.s32 $0x90, v4;
	[tilespmem:s3+$0x0] =	vst v15  }
0x5b5: {  	s7 =	sor.u32 s9, s22;
	v15 =	vld.idx.msk [tilespmem:v17+s13+$0x0], $0xffff;
	v17 =	vadd.s32 $0x50, v3  }
0x5b6: {  	v20 =	vld.idx.msk [tilespmem:v6+s13+$0x0], $0xffff;
	[tilespmem:s7+$0x0] =	vst v12;
	v12 =	vadd.s32 $0x50, v2  }
0x5b7: {  	s2 =	simm.s32 $0x200;
	s10 =	sadd.s32 $0x12480, s25;
	s0 =	sor.u32 s8, s16;
	v21 =	vadd.s32 $0x8, v6;
	v19 =	vld.idx.msk [tilespmem:v19+s13+$0x0], $0xffff  }
0x5b8: {  	s29 =	sand.u32 $0x1C00, s2;
	s11 =	sor.u32 s24, s10;
	v22 =	vld.idx.msk [tilespmem:v5+s13+$0x0], $0xffff;
	[tilespmem:s0+$0x0] =	vst v13;
	v13 =	vadd.s32 $0xA0, v14  }
0x5b9: {  	s14 =	sadd.s32 $0x10400, s29;
	s15 =	sor.u32 s23, s10;
	v18 =	vld.idx.msk [tilespmem:v18+s13+$0x0], $0xffff;
	[tilespmem:s11+$0x0] =	vst v16;
	v16 =	vadd.s32 $0x8, v5  }
0x5ba: {  	s16 =	sadd.s32 $0x14580, s12;
	s3 =	sor.u32 s28, s14;
	v17 =	vld.idx.msk [tilespmem:v17+s13+$0x0], $0xffff;
	[tilespmem:s15+$0x0] =	vst v15;
	v15 =	vadd.s32 $0x98, v4  }
0x5bb: {  	s17 =	sor.u32 s9, s16;
	[tilespmem:s3+$0x0] =	vst v20;
	v20 =	vadd.s32 $0x58, v3;
	v12 =	vld.idx.msk [tilespmem:v12+s13+$0x0], $0xffff  }
0x5bc: {  	s0 =	sor.u32 s26, s14;
	v21 =	vld.idx.msk [tilespmem:v21+s13+$0x0], $0xffff;
	[tilespmem:s17+$0x0] =	vst v19;
	v19 =	vadd.s32 $0x58, v2  }
0x5bd: {  	s4 =	sor.u32 s8, s22;
	s18 =	sadd.s32 $0x12500, s25;
	[tilespmem:s0+$0x0] =	vst v22;
	v22 =	vadd.s32 $0x10, v6;
	v13 =	vld.idx.msk [tilespmem:v13+s13+$0x0], $0xffff  }
0x5be: {  	s19 =	sor.u32 s24, s18;
	v16 =	vld.idx.msk [tilespmem:v16+s13+$0x0], $0xffff;
	[tilespmem:s4+$0x0] =	vst v18;
	v18 =	vadd.s32 $0xA8, v14  }
0x5bf: {  	s21 =	sor.u32 s23, s18;
	[tilespmem:s19+$0x0] =	vst v17;
	v15 =	vld.idx.msk [tilespmem:v15+s13+$0x0], $0xffff;
	v17 =	vadd.s32 $0x10, v5  }
0x5c0: {  	s22 =	sadd.s32 $0x14600, s12;
	v20 =	vld.idx.msk [tilespmem:v20+s13+$0x0], $0xffff;
	[tilespmem:s21+$0x0] =	vst v12;
	v12 =	vadd.s32 $0xA0, v4  }
0x5c1: {  	s10 =	sor.u32 s9, s22;
	[tilespmem:s3+$0x80] =	vst v21;
	v21 =	vadd.s32 $0x60, v3;
	v19 =	vld.idx.msk [tilespmem:v19+s13+$0x0], $0xffff  }
0x5c2: {  	v22 =	vld.idx.msk [tilespmem:v22+s13+$0x0], $0xffff;
	[tilespmem:s10+$0x0] =	vst v13;
	v13 =	vadd.s32 $0x60, v2  }
0x5c3: {  	s5 =	sor.u32 s8, s16;
	s11 =	sadd.s32 $0x12580, s25;
	[tilespmem:s0+$0x80] =	vst v16;
	v16 =	vld.idx.msk [tilespmem:v18+s13+$0x0], $0xffff;
	v18 =	vadd.s32 $0x18, v6  }
0x5c4: {  	s14 =	sor.u32 s24, s11;
	v17 =	vld.idx.msk [tilespmem:v17+s13+$0x0], $0xffff;
	[tilespmem:s5+$0x0] =	vst v15;
	v15 =	vadd.s32 $0xB0, v14  }
0x5c5: {  	s15 =	sor.u32 s23, s11;
	[tilespmem:s14+$0x0] =	vst v20;
	v12 =	vld.idx.msk [tilespmem:v12+s13+$0x0], $0xffff;
	v20 =	vadd.s32 $0x18, v5  }
0x5c6: {  	s16 =	sadd.s32 $0x14680, s12;
	v21 =	vld.idx.msk [tilespmem:v21+s13+$0x0], $0xffff;
	[tilespmem:s15+$0x0] =	vst v19  }
0x5c7: {  	s17 =	sor.u32 s9, s16;
	[tilespmem:s3+$0x100] =	vst v22;
	v19 =	vadd.s32 $0xA8, v4;
	v13 =	vld.idx.msk [tilespmem:v13+s13+$0x0], $0xffff  }
0x5c8: {  	v22 =	vadd.s32 $0x68, v3;
	v18 =	vld.idx.msk [tilespmem:v18+s13+$0x0], $0xffff;
	[tilespmem:s17+$0x0] =	vst v16  }
0x5c9: {  	s18 =	sadd.s32 $0x12600, s25;
	s4 =	sor.u32 s8, s22;
	v16 =	vadd.s32 $0x68, v2;
	[tilespmem:s0+$0x100] =	vst v17;
	v15 =	vld.idx.msk [tilespmem:v15+s13+$0x0], $0xffff  }
0x5ca: {  	s19 =	sor.u32 s24, s18;
	s5 =	simm.s32 $0x60;
	v17 =	vld.idx.msk [tilespmem:v20+s13+$0x0], $0xffff;
	v20 =	vadd.s32 $0x20, v6;
	[tilespmem:s4+$0x0] =	vst v12  }
0x5cb: {  	v12 =	vld [tilespmem:s5+$0x0];
	[tilespmem:s19+$0x0] =	vst v21;
	v21 =	vadd.s32 $0xB8, v14  }
0x5cc: {  	v23 =	vadd.s32 $0x20, v5;
	s21 =	sor.u32 s23, s18;
	v19 =	vld.idx.msk [tilespmem:v19+s13+$0x0], $0xffff  }
0x5cd: {  	s22 =	sadd.s32 $0x14700, s12;
	v22 =	vld.idx.msk [tilespmem:v22+s13+$0x0], $0xffff;
	[tilespmem:s21+$0x0] =	vst v13;
	v13 =	vadd.s32 $0xB0, v4  }
0x5ce: {  	s10 =	sor.u32 s9, s22;
	[tilespmem:s3+$0x180] =	vst v18;
	v16 =	vld.idx.msk [tilespmem:v16+s13+$0x0], $0xffff;
	v18 =	vadd.s32 $0x70, v3  }
0x5cf: {  	[tilespmem:s10+$0x0] =	vst v15;
	v15 =	vadd.s32 $0x70, v2;
	v20 =	vld.idx.msk [tilespmem:v20+s13+$0x0], $0xffff  }
0x5d0: {  	s6 =	sor.u32 s8, s16;
	s11 =	sadd.s32 $0x12680, s25;
	[tilespmem:s0+$0x180] =	vst v17;
	v17 =	vld.idx.msk [tilespmem:v21+s13+$0x0], $0xffff;
	v21 =	vadd.s32 $0x28, v6  }
0x5d1: {  	s14 =	sor.u32 s24, s11;
	v23 =	vld.idx.msk [tilespmem:v23+s13+$0x0], $0xffff;
	[tilespmem:s6+$0x0] =	vst v19;
	v19 =	vadd.s32 $0xC0, v14  }
0x5d2: {  	s15 =	sor.u32 s23, s11;
	[tilespmem:s14+$0x0] =	vst v22;
	v13 =	vld.idx.msk [tilespmem:v13+s13+$0x0], $0xffff;
	v22 =	vadd.s32 $0x28, v5  }
0x5d3: {  	s16 =	sadd.s32 $0x14780, s12;
	v18 =	vld.idx.msk [tilespmem:v18+s13+$0x0], $0xffff;
	[tilespmem:s15+$0x0] =	vst v16;
	v16 =	vadd.s32 $0xB8, v4  }
0x5d4: {  	s17 =	sor.u32 s9, s16;
	v15 =	vld.idx.msk [tilespmem:v15+s13+$0x0], $0xffff;
	[tilespmem:s3+$0x200] =	vst v20;
	v20 =	vadd.s32 $0x78, v3  }
0x5d5: {  	v21 =	vld.idx.msk [tilespmem:v21+s13+$0x0], $0xffff;
	[tilespmem:s17+$0x0] =	vst v17;
	v17 =	vadd.s32 $0x78, v2  }
0x5d6: {  	s18 =	sadd.s32 $0x12700, s25;
	s4 =	sor.u32 s8, s22;
	[tilespmem:s0+$0x200] =	vst v23;
	v23 =	vadd.s32 $0x30, v6;
	v19 =	vld.idx.msk [tilespmem:v19+s13+$0x0], $0xffff  }
0x5d7: {  	v7 =	vand.u32 $0x7F, v7;
	s19 =	sor.u32 s24, s18;
	v22 =	vld.idx.msk [tilespmem:v22+s13+$0x0], $0xffff;
	[tilespmem:s4+$0x0] =	vst v13;
	v13 =	vadd.s32 $0xC8, v14  }
0x5d8: {  	v9 =	vand.u32 $0x7F, v9;
	v24 =	vand.u32 $0xFFFFFF80, v3;
	s21 =	sor.u32 s23, s18;
	[tilespmem:s19+$0x0] =	vst v18;
	v16 =	vld.idx.msk [tilespmem:v16+s13+$0x0], $0xffff;
	v18 =	vadd.s32 $0x30, v5  }
0x5d9: {  	v9 =	vor.u32 v9, v24;
	v24 =	vand.u32 $0xFFFFFF80, v2;
	s22 =	sadd.s32 $0x16400, s12;
	[tilespmem:s21+$0x0] =	vst v15;
	v15 =	vadd.s32 $0xC0, v4;
	v20 =	vld.idx.msk [tilespmem:v20+s13+$0x0], $0xffff  }
0x5da: {  	v9 =	vadd.s32 $0x80, v9;
	v7 =	vor.u32 v7, v24;
	s11 =	simm.s32 $0x2;
	s10 =	sor.u32 s9, s22;
	[tilespmem:s3+$0x280] =	vst v21;
	v17 =	vld.idx.msk [tilespmem:v17+s13+$0x0], $0xffff  }
0x5db: {  	v7 =	vadd.s32 $0x80, v7;
	s14 =	sand.u32 $0x3, s11;
	v21 =	vld.idx.msk [tilespmem:v23+s13+$0x0], $0xffff;
	[tilespmem:s10+$0x0] =	vst v19  }
0x5dc: {  	s6 =	sor.u32 s8, s16;
	s15 =	sadd.s32 $0x12780, s25;
	s3 =	sshll.u32 s14, $0x5;
	[tilespmem:s0+$0x280] =	vst v22;
	v19 =	vadd.s32 $0x38, v6;
	v13 =	vld.idx.msk [tilespmem:v13+s13+$0x0], $0xffff  }
0x5dd: {  	s16 =	sor.u32 s24, s15;
	s3 =	sadd.s32 $0x200, s3;
	v18 =	vld.idx.msk [tilespmem:v18+s13+$0x0], $0xffff;
	[tilespmem:s6+$0x0] =	vst v16;
	v16 =	vadd.s32 $0xD0, v14  }
0x5de: {  	s0 =	sor.u32 s23, s15;
	s17 =	sadd.s32 $0x10, s3;
	v15 =	vld.idx.msk [tilespmem:v15+s13+$0x0], $0xffff;
	[tilespmem:s16+$0x0] =	vst v20;
	v20 =	vadd.s32 $0x38, v5  }
0x5df: {  	s10 =	sadd.s32 $0x16480, s12;
	s18 =	sor.u32 $0x300, s17;
	v9 =	vld.idx.msk [tilespmem:v9+s13+$0x0], $0xffff;
	[tilespmem:s0+$0x0] =	vst v17;
	v17 =	vadd.s32 $0xC8, v4  }
0x5e0: {  	s19 =	sor.u32 s9, s10;
	[tilespmem:s18+$0x10400] =	vst v21;
	v7 =	vld.idx.msk [tilespmem:v7+s13+$0x0], $0xffff;
	v21 =	vadd.s32 $0x88, v3  }
0x5e1: {  	s3 =	sor.u32 $0x300, s3;
	v19 =	vld.idx.msk [tilespmem:v19+s13+$0x0], $0xffff;
	[tilespmem:s19+$0x0] =	vst v13  }
0x5e2: {  	s21 =	sor.u32 s8, s22;
	s22 =	sadd.s32 $0x14400, s25;
	[tilespmem:s3+$0x10400] =	vst v18;
	v18 =	vadd.s32 $0x40, v6;
	v16 =	vld.idx.msk [tilespmem:v16+s13+$0x0], $0xffff  }
0x5e3: {  	s30 =	sand.u32 $0x60, s5;
	s7 =	sor.u32 s24, s22;
	s14 =	sand.u32 $0x380, s5;
	[tilespmem:s21+$0x0] =	vst v15;
	v15 =	vadd.s32 $0xD8, v14;
	v20 =	vld.idx.msk [tilespmem:v20+s13+$0x0], $0xffff  }
0x5e4: {  	v22 =	vadd.s32 $0x40, v5;
	s6 =	sor.u32 $0x380, s17;
	s17 =	sor.u32 s23, s22;
	s0 =	sor.u32 $0x10, s30;
	[tilespmem:s7+$0x0] =	vst v9;
	v17 =	vld.idx.msk [tilespmem:v17+s13+$0x0], $0xffff  }
0x5e5: {  	s15 =	sadd.s32 $0x16500, s12;
	v23 =	vadd.s32 $0x88, v2;
	s7 =	sor.u32 s0, s14;
	v21 =	vld.idx.msk [tilespmem:v21+s13+$0x0], $0xffff;
	[tilespmem:s17+$0x0] =	vst v7  }
0x5e6: {  	v24 =	vadd.s32 $0xD0, v4;
	s1 =	sor.u32 s2, s1;
	s16 =	sor.u32 s9, s15;
	v13 =	vld [tilespmem:s7+$0x0];
	[tilespmem:s6+$0x10400] =	vst v19  }
0x5e7: {  	s1 =	sor.u32 $0x380, s1;
	v19 =	vadd.s32 $0x90, v3;
	v18 =	vld.idx.msk [tilespmem:v18+s13+$0x0], $0xffff;
	[tilespmem:s16+$0x0] =	vst v16  }
0x5e8: {  	s18 =	sadd.s32 $0x14480, s25;
	s21 =	sor.u32 s8, s10;
	v9 =	vadd.s32 v8, v12;
	[tilespmem:s1+$0x10400] =	vst v20;
	v15 =	vld.idx.msk [tilespmem:v15+s13+$0x0], $0xffff  }
0x5e9: {  	s19 =	sor.u32 s24, s18;
	v20 =	vadd.s32 $0x48, v6;
	v16 =	vld.idx.msk [tilespmem:v22+s13+$0x0], $0xffff;
	[tilespmem:s21+$0x0] =	vst v17  }
0x5ea: {  	s22 =	sadd.s32 $0x12400, s29;
	v22 =	vld.idx.msk [tilespmem:v23+s13+$0x0], $0xffff;
	[tilespmem:s19+$0x0] =	vst v21;
	v21 =	vadd.s32 $0xE0, v14  }
0x5eb: {  	s2 =	sadd.s32 $0x16580, s12;
	s7 =	sor.u32 s28, s22;
	v7 =	vadd.s32 v8, v13;
	v23 =	vld.idx.msk [tilespmem:v24+s13+$0x0], $0xffff  }
0x5ec: {  	s10 =	sor.u32 s9, s2;
	v17 =	vadd.s32 $0x48, v5;
	v19 =	vld.idx.msk [tilespmem:v19+s13+$0x0], $0xffff;
	[tilespmem:s7+$0x0] =	vst v18  }
0x5ed: {  	v25 =	vadd.s32 $0x90, v2;
	s3 =	sor.u32 s26, s22;
	v24 =	vld.idx.msk [tilespmem:v9+s13+$0x0], $0xffff;
	[tilespmem:s10+$0x0] =	vst v15  }
0x5ee: {  	s1 =	sor.u32 s23, s18;
	s19 =	simm.s32 $0x300;
	v18 =	vadd.s32 $0x98, v3;
	v20 =	vld.idx.msk [tilespmem:v20+s13+$0x0], $0xffff;
	[tilespmem:s3+$0x0] =	vst v16  }
0x5ef: {  	s15 =	sor.u32 s8, s15;
	s6 =	sadd.s32 $0x14500, s25;
	[tilespmem:s1+$0x0] =	vst v22;
	s1 =	sand.u32 $0x1C00, s19;
	v16 =	vld.idx.msk [tilespmem:v21+s13+$0x0], $0xffff;
	v21 =	vadd.s32 $0x50, v6  }
0x5f0: {  	v27 =	vadd.s32 $0x8, v9;
	s14 =	sor.u32 s24, s6;
	v26 =	vld.idx.msk [tilespmem:v7+s13+$0x0], $0xffff;
	[tilespmem:s15+$0x0] =	vst v23;
	s21 =	sadd.s32 $0x10400, s1  }
0x5f1: {  	s16 =	sadd.s32 $0x12480, s29;
	v17 =	vld.idx.msk [tilespmem:v17+s13+$0x0], $0xffff;
	[tilespmem:s14+$0x0] =	vst v19;
	v19 =	vadd.s32 $0xE8, v14;
	s10 =	sor.u32 s30, s21  }
0x5f2: {  	s17 =	sor.u32 s28, s16;
	v22 =	vadd.s32 $0x50, v5;
	s3 =	sadd.s32 $0x16600, s12;
	v25 =	vld.idx.msk [tilespmem:v25+s13+$0x0], $0xffff;
	[tilespmem:s10+$0x0] =	vst v24  }
0x5f3: {  	s18 =	sor.u32 s9, s3;
	v18 =	vld.idx.msk [tilespmem:v18+s13+$0x0], $0xffff;
	[tilespmem:s17+$0x0] =	vst v20  }
0x5f4: {  	v23 =	vadd.s32 $0x8, v7;
	s15 =	sor.u32 s0, s21;
	v21 =	vld.idx.msk [tilespmem:v21+s13+$0x0], $0xffff;
	[tilespmem:s18+$0x0] =	vst v16  }
0x5f5: {  	s4 =	sor.u32 s26, s16;
	v20 =	vadd.s32 $0xA0, v3;
	[tilespmem:s15+$0x0] =	vst v26;
	v26 =	vld.idx.msk [tilespmem:v27+s13+$0x0], $0xffff  }
0x5f6: {  	s22 =	sadd.s32 $0x14580, s25;
	[tilespmem:s4+$0x0] =	vst v17;
	v16 =	vadd.s32 $0x98, v2;
	v17 =	vld.idx.msk [tilespmem:v19+s13+$0x0], $0xffff  }
0x5f7: {  	s14 =	sor.u32 s24, s22;
	v19 =	vld.idx.msk [tilespmem:v22+s13+$0x0], $0xffff;
	v22 =	vadd.s32 $0x58, v6  }
0x5f8: {  	s6 =	sor.u32 s23, s6;
	s16 =	sadd.s32 $0x12500, s29;
	[tilespmem:s14+$0x0] =	vst v18;
	v18 =	vadd.s32 $0xF0, v14  }
0x5f9: {  	v24 =	vadd.s32 $0x58, v5;
	s17 =	sor.u32 s28, s16;
	[tilespmem:s6+$0x0] =	vst v25;
	v23 =	vld.idx.msk [tilespmem:v23+s13+$0x0], $0xffff  }
0x5fa: {  	v15 =	vadd.s32 $0xD8, v4;
	s6 =	sadd.s32 $0x16680, s12;
	v20 =	vld.idx.msk [tilespmem:v20+s13+$0x0], $0xffff;
	[tilespmem:s17+$0x0] =	vst v21  }
0x5fb: {  	v27 =	vadd.s32 $0x10, v7;
	s18 =	sor.u32 s9, s6;
	v16 =	vld.idx.msk [tilespmem:v16+s13+$0x0], $0xffff;
	[tilespmem:s10+$0x80] =	vst v26  }
0x5fc: {  	s7 =	sor.u32 s26, s16;
	v25 =	vadd.s32 $0x10, v9;
	v22 =	vld.idx.msk [tilespmem:v22+s13+$0x0], $0xffff;
	[tilespmem:s18+$0x0] =	vst v17  }
0x5fd: {  	v21 =	vadd.s32 $0xA8, v3;
	[tilespmem:s7+$0x0] =	vst v19;
	s7 =	sadd.s32 $0x14600, s25;
	v18 =	vld.idx.msk [tilespmem:v18+s13+$0x0], $0xffff  }
0x5fe: {  	v17 =	vadd.s32 $0xA0, v2;
	[tilespmem:s15+$0x80] =	vst v23;
	v19 =	vld.idx.msk [tilespmem:v24+s13+$0x0], $0xffff;
	s21 =	sor.u32 s24, s7  }
0x5ff: {  	v15 =	vld.idx.msk [tilespmem:v15+s13+$0x0], $0xffff;
	s4 =	sor.u32 s23, s22;
	s22 =	sadd.s32 $0x12580, s29;
	v23 =	vadd.s32 $0x60, v6;
	[tilespmem:s21+$0x0] =	vst v20  }
0x600: {  	s16 =	sor.u32 s28, s22;
	v14 =	vadd.s32 $0xF8, v14;
	v24 =	vld.idx.msk [tilespmem:v27+s13+$0x0], $0xffff;
	[tilespmem:s4+$0x0] =	vst v16;
	s4 =	sadd.s32 $0x16700, s12  }
0x601: {  	v25 =	vld.idx.msk [tilespmem:v25+s13+$0x0], $0xffff;
	v20 =	vadd.s32 $0x60, v5;
	[tilespmem:s16+$0x0] =	vst v22;
	s17 =	sor.u32 s9, s4  }
0x602: {  	s14 =	sor.u32 s26, s22;
	v26 =	vld.idx.msk [tilespmem:v21+s13+$0x0], $0xffff;
	v21 =	vadd.s32 $0x18, v7;
	[tilespmem:s17+$0x0] =	vst v18  }
0x603: {  	v16 =	vld.idx.msk [tilespmem:v17+s13+$0x0], $0xffff;
	v17 =	vadd.s32 $0xB0, v3;
	[tilespmem:s14+$0x0] =	vst v19  }
0x604: {  	v22 =	vadd.s32 $0x18, v9;
	v23 =	vld.idx.msk [tilespmem:v23+s13+$0x0], $0xffff;
	s14 =	rddreg [dreg:$0x9]  }
0x605: {  	s16 =	sadd.s32 $0x14680, s25;
	v19 =	vadd.s32 $0xA8, v2;
	v27 =	vld.idx.msk [tilespmem:v14+s13+$0x0], $0xffff;
	s18 =	rddreg [dreg:$0xe];
	[tilespmem:s15+$0x100] =	vst v24  }
0x606: {  	s31 =	sor.u32 s8, s2;
	v28 =	vadd.s32 $0x68, v6;
	s21 =	sor.u32 s24, s16;
	s17 =	sadd.s32 $0x12600, s29;
	v18 =	vld.idx.msk [tilespmem:v20+s13+$0x0], $0xffff;
	[tilespmem:s10+$0x100] =	vst v25  }
0x607: {  	s22 =	sadd.s32 s18, s14;
	s14 =	sor.u32 s8, s6;
	s6 =	sor.u32 s23, s7;
	v21 =	vld.idx.msk [tilespmem:v21+s13+$0x0], $0xffff;
	[tilespmem:s21+$0x0] =	vst v26  }
0x608: {  	s2 =	sor.u32 s8, s3;
	v20 =	vadd.s32 $0x68, v5;
	s21 =	sadd.s32 $0x16780, s12;
	s12 =	sor.u32 s28, s17;
	v14 =	vld.idx.msk [tilespmem:v17+s13+$0x0], $0xffff;
	[tilespmem:s6+$0x0] =	vst v16  }
0x609: {  	s16 =	sor.u32 s23, s16;
	s18 =	sor.u32 s19, s5;
	s7 =	sor.u32 s8, s4;
	v22 =	vld.idx.msk [tilespmem:v22+s13+$0x0], $0xffff;
	[tilespmem:s12+$0x0] =	vst v23;
	v23 =	vadd.s32 $0x20, v7  }
0x60a: {  	s8 =	sor.u32 s8, s21;
	s21 =	sor.u32 s9, s21;
	s9 =	simm.s32 $0x6;
	v17 =	vadd.s32 $0xB8, v3;
	v16 =	vld.idx.msk [tilespmem:v19+s13+$0x0], $0xffff  }
0x60b: {  	v24 =	vadd.s32 $0x20, v9;
	s6 =	sor.u32 $0x380, s18;
	s18 =	sor.u32 s26, s17;
	s12 =	simm.s32 $0x80;
	[tilespmem:s21+$0x0] =	vst v27;
	v19 =	vld.idx.msk [tilespmem:v28+s13+$0x0], $0xffff  }
.LBB2_9:
0x60c: {  	v25 =	vld [tilespmem:s12+$0x0];
	[tilespmem:s18+$0x0] =	vst v18;
	v18 =	vadd.s32 $0xB0, v2;
	s4 =	sadd.s32 $0x14700, s25;
	s3 =	smov.u32 s24;
	s24 =	smov.u32 s28  }
0x60d: {  	s28 =	smov.u32 s0;
	[tilespmem:s15+$0x180] =	vst v21;
	v20 =	vld.idx.msk [tilespmem:v20+s13+$0x0], $0xffff;
	v21 =	vadd.s32 $0x70, v6;
	s17 =	sor.u32 s23, s4;
	s4 =	sor.u32 s3, s4  }
0x60e: {  	v23 =	vld.idx.msk [tilespmem:v23+s13+$0x0], $0xffff;
	[tilespmem:s4+$0x0] =	vst v14;
	v14 =	vadd.s32 $0xE0, v4;
	s4 =	smov.u32 s25;
	s25 =	smov.u32 s29;
	s29 =	smov.u32 s1  }
0x60f: {  	[tilespmem:s10+$0x180] =	vst v22;
	s0 =	sadd.s32 $0x12680, s25;
	v22 =	vadd.s32 $0x70, v5;
	v17 =	vld.idx.msk [tilespmem:v17+s13+$0x0], $0xffff  }
0x610: {  	v26 =	vadd.s32 $0x28, v7;
	v24 =	vld.idx.msk [tilespmem:v24+s13+$0x0], $0xffff;
	s1 =	sor.u32 s26, s0;
	s0 =	sor.u32 s24, s0;
	[tilespmem:s16+$0x0] =	vst v16  }
0x611: {  	[tilespmem:s0+$0x0] =	vst v19;
	v16 =	vld.idx.msk [tilespmem:v18+s13+$0x0], $0xffff;
	v18 =	vadd.s32 $0xC0, v3  }
0x612: {  	v19 =	vadd.s32 $0x28, v9;
	v21 =	vld.idx.msk [tilespmem:v21+s13+$0x0], $0xffff;
	[tilespmem:s31+$0x0] =	vst v15  }
0x613: {  	s0 =	sadd.s32 $0x14780, s4;
	v15 =	vadd.s32 $0xB8, v2;
	[tilespmem:s1+$0x0] =	vst v20;
	v14 =	vld.idx.msk [tilespmem:v14+s13+$0x0], $0xffff  }
0x614: {  	s1 =	sor.u32 s23, s0;
	s0 =	sor.u32 s3, s0;
	[tilespmem:s15+$0x200] =	vst v23;
	v20 =	vld.idx.msk [tilespmem:v22+s13+$0x0], $0xffff;
	v22 =	vadd.s32 $0x78, v6  }
0x615: {  	v23 =	vld.idx.msk [tilespmem:v26+s13+$0x0], $0xffff;
	[tilespmem:s0+$0x0] =	vst v17;
	v17 =	vadd.s32 $0xE8, v4  }
0x616: {  	s0 =	sadd.s32 $0x12700, s25;
	[tilespmem:s10+$0x200] =	vst v24;
	v24 =	vadd.s32 $0x78, v5;
	v18 =	vld.idx.msk [tilespmem:v18+s13+$0x0], $0xffff  }
0x617: {  	v26 =	vadd.s32 $0x30, v7;
	s16 =	sor.u32 s26, s0;
	s0 =	sor.u32 s24, s0;
	v19 =	vld.idx.msk [tilespmem:v19+s13+$0x0], $0xffff;
	[tilespmem:s17+$0x0] =	vst v16  }
0x618: {  	v16 =	vadd.s32 $0xC8, v3;
	[tilespmem:s0+$0x0] =	vst v21;
	v15 =	vld.idx.msk [tilespmem:v15+s13+$0x0], $0xffff  }
0x619: {  	v27 =	vand.u32 $0xFFFFFF80, v6;
	v28 =	vand.u32 $0x7F, v11;
	v11 =	vmovc v13;
	v21 =	vadd.s32 $0x30, v9;
	v22 =	vld.idx.msk [tilespmem:v22+s13+$0x0], $0xffff;
	[tilespmem:s2+$0x0] =	vst v14  }
0x61a: {  	v13 =	vor.u32 v28, v27;
	v14 =	vadd.s32 $0xC0, v2;
	s2 =	sadd.s32 $0x16400, s4;
	[tilespmem:s16+$0x0] =	vst v20;
	v17 =	vld.idx.msk [tilespmem:v17+s13+$0x0], $0xffff  }
0x61b: {  	v13 =	vadd.s32 $0x80, v13;
	s0 =	sor.u32 s23, s2;
	s2 =	sor.u32 s3, s2;
	[tilespmem:s15+$0x280] =	vst v23;
	v20 =	vld.idx.msk [tilespmem:v24+s13+$0x0], $0xffff;
	v23 =	vand.u32 $0xFFFFFF80, v5;
	v24 =	vand.u32 $0x7F, v10;
	v10 =	vmovc v12;
	v12 =	vmovc v25  }
0x61c: {  	s11 =	sadd.s32 $0x1, s11;
	v25 =	vld.idx.msk [tilespmem:v26+s13+$0x0], $0xffff;
	v23 =	vor.u32 v24, v23;
	[tilespmem:s2+$0x0] =	vst v18;
	v18 =	vadd.s32 $0xF0, v4  }
0x61d: {  	s2 =	sand.u32 $0x3, s11;
	[tilespmem:s10+$0x280] =	vst v19;
	s10 =	sadd.s32 $0x12780, s25;
	v19 =	vadd.s32 $0x80, v23;
	v16 =	vld.idx.msk [tilespmem:v16+s13+$0x0], $0xffff  }
0x61e: {  	s2 =	sshll.u32 s2, $0x5;
	v23 =	vadd.s32 $0x38, v7;
	v21 =	vld.idx.msk [tilespmem:v21+s13+$0x0], $0xffff;
	s15 =	sor.u32 s26, s10;
	s10 =	sor.u32 s24, s10;
	[tilespmem:s1+$0x0] =	vst v15  }
0x61f: {  	s1 =	sadd.s32 s2, s19;
	v15 =	vadd.s32 $0xD0, v3;
	[tilespmem:s10+$0x0] =	vst v22;
	v14 =	vld.idx.msk [tilespmem:v14+s13+$0x0], $0xffff  }
0x620: {  	s2 =	sor.u32 $0x300, s1;
	v22 =	vadd.s32 $0x38, v9;
	s1 =	sadd.s32 $0x10, s1;
	v13 =	vld.idx.msk [tilespmem:v13+s13+$0x0], $0xffff;
	[tilespmem:s14+$0x0] =	vst v17  }
0x621: {  	s10 =	sor.u32 $0x300, s1;
	v17 =	vadd.s32 $0xC8, v2;
	s14 =	sadd.s32 $0x16480, s4;
	[tilespmem:s15+$0x0] =	vst v20;
	v18 =	vld.idx.msk [tilespmem:v18+s13+$0x0], $0xffff  }
0x622: {  	v20 =	vadd.s32 $0x88, v6;
	[tilespmem:s10+$0x10400] =	vst v25;
	v19 =	vld.idx.msk [tilespmem:v19+s13+$0x0], $0xffff;
	s10 =	sor.u32 s23, s14;
	s14 =	sor.u32 s3, s14  }
0x623: {  	v23 =	vld.idx.msk [tilespmem:v23+s13+$0x0], $0xffff;
	[tilespmem:s14+$0x0] =	vst v16;
	v16 =	vadd.s32 $0xF8, v4;
	v4 =	vmovc v2;
	v2 =	vmov v5;
	v5 =	vmov v9  }
0x624: {  	[tilespmem:s2+$0x10400] =	vst v21;
	s2 =	sadd.s32 $0x14400, s25;
	v9 =	vld.idx.msk [tilespmem:v15+s13+$0x0], $0xffff  }
0x625: {  	s5 =	sadd.s32 $0x20, s5;
	v21 =	vadd.s32 $0x40, v7;
	v15 =	vld.idx.msk [tilespmem:v22+s13+$0x0], $0xffff;
	s14 =	sor.u32 s26, s2;
	s2 =	sor.u32 s24, s2;
	[tilespmem:s0+$0x0] =	vst v14  }
0x626: {  	s17 =	sand.u32 $0x60, s5;
	s15 =	sand.u32 $0x380, s5;
	[tilespmem:s2+$0x0] =	vst v13;
	v14 =	vld.idx.msk [tilespmem:v17+s13+$0x0], $0xffff;
	v17 =	vadd.s32 $0xD8, v3  }
0x627: {  	s9 =	sadd.s32 $0x2, s9;
	s0 =	sor.u32 $0x10, s17;
	v22 =	vadd.s32 $0x40, v5;
	s2 =	sadd.s32 $0x16500, s4;
	v20 =	vld.idx.msk [tilespmem:v20+s13+$0x0], $0xffff;
	[tilespmem:s7+$0x0] =	vst v18  }
0x628: {  	p0 =	slt.u32 s9, $0x3E;
	s1 =	sor.u32 $0x380, s1;
	s7 =	sor.u32 s0, s15;
	v18 =	vadd.s32 $0x88, v2;
	[tilespmem:s14+$0x0] =	vst v19;
	v16 =	vld.idx.msk [tilespmem:v16+s13+$0x0], $0xffff  }
0x629: {  	v19 =	vadd.s32 $0x90, v6;
	v13 =	vld [tilespmem:s7+$0x0];
	[tilespmem:s1+$0x10400] =	vst v23;
	s1 =	sor.u32 s23, s2;
	s2 =	sor.u32 s3, s2  }
0x62a: {  	v23 =	vadd.s32 $0xD0, v4;
	v21 =	vld.idx.msk [tilespmem:v21+s13+$0x0], $0xffff;
	[tilespmem:s2+$0x0] =	vst v9  }
0x62b: {  	v9 =	vadd.s32 v8, v12;
	s2 =	sadd.s32 $0x14480, s25;
	[tilespmem:s6+$0x10400] =	vst v15;
	v15 =	vld.idx.msk [tilespmem:v17+s13+$0x0], $0xffff  }
0x62c: {  	s6 =	sor.u32 s26, s2;
	s2 =	sor.u32 s24, s2;
	v17 =	vld.idx.msk [tilespmem:v22+s13+$0x0], $0xffff;
	v22 =	vadd.s32 $0x48, v7;
	[tilespmem:s10+$0x0] =	vst v14  }
0x62d: {  	v14 =	vld.idx.msk [tilespmem:v18+s13+$0x0], $0xffff;
	[tilespmem:s2+$0x0] =	vst v20;
	v18 =	vadd.s32 $0xE0, v3  }
0x62e: {  	s2 =	sadd.s32 $0x12400, s29;
	v20 =	vadd.s32 $0x48, v5;
	v19 =	vld.idx.msk [tilespmem:v19+s13+$0x0], $0xffff;
	[tilespmem:s8+$0x0] =	vst v16  }
0x62f: {  	v16 =	vadd.s32 v8, v13;
	s7 =	sor.u32 s30, s2;
	s2 =	sor.u32 s28, s2;
	s8 =	sadd.s32 $0x16580, s4;
	v23 =	vld.idx.msk [tilespmem:v23+s13+$0x0], $0xffff  }
0x630: {  	s31 =	sor.u32 s23, s8;
	v24 =	vld.idx.msk [tilespmem:v9+s13+$0x0], $0xffff;
	[tilespmem:s2+$0x0] =	vst v21;
	v21 =	vadd.s32 $0x98, v6;
	s2 =	sor.u32 s3, s8  }
0x631: {  	v25 =	vadd.s32 $0x90, v2;
	v22 =	vld.idx.msk [tilespmem:v22+s13+$0x0], $0xffff;
	[tilespmem:s2+$0x0] =	vst v15  }
0x632: {  	s2 =	sadd.s32 $0x14500, s25;
	v15 =	vadd.s32 $0xD8, v4;
	[tilespmem:s7+$0x0] =	vst v17;
	v17 =	vld.idx.msk [tilespmem:v18+s13+$0x0], $0xffff  }
0x633: {  	s7 =	sor.u32 s26, s2;
	s2 =	sor.u32 s24, s2;
	v18 =	vld.idx.msk [tilespmem:v20+s13+$0x0], $0xffff;
	v20 =	vadd.s32 $0x50, v7;
	[tilespmem:s6+$0x0] =	vst v14  }
0x634: {  	v14 =	vld.idx.msk [tilespmem:v16+s13+$0x0], $0xffff;
	[tilespmem:s2+$0x0] =	vst v19;
	v19 =	vadd.s32 $0xE8, v3  }
0x635: {  	v26 =	vadd.s32 $0x50, v5;
	s2 =	sadd.s32 $0x12480, s29;
	v21 =	vld.idx.msk [tilespmem:v21+s13+$0x0], $0xffff;
	[tilespmem:s1+$0x0] =	vst v23  }
0x636: {  	s19 =	sadd.s32 $0x100, s19;
	s8 =	sadd.s32 $0x16600, s4;
	v23 =	vadd.s32 $0x8, v16;
	s6 =	sor.u32 s28, s2;
	v25 =	vld.idx.msk [tilespmem:v25+s13+$0x0], $0xffff  }
0x637: {  	s10 =	sor.u32 s19, s5;
	s14 =	sor.u32 s3, s8;
	s1 =	sand.u32 $0x1C00, s19;
	[tilespmem:s6+$0x0] =	vst v22;
	v22 =	vadd.s32 $0xA0, v6;
	v15 =	vld.idx.msk [tilespmem:v15+s13+$0x0], $0xffff  }
0x638: {  	v27 =	vadd.s32 $0x8, v9;
	s2 =	sor.u32 s30, s2;
	s15 =	sadd.s32 $0x10400, s1;
	s6 =	sor.u32 $0x380, s10;
	v20 =	vld.idx.msk [tilespmem:v20+s13+$0x0], $0xffff;
	[tilespmem:s14+$0x0] =	vst v17  }
0x639: {  	s10 =	sor.u32 s17, s15;
	s15 =	sor.u32 s0, s15;
	v17 =	vadd.s32 $0x98, v2;
	[tilespmem:s2+$0x0] =	vst v18;
	s2 =	sadd.s32 $0x14580, s25;
	v18 =	vld.idx.msk [tilespmem:v19+s13+$0x0], $0xffff  }
0x63a: {  	v19 =	vadd.s32 $0x58, v7;
	[tilespmem:s15+$0x0] =	vst v14;
	v14 =	vld.idx.msk [tilespmem:v26+s13+$0x0], $0xffff;
	s16 =	sor.u32 s26, s2;
	s14 =	sor.u32 s24, s2;
	s2 =	sor.u32 s23, s8  }
0x63b: {  	v23 =	vld.idx.msk [tilespmem:v23+s13+$0x0], $0xffff;
	[tilespmem:s14+$0x0] =	vst v21;
	v21 =	vadd.s32 $0xF0, v3  }
0x63c: {  	s8 =	sadd.s32 $0x12500, s29;
	[tilespmem:s10+$0x0] =	vst v24;
	v24 =	vadd.s32 $0x58, v5;
	v22 =	vld.idx.msk [tilespmem:v22+s13+$0x0], $0xffff  }
0x63d: {  	s18 =	sor.u32 s30, s8;
	s8 =	sor.u32 s28, s8;
	v26 =	vld.idx.msk [tilespmem:v27+s13+$0x0], $0xffff;
	v27 =	vadd.s32 $0x10, v16;
	[tilespmem:s7+$0x0] =	vst v25;
	s7 =	sadd.s32 $0x16680, s4  }
0x63e: {  	[tilespmem:s8+$0x0] =	vst v20;
	v17 =	vld.idx.msk [tilespmem:v17+s13+$0x0], $0xffff;
	v20 =	vadd.s32 $0xA8, v6;
	s14 =	sor.u32 s23, s7;
	s7 =	sor.u32 s3, s7  }
0x63f: {  	v25 =	vadd.s32 $0x10, v9;
	v19 =	vld.idx.msk [tilespmem:v19+s13+$0x0], $0xffff;
	[tilespmem:s7+$0x0] =	vst v18  }
0x640: {  	s7 =	sadd.s32 $0x14600, s25;
	[tilespmem:s18+$0x0] =	vst v14;
	v14 =	vadd.s32 $0xA0, v2;
	v18 =	vld.idx.msk [tilespmem:v21+s13+$0x0], $0xffff  }
0x641: {  	s8 =	sor.u32 s26, s7;
	s7 =	sor.u32 s24, s7;
	[tilespmem:s15+$0x80] =	vst v23;
	v21 =	vld.idx.msk [tilespmem:v24+s13+$0x0], $0xffff;
	v23 =	vadd.s32 $0x60, v7  }
0x642: {  	v24 =	vld.idx.msk [tilespmem:v27+s13+$0x0], $0xffff;
	[tilespmem:s7+$0x0] =	vst v22;
	v22 =	vadd.s32 $0xF8, v3;
	v3 =	vmovc v6;
	v6 =	vmov v7;
	v7 =	vmov v16  }
0x643: {  	s7 =	sadd.s32 $0x12580, s29;
	v16 =	vadd.s32 $0x60, v5;
	[tilespmem:s10+$0x80] =	vst v26;
	v20 =	vld.idx.msk [tilespmem:v20+s13+$0x0], $0xffff  }
0x644: {  	v26 =	vadd.s32 $0x18, v7;
	s18 =	sor.u32 s30, s7;
	s7 =	sor.u32 s28, s7;
	v25 =	vld.idx.msk [tilespmem:v25+s13+$0x0], $0xffff;
	[tilespmem:s16+$0x0] =	vst v17;
	s16 =	sadd.s32 $0x16700, s4  }
0x645: {  	[tilespmem:s7+$0x0] =	vst v19;
	v17 =	vld.idx.msk [tilespmem:v14+s13+$0x0], $0xffff;
	v14 =	vadd.s32 $0xB0, v3;
	s7 =	sor.u32 s23, s16;
	s16 =	sor.u32 s3, s16  }
0x646: {  	v19 =	vadd.s32 $0x18, v9;
	v27 =	vld.idx.msk [tilespmem:v23+s13+$0x0], $0xffff;
	[tilespmem:s16+$0x0] =	vst v18  }
0x647: {  	v28 =	vadd.s32 $0xA8, v2;
	[tilespmem:s18+$0x0] =	vst v21;
	s18 =	sadd.s32 $0x14680, s25;
	v29 =	vld.idx.msk [tilespmem:v22+s13+$0x0], $0xffff  }
0x648: {  	v30 =	vadd.s32 $0x68, v6;
	[tilespmem:s15+$0x100] =	vst v24;
	v18 =	vld.idx.msk [tilespmem:v16+s13+$0x0], $0xffff;
	s16 =	sor.u32 s26, s18;
	s18 =	sor.u32 s24, s18  }
.Ltmp3:
0x649: {  	v21 =	vld.idx.msk [tilespmem:v26+s13+$0x0], $0xffff;
	[tilespmem:s18+$0x0] =	vst v20;
	(pc) =	sbr.rel @p0 .LBB2_9-.Ltmp3, $4  }
0x64a: {  	s21 =	sadd.s32 $0x12600, s29;
	v20 =	vadd.s32 $0x68, v5;
	[tilespmem:s10+$0x100] =	vst v25;
	v14 =	vld.idx.msk [tilespmem:v14+s13+$0x0], $0xffff  }
0x64b: {  	s4 =	sadd.s32 $0x16780, s4;
	v23 =	vadd.s32 $0x20, v7;
	s18 =	sor.u32 s30, s21;
	s21 =	sor.u32 s28, s21;
	v22 =	vld.idx.msk [tilespmem:v19+s13+$0x0], $0xffff;
	[tilespmem:s8+$0x0] =	vst v17  }
0x64c: {  	s3 =	sor.u32 s3, s4;
	v17 =	vadd.s32 $0xB8, v3;
	s8 =	sor.u32 s23, s4;
	s23 =	smov.u32 s26;
	[tilespmem:s21+$0x0] =	vst v27;
	v16 =	vld.idx.msk [tilespmem:v28+s13+$0x0], $0xffff  }
0x64d: {  	s12 =	sadd.s32 $0x20, s12;
	v24 =	vadd.s32 $0x20, v9;
	s26 =	smov.u32 s30;
	s30 =	smov.u32 s17;
	v19 =	vld.idx.msk [tilespmem:v30+s13+$0x0], $0xffff;
	[tilespmem:s3+$0x0] =	vst v29  }
0x64e: {  	_ =	sdelay $0x2  }
0x64f: {  	[tilespmem:s15+$0x180] =	vst v21  }
0x650: {  	v8 =	vld.idx.msk [tilespmem:v23+s13+$0x0], $0xffff;
	[tilespmem:s10+$0x180] =	vst v22  }
0x651: {  	v58 =	vadd.s32 $0x28, v7;
	v57 =	vld.idx.msk [tilespmem:v24+s13+$0x0], $0xffff  }
0x652: {  	v59 =	vadd.s32 $0x28, v9;
	_ =	sdelay $0x2  }
0x653: {  	[tilespmem:s15+$0x200] =	vst v8  }
0x654: {  	v8 =	vld.idx.msk [tilespmem:v58+s13+$0x0], $0xffff;
	[tilespmem:s10+$0x200] =	vst v57  }
0x655: {  	v60 =	vadd.s32 $0x30, v7;
	v21 =	vld.idx.msk [tilespmem:v59+s13+$0x0], $0xffff  }
0x656: {  	v61 =	vadd.s32 $0x30, v9;
	_ =	sdelay $0x2  }
0x657: {  	s3 =	sadd.s32 $0x1, s11;
	[tilespmem:s15+$0x280] =	vst v8  }
0x658: {  	s3 =	sand.u32 $0x3, s3;
	v8 =	vld.idx.msk [tilespmem:v60+s13+$0x0], $0xffff;
	[tilespmem:s10+$0x280] =	vst v21  }
0x659: {  	v62 =	vadd.s32 $0x38, v7;
	s3 =	sshll.u32 s3, $0x5;
	v21 =	vld.idx.msk [tilespmem:v61+s13+$0x0], $0xffff  }
0x65a: {  	v63 =	vadd.s32 $0x38, v9;
	s3 =	sadd.s32 s3, s19  }
0x65b: {  	s4 =	sadd.s32 $0x10, s3  }
0x65c: {  	s5 =	sor.u32 $0x300, s4  }
0x65d: {  	s3 =	sor.u32 $0x300, s3;
	[tilespmem:s5+$0x10400] =	vst v8  }
0x65e: {  	v8 =	vld.idx.msk [tilespmem:v62+s13+$0x0], $0xffff;
	[tilespmem:s3+$0x10400] =	vst v21  }
0x65f: {  	v24 =	vadd.s32 $0x40, v7;
	v21 =	vld.idx.msk [tilespmem:v63+s13+$0x0], $0xffff  }
0x660: {  	v25 =	vadd.s32 $0x40, v9;
	_ =	sdelay $0x1  }
0x661: {  	s4 =	sor.u32 $0x380, s4  }
0x662: {  	[tilespmem:s4+$0x10400] =	vst v8  }
0x663: {  	v8 =	vld.idx.msk [tilespmem:v24+s13+$0x0], $0xffff;
	[tilespmem:s6+$0x10400] =	vst v21  }
0x664: {  	v26 =	vadd.s32 $0x48, v7;
	v21 =	vld.idx.msk [tilespmem:v25+s13+$0x0], $0xffff  }
0x665: {  	v27 =	vadd.s32 $0x48, v9  }
0x666: {  	s5 =	sadd.s32 $0x12400, s1  }
0x667: {  	s6 =	sor.u32 s0, s5  }
0x668: {  	s3 =	sor.u32 s30, s5;
	[tilespmem:s6+$0x0] =	vst v8  }
0x669: {  	v8 =	vld.idx.msk [tilespmem:v26+s13+$0x0], $0xffff;
	[tilespmem:s3+$0x0] =	vst v21  }
0x66a: {  	v28 =	vadd.s32 $0x50, v7;
	v21 =	vld.idx.msk [tilespmem:v27+s13+$0x0], $0xffff  }
0x66b: {  	v29 =	vadd.s32 $0x50, v9  }
0x66c: {  	s9 =	sadd.s32 $0x12480, s1  }
0x66d: {  	s10 =	sor.u32 s0, s9  }
0x66e: {  	s3 =	sor.u32 s30, s9;
	[tilespmem:s10+$0x0] =	vst v8  }
0x66f: {  	v8 =	vld.idx.msk [tilespmem:v28+s13+$0x0], $0xffff;
	[tilespmem:s3+$0x0] =	vst v21  }
0x670: {  	v30 =	vadd.s32 $0x58, v7;
	v21 =	vld.idx.msk [tilespmem:v29+s13+$0x0], $0xffff  }
0x671: {  	v31 =	vadd.s32 $0x58, v9  }
0x672: {  	s11 =	sadd.s32 $0x12500, s1  }
0x673: {  	s12 =	sor.u32 s0, s11  }
0x674: {  	s3 =	sor.u32 s30, s11;
	[tilespmem:s12+$0x0] =	vst v8  }
0x675: {  	v8 =	vld.idx.msk [tilespmem:v30+s13+$0x0], $0xffff;
	[tilespmem:s3+$0x0] =	vst v21  }
0x676: {  	v32 =	vadd.s32 $0x60, v7;
	v21 =	vld.idx.msk [tilespmem:v31+s13+$0x0], $0xffff  }
0x677: {  	v33 =	vadd.s32 $0x60, v9  }
0x678: {  	s15 =	sadd.s32 $0x12580, s1  }
0x679: {  	s17 =	sor.u32 s0, s15  }
0x67a: {  	s3 =	sor.u32 s30, s15;
	[tilespmem:s17+$0x0] =	vst v8  }
0x67b: {  	v8 =	vld.idx.msk [tilespmem:v32+s13+$0x0], $0xffff;
	[tilespmem:s3+$0x0] =	vst v21  }
0x67c: {  	v34 =	vadd.s32 $0x68, v7;
	v21 =	vld.idx.msk [tilespmem:v33+s13+$0x0], $0xffff  }
0x67d: {  	v35 =	vadd.s32 $0x68, v9  }
0x67e: {  	s19 =	sadd.s32 $0x12600, s1  }
0x67f: {  	[tilespmem:s18+$0x0] =	vst v18;
	s21 =	sor.u32 s0, s19  }
0x680: {  	v36 =	vadd.s32 $0x70, v6;
	v18 =	vld.idx.msk [tilespmem:v20+s13+$0x0], $0xffff;
	s3 =	sor.u32 s30, s19;
	[tilespmem:s21+$0x0] =	vst v8  }
0x681: {  	v37 =	vadd.s32 $0x70, v5;
	v22 =	vld.idx.msk [tilespmem:v34+s13+$0x0], $0xffff;
	[tilespmem:s3+$0x0] =	vst v21  }
0x682: {  	v38 =	vadd.s32 $0x70, v7;
	s5 =	sadd.s32 $0x12680, s29;
	v21 =	vld.idx.msk [tilespmem:v35+s13+$0x0], $0xffff  }
0x683: {  	v39 =	vadd.s32 $0x70, v9;
	s6 =	sor.u32 s28, s5  }
0x684: {  	[tilespmem:s6+$0x0] =	vst v19;
	s9 =	sadd.s32 $0x12680, s1;
	s3 =	sor.u32 s26, s5  }
0x685: {  	v19 =	vld.idx.msk [tilespmem:v36+s13+$0x0], $0xffff;
	s10 =	sor.u32 s0, s9;
	[tilespmem:s3+$0x0] =	vst v18  }
0x686: {  	v40 =	vadd.s32 $0x78, v6;
	s4 =	sor.u32 s30, s9;
	v8 =	vld.idx.msk [tilespmem:v37+s13+$0x0], $0xffff;
	[tilespmem:s10+$0x0] =	vst v22  }
0x687: {  	v41 =	vadd.s32 $0x78, v5;
	v22 =	vld.idx.msk [tilespmem:v38+s13+$0x0], $0xffff;
	[tilespmem:s4+$0x0] =	vst v21  }
0x688: {  	v42 =	vadd.s32 $0x78, v7;
	s11 =	sadd.s32 $0x12700, s29;
	v21 =	vld.idx.msk [tilespmem:v39+s13+$0x0], $0xffff  }
0x689: {  	v43 =	vand.u32 $0xFFFFFF80, v6;
	v25 =	vadd.s32 $0x78, v9;
	s12 =	sor.u32 s28, s11  }
0x68a: {  	v11 =	vand.u32 $0x7F, v11;
	v44 =	vand.u32 $0xFFFFFF80, v5;
	v10 =	vand.u32 $0x7F, v10;
	[tilespmem:s12+$0x0] =	vst v19;
	s15 =	sadd.s32 $0x12700, s1;
	s3 =	sor.u32 s26, s11  }
0x68b: {  	v47 =	vand.u32 $0xFFFFFF80, v7;
	v13 =	vand.u32 $0x7F, v13;
	v11 =	vor.u32 v11, v43;
	s17 =	sor.u32 s0, s15;
	v18 =	vld.idx.msk [tilespmem:v40+s13+$0x0], $0xffff;
	[tilespmem:s3+$0x0] =	vst v8  }
0x68c: {  	v49 =	vand.u32 $0xFFFFFF80, v9;
	v10 =	vor.u32 v10, v44;
	v45 =	vadd.s32 $0x80, v11;
	s4 =	sor.u32 s30, s15;
	v46 =	vld.idx.msk [tilespmem:v41+s13+$0x0], $0xffff;
	[tilespmem:s17+$0x0] =	vst v22  }
0x68d: {  	v12 =	vand.u32 $0x7F, v12;
	v13 =	vor.u32 v13, v47;
	v10 =	vadd.s32 $0x80, v10;
	v48 =	vld.idx.msk [tilespmem:v42+s13+$0x0], $0xffff;
	[tilespmem:s4+$0x0] =	vst v21  }
0x68e: {  	s18 =	sadd.s32 $0x12780, s29;
	v12 =	vor.u32 v12, v49;
	v13 =	vadd.s32 $0x80, v13;
	v21 =	vld.idx.msk [tilespmem:v25+s13+$0x0], $0xffff  }
0x68f: {  	v12 =	vadd.s32 $0x80, v12;
	s19 =	sor.u32 s28, s18  }
0x690: {  	s21 =	sadd.s32 $0x12780, s1;
	[tilespmem:s19+$0x0] =	vst v18;
	s3 =	sor.u32 s26, s18  }
0x691: {  	s5 =	sor.u32 s0, s21;
	v8 =	vld.idx.msk [tilespmem:v45+s13+$0x0], $0xffff;
	[tilespmem:s3+$0x0] =	vst v46  }
0x692: {  	v50 =	vadd.s32 $0x88, v6;
	s4 =	sor.u32 s30, s21;
	v10 =	vld.idx.msk [tilespmem:v10+s13+$0x0], $0xffff;
	[tilespmem:s5+$0x0] =	vst v48  }
0x693: {  	v51 =	vadd.s32 $0x88, v5;
	v13 =	vld.idx.msk [tilespmem:v13+s13+$0x0], $0xffff;
	[tilespmem:s4+$0x0] =	vst v21  }
0x694: {  	v52 =	vadd.s32 $0x88, v7;
	s6 =	sadd.s32 $0x14400, s29;
	v12 =	vld.idx.msk [tilespmem:v12+s13+$0x0], $0xffff  }
0x695: {  	v53 =	vadd.s32 $0x88, v9;
	s9 =	sor.u32 s28, s6  }
0x696: {  	s10 =	sadd.s32 $0x14400, s1;
	[tilespmem:s9+$0x0] =	vst v8;
	s3 =	sor.u32 s26, s6  }
0x697: {  	s11 =	sor.u32 s0, s10;
	v8 =	vld.idx.msk [tilespmem:v50+s13+$0x0], $0xffff;
	[tilespmem:s3+$0x0] =	vst v10  }
0x698: {  	v54 =	vadd.s32 $0x90, v6;
	s4 =	sor.u32 s30, s10;
	v55 =	vld.idx.msk [tilespmem:v51+s13+$0x0], $0xffff;
	[tilespmem:s11+$0x0] =	vst v13  }
0x699: {  	v56 =	vadd.s32 $0x90, v5;
	v57 =	vld.idx.msk [tilespmem:v52+s13+$0x0], $0xffff;
	[tilespmem:s4+$0x0] =	vst v12  }
0x69a: {  	v58 =	vadd.s32 $0x90, v7;
	s12 =	sadd.s32 $0x14480, s29;
	v59 =	vld.idx.msk [tilespmem:v53+s13+$0x0], $0xffff  }
0x69b: {  	v60 =	vadd.s32 $0x90, v9;
	s15 =	sor.u32 s28, s12  }
0x69c: {  	s17 =	sadd.s32 $0x14480, s1;
	[tilespmem:s15+$0x0] =	vst v8;
	s3 =	sor.u32 s26, s12  }
0x69d: {  	s18 =	sor.u32 s0, s17;
	v8 =	vld.idx.msk [tilespmem:v54+s13+$0x0], $0xffff;
	[tilespmem:s3+$0x0] =	vst v55  }
0x69e: {  	v61 =	vadd.s32 $0x98, v6;
	s4 =	sor.u32 s30, s17;
	v11 =	vld.idx.msk [tilespmem:v56+s13+$0x0], $0xffff;
	[tilespmem:s18+$0x0] =	vst v57  }
0x69f: {  	v62 =	vadd.s32 $0x98, v5;
	v12 =	vld.idx.msk [tilespmem:v58+s13+$0x0], $0xffff;
	[tilespmem:s4+$0x0] =	vst v59  }
0x6a0: {  	v63 =	vadd.s32 $0x98, v7;
	s19 =	sadd.s32 $0x14500, s29;
	v19 =	vld.idx.msk [tilespmem:v60+s13+$0x0], $0xffff  }
0x6a1: {  	v24 =	vadd.s32 $0x98, v9;
	s21 =	sor.u32 s28, s19  }
0x6a2: {  	s5 =	sadd.s32 $0x14500, s1;
	[tilespmem:s21+$0x0] =	vst v8;
	s3 =	sor.u32 s26, s19  }
0x6a3: {  	v31 =	vadd.s32 $0xB0, v2;
	s6 =	sor.u32 s0, s5;
	v8 =	vld.idx.msk [tilespmem:v61+s13+$0x0], $0xffff;
	[tilespmem:s3+$0x0] =	vst v11  }
0x6a4: {  	v25 =	vadd.s32 $0xA0, v6;
	s4 =	sor.u32 s30, s5;
	v11 =	vld.idx.msk [tilespmem:v62+s13+$0x0], $0xffff;
	[tilespmem:s6+$0x0] =	vst v12  }
0x6a5: {  	v26 =	vadd.s32 $0xA0, v5;
	s9 =	sadd.s32 $0x14700, s25;
	v27 =	vld.idx.msk [tilespmem:v63+s13+$0x0], $0xffff;
	[tilespmem:s4+$0x0] =	vst v19  }
0x6a6: {  	[tilespmem:s16+$0x0] =	vst v16;
	v28 =	vadd.s32 $0xA0, v7;
	s10 =	sor.u32 s24, s9;
	s11 =	sadd.s32 $0x14580, s29;
	v29 =	vld.idx.msk [tilespmem:v24+s13+$0x0], $0xffff  }
0x6a7: {  	v30 =	vadd.s32 $0xA0, v9;
	[tilespmem:s10+$0x0] =	vst v14;
	s12 =	sor.u32 s28, s11  }
0x6a8: {  	v36 =	vld.idx.msk [tilespmem:v31+s13+$0x0], $0xffff;
	s15 =	sadd.s32 $0x14580, s1;
	[tilespmem:s12+$0x0] =	vst v8;
	s4 =	sor.u32 s26, s11  }
0x6a9: {  	v32 =	vadd.s32 $0xE0, v4;
	s16 =	sor.u32 s0, s15;
	v10 =	vld.idx.msk [tilespmem:v25+s13+$0x0], $0xffff;
	[tilespmem:s4+$0x0] =	vst v11  }
0x6aa: {  	v33 =	vadd.s32 $0xA8, v6;
	s5 =	sor.u32 s30, s15;
	v12 =	vld.idx.msk [tilespmem:v26+s13+$0x0], $0xffff;
	[tilespmem:s16+$0x0] =	vst v27  }
0x6ab: {  	v34 =	vadd.s32 $0xA8, v5;
	v14 =	vld.idx.msk [tilespmem:v28+s13+$0x0], $0xffff;
	[tilespmem:s5+$0x0] =	vst v29  }
0x6ac: {  	[tilespmem:s31+$0x0] =	vst v15;
	v35 =	vadd.s32 $0xA8, v7;
	s18 =	sadd.s32 $0x14600, s29;
	s3 =	sor.u32 s23, s9;
	v16 =	vld.idx.msk [tilespmem:v30+s13+$0x0], $0xffff  }
0x6ad: {  	v37 =	vadd.s32 $0xA8, v9;
	v17 =	vld.idx.msk [tilespmem:v17+s13+$0x0], $0xffff;
	s19 =	sor.u32 s28, s18;
	[tilespmem:s3+$0x0] =	vst v36  }
0x6ae: {  	v39 =	vadd.s32 $0xB8, v2;
	s21 =	sadd.s32 $0x14600, s1;
	v8 =	vld.idx.msk [tilespmem:v32+s13+$0x0], $0xffff;
	s6 =	sor.u32 s26, s18;
	[tilespmem:s19+$0x0] =	vst v10  }
0x6af: {  	v38 =	vadd.s32 $0xC0, v3;
	s31 =	sor.u32 s0, s21;
	v11 =	vld.idx.msk [tilespmem:v33+s13+$0x0], $0xffff;
	[tilespmem:s6+$0x0] =	vst v12  }
0x6b0: {  	v40 =	vadd.s32 $0xB0, v6;
	s4 =	sadd.s32 $0x14780, s25;
	s5 =	sor.u32 s30, s21;
	v13 =	vld.idx.msk [tilespmem:v34+s13+$0x0], $0xffff;
	[tilespmem:s31+$0x0] =	vst v14  }
0x6b1: {  	v41 =	vadd.s32 $0xB0, v5;
	s17 =	sor.u32 s24, s4;
	v15 =	vld.idx.msk [tilespmem:v35+s13+$0x0], $0xffff;
	[tilespmem:s5+$0x0] =	vst v16  }
0x6b2: {  	v42 =	vadd.s32 $0xB0, v7;
	s9 =	sadd.s32 $0x14680, s29;
	[tilespmem:s17+$0x0] =	vst v17;
	v17 =	vld.idx.msk [tilespmem:v37+s13+$0x0], $0xffff  }
0x6b3: {  	v44 =	vadd.s32 $0xB0, v9;
	s10 =	sor.u32 s28, s9;
	[tilespmem:s2+$0x0] =	vst v8;
	v10 =	vld.idx.msk [tilespmem:v39+s13+$0x0], $0xffff  }
0x6b4: {  	v45 =	vadd.s32 $0xE8, v4;
	s3 =	sor.u32 s26, s9;
	s11 =	sadd.s32 $0x14680, s1;
	v43 =	vld.idx.msk [tilespmem:v38+s13+$0x0], $0xffff;
	[tilespmem:s10+$0x0] =	vst v11  }
0x6b5: {  	v46 =	vadd.s32 $0xC8, v3;
	s12 =	sor.u32 s0, s11;
	v12 =	vld.idx.msk [tilespmem:v40+s13+$0x0], $0xffff;
	[tilespmem:s3+$0x0] =	vst v13  }
0x6b6: {  	v47 =	vadd.s32 $0xB8, v6;
	s2 =	sor.u32 s30, s11;
	v14 =	vld.idx.msk [tilespmem:v41+s13+$0x0], $0xffff;
	[tilespmem:s12+$0x0] =	vst v15  }
0x6b7: {  	v48 =	vadd.s32 $0xB8, v5;
	s15 =	sadd.s32 $0x16400, s25;
	s4 =	sor.u32 s23, s4;
	v16 =	vld.idx.msk [tilespmem:v42+s13+$0x0], $0xffff;
	[tilespmem:s2+$0x0] =	vst v17  }
0x6b8: {  	v49 =	vadd.s32 $0xB8, v7;
	s17 =	sadd.s32 $0x14700, s29;
	s16 =	sor.u32 s24, s15;
	[tilespmem:s4+$0x0] =	vst v10;
	v8 =	vld.idx.msk [tilespmem:v44+s13+$0x0], $0xffff  }
0x6b9: {  	v51 =	vadd.s32 $0xB8, v9;
	v50 =	vld.idx.msk [tilespmem:v45+s13+$0x0], $0xffff;
	s18 =	sor.u32 s28, s17;
	[tilespmem:s16+$0x0] =	vst v43  }
0x6ba: {  	v52 =	vadd.s32 $0xC0, v2;
	s19 =	sadd.s32 $0x14700, s1;
	v11 =	vld.idx.msk [tilespmem:v46+s13+$0x0], $0xffff;
	[tilespmem:s18+$0x0] =	vst v12;
	s2 =	sor.u32 s26, s17  }
0x6bb: {  	v53 =	vadd.s32 $0xF0, v4;
	s21 =	sor.u32 s0, s19;
	v13 =	vld.idx.msk [tilespmem:v47+s13+$0x0], $0xffff;
	[tilespmem:s2+$0x0] =	vst v14  }
0x6bc: {  	v54 =	vadd.s32 $0xC0, v6;
	s4 =	sor.u32 s30, s19;
	v15 =	vld.idx.msk [tilespmem:v48+s13+$0x0], $0xffff;
	[tilespmem:s21+$0x0] =	vst v16  }
0x6bd: {  	v55 =	vadd.s32 $0xC0, v5;
	s31 =	sadd.s32 $0x16480, s25;
	v17 =	vld.idx.msk [tilespmem:v49+s13+$0x0], $0xffff;
	[tilespmem:s4+$0x0] =	vst v8  }
0x6be: {  	v56 =	vadd.s32 $0xC0, v7;
	[tilespmem:s14+$0x0] =	vst v50;
	s6 =	sadd.s32 $0x14780, s29;
	s5 =	sor.u32 s24, s31;
	v10 =	vld.idx.msk [tilespmem:v51+s13+$0x0], $0xffff  }
0x6bf: {  	v58 =	vadd.s32 $0xC0, v9;
	v57 =	vld.idx.msk [tilespmem:v52+s13+$0x0], $0xffff;
	s9 =	sor.u32 s28, s6;
	[tilespmem:s5+$0x0] =	vst v11  }
0x6c0: {  	v59 =	vadd.s32 $0xD0, v3;
	s10 =	sadd.s32 $0x14780, s1;
	v12 =	vld.idx.msk [tilespmem:v53+s13+$0x0], $0xffff;
	s5 =	sor.u32 s26, s6;
	[tilespmem:s9+$0x0] =	vst v13  }
0x6c1: {  	v60 =	vadd.s32 $0xC8, v2;
	s11 =	sor.u32 s0, s10;
	v14 =	vld.idx.msk [tilespmem:v54+s13+$0x0], $0xffff;
	[tilespmem:s5+$0x0] =	vst v15  }
0x6c2: {  	v61 =	vadd.s32 $0xC8, v6;
	s4 =	sor.u32 s30, s10;
	v16 =	vld.idx.msk [tilespmem:v55+s13+$0x0], $0xffff;
	[tilespmem:s11+$0x0] =	vst v17  }
0x6c3: {  	v62 =	vadd.s32 $0xC8, v5;
	s3 =	sor.u32 s23, s15;
	v8 =	vld.idx.msk [tilespmem:v56+s13+$0x0], $0xffff;
	[tilespmem:s4+$0x0] =	vst v10  }
0x6c4: {  	v63 =	vadd.s32 $0xC8, v7;
	[tilespmem:s3+$0x0] =	vst v57;
	s12 =	sadd.s32 $0x16400, s29;
	v11 =	vld.idx.msk [tilespmem:v58+s13+$0x0], $0xffff  }
0x6c5: {  	v22 =	vadd.s32 $0xC8, v9;
	v21 =	vld.idx.msk [tilespmem:v59+s13+$0x0], $0xffff;
	[tilespmem:s7+$0x0] =	vst v12;
	s14 =	sor.u32 s28, s12  }
0x6c6: {  	v23 =	vadd.s32 $0xF8, v4;
	s15 =	sadd.s32 $0x16400, s1;
	s3 =	sor.u32 s26, s12;
	v13 =	vld.idx.msk [tilespmem:v60+s13+$0x0], $0xffff;
	[tilespmem:s14+$0x0] =	vst v14  }
0x6c7: {  	v24 =	vadd.s32 $0xD0, v2;
	s16 =	sor.u32 s0, s15;
	v15 =	vld.idx.msk [tilespmem:v61+s13+$0x0], $0xffff;
	[tilespmem:s3+$0x0] =	vst v16  }
0x6c8: {  	v25 =	vadd.s32 $0xD0, v6;
	s17 =	sadd.s32 $0x16500, s25;
	s4 =	sor.u32 s30, s15;
	v10 =	vld.idx.msk [tilespmem:v62+s13+$0x0], $0xffff;
	[tilespmem:s16+$0x0] =	vst v8  }
0x6c9: {  	v26 =	vadd.s32 $0xD0, v5;
	s18 =	sor.u32 s24, s17;
	v27 =	vld.idx.msk [tilespmem:v63+s13+$0x0], $0xffff;
	[tilespmem:s4+$0x0] =	vst v11  }
0x6ca: {  	v28 =	vadd.s32 $0xD0, v7;
	s19 =	sadd.s32 $0x16480, s29;
	s2 =	sor.u32 s23, s31;
	[tilespmem:s18+$0x0] =	vst v21;
	v12 =	vld.idx.msk [tilespmem:v22+s13+$0x0], $0xffff  }
0x6cb: {  	v29 =	vadd.s32 $0xD0, v9;
	v4 =	vld.idx.msk [tilespmem:v23+s13+$0x0], $0xffff;
	s21 =	sor.u32 s28, s19;
	[tilespmem:s2+$0x0] =	vst v13  }
0x6cc: {  	v30 =	vadd.s32 $0xD8, v3;
	s31 =	sadd.s32 $0x16480, s1;
	v14 =	vld.idx.msk [tilespmem:v24+s13+$0x0], $0xffff;
	[tilespmem:s21+$0x0] =	vst v15;
	s4 =	sor.u32 s26, s19  }
0x6cd: {  	v31 =	vadd.s32 $0xD8, v2;
	s5 =	sor.u32 s0, s31;
	v8 =	vld.idx.msk [tilespmem:v25+s13+$0x0], $0xffff;
	[tilespmem:s4+$0x0] =	vst v10  }
0x6ce: {  	v32 =	vadd.s32 $0xD8, v6;
	s2 =	sor.u32 s30, s31;
	v11 =	vld.idx.msk [tilespmem:v26+s13+$0x0], $0xffff;
	[tilespmem:s5+$0x0] =	vst v27  }
0x6cf: {  	v33 =	vadd.s32 $0xD8, v5;
	v16 =	vld.idx.msk [tilespmem:v28+s13+$0x0], $0xffff;
	[tilespmem:s2+$0x0] =	vst v12  }
0x6d0: {  	v34 =	vadd.s32 $0xD8, v7;
	s7 =	sadd.s32 $0x16500, s29;
	s6 =	sor.u32 s23, s17;
	[tilespmem:s8+$0x0] =	vst v4;
	v13 =	vld.idx.msk [tilespmem:v29+s13+$0x0], $0xffff  }
0x6d1: {  	v36 =	vadd.s32 $0xD8, v9;
	v35 =	vld.idx.msk [tilespmem:v30+s13+$0x0], $0xffff;
	s8 =	sor.u32 s28, s7;
	[tilespmem:s6+$0x0] =	vst v14  }
0x6d2: {  	v37 =	vadd.s32 $0xE0, v3;
	s9 =	sadd.s32 $0x16500, s1;
	v15 =	vld.idx.msk [tilespmem:v31+s13+$0x0], $0xffff;
	s3 =	sor.u32 s26, s7;
	[tilespmem:s8+$0x0] =	vst v8  }
0x6d3: {  	v38 =	vadd.s32 $0xE0, v2;
	s10 =	sor.u32 s0, s9;
	v10 =	vld.idx.msk [tilespmem:v32+s13+$0x0], $0xffff;
	[tilespmem:s3+$0x0] =	vst v11  }
0x6d4: {  	v39 =	vadd.s32 $0xE0, v6;
	s11 =	sadd.s32 $0x16580, s25;
	s2 =	sor.u32 s30, s9;
	v12 =	vld.idx.msk [tilespmem:v33+s13+$0x0], $0xffff;
	[tilespmem:s10+$0x0] =	vst v16  }
0x6d5: {  	v40 =	vadd.s32 $0xE0, v5;
	s12 =	sor.u32 s24, s11;
	v4 =	vld.idx.msk [tilespmem:v34+s13+$0x0], $0xffff;
	[tilespmem:s2+$0x0] =	vst v13  }
0x6d6: {  	v41 =	vadd.s32 $0xE0, v7;
	s14 =	sadd.s32 $0x16580, s29;
	[tilespmem:s12+$0x0] =	vst v35;
	s3 =	sor.u32 s23, s11;
	v14 =	vld.idx.msk [tilespmem:v36+s13+$0x0], $0xffff  }
0x6d7: {  	v42 =	vadd.s32 $0xE0, v9;
	s15 =	sor.u32 s28, s14;
	v17 =	vld.idx.msk [tilespmem:v37+s13+$0x0], $0xffff;
	[tilespmem:s3+$0x0] =	vst v15  }
0x6d8: {  	v43 =	vadd.s32 $0xE8, v3;
	s16 =	sadd.s32 $0x16580, s1;
	v8 =	vld.idx.msk [tilespmem:v38+s13+$0x0], $0xffff;
	[tilespmem:s15+$0x0] =	vst v10;
	s2 =	sor.u32 s26, s14  }
0x6d9: {  	v44 =	vadd.s32 $0xE8, v2;
	s17 =	sor.u32 s0, s16;
	v11 =	vld.idx.msk [tilespmem:v39+s13+$0x0], $0xffff;
	[tilespmem:s2+$0x0] =	vst v12  }
0x6da: {  	v45 =	vadd.s32 $0xE8, v6;
	s18 =	sadd.s32 $0x16600, s25;
	s3 =	sor.u32 s30, s16;
	v12 =	vld.idx.msk [tilespmem:v40+s13+$0x0], $0xffff;
	[tilespmem:s17+$0x0] =	vst v4  }
0x6db: {  	v46 =	vadd.s32 $0xE8, v5;
	s19 =	sor.u32 s24, s18;
	v47 =	vld.idx.msk [tilespmem:v41+s13+$0x0], $0xffff;
	[tilespmem:s3+$0x0] =	vst v14  }
0x6dc: {  	v48 =	vadd.s32 $0xE8, v7;
	s21 =	sadd.s32 $0x16600, s29;
	[tilespmem:s19+$0x0] =	vst v17;
	s2 =	sor.u32 s23, s18;
	v15 =	vld.idx.msk [tilespmem:v42+s13+$0x0], $0xffff  }
0x6dd: {  	v49 =	vadd.s32 $0xE8, v9;
	s31 =	sor.u32 s28, s21;
	v17 =	vld.idx.msk [tilespmem:v43+s13+$0x0], $0xffff;
	[tilespmem:s2+$0x0] =	vst v8  }
0x6de: {  	v50 =	vadd.s32 $0xF0, v3;
	s4 =	sadd.s32 $0x16600, s1;
	v10 =	vld.idx.msk [tilespmem:v44+s13+$0x0], $0xffff;
	[tilespmem:s31+$0x0] =	vst v11;
	s3 =	sor.u32 s26, s21  }
0x6df: {  	v51 =	vadd.s32 $0xF0, v2;
	s5 =	sor.u32 s0, s4;
	v4 =	vld.idx.msk [tilespmem:v45+s13+$0x0], $0xffff;
	[tilespmem:s3+$0x0] =	vst v12  }
0x6e0: {  	v52 =	vadd.s32 $0xF0, v6;
	s6 =	sadd.s32 $0x16680, s25;
	s3 =	sor.u32 s30, s4;
	v13 =	vld.idx.msk [tilespmem:v46+s13+$0x0], $0xffff;
	[tilespmem:s5+$0x0] =	vst v47  }
0x6e1: {  	v53 =	vadd.s32 $0xF0, v5;
	s7 =	sor.u32 s24, s6;
	v54 =	vld.idx.msk [tilespmem:v48+s13+$0x0], $0xffff;
	[tilespmem:s3+$0x0] =	vst v15  }
0x6e2: {  	v55 =	vadd.s32 $0xF0, v7;
	s8 =	sadd.s32 $0x16680, s29;
	[tilespmem:s7+$0x0] =	vst v17;
	s2 =	sor.u32 s23, s6;
	v8 =	vld.idx.msk [tilespmem:v49+s13+$0x0], $0xffff  }
0x6e3: {  	v56 =	vadd.s32 $0xF0, v9;
	s9 =	sor.u32 s28, s8;
	v17 =	vld.idx.msk [tilespmem:v50+s13+$0x0], $0xffff;
	[tilespmem:s2+$0x0] =	vst v10  }
0x6e4: {  	v3 =	vadd.s32 $0xF8, v3;
	s10 =	sadd.s32 $0x16680, s1;
	v11 =	vld.idx.msk [tilespmem:v51+s13+$0x0], $0xffff;
	[tilespmem:s9+$0x0] =	vst v4;
	s3 =	sor.u32 s26, s8  }
0x6e5: {  	v2 =	vadd.s32 $0xF8, v2;
	s11 =	sor.u32 s0, s10;
	v4 =	vld.idx.msk [tilespmem:v52+s13+$0x0], $0xffff;
	[tilespmem:s3+$0x0] =	vst v13  }
0x6e6: {  	v57 =	vadd.s32 $0xF8, v6;
	s12 =	sadd.s32 $0x16700, s25;
	s2 =	sor.u32 s30, s10;
	v58 =	vld.idx.msk [tilespmem:v53+s13+$0x0], $0xffff;
	[tilespmem:s11+$0x0] =	vst v54  }
0x6e7: {  	v59 =	vadd.s32 $0xF8, v5;
	s14 =	sor.u32 s24, s12;
	v60 =	vld.idx.msk [tilespmem:v55+s13+$0x0], $0xffff;
	[tilespmem:s2+$0x0] =	vst v8  }
0x6e8: {  	v61 =	vadd.s32 $0xF8, v7;
	s15 =	sadd.s32 $0x16700, s29;
	[tilespmem:s14+$0x0] =	vst v17;
	s3 =	sor.u32 s23, s12;
	v10 =	vld.idx.msk [tilespmem:v56+s13+$0x0], $0xffff  }
0x6e9: {  	v62 =	vadd.s32 $0xF8, v9;
	s16 =	sor.u32 s28, s15;
	v3 =	vld.idx.msk [tilespmem:v3+s13+$0x0], $0xffff;
	[tilespmem:s3+$0x0] =	vst v11  }
0x6ea: {  	s17 =	sadd.s32 $0x16700, s1;
	v2 =	vld.idx.msk [tilespmem:v2+s13+$0x0], $0xffff;
	[tilespmem:s16+$0x0] =	vst v4;
	s2 =	sor.u32 s26, s15  }
0x6eb: {  	s18 =	sor.u32 s0, s17;
	v4 =	vld.idx.msk [tilespmem:v57+s13+$0x0], $0xffff;
	[tilespmem:s2+$0x0] =	vst v58  }
0x6ec: {  	s19 =	sadd.s32 $0x16780, s25;
	s3 =	sor.u32 s30, s17;
	v5 =	vld.idx.msk [tilespmem:v59+s13+$0x0], $0xffff;
	[tilespmem:s18+$0x0] =	vst v60  }
0x6ed: {  	s21 =	sor.u32 s24, s19;
	v63 =	vld.idx.msk [tilespmem:v61+s13+$0x0], $0xffff;
	[tilespmem:s3+$0x0] =	vst v10  }
0x6ee: {  	s24 =	sadd.s32 $0x16780, s29;
	[tilespmem:s21+$0x0] =	vst v3;
	s2 =	sor.u32 s23, s19;
	v3 =	vld.idx.msk [tilespmem:v62+s13+$0x0], $0xffff  }
0x6ef: {  	s20 =	sadd.s32 $0x1, s20;
	s25 =	sor.u32 s28, s24;
	[tilespmem:s2+$0x0] =	vst v2  }
0x6f0: {  	p0 =	sne.s32 s20, $0x28;
	s28 =	sadd.s32 $0x16780, s1;
	[tilespmem:s25+$0x0] =	vst v4;
	s3 =	sor.u32 s26, s24  }
.Ltmp4:
0x6f1: {  	s29 =	sor.u32 s0, s28;
	[tilespmem:s3+$0x0] =	vst v5;
	(pc) =	sbr.rel @p0 .LBB2_6-.Ltmp4, $4  }
0x6f2: {  	s1 =	sor.u32 s30, s28;
	[tilespmem:s29+$0x0] =	vst v63  }
0x6f3: {  	s31 =	simm.s32 $0x10400;
	s30 =	simm.s32 $0x0;
	[tilespmem:s1+$0x0] =	vst v3  }
0x6f4: {  	[hbm4b:s22+s30] =	stream.linear.scatter [tilespmem:s31], [sflag:$0x2], $0x8000, $0x38;
	[tilespmem:$0x18400] =	vst v63  }
0x6f5: {  	s0 =	rddreg [dreg:$0xd]  }
0x6f6: {  	s0 =	simm.s32 $0x1  }
0x6f7: {  	_ =	swait.ge [sflag:s0], $0x8000  }
0x6f8: {  	[sflag:s0] =	ssyncset.done $0x0  }
0x6f9: {  	s1 =	simm.s32 $0x2;
	[sflag:s0] =	ssyncadd.s32 $0xFFFF8000  }
0x6fa: {  	_ =	swait.ge [sflag:s1], $0x8000  }
0x6fb: {  	s2 =	rddreg [dreg:$0xc]  }
0x6fc: {  	s31 =	rddreg [dreg:$0xb];
	s2 =	sadd.s32 $0x1, s2  }
0x6fd: {  	p0 =	sne.s32 s2, s31  }
.Ltmp5:
0x6fe: {  	_ = 	snop;
	(pc) =	sbr.rel @p0 .LBB2_1-.Ltmp5, $3  }
0x6ff: {  	_ =	sdelay $0x1  }
0x700: {  	[sflag:s1] =	ssyncset.done $0x0  }
0x701: {  	[sflag:s1] =	ssyncadd.s32 $0xFFFF8000  }
0x702: {  	_ =	sfence.sel $0x180000  }
0x703: {  	[bflag:$0x0] =	sbarrier.arrive $0xFFFF  }
0x704: {  	_ =	strace $0x90000047  }
0x705: {  	s0 =	stileid.u32;
	[bflag:$0x2] =	sbarrier.arrive $0xFFFF  }
0x706: {  	p0 =	sne.s32 s0, $0x0;
	s0 =	rddreg [dreg:$0x2]  }
0x707: {  	s0 =	sadd.s32 @!p0 $0x100000, s0  }
0x708: {  	[sflag:s0] =	ssyncadd.tile.s32 @!p0 $0x1;
	_ =	shalt  }
.Lfunc_end2:
_tile_overlayer_lowered:
.L_overlay_start_2:
0x709: {  	(tag) =	ssettag $0x2  }
0x70a: {  	s0 =	rddreg [dreg:$0x0];
	s2 =	stileid.u32  }
0x70b: {  	s1 =	rddreg [dreg:$0x1];
	p0 =	sne.s32 s2, $0x0  }
0x70c: {  	s3 =	rddreg [dreg:$0x2];
	[bflag:$0x3] =	sbarrier.arrive $0xFFFF;
	s2 =	simm.s32 @!p0 $0x1C03  }
0x70d: {  	[timem:s3], [sflag:s2] =	dma.local @!p0 [hbm:s0], s1  }
0x70e: {  	s0 =	simm.s32 @!p0 $0x3  }
0x70f: {  	_ =	swait.ge @!p0 [sflag:s0], s1  }
0x710: {  	s1 =	ssub.s32 @!p0 $0x0, s1;
	[sflag:s0] =	ssyncset.done @!p0 $0x0  }
0x711: {  	[sflag:s0] =	ssyncadd.s32 @!p0 s1  }
0x712: {  	[bflag:$0x3] =	sbarrier.arrive $0xFFFF  }
0x713: {  	_ =	shalt  }

</sc_bundles>
